<compile_context>
chip_gen: v7x
topology: tpu7x:2x2x1
jax: 0.10.2.dev20260603
libtpu: 0.0.44.dev20260713+nightly
codegen_flags: <defaults>
</compile_context>

<pallas_src>
import functools

import jax
import jax.numpy as jnp
from jax import lax
from jax.experimental import pallas as pl
from jax.experimental.pallas import tpu as pltpu
from jax.experimental.pallas import tpu_sc as plsc

N = 10000
E = 320000
D = 128
H = 128
G = 20
K = 16
BINS = 16

NP = 10240
NC, NS = 2, 16
CH = 160
EPT = 20000
EPAD = NS * EPT
NCHUNK = EPT // CH
NCH2 = 126
NCHS = 128
RPT = NP // NS

_mesh = functools.partial(
    plsc.VectorSubcoreMesh, core_axis_name="c", subcore_axis_name="s",
    num_cores=NC, num_subcores=NS)


@functools.cache
def _make_sc_deg():
    @functools.partial(
        pl.kernel,
        out_type=jax.ShapeDtypeStruct((NC * NS * NP,), jnp.float32),
        mesh=_mesh(),
        compiler_params=pltpu.CompilerParams(needs_layout_passes=False),
        scratch_types=[
            pltpu.VMEM((NCHS, CH), jnp.int32),
            pltpu.VMEM((NP,), jnp.float32),
        ],
    )
    def _sc_deg(dst3_hbm, deg_hbm, dstb_v, degtab_v):
        c = lax.axis_index("c")
        s = lax.axis_index("s")
        w = c * NS + s

        zero16 = jnp.zeros((16,), jnp.float32)

        def _zero(i, _):
            degtab_v[pl.ds(i * 16, 16)] = zero16
            return 0
        lax.fori_loop(0, NP // 16, _zero, 0)

        pltpu.sync_copy(dst3_hbm.at[w], dstb_v)
        one16 = jnp.full((16,), 1.0, jnp.float32)

        def _chunk(i, _):
            def _inner(j, _):
                d16 = dstb_v[i, pl.ds(j * 16, 16)]
                plsc.addupdate_scatter(degtab_v, [d16], one16)
                return 0
            lax.fori_loop(0, CH // 16, _inner, 0)
            return 0
        lax.fori_loop(0, NCHUNK, _chunk, 0)

        pltpu.sync_copy(degtab_v, deg_hbm.at[pl.ds((c * NS + s) * NP, NP)])

    return _sc_deg


@functools.cache
def _make_sc_agg():
    @functools.partial(
        pl.kernel,
        out_type=jax.ShapeDtypeStruct((NC * NP, H), jnp.float32),
        mesh=_mesh(),
        compiler_params=pltpu.CompilerParams(needs_layout_passes=False),
        scratch_types=[
            pltpu.VMEM((1, CH), jnp.int32),
            pltpu.VMEM((1, CH), jnp.int32),
            pltpu.VMEM((1, CH), jnp.int32),
            pltpu.VMEM((1, CH), jnp.int32),
            pltpu.VMEM((CH, H), jnp.float32),
            pltpu.VMEM((CH, H), jnp.float32),
            pltpu.VMEM_SHARED((NP, H), jnp.float32),
            pltpu.SemaphoreType.DMA,
            pltpu.SemaphoreType.DMA,
            pltpu.SemaphoreType.DMA,
            pltpu.SemaphoreType.DMA,
        ],
    )
    def _sc_agg(src3_hbm, dst3_hbm, hp_hbm, out_hbm, srcA, dstA, srcB, dstB,
                rowsA, rowsB, acc_sh, isemA, isemB, gsemA, gsemB):
        c = lax.axis_index("c")
        s = lax.axis_index("s")
        w = c * NS + s

        zero16 = jnp.zeros((16,), jnp.float32)

        def _zrow(i, _):
            for l in range(H // 16):
                rowsA[i, pl.ds(l * 16, 16)] = zero16
            return 0
        lax.fori_loop(0, CH, _zrow, 0)
        for r in range(RPT // CH):
            pltpu.sync_copy(rowsA, acc_sh.at[pl.ds(s * RPT + r * CH, CH)])
        plsc.subcore_barrier()

        def fetch_idx(i, sb, db, sem):
            pltpu.async_copy(src3_hbm.at[w, pl.ds(i, 1)], sb, sem)
            pltpu.async_copy(dst3_hbm.at[w, pl.ds(i, 1)], db, sem)

        def wait_idx(i, sb, db, sem):
            pltpu.make_async_copy(src3_hbm.at[w, pl.ds(i, 1)], sb, sem).wait()
            pltpu.make_async_copy(dst3_hbm.at[w, pl.ds(i, 1)], db, sem).wait()

        def wait_rows(buf, sem):
            pltpu.make_async_copy(hp_hbm.at[pl.ds(0, CH)], buf, sem).wait()

        fetch_idx(0, srcA, dstA, isemA)
        fetch_idx(1, srcB, dstB, isemB)
        wait_idx(0, srcA, dstA, isemA)
        pltpu.async_copy(hp_hbm.at[srcA.at[0]], rowsA, gsemA)

        def _chunk2(i2, _):
            i = 2 * i2
            wait_idx(i + 1, srcB, dstB, isemB)
            pltpu.async_copy(hp_hbm.at[srcB.at[0]], rowsB, gsemB)
            wait_rows(rowsA, gsemA)
            pltpu.sync_copy(rowsA, acc_sh.at[dstA.at[0]], add=True)
            fetch_idx(i + 2, srcA, dstA, isemA)
            wait_rows(rowsB, gsemB)
            pltpu.sync_copy(rowsB, acc_sh.at[dstB.at[0]], add=True)
            fetch_idx(i + 3, srcB, dstB, isemB)
            wait_idx(i + 2, srcA, dstA, isemA)
            pltpu.async_copy(hp_hbm.at[srcA.at[0]], rowsA, gsemA)
            return 0
        lax.fori_loop(0, NCH2 // 2, _chunk2, 0)

        wait_rows(rowsA, gsemA)
        wait_idx(NCH2 + 1, srcB, dstB, isemB)

        plsc.subcore_barrier()
        pltpu.sync_copy(acc_sh.at[pl.ds(s * RPT, RPT)],
                        out_hbm.at[pl.ds(c * NP + s * RPT, RPT)])

    return _sc_agg


_RB = 2048
_NRB = NP // _RB


def _tc_prep_body(x_ref, tab_ref, w_ref, hp_ref, dinvb_ref):
    tab = tab_ref[0]
    ones = jnp.ones((NS, 1), jnp.float32)
    deg = 1.0 + lax.dot_general(tab, ones, (((0,), (0,)), ((), ())),
                                preferred_element_type=jnp.float32)
    dinv = lax.rsqrt(deg)
    dinvb = jnp.broadcast_to(dinv, (_RB, H))
    h = lax.dot_general(x_ref[0], w_ref[...], (((1,), (1,)), ((), ())),
                        preferred_element_type=jnp.float32)
    hp_ref[0] = h * dinvb
    dinvb_ref[0] = dinvb


def _tc_prep(xs, degtab, w0):
    return pl.pallas_call(
        _tc_prep_body,
        grid=(NC, _NRB),
        in_specs=[
            pl.BlockSpec((1, _RB, D), lambda c, i: (c, i, 0)),
            pl.BlockSpec((1, NS, _RB), lambda c, i: (c, 0, i)),
            pl.BlockSpec((H, D), lambda c, i: (0, 0)),
        ],
        out_specs=[
            pl.BlockSpec((1, _RB, H), lambda c, i: (c, i, 0)),
            pl.BlockSpec((1, _RB, H), lambda c, i: (c, i, 0)),
        ],
        out_shape=[
            jax.ShapeDtypeStruct((NC, NP, H), jnp.float32),
            jax.ShapeDtypeStruct((NC, NP, H), jnp.float32),
        ],
    )(xs, degtab, w0)


def _bn_relu(h, vec):
    h = h + vec[0:1, :]
    h = (h - vec[1:2, :]) * lax.rsqrt(vec[2:3, :] + 1e-5) * vec[3:4, :] \
        + vec[4:5, :]
    return jnp.maximum(h, 0.0)


def _tc_mid_body(agg_ref, hp_ref, dinvb_ref, vec_ref, w_ref, out_ref):
    dinvb = dinvb_ref[0]
    h = (agg_ref[0] + hp_ref[0]) * dinvb
    h = _bn_relu(h, vec_ref[...])
    hn = lax.dot_general(h, w_ref[...], (((1,), (1,)), ((), ())),
                         preferred_element_type=jnp.float32)
    out_ref[0] = hn * dinvb


def _tc_mid(agg, hp, dinvb, vec, w):
    return pl.pallas_call(
        _tc_mid_body,
        grid=(NC, _NRB),
        in_specs=[
            pl.BlockSpec((1, _RB, H), lambda c, i: (c, i, 0)),
            pl.BlockSpec((1, _RB, H), lambda c, i: (c, i, 0)),
            pl.BlockSpec((1, _RB, H), lambda c, i: (c, i, 0)),
            pl.BlockSpec((8, H), lambda c, i: (0, 0)),
            pl.BlockSpec((H, H), lambda c, i: (0, 0)),
        ],
        out_specs=pl.BlockSpec((1, _RB, H), lambda c, i: (c, i, 0)),
        out_shape=jax.ShapeDtypeStruct((NC, NP, H), jnp.float32),
    )(agg, hp, dinvb, vec, w)


_SEG = N // G


def _tc_final_body(agg_ref, hp_ref, dinvb_ref, vec_ref, wc_ref, avec_ref,
                   g_ref, an_ref):
    e = (agg_ref[0, 0] + hp_ref[0, 0]) * dinvb_ref[0, 0]
    e = _bn_relu(e, vec_ref[...])
    t = lax.dot_general(e, wc_ref[...], (((1,), (1,)), ((), ())),
                        preferred_element_type=jnp.float32)
    t = jnp.tanh(t + avec_ref[0:1, :])
    s = jnp.sum(t * avec_ref[1:2, :], axis=1, keepdims=True) + avec_ref[2, 0]
    m = jnp.max(s)
    w = jnp.exp(s - m)
    w = w / jnp.sum(w)
    gvec = jnp.sum(w * e, axis=0, keepdims=True)
    g_ref[0, 0] = jnp.broadcast_to(gvec, (8, H))
    nrm = jnp.sqrt(jnp.sum(e * e, axis=1, keepdims=True))
    an_ref[0, 0] = e / jnp.maximum(nrm, 1e-8)


def _tc_final(agg, hp, dinvb, vec, wc, avec):
    return pl.pallas_call(
        _tc_final_body,
        grid=(NC, G),
        in_specs=[
            pl.BlockSpec((1, 1, _SEG, H), lambda c, g: (c, g, 0, 0)),
            pl.BlockSpec((1, 1, _SEG, H), lambda c, g: (c, g, 0, 0)),
            pl.BlockSpec((1, 1, _SEG, H), lambda c, g: (c, g, 0, 0)),
            pl.BlockSpec((8, H), lambda c, g: (0, 0)),
            pl.BlockSpec((H, H), lambda c, g: (0, 0)),
            pl.BlockSpec((8, H), lambda c, g: (0, 0)),
        ],
        out_specs=[
            pl.BlockSpec((1, 1, 8, H), lambda c, g: (c, g, 0, 0)),
            pl.BlockSpec((1, 1, _SEG, H), lambda c, g: (c, g, 0, 0)),
        ],
        out_shape=[
            jax.ShapeDtypeStruct((NC, G, 8, H), jnp.float32),
            jax.ShapeDtypeStruct((NC, G, _SEG, H), jnp.float32),
        ],
    )(agg, hp, dinvb, vec, wc, avec)


def _tc_hist_body(a1_ref, a2_ref, hist_ref):
    sims = lax.dot_general(a1_ref[0, 0], a2_ref[0, 0],
                           (((1,), (1,)), ((), ())),
                           preferred_element_type=jnp.float32)
    u = (sims + 1.0) * (BINS / 2.0)
    q = jnp.clip(jnp.floor(u), 0.0, BINS - 1.0)
    lanes = lax.broadcasted_iota(jnp.int32, (1, H), 1)
    acc = jnp.zeros((1, H), jnp.float32)
    total = 0.0
    for b in range(BINS):
        cnt = jnp.sum(jnp.where(q == float(b), 1.0, 0.0))
        acc = acc + cnt * jnp.where(lanes == b, 1.0, 0.0)
        total = total + cnt
    hist_ref[0] = jnp.broadcast_to(acc / (total + 1e-8), (8, H))


def _tc_hist(an):
    return pl.pallas_call(
        _tc_hist_body,
        grid=(G,),
        in_specs=[
            pl.BlockSpec((1, 1, _SEG, H), lambda g: (0, g, 0, 0)),
            pl.BlockSpec((1, 1, _SEG, H), lambda g: (1, g, 0, 0)),
        ],
        out_specs=pl.BlockSpec((1, 8, H), lambda g: (g, 0, 0)),
        out_shape=jax.ShapeDtypeStruct((G, 8, H), jnp.float32),
    )(an, an)


def _tc_tail_body(g1_ref, g2_ref, hist_ref, T_ref, nb_ref, m1w_ref, m1b_ref,
                  m2w_ref, m2b_ref, m3w_ref, m3b_ref, h1w_ref, h1b_ref,
                  h2w_ref, h2b_ref, f1w_ref, f1b_ref, f2w_ref, f2b_ref,
                  out_ref):
    g1 = g1_ref[...]
    g2 = g2_ref[...]
    lanes16 = lax.broadcasted_iota(jnp.int32, (1, K), 1)
    tf = jnp.zeros((G, K), jnp.float32)
    for k in range(K):
        vk = lax.dot_general(g1, T_ref[k], (((1,), (0,)), ((), ())),
                             preferred_element_type=jnp.float32)
        col = jnp.sum(vk * g2, axis=1, keepdims=True)
        tf = tf + col * jnp.where(lanes16 == k, 1.0, 0.0)
    tf = tf + nb_ref[0:1, :]
    h = jnp.maximum(lax.dot_general(tf, m1w_ref[...], (((1,), (1,)), ((), ())),
                                    preferred_element_type=jnp.float32)
                    + m1b_ref[0:1, :], 0.0)
    h = jnp.maximum(lax.dot_general(h, m2w_ref[...], (((1,), (1,)), ((), ())),
                                    preferred_element_type=jnp.float32)
                    + m2b_ref[0:1, :], 0.0)
    ntn = jax.nn.sigmoid(jnp.sum(h * m3w_ref[0:1, :], axis=1, keepdims=True)
                         + m3b_ref[0, 0])
    hh = jnp.maximum(lax.dot_general(hist_ref[...], h1w_ref[...],
                                     (((1,), (1,)), ((), ())),
                                     preferred_element_type=jnp.float32)
                     + h1b_ref[0:1, :], 0.0)
    hemb = lax.dot_general(hh, h2w_ref[...], (((1,), (1,)), ((), ())),
                           preferred_element_type=jnp.float32) + h2b_ref[0:1, :]
    f1wt = f1w_ref[...]
    f = ntn * f1wt[0:1, :] \
        + lax.dot_general(hemb, lax.slice(f1wt, (1, 0), (17, 8)),
                          (((1,), (0,)), ((), ())),
                          preferred_element_type=jnp.float32)
    f = jnp.maximum(f + f1b_ref[0:1, :], 0.0)
    out = jax.nn.sigmoid(jnp.sum(f * f2w_ref[0:1, :], axis=1, keepdims=True)
                         + f2b_ref[0, 0])
    out_ref[...] = out


def _tc_tail(g1, g2, hist, p):
    args = (g1, g2, hist, p['ntn_T'], p['ntn_bias'][None, :],
            p['ntn_m1_W'], p['ntn_m1_b'][None, :],
            p['ntn_m2_W'], p['ntn_m2_b'][None, :],
            p['ntn_m3_W'], p['ntn_m3_b'][None, None],
            p['hist1_W'], p['hist1_b'][None, :],
            p['hist2_W'], p['hist2_b'][None, :],
            p['fus1_W'].T, p['fus1_b'][None, :],
            p['fus2_W'], p['fus2_b'][None, None])
    return pl.pallas_call(
        _tc_tail_body,
        out_shape=jax.ShapeDtypeStruct((G, 1), jnp.float32),
    )(*args)


def _stage_edges(ei, row_off):
    src = jnp.concatenate(
        [ei[0] + row_off,
         jnp.full((EPAD - E,), row_off, jnp.int32)]).reshape(NS, NCHUNK, CH)
    dst = jnp.concatenate(
        [ei[1], jnp.full((EPAD - E,), NP - 8, jnp.int32)]
    ).reshape(NS, NCHUNK, CH)
    pad = NCHS - NCHUNK
    src = jnp.concatenate(
        [src, jnp.full((NS, pad, CH), row_off, jnp.int32)], axis=1)
    dst = jnp.concatenate(
        [dst, jnp.full((NS, pad, CH), NP - 8, jnp.int32)], axis=1)
    return src, dst


def kernel(x1, edge_index1, batch1, x2, edge_index2, batch2, params):
    p = params
    s1, d1 = _stage_edges(edge_index1, 0)
    s2, d2 = _stage_edges(edge_index2, NP)
    src3 = jnp.concatenate([s1, s2])
    dst3 = jnp.concatenate([d1, d2])

    xs = jnp.zeros((NC, NP, D), jnp.float32)
    xs = xs.at[0, :N].set(x1).at[1, :N].set(x2)

    degtab = _make_sc_deg()(dst3).reshape(NC, NS, NP)

    def vecs(l):
        return jnp.stack([
            p['conv%d_b' % l], p['bn%d_mean' % l], p['bn%d_var' % l],
            p['bn%d_gamma' % l], p['bn%d_beta' % l],
            jnp.zeros((H,), jnp.float32), jnp.zeros((H,), jnp.float32),
            jnp.zeros((H,), jnp.float32)])

    hp0, dinvb = _tc_prep(xs, degtab, p['conv0_W'])

    def agg(hp):
        return _make_sc_agg()(src3, dst3,
                              hp.reshape(NC * NP, H)).reshape(NC, NP, H)

    agg0 = agg(hp0)
    hp1 = _tc_mid(agg0, hp0, dinvb, vecs(0), p['conv1_W'])
    agg1 = agg(hp1)
    hp2 = _tc_mid(agg1, hp1, dinvb, vecs(1), p['conv2_W'])
    agg2 = agg(hp2)

    avec = jnp.zeros((8, H), jnp.float32)
    avec = avec.at[0].set(p['attn_cw_b']).at[1].set(p['attn_a_W'][0])
    avec = avec.at[2, 0].set(p['attn_a_b'][0])

    def seg4(a):
        return a[:, :N].reshape(NC, G, _SEG, H)
    gout, an = _tc_final(seg4(agg2), seg4(hp2), seg4(dinvb), vecs(2),
                         p['attn_cw_W'], avec)

    hist = _tc_hist(an)[:, 0, :BINS]
    g1 = gout[0, :, 0, :]
    g2 = gout[1, :, 0, :]
    return _tc_tail(g1, g2, hist, p)

# --- scband reference (transcript-rebuilt; emitter-appended) ---
"""Pipeline reference for scband-sim-gnn-66537633349987 (READ-ONLY COPY).

The authoritative reference and input builder live on the scoring server;
editing this copy changes nothing except your own understanding.
"""

import jax, jax.numpy as jnp
import numpy as np

N = 10000
E = 320000
D = 128
H = 128
G = 20
K = 16
BINS = 16

def setup_inputs(seed: int = 0):
    key = jax.random.key(seed)
    ks = jax.random.split(key, 32)
    x1 = jax.random.normal(ks[0], (N, D), dtype=jnp.float32)
    x2 = jax.random.normal(ks[1], (N, D), dtype=jnp.float32)
    edge_index1 = jax.random.randint(ks[2], (2, E), 0, N, dtype=jnp.int32)
    edge_index2 = jax.random.randint(ks[3], (2, E), 0, N, dtype=jnp.int32)
    batch = jnp.repeat(jnp.arange(G, dtype=jnp.int32), N // G)
    def lin(k, o, i):
        return 0.1 * jax.random.normal(k, (o, i), dtype=jnp.float32), jnp.zeros((o,), dtype=jnp.float32)
    p = {}
    dims = [D, H, H]
    for l in range(3):
        W, b = lin(ks[4 + l], H, dims[l])
        p['conv%d_W' % l] = W
        p['conv%d_b' % l] = b
        p['bn%d_gamma' % l] = jnp.ones((H,), jnp.float32)
        p['bn%d_beta' % l] = jnp.zeros((H,), jnp.float32)
        p['bn%d_mean' % l] = jnp.zeros((H,), jnp.float32)
        p['bn%d_var' % l] = jnp.ones((H,), jnp.float32)
    p['attn_cw_W'], p['attn_cw_b'] = lin(ks[10], H, H)
    p['attn_a_W'], p['attn_a_b'] = lin(ks[11], 1, H)
    p['ntn_T'] = 0.1 * jax.random.normal(ks[12], (K, H, H), dtype=jnp.float32)
    p['ntn_bias'] = 0.1 * jax.random.normal(ks[13], (K,), dtype=jnp.float32)
    p['ntn_m1_W'], p['ntn_m1_b'] = lin(ks[14], 32, K)
    p['ntn_m2_W'], p['ntn_m2_b'] = lin(ks[15], 16, 32)
    p['ntn_m3_W'], p['ntn_m3_b'] = lin(ks[16], 1, 16)
    p['hist1_W'], p['hist1_b'] = lin(ks[17], 32, BINS)
    p['hist2_W'], p['hist2_b'] = lin(ks[18], 16, 32)
    p['fus1_W'], p['fus1_b'] = lin(ks[19], 8, 17)
    p['fus2_W'], p['fus2_b'] = lin(ks[20], 1, 8)
    return {'x1': x1, 'edge_index1': edge_index1, 'batch1': batch, 'x2': x2, 'edge_index2': edge_index2, 'batch2': batch, 'params': p}

def _gcn_conv(x, ei, W, b):
    n = x.shape[0]
    loops = jnp.arange(n, dtype=ei.dtype)
    src = jnp.concatenate([ei[0], loops])
    dst = jnp.concatenate([ei[1], loops])
    deg = jax.ops.segment_sum(jnp.ones(src.shape[0], dtype=x.dtype), dst, num_segments=n)
    dinv = jnp.where(deg > 0, 1.0 / jnp.sqrt(deg), 0.0)
    h = x @ W.T
    msg = h[src] * (dinv[src] * dinv[dst])[:, None]
    return jax.ops.segment_sum(msg, dst, num_segments=n) + b

def _encoder(x, ei, p):
    h = x
    for l in range(3):
        h = _gcn_conv(h, ei, p['conv%d_W' % l], p['conv%d_b' % l])
        h = (h - p['bn%d_mean' % l]) / jnp.sqrt(p['bn%d_var' % l] + 1e-5) * p['bn%d_gamma' % l] + p['bn%d_beta' % l]
        h = jax.nn.relu(h)
    return h

def _attention(emb, batch, p):
    t = jnp.tanh(emb @ p['attn_cw_W'].T + p['attn_cw_b'])
    s = (t @ p['attn_a_W'].T + p['attn_a_b'])[:, 0]
    m = jax.ops.segment_max(s, batch, num_segments=G)
    e = jnp.exp(s - m[batch])
    z = jax.ops.segment_sum(e, batch, num_segments=G)
    w = e / z[batch]
    return jax.ops.segment_sum(w[:, None] * emb, batch, num_segments=G)

def _histogram(e1, e2):
    n = N // G
    a = e1.reshape(G, n, H)
    b = e2.reshape(G, n, H)
    an = a / jnp.maximum(jnp.linalg.norm(a, axis=-1, keepdims=True), 1e-8)
    bn = b / jnp.maximum(jnp.linalg.norm(b, axis=-1, keepdims=True), 1e-8)
    sims = jax.lax.stop_gradient(jnp.einsum('gid,gjd->gij', an, bn)).reshape(G, n * n)
    idx = jnp.clip(jnp.floor((sims + 1.0) * (BINS / 2.0)).astype(jnp.int32), 0, BINS - 1)
    hist = jax.vmap(lambda ix: jnp.zeros((BINS,), jnp.float32).at[ix].add(1.0))(idx)
    return hist / (jnp.sum(hist, axis=1, keepdims=True) + 1e-8)

def _ntn(g1, g2, p):
    tf = jnp.einsum('bd,kde,be->bk', g1, p['ntn_T'], g2) + p['ntn_bias']
    h = jax.nn.relu(tf @ p['ntn_m1_W'].T + p['ntn_m1_b'])
    h = jax.nn.relu(h @ p['ntn_m2_W'].T + p['ntn_m2_b'])
    return jax.nn.sigmoid(h @ p['ntn_m3_W'].T + p['ntn_m3_b'])

def _forward(x1, edge_index1, batch1, x2, edge_index2, batch2, params):
    e1 = _encoder(x1, edge_index1, params)
    e2 = _encoder(x2, edge_index2, params)
    g1 = _attention(e1, batch1, params)
    g2 = _attention(e2, batch2, params)
    ntn = _ntn(g1, g2, params)
    hist = _histogram(e1, e2)
    hemb = jax.nn.relu(hist @ params['hist1_W'].T + params['hist1_b']) @ params['hist2_W'].T + params['hist2_b']
    comb = jnp.concatenate([ntn, hemb], axis=1)
    f = jax.nn.relu(comb @ params['fus1_W'].T + params['fus1_b'])
    return jax.nn.sigmoid(f @ params['fus2_W'].T + params['fus2_b'])

def reference(x1, edge_index1, batch1, x2, edge_index2, batch2, params):
    return _forward(x1, edge_index1, batch1, x2, edge_index2, batch2, params)

if __name__ == "__main__":
    import jax
    _d = setup_inputs()
    print(jax.jit(kernel)(*tuple(_d.values())))

</pallas_src>

<mosaic_0001>
#map = affine_map<(d0, d1) -> (0, 0, 0)>
#map1 = affine_map<(d0, d1) -> (0)>
module attributes {stable_mosaic.version = 14 : i64} {
  func.func @_sc_deg(%arg0: i32, %arg1: i32, %arg2: memref<32x128x160xi32, #tpu.memory_space<hbm>>, %arg3: memref<327680xf32, #tpu.memory_space<hbm>>, %arg4: memref<128x160xi32, #tpu.memory_space<vmem>>, %arg5: memref<10240xf32, #tpu.memory_space<vmem>>) attributes {dimension_semantics = [#tpu.dimension_semantics<core_parallel>, #tpu.dimension_semantics<subcore_parallel>], iteration_bounds = array<i64: 2, 16>, scalar_prefetch = 0 : i64, scratch_operands = 2 : i64, tpu.core_type = #tpu.core_type<sc_vector_subcore>, window_params = [{transform_indices = #map}, {transform_indices = #map1}]} {
    %mul3A = arith.constant 16 : i32
    %mul3A_0 = arith.muli %arg0, %mul3A : i32
    %add3A = arith.addi %mul3A_0, %arg1 : i32
    %broadcast_in_dim3A = arith.constant 0.000000e+00 : f32
    %broadcast_in_dim3A_1 = vector.broadcast %broadcast_in_dim3A : f32 to vector<16xf32>
    %scan3A = arith.constant 0 : i32
    %scan3A_2 = arith.constant 0 : i32
    %scan3A_3 = arith.constant 640 : i32
    %scan3A_4 = arith.addi %scan3A_2, %scan3A_3 : i32
    %scan3A_5 = arith.constant 1 : i32
    %scan3A_6 = scf.for %scan3A_22 = %scan3A_2 to %scan3A_4 step %scan3A_5 iter_args(%scan3A_23 = %scan3A) -> (i32)  : i32 {
      %mul3A_24 = arith.constant 16 : i32
      %mul3A_25 = arith.muli %scan3A_22, %mul3A_24 : i32
      %swap3A = arith.index_cast %mul3A_25 : i32 to index
      %swap3A_26 = tpu.vector_load %arg5[%swap3A] {strides = array<i32>} : memref<10240xf32, #tpu.memory_space<vmem>>, vector<16xf32>,
      tpu.vector_store %arg5[%swap3A], %broadcast_in_dim3A_1 {strides = array<i32>} : memref<10240xf32, #tpu.memory_space<vmem>>, vector<16xf32>,
      %scan3A_27 = arith.constant 0 : i32
      scf.yield %scan3A_27 : i32
    }
    %scan3A_7 = arith.constant 640 : i32
    "tpu.region"() ({
      %run_scoped3A = tpu.sem_alloc : memref<!tpu.dma_semaphore, #tpu.memory_space<semaphore_mem>>
      %dma_start3A = arith.constant 0 : i32
      %dma_start3A_22 = arith.constant 0 : i32
      %dma_start3A_23 = tpu.memref_slice %arg2[%add3A, %dma_start3A, %dma_start3A_22] : memref<32x128x160xi32, #tpu.memory_space<hbm>> -> memref<1x128x160xi32, #tpu.memory_space<hbm>>
      %dma_start3A_24 = tpu.memref_squeeze %dma_start3A_23 : memref<1x128x160xi32, #tpu.memory_space<hbm>> -> memref<128x160xi32, #tpu.memory_space<hbm>>
      %dma_start3A_25 = arith.constant 0 : i32
      %dma_start3A_26 = arith.constant 0 : i32
      %dma_start3A_27 = tpu.memref_slice %arg2[%add3A, %dma_start3A_25, %dma_start3A_26] : memref<32x128x160xi32, #tpu.memory_space<hbm>> -> memref<1x128x160xi32, #tpu.memory_space<hbm>>
      %dma_start3A_28 = tpu.memref_squeeze %dma_start3A_27 : memref<1x128x160xi32, #tpu.memory_space<hbm>> -> memref<128x160xi32, #tpu.memory_space<hbm>>
      tpu.enqueue_dma source(%dma_start3A_28 : memref<128x160xi32, #tpu.memory_space<hbm>>) target(%arg4 : memref<128x160xi32, #tpu.memory_space<vmem>>) target_semaphore(%run_scoped3A : memref<!tpu.dma_semaphore, #tpu.memory_space<semaphore_mem>>)
      %dma_wait3A = arith.constant 0 : i32
      %dma_wait3A_29 = arith.constant 0 : i32
      %dma_wait3A_30 = tpu.memref_slice %arg2[%add3A, %dma_wait3A, %dma_wait3A_29] : memref<32x128x160xi32, #tpu.memory_space<hbm>> -> memref<1x128x160xi32, #tpu.memory_space<hbm>>
      %dma_wait3A_31 = tpu.memref_squeeze %dma_wait3A_30 : memref<1x128x160xi32, #tpu.memory_space<hbm>> -> memref<128x160xi32, #tpu.memory_space<hbm>>
      %dma_wait3A_32 = arith.constant 0 : i32
      %dma_wait3A_33 = arith.constant 0 : i32
      %dma_wait3A_34 = tpu.memref_slice %arg2[%add3A, %dma_wait3A_32, %dma_wait3A_33] : memref<32x128x160xi32, #tpu.memory_space<hbm>> -> memref<1x128x160xi32, #tpu.memory_space<hbm>>
      %dma_wait3A_35 = tpu.memref_squeeze %dma_wait3A_34 : memref<1x128x160xi32, #tpu.memory_space<hbm>> -> memref<128x160xi32, #tpu.memory_space<hbm>>
      tpu.wait_dma2 semaphore(%run_scoped3A : memref<!tpu.dma_semaphore, #tpu.memory_space<semaphore_mem>>) src(%dma_wait3A_35 : memref<128x160xi32, #tpu.memory_space<hbm>>) dst(%arg4 : memref<128x160xi32, #tpu.memory_space<vmem>>)
      tpu.yield
    }) : () -> ()
    %broadcast_in_dim3A_8 = arith.constant 1.000000e+00 : f32
    %broadcast_in_dim3A_9 = vector.broadcast %broadcast_in_dim3A_8 : f32 to vector<16xf32>
    %scan3A_10 = arith.constant 0 : i32
    %scan3A_11 = arith.constant 0 : i32
    %scan3A_12 = arith.constant 125 : i32
    %scan3A_13 = arith.addi %scan3A_11, %scan3A_12 : i32
    %scan3A_14 = arith.constant 1 : i32
    %scan3A_15 = scf.for %scan3A_22 = %scan3A_11 to %scan3A_13 step %scan3A_14 iter_args(%scan3A_23 = %scan3A_10) -> (i32)  : i32 {
      %scan3A_24 = arith.constant 0 : i32
      %scan3A_25 = arith.constant 0 : i32
      %scan3A_26 = arith.constant 10 : i32
      %scan3A_27 = arith.addi %scan3A_25, %scan3A_26 : i32
      %scan3A_28 = arith.constant 1 : i32
      %scan3A_29 = scf.for %scan3A_32 = %scan3A_25 to %scan3A_27 step %scan3A_28 iter_args(%scan3A_33 = %scan3A_24) -> (i32)  : i32 {
        %mul3A_34 = arith.constant 16 : i32
        %mul3A_35 = arith.muli %scan3A_32, %mul3A_34 : i32
        %get3A = arith.index_cast %scan3A_22 : i32 to index
        %get3A_36 = arith.index_cast %mul3A_35 : i32 to index
        %get3A_37 = tpu.vector_load %arg4[%get3A, %get3A_36] {strides = array<i32>} : memref<128x160xi32, #tpu.memory_space<vmem>>, vector<16xi32>,
        tpu.vector_store_idx %arg5[%get3A_37], %broadcast_in_dim3A_9 {add = true} : memref<10240xf32, #tpu.memory_space<vmem>>[vector<16xi32>], vector<16xf32>,
        %scan3A_38 = arith.constant 0 : i32
        scf.yield %scan3A_38 : i32
      }
      %scan3A_30 = arith.constant 10 : i32
      %scan3A_31 = arith.constant 0 : i32
      scf.yield %scan3A_31 : i32
    }
    %scan3A_16 = arith.constant 125 : i32
    %mul3A_17 = arith.constant 16 : i32
    %mul3A_18 = arith.muli %arg0, %mul3A_17 : i32
    %add3A_19 = arith.addi %mul3A_18, %arg1 : i32
    %mul3A_20 = arith.constant 10240 : i32
    %mul3A_21 = arith.muli %add3A_19, %mul3A_20 : i32
    "tpu.region"() ({
      %run_scoped3A = tpu.sem_alloc : memref<!tpu.dma_semaphore, #tpu.memory_space<semaphore_mem>>
      %dma_start3A = tpu.memref_slice %arg3[%mul3A_21] : memref<327680xf32, #tpu.memory_space<hbm>> -> memref<10240xf32, #tpu.memory_space<hbm>>
      %dma_start3A_22 = tpu.memref_slice %arg3[%mul3A_21] : memref<327680xf32, #tpu.memory_space<hbm>> -> memref<10240xf32, #tpu.memory_space<hbm>>
      tpu.enqueue_dma source(%arg5 : memref<10240xf32, #tpu.memory_space<vmem>>) target(%dma_start3A_22 : memref<10240xf32, #tpu.memory_space<hbm>>) target_semaphore(%run_scoped3A : memref<!tpu.dma_semaphore, #tpu.memory_space<semaphore_mem>>)
      %dma_wait3A = tpu.memref_slice %arg3[%mul3A_21] : memref<327680xf32, #tpu.memory_space<hbm>> -> memref<10240xf32, #tpu.memory_space<hbm>>
      %dma_wait3A_23 = tpu.memref_slice %arg3[%mul3A_21] : memref<327680xf32, #tpu.memory_space<hbm>> -> memref<10240xf32, #tpu.memory_space<hbm>>
      tpu.wait_dma2 semaphore(%run_scoped3A : memref<!tpu.dma_semaphore, #tpu.memory_space<semaphore_mem>>) src(%arg5 : memref<10240xf32, #tpu.memory_space<vmem>>) dst(%dma_wait3A_23 : memref<10240xf32, #tpu.memory_space<hbm>>)
      tpu.yield
    }) : () -> ()
    return
  }
}

#map = affine_map<(d0, d1) -> (0, 0, 0)>
#map1 = affine_map<(d0, d1) -> (0, 0)>
module attributes {stable_mosaic.version = 14 : i64} {
  func.func @_sc_agg(%arg0: i32, %arg1: i32, %arg2: memref<32x128x160xi32, #tpu.memory_space<hbm>>, %arg3: memref<32x128x160xi32, #tpu.memory_space<hbm>>, %arg4: memref<20480x128xf32, #tpu.memory_space<hbm>>, %arg5: memref<20480x128xf32, #tpu.memory_space<hbm>>, %arg6: memref<1x160xi32, #tpu.memory_space<vmem>>, %arg7: memref<1x160xi32, #tpu.memory_space<vmem>>, %arg8: memref<1x160xi32, #tpu.memory_space<vmem>>, %arg9: memref<1x160xi32, #tpu.memory_space<vmem>>, %arg10: memref<160x128xf32, #tpu.memory_space<vmem>>, %arg11: memref<160x128xf32, #tpu.memory_space<vmem>>, %arg12: memref<10240x128xf32, #tpu.memory_space<vmem_shared>>, %arg13: memref<!tpu.dma_semaphore, #tpu.memory_space<semaphore_mem>>, %arg14: memref<!tpu.dma_semaphore, #tpu.memory_space<semaphore_mem>>, %arg15: memref<!tpu.dma_semaphore, #tpu.memory_space<semaphore_mem>>, %arg16: memref<!tpu.dma_semaphore, #tpu.memory_space<semaphore_mem>>) attributes {dimension_semantics = [#tpu.dimension_semantics<core_parallel>, #tpu.dimension_semantics<subcore_parallel>], iteration_bounds = array<i64: 2, 16>, scalar_prefetch = 0 : i64, scratch_operands = 11 : i64, tpu.core_type = #tpu.core_type<sc_vector_subcore>, window_params = [{transform_indices = #map}, {transform_indices = #map}, {transform_indices = #map1}, {transform_indices = #map1}]} {
    %mul3A = arith.constant 16 : i32
    %mul3A_0 = arith.muli %arg0, %mul3A : i32
    %add3A = arith.addi %mul3A_0, %arg1 : i32
    %broadcast_in_dim3A = arith.constant 0.000000e+00 : f32
    %broadcast_in_dim3A_1 = vector.broadcast %broadcast_in_dim3A : f32 to vector<16xf32>
    %scan3A = arith.constant 0 : i32
    %scan3A_2 = arith.constant 0 : i32
    %scan3A_3 = arith.constant 160 : i32
    %scan3A_4 = arith.addi %scan3A_2, %scan3A_3 : i32
    %scan3A_5 = arith.constant 1 : i32
    %scan3A_6 = scf.for %scan3A_114 = %scan3A_2 to %scan3A_4 step %scan3A_5 iter_args(%scan3A_115 = %scan3A) -> (i32)  : i32 {
      %swap3A = arith.index_cast %scan3A_114 : i32 to index
      %swap3A_116 = arith.constant 0 : index
      %swap3A_117 = tpu.vector_load %arg10[%swap3A, %swap3A_116] {strides = array<i32>} : memref<160x128xf32, #tpu.memory_space<vmem>>, vector<16xf32>,
      tpu.vector_store %arg10[%swap3A, %swap3A_116], %broadcast_in_dim3A_1 {strides = array<i32>} : memref<160x128xf32, #tpu.memory_space<vmem>>, vector<16xf32>,
      %swap3A_118 = arith.index_cast %scan3A_114 : i32 to index
      %swap3A_119 = arith.constant 16 : index
      %swap3A_120 = tpu.vector_load %arg10[%swap3A_118, %swap3A_119] {strides = array<i32>} : memref<160x128xf32, #tpu.memory_space<vmem>>, vector<16xf32>,
      tpu.vector_store %arg10[%swap3A_118, %swap3A_119], %broadcast_in_dim3A_1 {strides = array<i32>} : memref<160x128xf32, #tpu.memory_space<vmem>>, vector<16xf32>,
      %swap3A_121 = arith.index_cast %scan3A_114 : i32 to index
      %swap3A_122 = arith.constant 32 : index
      %swap3A_123 = tpu.vector_load %arg10[%swap3A_121, %swap3A_122] {strides = array<i32>} : memref<160x128xf32, #tpu.memory_space<vmem>>, vector<16xf32>,
      tpu.vector_store %arg10[%swap3A_121, %swap3A_122], %broadcast_in_dim3A_1 {strides = array<i32>} : memref<160x128xf32, #tpu.memory_space<vmem>>, vector<16xf32>,
      %swap3A_124 = arith.index_cast %scan3A_114 : i32 to index
      %swap3A_125 = arith.constant 48 : index
      %swap3A_126 = tpu.vector_load %arg10[%swap3A_124, %swap3A_125] {strides = array<i32>} : memref<160x128xf32, #tpu.memory_space<vmem>>, vector<16xf32>,
      tpu.vector_store %arg10[%swap3A_124, %swap3A_125], %broadcast_in_dim3A_1 {strides = array<i32>} : memref<160x128xf32, #tpu.memory_space<vmem>>, vector<16xf32>,
      %swap3A_127 = arith.index_cast %scan3A_114 : i32 to index
      %swap3A_128 = arith.constant 64 : index
      %swap3A_129 = tpu.vector_load %arg10[%swap3A_127, %swap3A_128] {strides = array<i32>} : memref<160x128xf32, #tpu.memory_space<vmem>>, vector<16xf32>,
      tpu.vector_store %arg10[%swap3A_127, %swap3A_128], %broadcast_in_dim3A_1 {strides = array<i32>} : memref<160x128xf32, #tpu.memory_space<vmem>>, vector<16xf32>,
      %swap3A_130 = arith.index_cast %scan3A_114 : i32 to index
      %swap3A_131 = arith.constant 80 : index
      %swap3A_132 = tpu.vector_load %arg10[%swap3A_130, %swap3A_131] {strides = array<i32>} : memref<160x128xf32, #tpu.memory_space<vmem>>, vector<16xf32>,
      tpu.vector_store %arg10[%swap3A_130, %swap3A_131], %broadcast_in_dim3A_1 {strides = array<i32>} : memref<160x128xf32, #tpu.memory_space<vmem>>, vector<16xf32>,
      %swap3A_133 = arith.index_cast %scan3A_114 : i32 to index
      %swap3A_134 = arith.constant 96 : index
      %swap3A_135 = tpu.vector_load %arg10[%swap3A_133, %swap3A_134] {strides = array<i32>} : memref<160x128xf32, #tpu.memory_space<vmem>>, vector<16xf32>,
      tpu.vector_store %arg10[%swap3A_133, %swap3A_134], %broadcast_in_dim3A_1 {strides = array<i32>} : memref<160x128xf32, #tpu.memory_space<vmem>>, vector<16xf32>,
      %swap3A_136 = arith.index_cast %scan3A_114 : i32 to index
      %swap3A_137 = arith.constant 112 : index
      %swap3A_138 = tpu.vector_load %arg10[%swap3A_136, %swap3A_137] {strides = array<i32>} : memref<160x128xf32, #tpu.memory_space<vmem>>, vector<16xf32>,
      tpu.vector_store %arg10[%swap3A_136, %swap3A_137], %broadcast_in_dim3A_1 {strides = array<i32>} : memref<160x128xf32, #tpu.memory_space<vmem>>, vector<16xf32>,
      %scan3A_139 = arith.constant 0 : i32
      scf.yield %scan3A_139 : i32
    }
    %scan3A_7 = arith.constant 160 : i32
    %mul3A_8 = arith.constant 640 : i32
    %mul3A_9 = arith.muli %arg1, %mul3A_8 : i32
    %add3A_10 = arith.constant 0 : i32
    %add3A_11 = arith.addi %mul3A_9, %add3A_10 : i32
    "tpu.region"() ({
      %run_scoped3A = tpu.sem_alloc : memref<!tpu.dma_semaphore, #tpu.memory_space<semaphore_mem>>
      %dma_start3A_114 = arith.constant 0 : i32
      %dma_start3A_115 = tpu.memref_slice %arg12[%add3A_11, %dma_start3A_114] : memref<10240x128xf32, #tpu.memory_space<vmem_shared>> -> memref<160x128xf32, #tpu.memory_space<vmem_shared>>
      %dma_start3A_116 = arith.constant 0 : i32
      %dma_start3A_117 = tpu.memref_slice %arg12[%add3A_11, %dma_start3A_116] : memref<10240x128xf32, #tpu.memory_space<vmem_shared>> -> memref<160x128xf32, #tpu.memory_space<vmem_shared>>
      tpu.enqueue_dma source(%arg10 : memref<160x128xf32, #tpu.memory_space<vmem>>) target(%dma_start3A_117 : memref<160x128xf32, #tpu.memory_space<vmem_shared>>) target_semaphore(%run_scoped3A : memref<!tpu.dma_semaphore, #tpu.memory_space<semaphore_mem>>)
      %dma_wait3A_118 = arith.constant 0 : i32
      %dma_wait3A_119 = tpu.memref_slice %arg12[%add3A_11, %dma_wait3A_118] : memref<10240x128xf32, #tpu.memory_space<vmem_shared>> -> memref<160x128xf32, #tpu.memory_space<vmem_shared>>
      %dma_wait3A_120 = arith.constant 0 : i32
      %dma_wait3A_121 = tpu.memref_slice %arg12[%add3A_11, %dma_wait3A_120] : memref<10240x128xf32, #tpu.memory_space<vmem_shared>> -> memref<160x128xf32, #tpu.memory_space<vmem_shared>>
      tpu.wait_dma2 semaphore(%run_scoped3A : memref<!tpu.dma_semaphore, #tpu.memory_space<semaphore_mem>>) src(%arg10 : memref<160x128xf32, #tpu.memory_space<vmem>>) dst(%dma_wait3A_121 : memref<160x128xf32, #tpu.memory_space<vmem_shared>>)
      tpu.yield
    }) : () -> ()
    %mul3A_12 = arith.constant 640 : i32
    %mul3A_13 = arith.muli %arg1, %mul3A_12 : i32
    %add3A_14 = arith.constant 160 : i32
    %add3A_15 = arith.addi %mul3A_13, %add3A_14 : i32
    "tpu.region"() ({
      %run_scoped3A = tpu.sem_alloc : memref<!tpu.dma_semaphore, #tpu.memory_space<semaphore_mem>>
      %dma_start3A_114 = arith.constant 0 : i32
      %dma_start3A_115 = tpu.memref_slice %arg12[%add3A_15, %dma_start3A_114] : memref<10240x128xf32, #tpu.memory_space<vmem_shared>> -> memref<160x128xf32, #tpu.memory_space<vmem_shared>>
      %dma_start3A_116 = arith.constant 0 : i32
      %dma_start3A_117 = tpu.memref_slice %arg12[%add3A_15, %dma_start3A_116] : memref<10240x128xf32, #tpu.memory_space<vmem_shared>> -> memref<160x128xf32, #tpu.memory_space<vmem_shared>>
      tpu.enqueue_dma source(%arg10 : memref<160x128xf32, #tpu.memory_space<vmem>>) target(%dma_start3A_117 : memref<160x128xf32, #tpu.memory_space<vmem_shared>>) target_semaphore(%run_scoped3A : memref<!tpu.dma_semaphore, #tpu.memory_space<semaphore_mem>>)
      %dma_wait3A_118 = arith.constant 0 : i32
      %dma_wait3A_119 = tpu.memref_slice %arg12[%add3A_15, %dma_wait3A_118] : memref<10240x128xf32, #tpu.memory_space<vmem_shared>> -> memref<160x128xf32, #tpu.memory_space<vmem_shared>>
      %dma_wait3A_120 = arith.constant 0 : i32
      %dma_wait3A_121 = tpu.memref_slice %arg12[%add3A_15, %dma_wait3A_120] : memref<10240x128xf32, #tpu.memory_space<vmem_shared>> -> memref<160x128xf32, #tpu.memory_space<vmem_shared>>
      tpu.wait_dma2 semaphore(%run_scoped3A : memref<!tpu.dma_semaphore, #tpu.memory_space<semaphore_mem>>) src(%arg10 : memref<160x128xf32, #tpu.memory_space<vmem>>) dst(%dma_wait3A_121 : memref<160x128xf32, #tpu.memory_space<vmem_shared>>)
      tpu.yield
    }) : () -> ()
    %mul3A_16 = arith.constant 640 : i32
    %mul3A_17 = arith.muli %arg1, %mul3A_16 : i32
    %add3A_18 = arith.constant 320 : i32
    %add3A_19 = arith.addi %mul3A_17, %add3A_18 : i32
    "tpu.region"() ({
      %run_scoped3A = tpu.sem_alloc : memref<!tpu.dma_semaphore, #tpu.memory_space<semaphore_mem>>
      %dma_start3A_114 = arith.constant 0 : i32
      %dma_start3A_115 = tpu.memref_slice %arg12[%add3A_19, %dma_start3A_114] : memref<10240x128xf32, #tpu.memory_space<vmem_shared>> -> memref<160x128xf32, #tpu.memory_space<vmem_shared>>
      %dma_start3A_116 = arith.constant 0 : i32
      %dma_start3A_117 = tpu.memref_slice %arg12[%add3A_19, %dma_start3A_116] : memref<10240x128xf32, #tpu.memory_space<vmem_shared>> -> memref<160x128xf32, #tpu.memory_space<vmem_shared>>
      tpu.enqueue_dma source(%arg10 : memref<160x128xf32, #tpu.memory_space<vmem>>) target(%dma_start3A_117 : memref<160x128xf32, #tpu.memory_space<vmem_shared>>) target_semaphore(%run_scoped3A : memref<!tpu.dma_semaphore, #tpu.memory_space<semaphore_mem>>)
      %dma_wait3A_118 = arith.constant 0 : i32
      %dma_wait3A_119 = tpu.memref_slice %arg12[%add3A_19, %dma_wait3A_118] : memref<10240x128xf32, #tpu.memory_space<vmem_shared>> -> memref<160x128xf32, #tpu.memory_space<vmem_shared>>
      %dma_wait3A_120 = arith.constant 0 : i32
      %dma_wait3A_121 = tpu.memref_slice %arg12[%add3A_19, %dma_wait3A_120] : memref<10240x128xf32, #tpu.memory_space<vmem_shared>> -> memref<160x128xf32, #tpu.memory_space<vmem_shared>>
      tpu.wait_dma2 semaphore(%run_scoped3A : memref<!tpu.dma_semaphore, #tpu.memory_space<semaphore_mem>>) src(%arg10 : memref<160x128xf32, #tpu.memory_space<vmem>>) dst(%dma_wait3A_121 : memref<160x128xf32, #tpu.memory_space<vmem_shared>>)
      tpu.yield
    }) : () -> ()
    %mul3A_20 = arith.constant 640 : i32
    %mul3A_21 = arith.muli %arg1, %mul3A_20 : i32
    %add3A_22 = arith.constant 480 : i32
    %add3A_23 = arith.addi %mul3A_21, %add3A_22 : i32
    "tpu.region"() ({
      %run_scoped3A = tpu.sem_alloc : memref<!tpu.dma_semaphore, #tpu.memory_space<semaphore_mem>>
      %dma_start3A_114 = arith.constant 0 : i32
      %dma_start3A_115 = tpu.memref_slice %arg12[%add3A_23, %dma_start3A_114] : memref<10240x128xf32, #tpu.memory_space<vmem_shared>> -> memref<160x128xf32, #tpu.memory_space<vmem_shared>>
      %dma_start3A_116 = arith.constant 0 : i32
      %dma_start3A_117 = tpu.memref_slice %arg12[%add3A_23, %dma_start3A_116] : memref<10240x128xf32, #tpu.memory_space<vmem_shared>> -> memref<160x128xf32, #tpu.memory_space<vmem_shared>>
      tpu.enqueue_dma source(%arg10 : memref<160x128xf32, #tpu.memory_space<vmem>>) target(%dma_start3A_117 : memref<160x128xf32, #tpu.memory_space<vmem_shared>>) target_semaphore(%run_scoped3A : memref<!tpu.dma_semaphore, #tpu.memory_space<semaphore_mem>>)
      %dma_wait3A_118 = arith.constant 0 : i32
      %dma_wait3A_119 = tpu.memref_slice %arg12[%add3A_23, %dma_wait3A_118] : memref<10240x128xf32, #tpu.memory_space<vmem_shared>> -> memref<160x128xf32, #tpu.memory_space<vmem_shared>>
      %dma_wait3A_120 = arith.constant 0 : i32
      %dma_wait3A_121 = tpu.memref_slice %arg12[%add3A_23, %dma_wait3A_120] : memref<10240x128xf32, #tpu.memory_space<vmem_shared>> -> memref<160x128xf32, #tpu.memory_space<vmem_shared>>
      tpu.wait_dma2 semaphore(%run_scoped3A : memref<!tpu.dma_semaphore, #tpu.memory_space<semaphore_mem>>) src(%arg10 : memref<160x128xf32, #tpu.memory_space<vmem>>) dst(%dma_wait3A_121 : memref<160x128xf32, #tpu.memory_space<vmem_shared>>)
      tpu.yield
    }) : () -> ()
    %barrier3A = arith.constant 0 : index
    tpu.barrier barrier_id(%barrier3A)
    %dma_start3A = arith.constant 0 : i32
    %dma_start3A_24 = arith.constant 0 : i32
    %dma_start3A_25 = tpu.memref_slice %arg2[%add3A, %dma_start3A, %dma_start3A_24] : memref<32x128x160xi32, #tpu.memory_space<hbm>> -> memref<1x1x160xi32, #tpu.memory_space<hbm>>
    %dma_start3A_26 = tpu.memref_squeeze %dma_start3A_25 : memref<1x1x160xi32, #tpu.memory_space<hbm>> -> memref<1x160xi32, #tpu.memory_space<hbm>>
    %dma_start3A_27 = arith.constant 0 : i32
    %dma_start3A_28 = arith.constant 0 : i32
    %dma_start3A_29 = tpu.memref_slice %arg2[%add3A, %dma_start3A_27, %dma_start3A_28] : memref<32x128x160xi32, #tpu.memory_space<hbm>> -> memref<1x1x160xi32, #tpu.memory_space<hbm>>
    %dma_start3A_30 = tpu.memref_squeeze %dma_start3A_29 : memref<1x1x160xi32, #tpu.memory_space<hbm>> -> memref<1x160xi32, #tpu.memory_space<hbm>>
    tpu.enqueue_dma source(%dma_start3A_30 : memref<1x160xi32, #tpu.memory_space<hbm>>) target(%arg6 : memref<1x160xi32, #tpu.memory_space<vmem>>) target_semaphore(%arg13 : memref<!tpu.dma_semaphore, #tpu.memory_space<semaphore_mem>>)
    %dma_start3A_31 = arith.constant 0 : i32
    %dma_start3A_32 = arith.constant 0 : i32
    %dma_start3A_33 = tpu.memref_slice %arg3[%add3A, %dma_start3A_31, %dma_start3A_32] : memref<32x128x160xi32, #tpu.memory_space<hbm>> -> memref<1x1x160xi32, #tpu.memory_space<hbm>>
    %dma_start3A_34 = tpu.memref_squeeze %dma_start3A_33 : memref<1x1x160xi32, #tpu.memory_space<hbm>> -> memref<1x160xi32, #tpu.memory_space<hbm>>
    %dma_start3A_35 = arith.constant 0 : i32
    %dma_start3A_36 = arith.constant 0 : i32
    %dma_start3A_37 = tpu.memref_slice %arg3[%add3A, %dma_start3A_35, %dma_start3A_36] : memref<32x128x160xi32, #tpu.memory_space<hbm>> -> memref<1x1x160xi32, #tpu.memory_space<hbm>>
    %dma_start3A_38 = tpu.memref_squeeze %dma_start3A_37 : memref<1x1x160xi32, #tpu.memory_space<hbm>> -> memref<1x160xi32, #tpu.memory_space<hbm>>
    tpu.enqueue_dma source(%dma_start3A_38 : memref<1x160xi32, #tpu.memory_space<hbm>>) target(%arg7 : memref<1x160xi32, #tpu.memory_space<vmem>>) target_semaphore(%arg13 : memref<!tpu.dma_semaphore, #tpu.memory_space<semaphore_mem>>)
    %dma_start3A_39 = arith.constant 1 : i32
    %dma_start3A_40 = arith.constant 0 : i32
    %dma_start3A_41 = tpu.memref_slice %arg2[%add3A, %dma_start3A_39, %dma_start3A_40] : memref<32x128x160xi32, #tpu.memory_space<hbm>> -> memref<1x1x160xi32, #tpu.memory_space<hbm>>
    %dma_start3A_42 = tpu.memref_squeeze %dma_start3A_41 : memref<1x1x160xi32, #tpu.memory_space<hbm>> -> memref<1x160xi32, #tpu.memory_space<hbm>>
    %dma_start3A_43 = arith.constant 1 : i32
    %dma_start3A_44 = arith.constant 0 : i32
    %dma_start3A_45 = tpu.memref_slice %arg2[%add3A, %dma_start3A_43, %dma_start3A_44] : memref<32x128x160xi32, #tpu.memory_space<hbm>> -> memref<1x1x160xi32, #tpu.memory_space<hbm>>
    %dma_start3A_46 = tpu.memref_squeeze %dma_start3A_45 : memref<1x1x160xi32, #tpu.memory_space<hbm>> -> memref<1x160xi32, #tpu.memory_space<hbm>>
    tpu.enqueue_dma source(%dma_start3A_46 : memref<1x160xi32, #tpu.memory_space<hbm>>) target(%arg8 : memref<1x160xi32, #tpu.memory_space<vmem>>) target_semaphore(%arg14 : memref<!tpu.dma_semaphore, #tpu.memory_space<semaphore_mem>>)
    %dma_start3A_47 = arith.constant 1 : i32
    %dma_start3A_48 = arith.constant 0 : i32
    %dma_start3A_49 = tpu.memref_slice %arg3[%add3A, %dma_start3A_47, %dma_start3A_48] : memref<32x128x160xi32, #tpu.memory_space<hbm>> -> memref<1x1x160xi32, #tpu.memory_space<hbm>>
    %dma_start3A_50 = tpu.memref_squeeze %dma_start3A_49 : memref<1x1x160xi32, #tpu.memory_space<hbm>> -> memref<1x160xi32, #tpu.memory_space<hbm>>
    %dma_start3A_51 = arith.constant 1 : i32
    %dma_start3A_52 = arith.constant 0 : i32
    %dma_start3A_53 = tpu.memref_slice %arg3[%add3A, %dma_start3A_51, %dma_start3A_52] : memref<32x128x160xi32, #tpu.memory_space<hbm>> -> memref<1x1x160xi32, #tpu.memory_space<hbm>>
    %dma_start3A_54 = tpu.memref_squeeze %dma_start3A_53 : memref<1x1x160xi32, #tpu.memory_space<hbm>> -> memref<1x160xi32, #tpu.memory_space<hbm>>
    tpu.enqueue_dma source(%dma_start3A_54 : memref<1x160xi32, #tpu.memory_space<hbm>>) target(%arg9 : memref<1x160xi32, #tpu.memory_space<vmem>>) target_semaphore(%arg14 : memref<!tpu.dma_semaphore, #tpu.memory_space<semaphore_mem>>)
    %dma_wait3A = arith.constant 0 : i32
    %dma_wait3A_55 = arith.constant 0 : i32
    %dma_wait3A_56 = tpu.memref_slice %arg2[%add3A, %dma_wait3A, %dma_wait3A_55] : memref<32x128x160xi32, #tpu.memory_space<hbm>> -> memref<1x1x160xi32, #tpu.memory_space<hbm>>
    %dma_wait3A_57 = tpu.memref_squeeze %dma_wait3A_56 : memref<1x1x160xi32, #tpu.memory_space<hbm>> -> memref<1x160xi32, #tpu.memory_space<hbm>>
    %dma_wait3A_58 = arith.constant 0 : i32
    %dma_wait3A_59 = arith.constant 0 : i32
    %dma_wait3A_60 = tpu.memref_slice %arg2[%add3A, %dma_wait3A_58, %dma_wait3A_59] : memref<32x128x160xi32, #tpu.memory_space<hbm>> -> memref<1x1x160xi32, #tpu.memory_space<hbm>>
    %dma_wait3A_61 = tpu.memref_squeeze %dma_wait3A_60 : memref<1x1x160xi32, #tpu.memory_space<hbm>> -> memref<1x160xi32, #tpu.memory_space<hbm>>
    tpu.wait_dma2 semaphore(%arg13 : memref<!tpu.dma_semaphore, #tpu.memory_space<semaphore_mem>>) src(%dma_wait3A_61 : memref<1x160xi32, #tpu.memory_space<hbm>>) dst(%arg6 : memref<1x160xi32, #tpu.memory_space<vmem>>)
    %dma_wait3A_62 = arith.constant 0 : i32
    %dma_wait3A_63 = arith.constant 0 : i32
    %dma_wait3A_64 = tpu.memref_slice %arg3[%add3A, %dma_wait3A_62, %dma_wait3A_63] : memref<32x128x160xi32, #tpu.memory_space<hbm>> -> memref<1x1x160xi32, #tpu.memory_space<hbm>>
    %dma_wait3A_65 = tpu.memref_squeeze %dma_wait3A_64 : memref<1x1x160xi32, #tpu.memory_space<hbm>> -> memref<1x160xi32, #tpu.memory_space<hbm>>
    %dma_wait3A_66 = arith.constant 0 : i32
    %dma_wait3A_67 = arith.constant 0 : i32
    %dma_wait3A_68 = tpu.memref_slice %arg3[%add3A, %dma_wait3A_66, %dma_wait3A_67] : memref<32x128x160xi32, #tpu.memory_space<hbm>> -> memref<1x1x160xi32, #tpu.memory_space<hbm>>
    %dma_wait3A_69 = tpu.memref_squeeze %dma_wait3A_68 : memref<1x1x160xi32, #tpu.memory_space<hbm>> -> memref<1x160xi32, #tpu.memory_space<hbm>>
    tpu.wait_dma2 semaphore(%arg13 : memref<!tpu.dma_semaphore, #tpu.memory_space<semaphore_mem>>) src(%dma_wait3A_69 : memref<1x160xi32, #tpu.memory_space<hbm>>) dst(%arg7 : memref<1x160xi32, #tpu.memory_space<vmem>>)
    %dma_start3A_70 = arith.constant 0 : i32
    %dma_start3A_71 = arith.constant 0 : i32
    %dma_start3A_72 = tpu.memref_slice %arg6[%dma_start3A_70, %dma_start3A_71] : memref<1x160xi32, #tpu.memory_space<vmem>> -> memref<1x160xi32, #tpu.memory_space<vmem>>
    %dma_start3A_73 = tpu.memref_squeeze %dma_start3A_72 : memref<1x160xi32, #tpu.memory_space<vmem>> -> memref<160xi32, #tpu.memory_space<vmem>>
    %dma_start3A_74 = arith.constant 0 : i32
    %dma_start3A_75 = arith.constant 0 : i32
    %dma_start3A_76 = tpu.memref_slice %arg4[%dma_start3A_74, %dma_start3A_75] : memref<20480x128xf32, #tpu.memory_space<hbm>> -> memref<20480x128xf32, #tpu.memory_space<hbm>>
    tpu.enqueue_indirect_dma source(%dma_start3A_76 : memref<20480x128xf32, #tpu.memory_space<hbm>>) target(%arg10 : memref<160x128xf32, #tpu.memory_space<vmem>>) offsets(%dma_start3A_73 : memref<160xi32, #tpu.memory_space<vmem>>) semaphore(%arg15 : memref<!tpu.dma_semaphore, #tpu.memory_space<semaphore_mem>>)
    %scan3A_77 = arith.constant 0 : i32
    %scan3A_78 = arith.constant 0 : i32
    %scan3A_79 = arith.constant 63 : i32
    %scan3A_80 = arith.addi %scan3A_78, %scan3A_79 : i32
    %scan3A_81 = arith.constant 1 : i32
    %scan3A_82 = scf.for %scan3A_114 = %scan3A_78 to %scan3A_80 step %scan3A_81 iter_args(%scan3A_115 = %scan3A_77) -> (i32)  : i32 {
      %mul3A_116 = arith.constant 2 : i32
      %mul3A_117 = arith.muli %mul3A_116, %scan3A_114 : i32
      %add3A_118 = arith.constant 1 : i32
      %add3A_119 = arith.addi %mul3A_117, %add3A_118 : i32
      %dma_wait3A_120 = arith.constant 0 : i32
      %dma_wait3A_121 = tpu.memref_slice %arg2[%add3A, %add3A_119, %dma_wait3A_120] : memref<32x128x160xi32, #tpu.memory_space<hbm>> -> memref<1x1x160xi32, #tpu.memory_space<hbm>>
      %dma_wait3A_122 = tpu.memref_squeeze %dma_wait3A_121 : memref<1x1x160xi32, #tpu.memory_space<hbm>> -> memref<1x160xi32, #tpu.memory_space<hbm>>
      %dma_wait3A_123 = arith.constant 0 : i32
      %dma_wait3A_124 = tpu.memref_slice %arg2[%add3A, %add3A_119, %dma_wait3A_123] : memref<32x128x160xi32, #tpu.memory_space<hbm>> -> memref<1x1x160xi32, #tpu.memory_space<hbm>>
      %dma_wait3A_125 = tpu.memref_squeeze %dma_wait3A_124 : memref<1x1x160xi32, #tpu.memory_space<hbm>> -> memref<1x160xi32, #tpu.memory_space<hbm>>
      tpu.wait_dma2 semaphore(%arg14 : memref<!tpu.dma_semaphore, #tpu.memory_space<semaphore_mem>>) src(%dma_wait3A_125 : memref<1x160xi32, #tpu.memory_space<hbm>>) dst(%arg8 : memref<1x160xi32, #tpu.memory_space<vmem>>)
      %dma_wait3A_126 = arith.constant 0 : i32
      %dma_wait3A_127 = tpu.memref_slice %arg3[%add3A, %add3A_119, %dma_wait3A_126] : memref<32x128x160xi32, #tpu.memory_space<hbm>> -> memref<1x1x160xi32, #tpu.memory_space<hbm>>
      %dma_wait3A_128 = tpu.memref_squeeze %dma_wait3A_127 : memref<1x1x160xi32, #tpu.memory_space<hbm>> -> memref<1x160xi32, #tpu.memory_space<hbm>>
      %dma_wait3A_129 = arith.constant 0 : i32
      %dma_wait3A_130 = tpu.memref_slice %arg3[%add3A, %add3A_119, %dma_wait3A_129] : memref<32x128x160xi32, #tpu.memory_space<hbm>> -> memref<1x1x160xi32, #tpu.memory_space<hbm>>
      %dma_wait3A_131 = tpu.memref_squeeze %dma_wait3A_130 : memref<1x1x160xi32, #tpu.memory_space<hbm>> -> memref<1x160xi32, #tpu.memory_space<hbm>>
      tpu.wait_dma2 semaphore(%arg14 : memref<!tpu.dma_semaphore, #tpu.memory_space<semaphore_mem>>) src(%dma_wait3A_131 : memref<1x160xi32, #tpu.memory_space<hbm>>) dst(%arg9 : memref<1x160xi32, #tpu.memory_space<vmem>>)
      %dma_start3A_132 = arith.constant 0 : i32
      %dma_start3A_133 = arith.constant 0 : i32
      %dma_start3A_134 = tpu.memref_slice %arg8[%dma_start3A_132, %dma_start3A_133] : memref<1x160xi32, #tpu.memory_space<vmem>> -> memref<1x160xi32, #tpu.memory_space<vmem>>
      %dma_start3A_135 = tpu.memref_squeeze %dma_start3A_134 : memref<1x160xi32, #tpu.memory_space<vmem>> -> memref<160xi32, #tpu.memory_space<vmem>>
      %dma_start3A_136 = arith.constant 0 : i32
      %dma_start3A_137 = arith.constant 0 : i32
      %dma_start3A_138 = tpu.memref_slice %arg4[%dma_start3A_136, %dma_start3A_137] : memref<20480x128xf32, #tpu.memory_space<hbm>> -> memref<20480x128xf32, #tpu.memory_space<hbm>>
      tpu.enqueue_indirect_dma source(%dma_start3A_138 : memref<20480x128xf32, #tpu.memory_space<hbm>>) target(%arg11 : memref<160x128xf32, #tpu.memory_space<vmem>>) offsets(%dma_start3A_135 : memref<160xi32, #tpu.memory_space<vmem>>) semaphore(%arg16 : memref<!tpu.dma_semaphore, #tpu.memory_space<semaphore_mem>>)
      %dma_wait3A_139 = arith.constant 0 : i32
      %dma_wait3A_140 = arith.constant 0 : i32
      %dma_wait3A_141 = tpu.memref_slice %arg4[%dma_wait3A_139, %dma_wait3A_140] : memref<20480x128xf32, #tpu.memory_space<hbm>> -> memref<160x128xf32, #tpu.memory_space<hbm>>
      %dma_wait3A_142 = arith.constant 0 : i32
      %dma_wait3A_143 = arith.constant 0 : i32
      %dma_wait3A_144 = tpu.memref_slice %arg4[%dma_wait3A_142, %dma_wait3A_143] : memref<20480x128xf32, #tpu.memory_space<hbm>> -> memref<160x128xf32, #tpu.memory_space<hbm>>
      tpu.wait_dma2 semaphore(%arg15 : memref<!tpu.dma_semaphore, #tpu.memory_space<semaphore_mem>>) src(%dma_wait3A_144 : memref<160x128xf32, #tpu.memory_space<hbm>>) dst(%arg10 : memref<160x128xf32, #tpu.memory_space<vmem>>)
      %run_scoped3A = arith.constant 0 : i32
      "tpu.region"() ({
        %run_scoped3A_202 = tpu.sem_alloc : memref<!tpu.dma_semaphore, #tpu.memory_space<semaphore_mem>>
        %dma_start3A_203 = arith.constant 0 : i32
        %dma_start3A_204 = tpu.memref_slice %arg7[%run_scoped3A, %dma_start3A_203] : memref<1x160xi32, #tpu.memory_space<vmem>> -> memref<1x160xi32, #tpu.memory_space<vmem>>
        %dma_start3A_205 = tpu.memref_squeeze %dma_start3A_204 : memref<1x160xi32, #tpu.memory_space<vmem>> -> memref<160xi32, #tpu.memory_space<vmem>>
        %dma_start3A_206 = arith.constant 0 : i32
        %dma_start3A_207 = arith.constant 0 : i32
        %dma_start3A_208 = tpu.memref_slice %arg12[%dma_start3A_206, %dma_start3A_207] : memref<10240x128xf32, #tpu.memory_space<vmem_shared>> -> memref<10240x128xf32, #tpu.memory_space<vmem_shared>>
        tpu.enqueue_indirect_dma source(%arg10 : memref<160x128xf32, #tpu.memory_space<vmem>>) target(%dma_start3A_208 : memref<10240x128xf32, #tpu.memory_space<vmem_shared>>) offsets(%dma_start3A_205 : memref<160xi32, #tpu.memory_space<vmem>>) semaphore(%run_scoped3A_202 : memref<!tpu.dma_semaphore, #tpu.memory_space<semaphore_mem>>) {add = true}
        %dma_wait3A_209 = arith.constant 0 : i32
        %dma_wait3A_210 = tpu.memref_slice %arg7[%run_scoped3A, %dma_wait3A_209] : memref<1x160xi32, #tpu.memory_space<vmem>> -> memref<1x160xi32, #tpu.memory_space<vmem>>
        %dma_wait3A_211 = tpu.memref_squeeze %dma_wait3A_210 : memref<1x160xi32, #tpu.memory_space<vmem>> -> memref<160xi32, #tpu.memory_space<vmem>>
        %dma_wait3A_212 = arith.constant 0 : i32
        %dma_wait3A_213 = arith.constant 0 : i32
        %dma_wait3A_214 = tpu.memref_slice %arg12[%dma_wait3A_212, %dma_wait3A_213] : memref<10240x128xf32, #tpu.memory_space<vmem_shared>> -> memref<10240x128xf32, #tpu.memory_space<vmem_shared>>
        tpu.wait_indirect_dma semaphore(%run_scoped3A_202 : memref<!tpu.dma_semaphore, #tpu.memory_space<semaphore_mem>>) src(%arg10 : memref<160x128xf32, #tpu.memory_space<vmem>>) dst(%dma_wait3A_214 : memref<10240x128xf32, #tpu.memory_space<vmem_shared>>)
        tpu.yield
      }) : () -> ()
      %add3A_145 = arith.constant 2 : i32
      %add3A_146 = arith.addi %mul3A_117, %add3A_145 : i32
      %dma_start3A_147 = arith.constant 0 : i32
      %dma_start3A_148 = tpu.memref_slice %arg2[%add3A, %add3A_146, %dma_start3A_147] : memref<32x128x160xi32, #tpu.memory_space<hbm>> -> memref<1x1x160xi32, #tpu.memory_space<hbm>>
      %dma_start3A_149 = tpu.memref_squeeze %dma_start3A_148 : memref<1x1x160xi32, #tpu.memory_space<hbm>> -> memref<1x160xi32, #tpu.memory_space<hbm>>
      %dma_start3A_150 = arith.constant 0 : i32
      %dma_start3A_151 = tpu.memref_slice %arg2[%add3A, %add3A_146, %dma_start3A_150] : memref<32x128x160xi32, #tpu.memory_space<hbm>> -> memref<1x1x160xi32, #tpu.memory_space<hbm>>
      %dma_start3A_152 = tpu.memref_squeeze %dma_start3A_151 : memref<1x1x160xi32, #tpu.memory_space<hbm>> -> memref<1x160xi32, #tpu.memory_space<hbm>>
      tpu.enqueue_dma source(%dma_start3A_152 : memref<1x160xi32, #tpu.memory_space<hbm>>) target(%arg6 : memref<1x160xi32, #tpu.memory_space<vmem>>) target_semaphore(%arg13 : memref<!tpu.dma_semaphore, #tpu.memory_space<semaphore_mem>>)
      %dma_start3A_153 = arith.constant 0 : i32
      %dma_start3A_154 = tpu.memref_slice %arg3[%add3A, %add3A_146, %dma_start3A_153] : memref<32x128x160xi32, #tpu.memory_space<hbm>> -> memref<1x1x160xi32, #tpu.memory_space<hbm>>
      %dma_start3A_155 = tpu.memref_squeeze %dma_start3A_154 : memref<1x1x160xi32, #tpu.memory_space<hbm>> -> memref<1x160xi32, #tpu.memory_space<hbm>>
      %dma_start3A_156 = arith.constant 0 : i32
      %dma_start3A_157 = tpu.memref_slice %arg3[%add3A, %add3A_146, %dma_start3A_156] : memref<32x128x160xi32, #tpu.memory_space<hbm>> -> memref<1x1x160xi32, #tpu.memory_space<hbm>>
      %dma_start3A_158 = tpu.memref_squeeze %dma_start3A_157 : memref<1x1x160xi32, #tpu.memory_space<hbm>> -> memref<1x160xi32, #tpu.memory_space<hbm>>
      tpu.enqueue_dma source(%dma_start3A_158 : memref<1x160xi32, #tpu.memory_space<hbm>>) target(%arg7 : memref<1x160xi32, #tpu.memory_space<vmem>>) target_semaphore(%arg13 : memref<!tpu.dma_semaphore, #tpu.memory_space<semaphore_mem>>)
      %dma_wait3A_159 = arith.constant 0 : i32
      %dma_wait3A_160 = arith.constant 0 : i32
      %dma_wait3A_161 = tpu.memref_slice %arg4[%dma_wait3A_159, %dma_wait3A_160] : memref<20480x128xf32, #tpu.memory_space<hbm>> -> memref<160x128xf32, #tpu.memory_space<hbm>>
      %dma_wait3A_162 = arith.constant 0 : i32
      %dma_wait3A_163 = arith.constant 0 : i32
      %dma_wait3A_164 = tpu.memref_slice %arg4[%dma_wait3A_162, %dma_wait3A_163] : memref<20480x128xf32, #tpu.memory_space<hbm>> -> memref<160x128xf32, #tpu.memory_space<hbm>>
      tpu.wait_dma2 semaphore(%arg16 : memref<!tpu.dma_semaphore, #tpu.memory_space<semaphore_mem>>) src(%dma_wait3A_164 : memref<160x128xf32, #tpu.memory_space<hbm>>) dst(%arg11 : memref<160x128xf32, #tpu.memory_space<vmem>>)
      %run_scoped3A_165 = arith.constant 0 : i32
      "tpu.region"() ({
        %run_scoped3A_202 = tpu.sem_alloc : memref<!tpu.dma_semaphore, #tpu.memory_space<semaphore_mem>>
        %dma_start3A_203 = arith.constant 0 : i32
        %dma_start3A_204 = tpu.memref_slice %arg9[%run_scoped3A_165, %dma_start3A_203] : memref<1x160xi32, #tpu.memory_space<vmem>> -> memref<1x160xi32, #tpu.memory_space<vmem>>
        %dma_start3A_205 = tpu.memref_squeeze %dma_start3A_204 : memref<1x160xi32, #tpu.memory_space<vmem>> -> memref<160xi32, #tpu.memory_space<vmem>>
        %dma_start3A_206 = arith.constant 0 : i32
        %dma_start3A_207 = arith.constant 0 : i32
        %dma_start3A_208 = tpu.memref_slice %arg12[%dma_start3A_206, %dma_start3A_207] : memref<10240x128xf32, #tpu.memory_space<vmem_shared>> -> memref<10240x128xf32, #tpu.memory_space<vmem_shared>>
        tpu.enqueue_indirect_dma source(%arg11 : memref<160x128xf32, #tpu.memory_space<vmem>>) target(%dma_start3A_208 : memref<10240x128xf32, #tpu.memory_space<vmem_shared>>) offsets(%dma_start3A_205 : memref<160xi32, #tpu.memory_space<vmem>>) semaphore(%run_scoped3A_202 : memref<!tpu.dma_semaphore, #tpu.memory_space<semaphore_mem>>) {add = true}
        %dma_wait3A_209 = arith.constant 0 : i32
        %dma_wait3A_210 = tpu.memref_slice %arg9[%run_scoped3A_165, %dma_wait3A_209] : memref<1x160xi32, #tpu.memory_space<vmem>> -> memref<1x160xi32, #tpu.memory_space<vmem>>
        %dma_wait3A_211 = tpu.memref_squeeze %dma_wait3A_210 : memref<1x160xi32, #tpu.memory_space<vmem>> -> memref<160xi32, #tpu.memory_space<vmem>>
        %dma_wait3A_212 = arith.constant 0 : i32
        %dma_wait3A_213 = arith.constant 0 : i32
        %dma_wait3A_214 = tpu.memref_slice %arg12[%dma_wait3A_212, %dma_wait3A_213] : memref<10240x128xf32, #tpu.memory_space<vmem_shared>> -> memref<10240x128xf32, #tpu.memory_space<vmem_shared>>
        tpu.wait_indirect_dma semaphore(%run_scoped3A_202 : memref<!tpu.dma_semaphore, #tpu.memory_space<semaphore_mem>>) src(%arg11 : memref<160x128xf32, #tpu.memory_space<vmem>>) dst(%dma_wait3A_214 : memref<10240x128xf32, #tpu.memory_space<vmem_shared>>)
        tpu.yield
      }) : () -> ()
      %add3A_166 = arith.constant 3 : i32
      %add3A_167 = arith.addi %mul3A_117, %add3A_166 : i32
      %dma_start3A_168 = arith.constant 0 : i32
      %dma_start3A_169 = tpu.memref_slice %arg2[%add3A, %add3A_167, %dma_start3A_168] : memref<32x128x160xi32, #tpu.memory_space<hbm>> -> memref<1x1x160xi32, #tpu.memory_space<hbm>>
      %dma_start3A_170 = tpu.memref_squeeze %dma_start3A_169 : memref<1x1x160xi32, #tpu.memory_space<hbm>> -> memref<1x160xi32, #tpu.memory_space<hbm>>
      %dma_start3A_171 = arith.constant 0 : i32
      %dma_start3A_172 = tpu.memref_slice %arg2[%add3A, %add3A_167, %dma_start3A_171] : memref<32x128x160xi32, #tpu.memory_space<hbm>> -> memref<1x1x160xi32, #tpu.memory_space<hbm>>
      %dma_start3A_173 = tpu.memref_squeeze %dma_start3A_172 : memref<1x1x160xi32, #tpu.memory_space<hbm>> -> memref<1x160xi32, #tpu.memory_space<hbm>>
      tpu.enqueue_dma source(%dma_start3A_173 : memref<1x160xi32, #tpu.memory_space<hbm>>) target(%arg8 : memref<1x160xi32, #tpu.memory_space<vmem>>) target_semaphore(%arg14 : memref<!tpu.dma_semaphore, #tpu.memory_space<semaphore_mem>>)
      %dma_start3A_174 = arith.constant 0 : i32
      %dma_start3A_175 = tpu.memref_slice %arg3[%add3A, %add3A_167, %dma_start3A_174] : memref<32x128x160xi32, #tpu.memory_space<hbm>> -> memref<1x1x160xi32, #tpu.memory_space<hbm>>
      %dma_start3A_176 = tpu.memref_squeeze %dma_start3A_175 : memref<1x1x160xi32, #tpu.memory_space<hbm>> -> memref<1x160xi32, #tpu.memory_space<hbm>>
      %dma_start3A_177 = arith.constant 0 : i32
      %dma_start3A_178 = tpu.memref_slice %arg3[%add3A, %add3A_167, %dma_start3A_177] : memref<32x128x160xi32, #tpu.memory_space<hbm>> -> memref<1x1x160xi32, #tpu.memory_space<hbm>>
      %dma_start3A_179 = tpu.memref_squeeze %dma_start3A_178 : memref<1x1x160xi32, #tpu.memory_space<hbm>> -> memref<1x160xi32, #tpu.memory_space<hbm>>
      tpu.enqueue_dma source(%dma_start3A_179 : memref<1x160xi32, #tpu.memory_space<hbm>>) target(%arg9 : memref<1x160xi32, #tpu.memory_space<vmem>>) target_semaphore(%arg14 : memref<!tpu.dma_semaphore, #tpu.memory_space<semaphore_mem>>)
      %add3A_180 = arith.constant 2 : i32
      %add3A_181 = arith.addi %mul3A_117, %add3A_180 : i32
      %dma_wait3A_182 = arith.constant 0 : i32
      %dma_wait3A_183 = tpu.memref_slice %arg2[%add3A, %add3A_181, %dma_wait3A_182] : memref<32x128x160xi32, #tpu.memory_space<hbm>> -> memref<1x1x160xi32, #tpu.memory_space<hbm>>
      %dma_wait3A_184 = tpu.memref_squeeze %dma_wait3A_183 : memref<1x1x160xi32, #tpu.memory_space<hbm>> -> memref<1x160xi32, #tpu.memory_space<hbm>>
      %dma_wait3A_185 = arith.constant 0 : i32
      %dma_wait3A_186 = tpu.memref_slice %arg2[%add3A, %add3A_181, %dma_wait3A_185] : memref<32x128x160xi32, #tpu.memory_space<hbm>> -> memref<1x1x160xi32, #tpu.memory_space<hbm>>
      %dma_wait3A_187 = tpu.memref_squeeze %dma_wait3A_186 : memref<1x1x160xi32, #tpu.memory_space<hbm>> -> memref<1x160xi32, #tpu.memory_space<hbm>>
      tpu.wait_dma2 semaphore(%arg13 : memref<!tpu.dma_semaphore, #tpu.memory_space<semaphore_mem>>) src(%dma_wait3A_187 : memref<1x160xi32, #tpu.memory_space<hbm>>) dst(%arg6 : memref<1x160xi32, #tpu.memory_space<vmem>>)
      %dma_wait3A_188 = arith.constant 0 : i32
      %dma_wait3A_189 = tpu.memref_slice %arg3[%add3A, %add3A_181, %dma_wait3A_188] : memref<32x128x160xi32, #tpu.memory_space<hbm>> -> memref<1x1x160xi32, #tpu.memory_space<hbm>>
      %dma_wait3A_190 = tpu.memref_squeeze %dma_wait3A_189 : memref<1x1x160xi32, #tpu.memory_space<hbm>> -> memref<1x160xi32, #tpu.memory_space<hbm>>
      %dma_wait3A_191 = arith.constant 0 : i32
      %dma_wait3A_192 = tpu.memref_slice %arg3[%add3A, %add3A_181, %dma_wait3A_191] : memref<32x128x160xi32, #tpu.memory_space<hbm>> -> memref<1x1x160xi32, #tpu.memory_space<hbm>>
      %dma_wait3A_193 = tpu.memref_squeeze %dma_wait3A_192 : memref<1x1x160xi32, #tpu.memory_space<hbm>> -> memref<1x160xi32, #tpu.memory_space<hbm>>
      tpu.wait_dma2 semaphore(%arg13 : memref<!tpu.dma_semaphore, #tpu.memory_space<semaphore_mem>>) src(%dma_wait3A_193 : memref<1x160xi32, #tpu.memory_space<hbm>>) dst(%arg7 : memref<1x160xi32, #tpu.memory_space<vmem>>)
      %dma_start3A_194 = arith.constant 0 : i32
      %dma_start3A_195 = arith.constant 0 : i32
      %dma_start3A_196 = tpu.memref_slice %arg6[%dma_start3A_194, %dma_start3A_195] : memref<1x160xi32, #tpu.memory_space<vmem>> -> memref<1x160xi32, #tpu.memory_space<vmem>>
      %dma_start3A_197 = tpu.memref_squeeze %dma_start3A_196 : memref<1x160xi32, #tpu.memory_space<vmem>> -> memref<160xi32, #tpu.memory_space<vmem>>
      %dma_start3A_198 = arith.constant 0 : i32
      %dma_start3A_199 = arith.constant 0 : i32
      %dma_start3A_200 = tpu.memref_slice %arg4[%dma_start3A_198, %dma_start3A_199] : memref<20480x128xf32, #tpu.memory_space<hbm>> -> memref<20480x128xf32, #tpu.memory_space<hbm>>
      tpu.enqueue_indirect_dma source(%dma_start3A_200 : memref<20480x128xf32, #tpu.memory_space<hbm>>) target(%arg10 : memref<160x128xf32, #tpu.memory_space<vmem>>) offsets(%dma_start3A_197 : memref<160xi32, #tpu.memory_space<vmem>>) semaphore(%arg15 : memref<!tpu.dma_semaphore, #tpu.memory_space<semaphore_mem>>)
      %scan3A_201 = arith.constant 0 : i32
      scf.yield %scan3A_201 : i32
    }
    %scan3A_83 = arith.constant 63 : i32
    %dma_wait3A_84 = arith.constant 0 : i32
    %dma_wait3A_85 = arith.constant 0 : i32
    %dma_wait3A_86 = tpu.memref_slice %arg4[%dma_wait3A_84, %dma_wait3A_85] : memref<20480x128xf32, #tpu.memory_space<hbm>> -> memref<160x128xf32, #tpu.memory_space<hbm>>
    %dma_wait3A_87 = arith.constant 0 : i32
    %dma_wait3A_88 = arith.constant 0 : i32
    %dma_wait3A_89 = tpu.memref_slice %arg4[%dma_wait3A_87, %dma_wait3A_88] : memref<20480x128xf32, #tpu.memory_space<hbm>> -> memref<160x128xf32, #tpu.memory_space<hbm>>
    tpu.wait_dma2 semaphore(%arg15 : memref<!tpu.dma_semaphore, #tpu.memory_space<semaphore_mem>>) src(%dma_wait3A_89 : memref<160x128xf32, #tpu.memory_space<hbm>>) dst(%arg10 : memref<160x128xf32, #tpu.memory_space<vmem>>)
    %dma_wait3A_90 = arith.constant 127 : i32
    %dma_wait3A_91 = arith.constant 0 : i32
    %dma_wait3A_92 = tpu.memref_slice %arg2[%add3A, %dma_wait3A_90, %dma_wait3A_91] : memref<32x128x160xi32, #tpu.memory_space<hbm>> -> memref<1x1x160xi32, #tpu.memory_space<hbm>>
    %dma_wait3A_93 = tpu.memref_squeeze %dma_wait3A_92 : memref<1x1x160xi32, #tpu.memory_space<hbm>> -> memref<1x160xi32, #tpu.memory_space<hbm>>
    %dma_wait3A_94 = arith.constant 127 : i32
    %dma_wait3A_95 = arith.constant 0 : i32
    %dma_wait3A_96 = tpu.memref_slice %arg2[%add3A, %dma_wait3A_94, %dma_wait3A_95] : memref<32x128x160xi32, #tpu.memory_space<hbm>> -> memref<1x1x160xi32, #tpu.memory_space<hbm>>
    %dma_wait3A_97 = tpu.memref_squeeze %dma_wait3A_96 : memref<1x1x160xi32, #tpu.memory_space<hbm>> -> memref<1x160xi32, #tpu.memory_space<hbm>>
    tpu.wait_dma2 semaphore(%arg14 : memref<!tpu.dma_semaphore, #tpu.memory_space<semaphore_mem>>) src(%dma_wait3A_97 : memref<1x160xi32, #tpu.memory_space<hbm>>) dst(%arg8 : memref<1x160xi32, #tpu.memory_space<vmem>>)
    %dma_wait3A_98 = arith.constant 127 : i32
    %dma_wait3A_99 = arith.constant 0 : i32
    %dma_wait3A_100 = tpu.memref_slice %arg3[%add3A, %dma_wait3A_98, %dma_wait3A_99] : memref<32x128x160xi32, #tpu.memory_space<hbm>> -> memref<1x1x160xi32, #tpu.memory_space<hbm>>
    %dma_wait3A_101 = tpu.memref_squeeze %dma_wait3A_100 : memref<1x1x160xi32, #tpu.memory_space<hbm>> -> memref<1x160xi32, #tpu.memory_space<hbm>>
    %dma_wait3A_102 = arith.constant 127 : i32
    %dma_wait3A_103 = arith.constant 0 : i32
    %dma_wait3A_104 = tpu.memref_slice %arg3[%add3A, %dma_wait3A_102, %dma_wait3A_103] : memref<32x128x160xi32, #tpu.memory_space<hbm>> -> memref<1x1x160xi32, #tpu.memory_space<hbm>>
    %dma_wait3A_105 = tpu.memref_squeeze %dma_wait3A_104 : memref<1x1x160xi32, #tpu.memory_space<hbm>> -> memref<1x160xi32, #tpu.memory_space<hbm>>
    tpu.wait_dma2 semaphore(%arg14 : memref<!tpu.dma_semaphore, #tpu.memory_space<semaphore_mem>>) src(%dma_wait3A_105 : memref<1x160xi32, #tpu.memory_space<hbm>>) dst(%arg9 : memref<1x160xi32, #tpu.memory_space<vmem>>)
    %barrier3A_106 = arith.constant 0 : index
    tpu.barrier barrier_id(%barrier3A_106)
    %mul3A_107 = arith.constant 640 : i32
    %mul3A_108 = arith.muli %arg1, %mul3A_107 : i32
    %mul3A_109 = arith.constant 10240 : i32
    %mul3A_110 = arith.muli %arg0, %mul3A_109 : i32
    %mul3A_111 = arith.constant 640 : i32
    %mul3A_112 = arith.muli %arg1, %mul3A_111 : i32
    %add3A_113 = arith.addi %mul3A_110, %mul3A_112 : i32
    "tpu.region"() ({
      %run_scoped3A = tpu.sem_alloc : memref<!tpu.dma_semaphore, #tpu.memory_space<semaphore_mem>>
      %dma_start3A_114 = arith.constant 0 : i32
      %dma_start3A_115 = tpu.memref_slice %arg5[%add3A_113, %dma_start3A_114] : memref<20480x128xf32, #tpu.memory_space<hbm>> -> memref<640x128xf32, #tpu.memory_space<hbm>>
      %dma_start3A_116 = arith.constant 0 : i32
      %dma_start3A_117 = tpu.memref_slice %arg12[%mul3A_108, %dma_start3A_116] : memref<10240x128xf32, #tpu.memory_space<vmem_shared>> -> memref<640x128xf32, #tpu.memory_space<vmem_shared>>
      tpu.enqueue_dma source(%dma_start3A_117 : memref<640x128xf32, #tpu.memory_space<vmem_shared>>) target(%dma_start3A_115 : memref<640x128xf32, #tpu.memory_space<hbm>>) target_semaphore(%run_scoped3A : memref<!tpu.dma_semaphore, #tpu.memory_space<semaphore_mem>>)
      %dma_wait3A_118 = arith.constant 0 : i32
      %dma_wait3A_119 = tpu.memref_slice %arg5[%add3A_113, %dma_wait3A_118] : memref<20480x128xf32, #tpu.memory_space<hbm>> -> memref<640x128xf32, #tpu.memory_space<hbm>>
      %dma_wait3A_120 = arith.constant 0 : i32
      %dma_wait3A_121 = tpu.memref_slice %arg12[%mul3A_108, %dma_wait3A_120] : memref<10240x128xf32, #tpu.memory_space<vmem_shared>> -> memref<640x128xf32, #tpu.memory_space<vmem_shared>>
      tpu.wait_dma2 semaphore(%run_scoped3A : memref<!tpu.dma_semaphore, #tpu.memory_space<semaphore_mem>>) src(%dma_wait3A_121 : memref<640x128xf32, #tpu.memory_space<vmem_shared>>) dst(%dma_wait3A_119 : memref<640x128xf32, #tpu.memory_space<hbm>>)
      tpu.yield
    }) : () -> ()
    return
  }
}

#map = affine_map<(d0, d1) -> (0, 0, 0)>
#map1 = affine_map<(d0, d1) -> (0, 0)>
module attributes {stable_mosaic.version = 14 : i64} {
  func.func @_sc_agg(%arg0: i32, %arg1: i32, %arg2: memref<32x128x160xi32, #tpu.memory_space<hbm>>, %arg3: memref<32x128x160xi32, #tpu.memory_space<hbm>>, %arg4: memref<20480x128xf32, #tpu.memory_space<hbm>>, %arg5: memref<20480x128xf32, #tpu.memory_space<hbm>>, %arg6: memref<1x160xi32, #tpu.memory_space<vmem>>, %arg7: memref<1x160xi32, #tpu.memory_space<vmem>>, %arg8: memref<1x160xi32, #tpu.memory_space<vmem>>, %arg9: memref<1x160xi32, #tpu.memory_space<vmem>>, %arg10: memref<160x128xf32, #tpu.memory_space<vmem>>, %arg11: memref<160x128xf32, #tpu.memory_space<vmem>>, %arg12: memref<10240x128xf32, #tpu.memory_space<vmem_shared>>, %arg13: memref<!tpu.dma_semaphore, #tpu.memory_space<semaphore_mem>>, %arg14: memref<!tpu.dma_semaphore, #tpu.memory_space<semaphore_mem>>, %arg15: memref<!tpu.dma_semaphore, #tpu.memory_space<semaphore_mem>>, %arg16: memref<!tpu.dma_semaphore, #tpu.memory_space<semaphore_mem>>) attributes {dimension_semantics = [#tpu.dimension_semantics<core_parallel>, #tpu.dimension_semantics<subcore_parallel>], iteration_bounds = array<i64: 2, 16>, scalar_prefetch = 0 : i64, scratch_operands = 11 : i64, tpu.core_type = #tpu.core_type<sc_vector_subcore>, window_params = [{transform_indices = #map}, {transform_indices = #map}, {transform_indices = #map1}, {transform_indices = #map1}]} {
    %mul3A = arith.constant 16 : i32
    %mul3A_0 = arith.muli %arg0, %mul3A : i32
    %add3A = arith.addi %mul3A_0, %arg1 : i32
    %broadcast_in_dim3A = arith.constant 0.000000e+00 : f32
    %broadcast_in_dim3A_1 = vector.broadcast %broadcast_in_dim3A : f32 to vector<16xf32>
    %scan3A = arith.constant 0 : i32
    %scan3A_2 = arith.constant 0 : i32
    %scan3A_3 = arith.constant 160 : i32
    %scan3A_4 = arith.addi %scan3A_2, %scan3A_3 : i32
    %scan3A_5 = arith.constant 1 : i32
    %scan3A_6 = scf.for %scan3A_114 = %scan3A_2 to %scan3A_4 step %scan3A_5 iter_args(%scan3A_115 = %scan3A) -> (i32)  : i32 {
      %swap3A = arith.index_cast %scan3A_114 : i32 to index
      %swap3A_116 = arith.constant 0 : index
      %swap3A_117 = tpu.vector_load %arg10[%swap3A, %swap3A_116] {strides = array<i32>} : memref<160x128xf32, #tpu.memory_space<vmem>>, vector<16xf32>,
      tpu.vector_store %arg10[%swap3A, %swap3A_116], %broadcast_in_dim3A_1 {strides = array<i32>} : memref<160x128xf32, #tpu.memory_space<vmem>>, vector<16xf32>,
      %swap3A_118 = arith.index_cast %scan3A_114 : i32 to index
      %swap3A_119 = arith.constant 16 : index
      %swap3A_120 = tpu.vector_load %arg10[%swap3A_118, %swap3A_119] {strides = array<i32>} : memref<160x128xf32, #tpu.memory_space<vmem>>, vector<16xf32>,
      tpu.vector_store %arg10[%swap3A_118, %swap3A_119], %broadcast_in_dim3A_1 {strides = array<i32>} : memref<160x128xf32, #tpu.memory_space<vmem>>, vector<16xf32>,
      %swap3A_121 = arith.index_cast %scan3A_114 : i32 to index
      %swap3A_122 = arith.constant 32 : index
      %swap3A_123 = tpu.vector_load %arg10[%swap3A_121, %swap3A_122] {strides = array<i32>} : memref<160x128xf32, #tpu.memory_space<vmem>>, vector<16xf32>,
      tpu.vector_store %arg10[%swap3A_121, %swap3A_122], %broadcast_in_dim3A_1 {strides = array<i32>} : memref<160x128xf32, #tpu.memory_space<vmem>>, vector<16xf32>,
      %swap3A_124 = arith.index_cast %scan3A_114 : i32 to index
      %swap3A_125 = arith.constant 48 : index
      %swap3A_126 = tpu.vector_load %arg10[%swap3A_124, %swap3A_125] {strides = array<i32>} : memref<160x128xf32, #tpu.memory_space<vmem>>, vector<16xf32>,
      tpu.vector_store %arg10[%swap3A_124, %swap3A_125], %broadcast_in_dim3A_1 {strides = array<i32>} : memref<160x128xf32, #tpu.memory_space<vmem>>, vector<16xf32>,
      %swap3A_127 = arith.index_cast %scan3A_114 : i32 to index
      %swap3A_128 = arith.constant 64 : index
      %swap3A_129 = tpu.vector_load %arg10[%swap3A_127, %swap3A_128] {strides = array<i32>} : memref<160x128xf32, #tpu.memory_space<vmem>>, vector<16xf32>,
      tpu.vector_store %arg10[%swap3A_127, %swap3A_128], %broadcast_in_dim3A_1 {strides = array<i32>} : memref<160x128xf32, #tpu.memory_space<vmem>>, vector<16xf32>,
      %swap3A_130 = arith.index_cast %scan3A_114 : i32 to index
      %swap3A_131 = arith.constant 80 : index
      %swap3A_132 = tpu.vector_load %arg10[%swap3A_130, %swap3A_131] {strides = array<i32>} : memref<160x128xf32, #tpu.memory_space<vmem>>, vector<16xf32>,
      tpu.vector_store %arg10[%swap3A_130, %swap3A_131], %broadcast_in_dim3A_1 {strides = array<i32>} : memref<160x128xf32, #tpu.memory_space<vmem>>, vector<16xf32>,
      %swap3A_133 = arith.index_cast %scan3A_114 : i32 to index
      %swap3A_134 = arith.constant 96 : index
      %swap3A_135 = tpu.vector_load %arg10[%swap3A_133, %swap3A_134] {strides = array<i32>} : memref<160x128xf32, #tpu.memory_space<vmem>>, vector<16xf32>,
      tpu.vector_store %arg10[%swap3A_133, %swap3A_134], %broadcast_in_dim3A_1 {strides = array<i32>} : memref<160x128xf32, #tpu.memory_space<vmem>>, vector<16xf32>,
      %swap3A_136 = arith.index_cast %scan3A_114 : i32 to index
      %swap3A_137 = arith.constant 112 : index
      %swap3A_138 = tpu.vector_load %arg10[%swap3A_136, %swap3A_137] {strides = array<i32>} : memref<160x128xf32, #tpu.memory_space<vmem>>, vector<16xf32>,
      tpu.vector_store %arg10[%swap3A_136, %swap3A_137], %broadcast_in_dim3A_1 {strides = array<i32>} : memref<160x128xf32, #tpu.memory_space<vmem>>, vector<16xf32>,
      %scan3A_139 = arith.constant 0 : i32
      scf.yield %scan3A_139 : i32
    }
    %scan3A_7 = arith.constant 160 : i32
    %mul3A_8 = arith.constant 640 : i32
    %mul3A_9 = arith.muli %arg1, %mul3A_8 : i32
    %add3A_10 = arith.constant 0 : i32
    %add3A_11 = arith.addi %mul3A_9, %add3A_10 : i32
    "tpu.region"() ({
      %run_scoped3A = tpu.sem_alloc : memref<!tpu.dma_semaphore, #tpu.memory_space<semaphore_mem>>
      %dma_start3A_114 = arith.constant 0 : i32
      %dma_start3A_115 = tpu.memref_slice %arg12[%add3A_11, %dma_start3A_114] : memref<10240x128xf32, #tpu.memory_space<vmem_shared>> -> memref<160x128xf32, #tpu.memory_space<vmem_shared>>
      %dma_start3A_116 = arith.constant 0 : i32
      %dma_start3A_117 = tpu.memref_slice %arg12[%add3A_11, %dma_start3A_116] : memref<10240x128xf32, #tpu.memory_space<vmem_shared>> -> memref<160x128xf32, #tpu.memory_space<vmem_shared>>
      tpu.enqueue_dma source(%arg10 : memref<160x128xf32, #tpu.memory_space<vmem>>) target(%dma_start3A_117 : memref<160x128xf32, #tpu.memory_space<vmem_shared>>) target_semaphore(%run_scoped3A : memref<!tpu.dma_semaphore, #tpu.memory_space<semaphore_mem>>)
      %dma_wait3A_118 = arith.constant 0 : i32
      %dma_wait3A_119 = tpu.memref_slice %arg12[%add3A_11, %dma_wait3A_118] : memref<10240x128xf32, #tpu.memory_space<vmem_shared>> -> memref<160x128xf32, #tpu.memory_space<vmem_shared>>
      %dma_wait3A_120 = arith.constant 0 : i32
      %dma_wait3A_121 = tpu.memref_slice %arg12[%add3A_11, %dma_wait3A_120] : memref<10240x128xf32, #tpu.memory_space<vmem_shared>> -> memref<160x128xf32, #tpu.memory_space<vmem_shared>>
      tpu.wait_dma2 semaphore(%run_scoped3A : memref<!tpu.dma_semaphore, #tpu.memory_space<semaphore_mem>>) src(%arg10 : memref<160x128xf32, #tpu.memory_space<vmem>>) dst(%dma_wait3A_121 : memref<160x128xf32, #tpu.memory_space<vmem_shared>>)
      tpu.yield
    }) : () -> ()
    %mul3A_12 = arith.constant 640 : i32
    %mul3A_13 = arith.muli %arg1, %mul3A_12 : i32
    %add3A_14 = arith.constant 160 : i32
    %add3A_15 = arith.addi %mul3A_13, %add3A_14 : i32
    "tpu.region"() ({
      %run_scoped3A = tpu.sem_alloc : memref<!tpu.dma_semaphore, #tpu.memory_space<semaphore_mem>>
      %dma_start3A_114 = arith.constant 0 : i32
      %dma_start3A_115 = tpu.memref_slice %arg12[%add3A_15, %dma_start3A_114] : memref<10240x128xf32, #tpu.memory_space<vmem_shared>> -> memref<160x128xf32, #tpu.memory_space<vmem_shared>>
      %dma_start3A_116 = arith.constant 0 : i32
      %dma_start3A_117 = tpu.memref_slice %arg12[%add3A_15, %dma_start3A_116] : memref<10240x128xf32, #tpu.memory_space<vmem_shared>> -> memref<160x128xf32, #tpu.memory_space<vmem_shared>>
      tpu.enqueue_dma source(%arg10 : memref<160x128xf32, #tpu.memory_space<vmem>>) target(%dma_start3A_117 : memref<160x128xf32, #tpu.memory_space<vmem_shared>>) target_semaphore(%run_scoped3A : memref<!tpu.dma_semaphore, #tpu.memory_space<semaphore_mem>>)
      %dma_wait3A_118 = arith.constant 0 : i32
      %dma_wait3A_119 = tpu.memref_slice %arg12[%add3A_15, %dma_wait3A_118] : memref<10240x128xf32, #tpu.memory_space<vmem_shared>> -> memref<160x128xf32, #tpu.memory_space<vmem_shared>>
      %dma_wait3A_120 = arith.constant 0 : i32
      %dma_wait3A_121 = tpu.memref_slice %arg12[%add3A_15, %dma_wait3A_120] : memref<10240x128xf32, #tpu.memory_space<vmem_shared>> -> memref<160x128xf32, #tpu.memory_space<vmem_shared>>
      tpu.wait_dma2 semaphore(%run_scoped3A : memref<!tpu.dma_semaphore, #tpu.memory_space<semaphore_mem>>) src(%arg10 : memref<160x128xf32, #tpu.memory_space<vmem>>) dst(%dma_wait3A_121 : memref<160x128xf32, #tpu.memory_space<vmem_shared>>)
      tpu.yield
    }) : () -> ()
    %mul3A_16 = arith.constant 640 : i32
    %mul3A_17 = arith.muli %arg1, %mul3A_16 : i32
    %add3A_18 = arith.constant 320 : i32
    %add3A_19 = arith.addi %mul3A_17, %add3A_18 : i32
    "tpu.region"() ({
      %run_scoped3A = tpu.sem_alloc : memref<!tpu.dma_semaphore, #tpu.memory_space<semaphore_mem>>
      %dma_start3A_114 = arith.constant 0 : i32
      %dma_start3A_115 = tpu.memref_slice %arg12[%add3A_19, %dma_start3A_114] : memref<10240x128xf32, #tpu.memory_space<vmem_shared>> -> memref<160x128xf32, #tpu.memory_space<vmem_shared>>
      %dma_start3A_116 = arith.constant 0 : i32
      %dma_start3A_117 = tpu.memref_slice %arg12[%add3A_19, %dma_start3A_116] : memref<10240x128xf32, #tpu.memory_space<vmem_shared>> -> memref<160x128xf32, #tpu.memory_space<vmem_shared>>
      tpu.enqueue_dma source(%arg10 : memref<160x128xf32, #tpu.memory_space<vmem>>) target(%dma_start3A_117 : memref<160x128xf32, #tpu.memory_space<vmem_shared>>) target_semaphore(%run_scoped3A : memref<!tpu.dma_semaphore, #tpu.memory_space<semaphore_mem>>)
      %dma_wait3A_118 = arith.constant 0 : i32
      %dma_wait3A_119 = tpu.memref_slice %arg12[%add3A_19, %dma_wait3A_118] : memref<10240x128xf32, #tpu.memory_space<vmem_shared>> -> memref<160x128xf32, #tpu.memory_space<vmem_shared>>
      %dma_wait3A_120 = arith.constant 0 : i32
      %dma_wait3A_121 = tpu.memref_slice %arg12[%add3A_19, %dma_wait3A_120] : memref<10240x128xf32, #tpu.memory_space<vmem_shared>> -> memref<160x128xf32, #tpu.memory_space<vmem_shared>>
      tpu.wait_dma2 semaphore(%run_scoped3A : memref<!tpu.dma_semaphore, #tpu.memory_space<semaphore_mem>>) src(%arg10 : memref<160x128xf32, #tpu.memory_space<vmem>>) dst(%dma_wait3A_121 : memref<160x128xf32, #tpu.memory_space<vmem_shared>>)
      tpu.yield
    }) : () -> ()
    %mul3A_20 = arith.constant 640 : i32
    %mul3A_21 = arith.muli %arg1, %mul3A_20 : i32
    %add3A_22 = arith.constant 480 : i32
    %add3A_23 = arith.addi %mul3A_21, %add3A_22 : i32
    "tpu.region"() ({
      %run_scoped3A = tpu.sem_alloc : memref<!tpu.dma_semaphore, #tpu.memory_space<semaphore_mem>>
      %dma_start3A_114 = arith.constant 0 : i32
      %dma_start3A_115 = tpu.memref_slice %arg12[%add3A_23, %dma_start3A_114] : memref<10240x128xf32, #tpu.memory_space<vmem_shared>> -> memref<160x128xf32, #tpu.memory_space<vmem_shared>>
      %dma_start3A_116 = arith.constant 0 : i32
      %dma_start3A_117 = tpu.memref_slice %arg12[%add3A_23, %dma_start3A_116] : memref<10240x128xf32, #tpu.memory_space<vmem_shared>> -> memref<160x128xf32, #tpu.memory_space<vmem_shared>>
      tpu.enqueue_dma source(%arg10 : memref<160x128xf32, #tpu.memory_space<vmem>>) target(%dma_start3A_117 : memref<160x128xf32, #tpu.memory_space<vmem_shared>>) target_semaphore(%run_scoped3A : memref<!tpu.dma_semaphore, #tpu.memory_space<semaphore_mem>>)
      %dma_wait3A_118 = arith.constant 0 : i32
      %dma_wait3A_119 = tpu.memref_slice %arg12[%add3A_23, %dma_wait3A_118] : memref<10240x128xf32, #tpu.memory_space<vmem_shared>> -> memref<160x128xf32, #tpu.memory_space<vmem_shared>>
      %dma_wait3A_120 = arith.constant 0 : i32
      %dma_wait3A_121 = tpu.memref_slice %arg12[%add3A_23, %dma_wait3A_120] : memref<10240x128xf32, #tpu.memory_space<vmem_shared>> -> memref<160x128xf32, #tpu.memory_space<vmem_shared>>
      tpu.wait_dma2 semaphore(%run_scoped3A : memref<!tpu.dma_semaphore, #tpu.memory_space<semaphore_mem>>) src(%arg10 : memref<160x128xf32, #tpu.memory_space<vmem>>) dst(%dma_wait3A_121 : memref<160x128xf32, #tpu.memory_space<vmem_shared>>)
      tpu.yield
    }) : () -> ()
    %barrier3A = arith.constant 0 : index
    tpu.barrier barrier_id(%barrier3A)
    %dma_start3A = arith.constant 0 : i32
    %dma_start3A_24 = arith.constant 0 : i32
    %dma_start3A_25 = tpu.memref_slice %arg2[%add3A, %dma_start3A, %dma_start3A_24] : memref<32x128x160xi32, #tpu.memory_space<hbm>> -> memref<1x1x160xi32, #tpu.memory_space<hbm>>
    %dma_start3A_26 = tpu.memref_squeeze %dma_start3A_25 : memref<1x1x160xi32, #tpu.memory_space<hbm>> -> memref<1x160xi32, #tpu.memory_space<hbm>>
    %dma_start3A_27 = arith.constant 0 : i32
    %dma_start3A_28 = arith.constant 0 : i32
    %dma_start3A_29 = tpu.memref_slice %arg2[%add3A, %dma_start3A_27, %dma_start3A_28] : memref<32x128x160xi32, #tpu.memory_space<hbm>> -> memref<1x1x160xi32, #tpu.memory_space<hbm>>
    %dma_start3A_30 = tpu.memref_squeeze %dma_start3A_29 : memref<1x1x160xi32, #tpu.memory_space<hbm>> -> memref<1x160xi32, #tpu.memory_space<hbm>>
    tpu.enqueue_dma source(%dma_start3A_30 : memref<1x160xi32, #tpu.memory_space<hbm>>) target(%arg6 : memref<1x160xi32, #tpu.memory_space<vmem>>) target_semaphore(%arg13 : memref<!tpu.dma_semaphore, #tpu.memory_space<semaphore_mem>>)
    %dma_start3A_31 = arith.constant 0 : i32
    %dma_start3A_32 = arith.constant 0 : i32
    %dma_start3A_33 = tpu.memref_slice %arg3[%add3A, %dma_start3A_31, %dma_start3A_32] : memref<32x128x160xi32, #tpu.memory_space<hbm>> -> memref<1x1x160xi32, #tpu.memory_space<hbm>>
    %dma_start3A_34 = tpu.memref_squeeze %dma_start3A_33 : memref<1x1x160xi32, #tpu.memory_space<hbm>> -> memref<1x160xi32, #tpu.memory_space<hbm>>
    %dma_start3A_35 = arith.constant 0 : i32
    %dma_start3A_36 = arith.constant 0 : i32
    %dma_start3A_37 = tpu.memref_slice %arg3[%add3A, %dma_start3A_35, %dma_start3A_36] : memref<32x128x160xi32, #tpu.memory_space<hbm>> -> memref<1x1x160xi32, #tpu.memory_space<hbm>>
    %dma_start3A_38 = tpu.memref_squeeze %dma_start3A_37 : memref<1x1x160xi32, #tpu.memory_space<hbm>> -> memref<1x160xi32, #tpu.memory_space<hbm>>
    tpu.enqueue_dma source(%dma_start3A_38 : memref<1x160xi32, #tpu.memory_space<hbm>>) target(%arg7 : memref<1x160xi32, #tpu.memory_space<vmem>>) target_semaphore(%arg13 : memref<!tpu.dma_semaphore, #tpu.memory_space<semaphore_mem>>)
    %dma_start3A_39 = arith.constant 1 : i32
    %dma_start3A_40 = arith.constant 0 : i32
    %dma_start3A_41 = tpu.memref_slice %arg2[%add3A, %dma_start3A_39, %dma_start3A_40] : memref<32x128x160xi32, #tpu.memory_space<hbm>> -> memref<1x1x160xi32, #tpu.memory_space<hbm>>
    %dma_start3A_42 = tpu.memref_squeeze %dma_start3A_41 : memref<1x1x160xi32, #tpu.memory_space<hbm>> -> memref<1x160xi32, #tpu.memory_space<hbm>>
    %dma_start3A_43 = arith.constant 1 : i32
    %dma_start3A_44 = arith.constant 0 : i32
    %dma_start3A_45 = tpu.memref_slice %arg2[%add3A, %dma_start3A_43, %dma_start3A_44] : memref<32x128x160xi32, #tpu.memory_space<hbm>> -> memref<1x1x160xi32, #tpu.memory_space<hbm>>
    %dma_start3A_46 = tpu.memref_squeeze %dma_start3A_45 : memref<1x1x160xi32, #tpu.memory_space<hbm>> -> memref<1x160xi32, #tpu.memory_space<hbm>>
    tpu.enqueue_dma source(%dma_start3A_46 : memref<1x160xi32, #tpu.memory_space<hbm>>) target(%arg8 : memref<1x160xi32, #tpu.memory_space<vmem>>) target_semaphore(%arg14 : memref<!tpu.dma_semaphore, #tpu.memory_space<semaphore_mem>>)
    %dma_start3A_47 = arith.constant 1 : i32
    %dma_start3A_48 = arith.constant 0 : i32
    %dma_start3A_49 = tpu.memref_slice %arg3[%add3A, %dma_start3A_47, %dma_start3A_48] : memref<32x128x160xi32, #tpu.memory_space<hbm>> -> memref<1x1x160xi32, #tpu.memory_space<hbm>>
    %dma_start3A_50 = tpu.memref_squeeze %dma_start3A_49 : memref<1x1x160xi32, #tpu.memory_space<hbm>> -> memref<1x160xi32, #tpu.memory_space<hbm>>
    %dma_start3A_51 = arith.constant 1 : i32
    %dma_start3A_52 = arith.constant 0 : i32
    %dma_start3A_53 = tpu.memref_slice %arg3[%add3A, %dma_start3A_51, %dma_start3A_52] : memref<32x128x160xi32, #tpu.memory_space<hbm>> -> memref<1x1x160xi32, #tpu.memory_space<hbm>>
    %dma_start3A_54 = tpu.memref_squeeze %dma_start3A_53 : memref<1x1x160xi32, #tpu.memory_space<hbm>> -> memref<1x160xi32, #tpu.memory_space<hbm>>
    tpu.enqueue_dma source(%dma_start3A_54 : memref<1x160xi32, #tpu.memory_space<hbm>>) target(%arg9 : memref<1x160xi32, #tpu.memory_space<vmem>>) target_semaphore(%arg14 : memref<!tpu.dma_semaphore, #tpu.memory_space<semaphore_mem>>)
    %dma_wait3A = arith.constant 0 : i32
    %dma_wait3A_55 = arith.constant 0 : i32
    %dma_wait3A_56 = tpu.memref_slice %arg2[%add3A, %dma_wait3A, %dma_wait3A_55] : memref<32x128x160xi32, #tpu.memory_space<hbm>> -> memref<1x1x160xi32, #tpu.memory_space<hbm>>
    %dma_wait3A_57 = tpu.memref_squeeze %dma_wait3A_56 : memref<1x1x160xi32, #tpu.memory_space<hbm>> -> memref<1x160xi32, #tpu.memory_space<hbm>>
    %dma_wait3A_58 = arith.constant 0 : i32
    %dma_wait3A_59 = arith.constant 0 : i32
    %dma_wait3A_60 = tpu.memref_slice %arg2[%add3A, %dma_wait3A_58, %dma_wait3A_59] : memref<32x128x160xi32, #tpu.memory_space<hbm>> -> memref<1x1x160xi32, #tpu.memory_space<hbm>>
    %dma_wait3A_61 = tpu.memref_squeeze %dma_wait3A_60 : memref<1x1x160xi32, #tpu.memory_space<hbm>> -> memref<1x160xi32, #tpu.memory_space<hbm>>
    tpu.wait_dma2 semaphore(%arg13 : memref<!tpu.dma_semaphore, #tpu.memory_space<semaphore_mem>>) src(%dma_wait3A_61 : memref<1x160xi32, #tpu.memory_space<hbm>>) dst(%arg6 : memref<1x160xi32, #tpu.memory_space<vmem>>)
    %dma_wait3A_62 = arith.constant 0 : i32
    %dma_wait3A_63 = arith.constant 0 : i32
    %dma_wait3A_64 = tpu.memref_slice %arg3[%add3A, %dma_wait3A_62, %dma_wait3A_63] : memref<32x128x160xi32, #tpu.memory_space<hbm>> -> memref<1x1x160xi32, #tpu.memory_space<hbm>>
    %dma_wait3A_65 = tpu.memref_squeeze %dma_wait3A_64 : memref<1x1x160xi32, #tpu.memory_space<hbm>> -> memref<1x160xi32, #tpu.memory_space<hbm>>
    %dma_wait3A_66 = arith.constant 0 : i32
    %dma_wait3A_67 = arith.constant 0 : i32
    %dma_wait3A_68 = tpu.memref_slice %arg3[%add3A, %dma_wait3A_66, %dma_wait3A_67] : memref<32x128x160xi32, #tpu.memory_space<hbm>> -> memref<1x1x160xi32, #tpu.memory_space<hbm>>
    %dma_wait3A_69 = tpu.memref_squeeze %dma_wait3A_68 : memref<1x1x160xi32, #tpu.memory_space<hbm>> -> memref<1x160xi32, #tpu.memory_space<hbm>>
    tpu.wait_dma2 semaphore(%arg13 : memref<!tpu.dma_semaphore, #tpu.memory_space<semaphore_mem>>) src(%dma_wait3A_69 : memref<1x160xi32, #tpu.memory_space<hbm>>) dst(%arg7 : memref<1x160xi32, #tpu.memory_space<vmem>>)
    %dma_start3A_70 = arith.constant 0 : i32
    %dma_start3A_71 = arith.constant 0 : i32
    %dma_start3A_72 = tpu.memref_slice %arg6[%dma_start3A_70, %dma_start3A_71] : memref<1x160xi32, #tpu.memory_space<vmem>> -> memref<1x160xi32, #tpu.memory_space<vmem>>
    %dma_start3A_73 = tpu.memref_squeeze %dma_start3A_72 : memref<1x160xi32, #tpu.memory_space<vmem>> -> memref<160xi32, #tpu.memory_space<vmem>>
    %dma_start3A_74 = arith.constant 0 : i32
    %dma_start3A_75 = arith.constant 0 : i32
    %dma_start3A_76 = tpu.memref_slice %arg4[%dma_start3A_74, %dma_start3A_75] : memref<20480x128xf32, #tpu.memory_space<hbm>> -> memref<20480x128xf32, #tpu.memory_space<hbm>>
    tpu.enqueue_indirect_dma source(%dma_start3A_76 : memref<20480x128xf32, #tpu.memory_space<hbm>>) target(%arg10 : memref<160x128xf32, #tpu.memory_space<vmem>>) offsets(%dma_start3A_73 : memref<160xi32, #tpu.memory_space<vmem>>) semaphore(%arg15 : memref<!tpu.dma_semaphore, #tpu.memory_space<semaphore_mem>>)
    %scan3A_77 = arith.constant 0 : i32
    %scan3A_78 = arith.constant 0 : i32
    %scan3A_79 = arith.constant 63 : i32
    %scan3A_80 = arith.addi %scan3A_78, %scan3A_79 : i32
    %scan3A_81 = arith.constant 1 : i32
    %scan3A_82 = scf.for %scan3A_114 = %scan3A_78 to %scan3A_80 step %scan3A_81 iter_args(%scan3A_115 = %scan3A_77) -> (i32)  : i32 {
      %mul3A_116 = arith.constant 2 : i32
      %mul3A_117 = arith.muli %mul3A_116, %scan3A_114 : i32
      %add3A_118 = arith.constant 1 : i32
      %add3A_119 = arith.addi %mul3A_117, %add3A_118 : i32
      %dma_wait3A_120 = arith.constant 0 : i32
      %dma_wait3A_121 = tpu.memref_slice %arg2[%add3A, %add3A_119, %dma_wait3A_120] : memref<32x128x160xi32, #tpu.memory_space<hbm>> -> memref<1x1x160xi32, #tpu.memory_space<hbm>>
      %dma_wait3A_122 = tpu.memref_squeeze %dma_wait3A_121 : memref<1x1x160xi32, #tpu.memory_space<hbm>> -> memref<1x160xi32, #tpu.memory_space<hbm>>
      %dma_wait3A_123 = arith.constant 0 : i32
      %dma_wait3A_124 = tpu.memref_slice %arg2[%add3A, %add3A_119, %dma_wait3A_123] : memref<32x128x160xi32, #tpu.memory_space<hbm>> -> memref<1x1x160xi32, #tpu.memory_space<hbm>>
      %dma_wait3A_125 = tpu.memref_squeeze %dma_wait3A_124 : memref<1x1x160xi32, #tpu.memory_space<hbm>> -> memref<1x160xi32, #tpu.memory_space<hbm>>
      tpu.wait_dma2 semaphore(%arg14 : memref<!tpu.dma_semaphore, #tpu.memory_space<semaphore_mem>>) src(%dma_wait3A_125 : memref<1x160xi32, #tpu.memory_space<hbm>>) dst(%arg8 : memref<1x160xi32, #tpu.memory_space<vmem>>)
      %dma_wait3A_126 = arith.constant 0 : i32
      %dma_wait3A_127 = tpu.memref_slice %arg3[%add3A, %add3A_119, %dma_wait3A_126] : memref<32x128x160xi32, #tpu.memory_space<hbm>> -> memref<1x1x160xi32, #tpu.memory_space<hbm>>
      %dma_wait3A_128 = tpu.memref_squeeze %dma_wait3A_127 : memref<1x1x160xi32, #tpu.memory_space<hbm>> -> memref<1x160xi32, #tpu.memory_space<hbm>>
      %dma_wait3A_129 = arith.constant 0 : i32
      %dma_wait3A_130 = tpu.memref_slice %arg3[%add3A, %add3A_119, %dma_wait3A_129] : memref<32x128x160xi32, #tpu.memory_space<hbm>> -> memref<1x1x160xi32, #tpu.memory_space<hbm>>
      %dma_wait3A_131 = tpu.memref_squeeze %dma_wait3A_130 : memref<1x1x160xi32, #tpu.memory_space<hbm>> -> memref<1x160xi32, #tpu.memory_space<hbm>>
      tpu.wait_dma2 semaphore(%arg14 : memref<!tpu.dma_semaphore, #tpu.memory_space<semaphore_mem>>) src(%dma_wait3A_131 : memref<1x160xi32, #tpu.memory_space<hbm>>) dst(%arg9 : memref<1x160xi32, #tpu.memory_space<vmem>>)
      %dma_start3A_132 = arith.constant 0 : i32
      %dma_start3A_133 = arith.constant 0 : i32
      %dma_start3A_134 = tpu.memref_slice %arg8[%dma_start3A_132, %dma_start3A_133] : memref<1x160xi32, #tpu.memory_space<vmem>> -> memref<1x160xi32, #tpu.memory_space<vmem>>
      %dma_start3A_135 = tpu.memref_squeeze %dma_start3A_134 : memref<1x160xi32, #tpu.memory_space<vmem>> -> memref<160xi32, #tpu.memory_space<vmem>>
      %dma_start3A_136 = arith.constant 0 : i32
      %dma_start3A_137 = arith.constant 0 : i32
      %dma_start3A_138 = tpu.memref_slice %arg4[%dma_start3A_136, %dma_start3A_137] : memref<20480x128xf32, #tpu.memory_space<hbm>> -> memref<20480x128xf32, #tpu.memory_space<hbm>>
      tpu.enqueue_indirect_dma source(%dma_start3A_138 : memref<20480x128xf32, #tpu.memory_space<hbm>>) target(%arg11 : memref<160x128xf32, #tpu.memory_space<vmem>>) offsets(%dma_start3A_135 : memref<160xi32, #tpu.memory_space<vmem>>) semaphore(%arg16 : memref<!tpu.dma_semaphore, #tpu.memory_space<semaphore_mem>>)
      %dma_wait3A_139 = arith.constant 0 : i32
      %dma_wait3A_140 = arith.constant 0 : i32
      %dma_wait3A_141 = tpu.memref_slice %arg4[%dma_wait3A_139, %dma_wait3A_140] : memref<20480x128xf32, #tpu.memory_space<hbm>> -> memref<160x128xf32, #tpu.memory_space<hbm>>
      %dma_wait3A_142 = arith.constant 0 : i32
      %dma_wait3A_143 = arith.constant 0 : i32
      %dma_wait3A_144 = tpu.memref_slice %arg4[%dma_wait3A_142, %dma_wait3A_143] : memref<20480x128xf32, #tpu.memory_space<hbm>> -> memref<160x128xf32, #tpu.memory_space<hbm>>
      tpu.wait_dma2 semaphore(%arg15 : memref<!tpu.dma_semaphore, #tpu.memory_space<semaphore_mem>>) src(%dma_wait3A_144 : memref<160x128xf32, #tpu.memory_space<hbm>>) dst(%arg10 : memref<160x128xf32, #tpu.memory_space<vmem>>)
      %run_scoped3A = arith.constant 0 : i32
      "tpu.region"() ({
        %run_scoped3A_202 = tpu.sem_alloc : memref<!tpu.dma_semaphore, #tpu.memory_space<semaphore_mem>>
        %dma_start3A_203 = arith.constant 0 : i32
        %dma_start3A_204 = tpu.memref_slice %arg7[%run_scoped3A, %dma_start3A_203] : memref<1x160xi32, #tpu.memory_space<vmem>> -> memref<1x160xi32, #tpu.memory_space<vmem>>
        %dma_start3A_205 = tpu.memref_squeeze %dma_start3A_204 : memref<1x160xi32, #tpu.memory_space<vmem>> -> memref<160xi32, #tpu.memory_space<vmem>>
        %dma_start3A_206 = arith.constant 0 : i32
        %dma_start3A_207 = arith.constant 0 : i32
        %dma_start3A_208 = tpu.memref_slice %arg12[%dma_start3A_206, %dma_start3A_207] : memref<10240x128xf32, #tpu.memory_space<vmem_shared>> -> memref<10240x128xf32, #tpu.memory_space<vmem_shared>>
        tpu.enqueue_indirect_dma source(%arg10 : memref<160x128xf32, #tpu.memory_space<vmem>>) target(%dma_start3A_208 : memref<10240x128xf32, #tpu.memory_space<vmem_shared>>) offsets(%dma_start3A_205 : memref<160xi32, #tpu.memory_space<vmem>>) semaphore(%run_scoped3A_202 : memref<!tpu.dma_semaphore, #tpu.memory_space<semaphore_mem>>) {add = true}
        %dma_wait3A_209 = arith.constant 0 : i32
        %dma_wait3A_210 = tpu.memref_slice %arg7[%run_scoped3A, %dma_wait3A_209] : memref<1x160xi32, #tpu.memory_space<vmem>> -> memref<1x160xi32, #tpu.memory_space<vmem>>
        %dma_wait3A_211 = tpu.memref_squeeze %dma_wait3A_210 : memref<1x160xi32, #tpu.memory_space<vmem>> -> memref<160xi32, #tpu.memory_space<vmem>>
        %dma_wait3A_212 = arith.constant 0 : i32
        %dma_wait3A_213 = arith.constant 0 : i32
        %dma_wait3A_214 = tpu.memref_slice %arg12[%dma_wait3A_212, %dma_wait3A_213] : memref<10240x128xf32, #tpu.memory_space<vmem_shared>> -> memref<10240x128xf32, #tpu.memory_space<vmem_shared>>
        tpu.wait_indirect_dma semaphore(%run_scoped3A_202 : memref<!tpu.dma_semaphore, #tpu.memory_space<semaphore_mem>>) src(%arg10 : memref<160x128xf32, #tpu.memory_space<vmem>>) dst(%dma_wait3A_214 : memref<10240x128xf32, #tpu.memory_space<vmem_shared>>)
        tpu.yield
      }) : () -> ()
      %add3A_145 = arith.constant 2 : i32
      %add3A_146 = arith.addi %mul3A_117, %add3A_145 : i32
      %dma_start3A_147 = arith.constant 0 : i32
      %dma_start3A_148 = tpu.memref_slice %arg2[%add3A, %add3A_146, %dma_start3A_147] : memref<32x128x160xi32, #tpu.memory_space<hbm>> -> memref<1x1x160xi32, #tpu.memory_space<hbm>>
      %dma_start3A_149 = tpu.memref_squeeze %dma_start3A_148 : memref<1x1x160xi32, #tpu.memory_space<hbm>> -> memref<1x160xi32, #tpu.memory_space<hbm>>
      %dma_start3A_150 = arith.constant 0 : i32
      %dma_start3A_151 = tpu.memref_slice %arg2[%add3A, %add3A_146, %dma_start3A_150] : memref<32x128x160xi32, #tpu.memory_space<hbm>> -> memref<1x1x160xi32, #tpu.memory_space<hbm>>
      %dma_start3A_152 = tpu.memref_squeeze %dma_start3A_151 : memref<1x1x160xi32, #tpu.memory_space<hbm>> -> memref<1x160xi32, #tpu.memory_space<hbm>>
      tpu.enqueue_dma source(%dma_start3A_152 : memref<1x160xi32, #tpu.memory_space<hbm>>) target(%arg6 : memref<1x160xi32, #tpu.memory_space<vmem>>) target_semaphore(%arg13 : memref<!tpu.dma_semaphore, #tpu.memory_space<semaphore_mem>>)
      %dma_start3A_153 = arith.constant 0 : i32
      %dma_start3A_154 = tpu.memref_slice %arg3[%add3A, %add3A_146, %dma_start3A_153] : memref<32x128x160xi32, #tpu.memory_space<hbm>> -> memref<1x1x160xi32, #tpu.memory_space<hbm>>
      %dma_start3A_155 = tpu.memref_squeeze %dma_start3A_154 : memref<1x1x160xi32, #tpu.memory_space<hbm>> -> memref<1x160xi32, #tpu.memory_space<hbm>>
      %dma_start3A_156 = arith.constant 0 : i32
      %dma_start3A_157 = tpu.memref_slice %arg3[%add3A, %add3A_146, %dma_start3A_156] : memref<32x128x160xi32, #tpu.memory_space<hbm>> -> memref<1x1x160xi32, #tpu.memory_space<hbm>>
      %dma_start3A_158 = tpu.memref_squeeze %dma_start3A_157 : memref<1x1x160xi32, #tpu.memory_space<hbm>> -> memref<1x160xi32, #tpu.memory_space<hbm>>
      tpu.enqueue_dma source(%dma_start3A_158 : memref<1x160xi32, #tpu.memory_space<hbm>>) target(%arg7 : memref<1x160xi32, #tpu.memory_space<vmem>>) target_semaphore(%arg13 : memref<!tpu.dma_semaphore, #tpu.memory_space<semaphore_mem>>)
      %dma_wait3A_159 = arith.constant 0 : i32
      %dma_wait3A_160 = arith.constant 0 : i32
      %dma_wait3A_161 = tpu.memref_slice %arg4[%dma_wait3A_159, %dma_wait3A_160] : memref<20480x128xf32, #tpu.memory_space<hbm>> -> memref<160x128xf32, #tpu.memory_space<hbm>>
      %dma_wait3A_162 = arith.constant 0 : i32
      %dma_wait3A_163 = arith.constant 0 : i32
      %dma_wait3A_164 = tpu.memref_slice %arg4[%dma_wait3A_162, %dma_wait3A_163] : memref<20480x128xf32, #tpu.memory_space<hbm>> -> memref<160x128xf32, #tpu.memory_space<hbm>>
      tpu.wait_dma2 semaphore(%arg16 : memref<!tpu.dma_semaphore, #tpu.memory_space<semaphore_mem>>) src(%dma_wait3A_164 : memref<160x128xf32, #tpu.memory_space<hbm>>) dst(%arg11 : memref<160x128xf32, #tpu.memory_space<vmem>>)
      %run_scoped3A_165 = arith.constant 0 : i32
      "tpu.region"() ({
        %run_scoped3A_202 = tpu.sem_alloc : memref<!tpu.dma_semaphore, #tpu.memory_space<semaphore_mem>>
        %dma_start3A_203 = arith.constant 0 : i32
        %dma_start3A_204 = tpu.memref_slice %arg9[%run_scoped3A_165, %dma_start3A_203] : memref<1x160xi32, #tpu.memory_space<vmem>> -> memref<1x160xi32, #tpu.memory_space<vmem>>
        %dma_start3A_205 = tpu.memref_squeeze %dma_start3A_204 : memref<1x160xi32, #tpu.memory_space<vmem>> -> memref<160xi32, #tpu.memory_space<vmem>>
        %dma_start3A_206 = arith.constant 0 : i32
        %dma_start3A_207 = arith.constant 0 : i32
        %dma_start3A_208 = tpu.memref_slice %arg12[%dma_start3A_206, %dma_start3A_207] : memref<10240x128xf32, #tpu.memory_space<vmem_shared>> -> memref<10240x128xf32, #tpu.memory_space<vmem_shared>>
        tpu.enqueue_indirect_dma source(%arg11 : memref<160x128xf32, #tpu.memory_space<vmem>>) target(%dma_start3A_208 : memref<10240x128xf32, #tpu.memory_space<vmem_shared>>) offsets(%dma_start3A_205 : memref<160xi32, #tpu.memory_space<vmem>>) semaphore(%run_scoped3A_202 : memref<!tpu.dma_semaphore, #tpu.memory_space<semaphore_mem>>) {add = true}
        %dma_wait3A_209 = arith.constant 0 : i32
        %dma_wait3A_210 = tpu.memref_slice %arg9[%run_scoped3A_165, %dma_wait3A_209] : memref<1x160xi32, #tpu.memory_space<vmem>> -> memref<1x160xi32, #tpu.memory_space<vmem>>
        %dma_wait3A_211 = tpu.memref_squeeze %dma_wait3A_210 : memref<1x160xi32, #tpu.memory_space<vmem>> -> memref<160xi32, #tpu.memory_space<vmem>>
        %dma_wait3A_212 = arith.constant 0 : i32
        %dma_wait3A_213 = arith.constant 0 : i32
        %dma_wait3A_214 = tpu.memref_slice %arg12[%dma_wait3A_212, %dma_wait3A_213] : memref<10240x128xf32, #tpu.memory_space<vmem_shared>> -> memref<10240x128xf32, #tpu.memory_space<vmem_shared>>
        tpu.wait_indirect_dma semaphore(%run_scoped3A_202 : memref<!tpu.dma_semaphore, #tpu.memory_space<semaphore_mem>>) src(%arg11 : memref<160x128xf32, #tpu.memory_space<vmem>>) dst(%dma_wait3A_214 : memref<10240x128xf32, #tpu.memory_space<vmem_shared>>)
        tpu.yield
      }) : () -> ()
      %add3A_166 = arith.constant 3 : i32
      %add3A_167 = arith.addi %mul3A_117, %add3A_166 : i32
      %dma_start3A_168 = arith.constant 0 : i32
      %dma_start3A_169 = tpu.memref_slice %arg2[%add3A, %add3A_167, %dma_start3A_168] : memref<32x128x160xi32, #tpu.memory_space<hbm>> -> memref<1x1x160xi32, #tpu.memory_space<hbm>>
      %dma_start3A_170 = tpu.memref_squeeze %dma_start3A_169 : memref<1x1x160xi32, #tpu.memory_space<hbm>> -> memref<1x160xi32, #tpu.memory_space<hbm>>
      %dma_start3A_171 = arith.constant 0 : i32
      %dma_start3A_172 = tpu.memref_slice %arg2[%add3A, %add3A_167, %dma_start3A_171] : memref<32x128x160xi32, #tpu.memory_space<hbm>> -> memref<1x1x160xi32, #tpu.memory_space<hbm>>
      %dma_start3A_173 = tpu.memref_squeeze %dma_start3A_172 : memref<1x1x160xi32, #tpu.memory_space<hbm>> -> memref<1x160xi32, #tpu.memory_space<hbm>>
      tpu.enqueue_dma source(%dma_start3A_173 : memref<1x160xi32, #tpu.memory_space<hbm>>) target(%arg8 : memref<1x160xi32, #tpu.memory_space<vmem>>) target_semaphore(%arg14 : memref<!tpu.dma_semaphore, #tpu.memory_space<semaphore_mem>>)
      %dma_start3A_174 = arith.constant 0 : i32
      %dma_start3A_175 = tpu.memref_slice %arg3[%add3A, %add3A_167, %dma_start3A_174] : memref<32x128x160xi32, #tpu.memory_space<hbm>> -> memref<1x1x160xi32, #tpu.memory_space<hbm>>
      %dma_start3A_176 = tpu.memref_squeeze %dma_start3A_175 : memref<1x1x160xi32, #tpu.memory_space<hbm>> -> memref<1x160xi32, #tpu.memory_space<hbm>>
      %dma_start3A_177 = arith.constant 0 : i32
      %dma_start3A_178 = tpu.memref_slice %arg3[%add3A, %add3A_167, %dma_start3A_177] : memref<32x128x160xi32, #tpu.memory_space<hbm>> -> memref<1x1x160xi32, #tpu.memory_space<hbm>>
      %dma_start3A_179 = tpu.memref_squeeze %dma_start3A_178 : memref<1x1x160xi32, #tpu.memory_space<hbm>> -> memref<1x160xi32, #tpu.memory_space<hbm>>
      tpu.enqueue_dma source(%dma_start3A_179 : memref<1x160xi32, #tpu.memory_space<hbm>>) target(%arg9 : memref<1x160xi32, #tpu.memory_space<vmem>>) target_semaphore(%arg14 : memref<!tpu.dma_semaphore, #tpu.memory_space<semaphore_mem>>)
      %add3A_180 = arith.constant 2 : i32
      %add3A_181 = arith.addi %mul3A_117, %add3A_180 : i32
      %dma_wait3A_182 = arith.constant 0 : i32
      %dma_wait3A_183 = tpu.memref_slice %arg2[%add3A, %add3A_181, %dma_wait3A_182] : memref<32x128x160xi32, #tpu.memory_space<hbm>> -> memref<1x1x160xi32, #tpu.memory_space<hbm>>
      %dma_wait3A_184 = tpu.memref_squeeze %dma_wait3A_183 : memref<1x1x160xi32, #tpu.memory_space<hbm>> -> memref<1x160xi32, #tpu.memory_space<hbm>>
      %dma_wait3A_185 = arith.constant 0 : i32
      %dma_wait3A_186 = tpu.memref_slice %arg2[%add3A, %add3A_181, %dma_wait3A_185] : memref<32x128x160xi32, #tpu.memory_space<hbm>> -> memref<1x1x160xi32, #tpu.memory_space<hbm>>
      %dma_wait3A_187 = tpu.memref_squeeze %dma_wait3A_186 : memref<1x1x160xi32, #tpu.memory_space<hbm>> -> memref<1x160xi32, #tpu.memory_space<hbm>>
      tpu.wait_dma2 semaphore(%arg13 : memref<!tpu.dma_semaphore, #tpu.memory_space<semaphore_mem>>) src(%dma_wait3A_187 : memref<1x160xi32, #tpu.memory_space<hbm>>) dst(%arg6 : memref<1x160xi32, #tpu.memory_space<vmem>>)
      %dma_wait3A_188 = arith.constant 0 : i32
      %dma_wait3A_189 = tpu.memref_slice %arg3[%add3A, %add3A_181, %dma_wait3A_188] : memref<32x128x160xi32, #tpu.memory_space<hbm>> -> memref<1x1x160xi32, #tpu.memory_space<hbm>>
      %dma_wait3A_190 = tpu.memref_squeeze %dma_wait3A_189 : memref<1x1x160xi32, #tpu.memory_space<hbm>> -> memref<1x160xi32, #tpu.memory_space<hbm>>
      %dma_wait3A_191 = arith.constant 0 : i32
      %dma_wait3A_192 = tpu.memref_slice %arg3[%add3A, %add3A_181, %dma_wait3A_191] : memref<32x128x160xi32, #tpu.memory_space<hbm>> -> memref<1x1x160xi32, #tpu.memory_space<hbm>>
      %dma_wait3A_193 = tpu.memref_squeeze %dma_wait3A_192 : memref<1x1x160xi32, #tpu.memory_space<hbm>> -> memref<1x160xi32, #tpu.memory_space<hbm>>
      tpu.wait_dma2 semaphore(%arg13 : memref<!tpu.dma_semaphore, #tpu.memory_space<semaphore_mem>>) src(%dma_wait3A_193 : memref<1x160xi32, #tpu.memory_space<hbm>>) dst(%arg7 : memref<1x160xi32, #tpu.memory_space<vmem>>)
      %dma_start3A_194 = arith.constant 0 : i32
      %dma_start3A_195 = arith.constant 0 : i32
      %dma_start3A_196 = tpu.memref_slice %arg6[%dma_start3A_194, %dma_start3A_195] : memref<1x160xi32, #tpu.memory_space<vmem>> -> memref<1x160xi32, #tpu.memory_space<vmem>>
      %dma_start3A_197 = tpu.memref_squeeze %dma_start3A_196 : memref<1x160xi32, #tpu.memory_space<vmem>> -> memref<160xi32, #tpu.memory_space<vmem>>
      %dma_start3A_198 = arith.constant 0 : i32
      %dma_start3A_199 = arith.constant 0 : i32
      %dma_start3A_200 = tpu.memref_slice %arg4[%dma_start3A_198, %dma_start3A_199] : memref<20480x128xf32, #tpu.memory_space<hbm>> -> memref<20480x128xf32, #tpu.memory_space<hbm>>
      tpu.enqueue_indirect_dma source(%dma_start3A_200 : memref<20480x128xf32, #tpu.memory_space<hbm>>) target(%arg10 : memref<160x128xf32, #tpu.memory_space<vmem>>) offsets(%dma_start3A_197 : memref<160xi32, #tpu.memory_space<vmem>>) semaphore(%arg15 : memref<!tpu.dma_semaphore, #tpu.memory_space<semaphore_mem>>)
      %scan3A_201 = arith.constant 0 : i32
      scf.yield %scan3A_201 : i32
    }
    %scan3A_83 = arith.constant 63 : i32
    %dma_wait3A_84 = arith.constant 0 : i32
    %dma_wait3A_85 = arith.constant 0 : i32
    %dma_wait3A_86 = tpu.memref_slice %arg4[%dma_wait3A_84, %dma_wait3A_85] : memref<20480x128xf32, #tpu.memory_space<hbm>> -> memref<160x128xf32, #tpu.memory_space<hbm>>
    %dma_wait3A_87 = arith.constant 0 : i32
    %dma_wait3A_88 = arith.constant 0 : i32
    %dma_wait3A_89 = tpu.memref_slice %arg4[%dma_wait3A_87, %dma_wait3A_88] : memref<20480x128xf32, #tpu.memory_space<hbm>> -> memref<160x128xf32, #tpu.memory_space<hbm>>
    tpu.wait_dma2 semaphore(%arg15 : memref<!tpu.dma_semaphore, #tpu.memory_space<semaphore_mem>>) src(%dma_wait3A_89 : memref<160x128xf32, #tpu.memory_space<hbm>>) dst(%arg10 : memref<160x128xf32, #tpu.memory_space<vmem>>)
    %dma_wait3A_90 = arith.constant 127 : i32
    %dma_wait3A_91 = arith.constant 0 : i32
    %dma_wait3A_92 = tpu.memref_slice %arg2[%add3A, %dma_wait3A_90, %dma_wait3A_91] : memref<32x128x160xi32, #tpu.memory_space<hbm>> -> memref<1x1x160xi32, #tpu.memory_space<hbm>>
    %dma_wait3A_93 = tpu.memref_squeeze %dma_wait3A_92 : memref<1x1x160xi32, #tpu.memory_space<hbm>> -> memref<1x160xi32, #tpu.memory_space<hbm>>
    %dma_wait3A_94 = arith.constant 127 : i32
    %dma_wait3A_95 = arith.constant 0 : i32
    %dma_wait3A_96 = tpu.memref_slice %arg2[%add3A, %dma_wait3A_94, %dma_wait3A_95] : memref<32x128x160xi32, #tpu.memory_space<hbm>> -> memref<1x1x160xi32, #tpu.memory_space<hbm>>
    %dma_wait3A_97 = tpu.memref_squeeze %dma_wait3A_96 : memref<1x1x160xi32, #tpu.memory_space<hbm>> -> memref<1x160xi32, #tpu.memory_space<hbm>>
    tpu.wait_dma2 semaphore(%arg14 : memref<!tpu.dma_semaphore, #tpu.memory_space<semaphore_mem>>) src(%dma_wait3A_97 : memref<1x160xi32, #tpu.memory_space<hbm>>) dst(%arg8 : memref<1x160xi32, #tpu.memory_space<vmem>>)
    %dma_wait3A_98 = arith.constant 127 : i32
    %dma_wait3A_99 = arith.constant 0 : i32
    %dma_wait3A_100 = tpu.memref_slice %arg3[%add3A, %dma_wait3A_98, %dma_wait3A_99] : memref<32x128x160xi32, #tpu.memory_space<hbm>> -> memref<1x1x160xi32, #tpu.memory_space<hbm>>
    %dma_wait3A_101 = tpu.memref_squeeze %dma_wait3A_100 : memref<1x1x160xi32, #tpu.memory_space<hbm>> -> memref<1x160xi32, #tpu.memory_space<hbm>>
    %dma_wait3A_102 = arith.constant 127 : i32
    %dma_wait3A_103 = arith.constant 0 : i32
    %dma_wait3A_104 = tpu.memref_slice %arg3[%add3A, %dma_wait3A_102, %dma_wait3A_103] : memref<32x128x160xi32, #tpu.memory_space<hbm>> -> memref<1x1x160xi32, #tpu.memory_space<hbm>>
    %dma_wait3A_105 = tpu.memref_squeeze %dma_wait3A_104 : memref<1x1x160xi32, #tpu.memory_space<hbm>> -> memref<1x160xi32, #tpu.memory_space<hbm>>
    tpu.wait_dma2 semaphore(%arg14 : memref<!tpu.dma_semaphore, #tpu.memory_space<semaphore_mem>>) src(%dma_wait3A_105 : memref<1x160xi32, #tpu.memory_space<hbm>>) dst(%arg9 : memref<1x160xi32, #tpu.memory_space<vmem>>)
    %barrier3A_106 = arith.constant 0 : index
    tpu.barrier barrier_id(%barrier3A_106)
    %mul3A_107 = arith.constant 640 : i32
    %mul3A_108 = arith.muli %arg1, %mul3A_107 : i32
    %mul3A_109 = arith.constant 10240 : i32
    %mul3A_110 = arith.muli %arg0, %mul3A_109 : i32
    %mul3A_111 = arith.constant 640 : i32
    %mul3A_112 = arith.muli %arg1, %mul3A_111 : i32
    %add3A_113 = arith.addi %mul3A_110, %mul3A_112 : i32
    "tpu.region"() ({
      %run_scoped3A = tpu.sem_alloc : memref<!tpu.dma_semaphore, #tpu.memory_space<semaphore_mem>>
      %dma_start3A_114 = arith.constant 0 : i32
      %dma_start3A_115 = tpu.memref_slice %arg5[%add3A_113, %dma_start3A_114] : memref<20480x128xf32, #tpu.memory_space<hbm>> -> memref<640x128xf32, #tpu.memory_space<hbm>>
      %dma_start3A_116 = arith.constant 0 : i32
      %dma_start3A_117 = tpu.memref_slice %arg12[%mul3A_108, %dma_start3A_116] : memref<10240x128xf32, #tpu.memory_space<vmem_shared>> -> memref<640x128xf32, #tpu.memory_space<vmem_shared>>
      tpu.enqueue_dma source(%dma_start3A_117 : memref<640x128xf32, #tpu.memory_space<vmem_shared>>) target(%dma_start3A_115 : memref<640x128xf32, #tpu.memory_space<hbm>>) target_semaphore(%run_scoped3A : memref<!tpu.dma_semaphore, #tpu.memory_space<semaphore_mem>>)
      %dma_wait3A_118 = arith.constant 0 : i32
      %dma_wait3A_119 = tpu.memref_slice %arg5[%add3A_113, %dma_wait3A_118] : memref<20480x128xf32, #tpu.memory_space<hbm>> -> memref<640x128xf32, #tpu.memory_space<hbm>>
      %dma_wait3A_120 = arith.constant 0 : i32
      %dma_wait3A_121 = tpu.memref_slice %arg12[%mul3A_108, %dma_wait3A_120] : memref<10240x128xf32, #tpu.memory_space<vmem_shared>> -> memref<640x128xf32, #tpu.memory_space<vmem_shared>>
      tpu.wait_dma2 semaphore(%run_scoped3A : memref<!tpu.dma_semaphore, #tpu.memory_space<semaphore_mem>>) src(%dma_wait3A_121 : memref<640x128xf32, #tpu.memory_space<vmem_shared>>) dst(%dma_wait3A_119 : memref<640x128xf32, #tpu.memory_space<hbm>>)
      tpu.yield
    }) : () -> ()
    return
  }
}

#map = affine_map<(d0, d1) -> (0, 0, 0)>
#map1 = affine_map<(d0, d1) -> (0, 0)>
module attributes {stable_mosaic.version = 14 : i64} {
  func.func @_sc_agg(%arg0: i32, %arg1: i32, %arg2: memref<32x128x160xi32, #tpu.memory_space<hbm>>, %arg3: memref<32x128x160xi32, #tpu.memory_space<hbm>>, %arg4: memref<20480x128xf32, #tpu.memory_space<hbm>>, %arg5: memref<20480x128xf32, #tpu.memory_space<hbm>>, %arg6: memref<1x160xi32, #tpu.memory_space<vmem>>, %arg7: memref<1x160xi32, #tpu.memory_space<vmem>>, %arg8: memref<1x160xi32, #tpu.memory_space<vmem>>, %arg9: memref<1x160xi32, #tpu.memory_space<vmem>>, %arg10: memref<160x128xf32, #tpu.memory_space<vmem>>, %arg11: memref<160x128xf32, #tpu.memory_space<vmem>>, %arg12: memref<10240x128xf32, #tpu.memory_space<vmem_shared>>, %arg13: memref<!tpu.dma_semaphore, #tpu.memory_space<semaphore_mem>>, %arg14: memref<!tpu.dma_semaphore, #tpu.memory_space<semaphore_mem>>, %arg15: memref<!tpu.dma_semaphore, #tpu.memory_space<semaphore_mem>>, %arg16: memref<!tpu.dma_semaphore, #tpu.memory_space<semaphore_mem>>) attributes {dimension_semantics = [#tpu.dimension_semantics<core_parallel>, #tpu.dimension_semantics<subcore_parallel>], iteration_bounds = array<i64: 2, 16>, scalar_prefetch = 0 : i64, scratch_operands = 11 : i64, tpu.core_type = #tpu.core_type<sc_vector_subcore>, window_params = [{transform_indices = #map}, {transform_indices = #map}, {transform_indices = #map1}, {transform_indices = #map1}]} {
    %mul3A = arith.constant 16 : i32
    %mul3A_0 = arith.muli %arg0, %mul3A : i32
    %add3A = arith.addi %mul3A_0, %arg1 : i32
    %broadcast_in_dim3A = arith.constant 0.000000e+00 : f32
    %broadcast_in_dim3A_1 = vector.broadcast %broadcast_in_dim3A : f32 to vector<16xf32>
    %scan3A = arith.constant 0 : i32
    %scan3A_2 = arith.constant 0 : i32
    %scan3A_3 = arith.constant 160 : i32
    %scan3A_4 = arith.addi %scan3A_2, %scan3A_3 : i32
    %scan3A_5 = arith.constant 1 : i32
    %scan3A_6 = scf.for %scan3A_114 = %scan3A_2 to %scan3A_4 step %scan3A_5 iter_args(%scan3A_115 = %scan3A) -> (i32)  : i32 {
      %swap3A = arith.index_cast %scan3A_114 : i32 to index
      %swap3A_116 = arith.constant 0 : index
      %swap3A_117 = tpu.vector_load %arg10[%swap3A, %swap3A_116] {strides = array<i32>} : memref<160x128xf32, #tpu.memory_space<vmem>>, vector<16xf32>,
      tpu.vector_store %arg10[%swap3A, %swap3A_116], %broadcast_in_dim3A_1 {strides = array<i32>} : memref<160x128xf32, #tpu.memory_space<vmem>>, vector<16xf32>,
      %swap3A_118 = arith.index_cast %scan3A_114 : i32 to index
      %swap3A_119 = arith.constant 16 : index
      %swap3A_120 = tpu.vector_load %arg10[%swap3A_118, %swap3A_119] {strides = array<i32>} : memref<160x128xf32, #tpu.memory_space<vmem>>, vector<16xf32>,
      tpu.vector_store %arg10[%swap3A_118, %swap3A_119], %broadcast_in_dim3A_1 {strides = array<i32>} : memref<160x128xf32, #tpu.memory_space<vmem>>, vector<16xf32>,
      %swap3A_121 = arith.index_cast %scan3A_114 : i32 to index
      %swap3A_122 = arith.constant 32 : index
      %swap3A_123 = tpu.vector_load %arg10[%swap3A_121, %swap3A_122] {strides = array<i32>} : memref<160x128xf32, #tpu.memory_space<vmem>>, vector<16xf32>,
      tpu.vector_store %arg10[%swap3A_121, %swap3A_122], %broadcast_in_dim3A_1 {strides = array<i32>} : memref<160x128xf32, #tpu.memory_space<vmem>>, vector<16xf32>,
      %swap3A_124 = arith.index_cast %scan3A_114 : i32 to index
      %swap3A_125 = arith.constant 48 : index
      %swap3A_126 = tpu.vector_load %arg10[%swap3A_124, %swap3A_125] {strides = array<i32>} : memref<160x128xf32, #tpu.memory_space<vmem>>, vector<16xf32>,
      tpu.vector_store %arg10[%swap3A_124, %swap3A_125], %broadcast_in_dim3A_1 {strides = array<i32>} : memref<160x128xf32, #tpu.memory_space<vmem>>, vector<16xf32>,
      %swap3A_127 = arith.index_cast %scan3A_114 : i32 to index
      %swap3A_128 = arith.constant 64 : index
      %swap3A_129 = tpu.vector_load %arg10[%swap3A_127, %swap3A_128] {strides = array<i32>} : memref<160x128xf32, #tpu.memory_space<vmem>>, vector<16xf32>,
      tpu.vector_store %arg10[%swap3A_127, %swap3A_128], %broadcast_in_dim3A_1 {strides = array<i32>} : memref<160x128xf32, #tpu.memory_space<vmem>>, vector<16xf32>,
      %swap3A_130 = arith.index_cast %scan3A_114 : i32 to index
      %swap3A_131 = arith.constant 80 : index
      %swap3A_132 = tpu.vector_load %arg10[%swap3A_130, %swap3A_131] {strides = array<i32>} : memref<160x128xf32, #tpu.memory_space<vmem>>, vector<16xf32>,
      tpu.vector_store %arg10[%swap3A_130, %swap3A_131], %broadcast_in_dim3A_1 {strides = array<i32>} : memref<160x128xf32, #tpu.memory_space<vmem>>, vector<16xf32>,
      %swap3A_133 = arith.index_cast %scan3A_114 : i32 to index
      %swap3A_134 = arith.constant 96 : index
      %swap3A_135 = tpu.vector_load %arg10[%swap3A_133, %swap3A_134] {strides = array<i32>} : memref<160x128xf32, #tpu.memory_space<vmem>>, vector<16xf32>,
      tpu.vector_store %arg10[%swap3A_133, %swap3A_134], %broadcast_in_dim3A_1 {strides = array<i32>} : memref<160x128xf32, #tpu.memory_space<vmem>>, vector<16xf32>,
      %swap3A_136 = arith.index_cast %scan3A_114 : i32 to index
      %swap3A_137 = arith.constant 112 : index
      %swap3A_138 = tpu.vector_load %arg10[%swap3A_136, %swap3A_137] {strides = array<i32>} : memref<160x128xf32, #tpu.memory_space<vmem>>, vector<16xf32>,
      tpu.vector_store %arg10[%swap3A_136, %swap3A_137], %broadcast_in_dim3A_1 {strides = array<i32>} : memref<160x128xf32, #tpu.memory_space<vmem>>, vector<16xf32>,
      %scan3A_139 = arith.constant 0 : i32
      scf.yield %scan3A_139 : i32
    }
    %scan3A_7 = arith.constant 160 : i32
    %mul3A_8 = arith.constant 640 : i32
    %mul3A_9 = arith.muli %arg1, %mul3A_8 : i32
    %add3A_10 = arith.constant 0 : i32
    %add3A_11 = arith.addi %mul3A_9, %add3A_10 : i32
    "tpu.region"() ({
      %run_scoped3A = tpu.sem_alloc : memref<!tpu.dma_semaphore, #tpu.memory_space<semaphore_mem>>
      %dma_start3A_114 = arith.constant 0 : i32
      %dma_start3A_115 = tpu.memref_slice %arg12[%add3A_11, %dma_start3A_114] : memref<10240x128xf32, #tpu.memory_space<vmem_shared>> -> memref<160x128xf32, #tpu.memory_space<vmem_shared>>
      %dma_start3A_116 = arith.constant 0 : i32
      %dma_start3A_117 = tpu.memref_slice %arg12[%add3A_11, %dma_start3A_116] : memref<10240x128xf32, #tpu.memory_space<vmem_shared>> -> memref<160x128xf32, #tpu.memory_space<vmem_shared>>
      tpu.enqueue_dma source(%arg10 : memref<160x128xf32, #tpu.memory_space<vmem>>) target(%dma_start3A_117 : memref<160x128xf32, #tpu.memory_space<vmem_shared>>) target_semaphore(%run_scoped3A : memref<!tpu.dma_semaphore, #tpu.memory_space<semaphore_mem>>)
      %dma_wait3A_118 = arith.constant 0 : i32
      %dma_wait3A_119 = tpu.memref_slice %arg12[%add3A_11, %dma_wait3A_118] : memref<10240x128xf32, #tpu.memory_space<vmem_shared>> -> memref<160x128xf32, #tpu.memory_space<vmem_shared>>
      %dma_wait3A_120 = arith.constant 0 : i32
      %dma_wait3A_121 = tpu.memref_slice %arg12[%add3A_11, %dma_wait3A_120] : memref<10240x128xf32, #tpu.memory_space<vmem_shared>> -> memref<160x128xf32, #tpu.memory_space<vmem_shared>>
      tpu.wait_dma2 semaphore(%run_scoped3A : memref<!tpu.dma_semaphore, #tpu.memory_space<semaphore_mem>>) src(%arg10 : memref<160x128xf32, #tpu.memory_space<vmem>>) dst(%dma_wait3A_121 : memref<160x128xf32, #tpu.memory_space<vmem_shared>>)
      tpu.yield
    }) : () -> ()
    %mul3A_12 = arith.constant 640 : i32
    %mul3A_13 = arith.muli %arg1, %mul3A_12 : i32
    %add3A_14 = arith.constant 160 : i32
    %add3A_15 = arith.addi %mul3A_13, %add3A_14 : i32
    "tpu.region"() ({
      %run_scoped3A = tpu.sem_alloc : memref<!tpu.dma_semaphore, #tpu.memory_space<semaphore_mem>>
      %dma_start3A_114 = arith.constant 0 : i32
      %dma_start3A_115 = tpu.memref_slice %arg12[%add3A_15, %dma_start3A_114] : memref<10240x128xf32, #tpu.memory_space<vmem_shared>> -> memref<160x128xf32, #tpu.memory_space<vmem_shared>>
      %dma_start3A_116 = arith.constant 0 : i32
      %dma_start3A_117 = tpu.memref_slice %arg12[%add3A_15, %dma_start3A_116] : memref<10240x128xf32, #tpu.memory_space<vmem_shared>> -> memref<160x128xf32, #tpu.memory_space<vmem_shared>>
      tpu.enqueue_dma source(%arg10 : memref<160x128xf32, #tpu.memory_space<vmem>>) target(%dma_start3A_117 : memref<160x128xf32, #tpu.memory_space<vmem_shared>>) target_semaphore(%run_scoped3A : memref<!tpu.dma_semaphore, #tpu.memory_space<semaphore_mem>>)
      %dma_wait3A_118 = arith.constant 0 : i32
      %dma_wait3A_119 = tpu.memref_slice %arg12[%add3A_15, %dma_wait3A_118] : memref<10240x128xf32, #tpu.memory_space<vmem_shared>> -> memref<160x128xf32, #tpu.memory_space<vmem_shared>>
      %dma_wait3A_120 = arith.constant 0 : i32
      %dma_wait3A_121 = tpu.memref_slice %arg12[%add3A_15, %dma_wait3A_120] : memref<10240x128xf32, #tpu.memory_space<vmem_shared>> -> memref<160x128xf32, #tpu.memory_space<vmem_shared>>
      tpu.wait_dma2 semaphore(%run_scoped3A : memref<!tpu.dma_semaphore, #tpu.memory_space<semaphore_mem>>) src(%arg10 : memref<160x128xf32, #tpu.memory_space<vmem>>) dst(%dma_wait3A_121 : memref<160x128xf32, #tpu.memory_space<vmem_shared>>)
      tpu.yield
    }) : () -> ()
    %mul3A_16 = arith.constant 640 : i32
    %mul3A_17 = arith.muli %arg1, %mul3A_16 : i32
    %add3A_18 = arith.constant 320 : i32
    %add3A_19 = arith.addi %mul3A_17, %add3A_18 : i32
    "tpu.region"() ({
      %run_scoped3A = tpu.sem_alloc : memref<!tpu.dma_semaphore, #tpu.memory_space<semaphore_mem>>
      %dma_start3A_114 = arith.constant 0 : i32
      %dma_start3A_115 = tpu.memref_slice %arg12[%add3A_19, %dma_start3A_114] : memref<10240x128xf32, #tpu.memory_space<vmem_shared>> -> memref<160x128xf32, #tpu.memory_space<vmem_shared>>
      %dma_start3A_116 = arith.constant 0 : i32
      %dma_start3A_117 = tpu.memref_slice %arg12[%add3A_19, %dma_start3A_116] : memref<10240x128xf32, #tpu.memory_space<vmem_shared>> -> memref<160x128xf32, #tpu.memory_space<vmem_shared>>
      tpu.enqueue_dma source(%arg10 : memref<160x128xf32, #tpu.memory_space<vmem>>) target(%dma_start3A_117 : memref<160x128xf32, #tpu.memory_space<vmem_shared>>) target_semaphore(%run_scoped3A : memref<!tpu.dma_semaphore, #tpu.memory_space<semaphore_mem>>)
      %dma_wait3A_118 = arith.constant 0 : i32
      %dma_wait3A_119 = tpu.memref_slice %arg12[%add3A_19, %dma_wait3A_118] : memref<10240x128xf32, #tpu.memory_space<vmem_shared>> -> memref<160x128xf32, #tpu.memory_space<vmem_shared>>
      %dma_wait3A_120 = arith.constant 0 : i32
      %dma_wait3A_121 = tpu.memref_slice %arg12[%add3A_19, %dma_wait3A_120] : memref<10240x128xf32, #tpu.memory_space<vmem_shared>> -> memref<160x128xf32, #tpu.memory_space<vmem_shared>>
      tpu.wait_dma2 semaphore(%run_scoped3A : memref<!tpu.dma_semaphore, #tpu.memory_space<semaphore_mem>>) src(%arg10 : memref<160x128xf32, #tpu.memory_space<vmem>>) dst(%dma_wait3A_121 : memref<160x128xf32, #tpu.memory_space<vmem_shared>>)
      tpu.yield
    }) : () -> ()
    %mul3A_20 = arith.constant 640 : i32
    %mul3A_21 = arith.muli %arg1, %mul3A_20 : i32
    %add3A_22 = arith.constant 480 : i32
    %add3A_23 = arith.addi %mul3A_21, %add3A_22 : i32
    "tpu.region"() ({
      %run_scoped3A = tpu.sem_alloc : memref<!tpu.dma_semaphore, #tpu.memory_space<semaphore_mem>>
      %dma_start3A_114 = arith.constant 0 : i32
      %dma_start3A_115 = tpu.memref_slice %arg12[%add3A_23, %dma_start3A_114] : memref<10240x128xf32, #tpu.memory_space<vmem_shared>> -> memref<160x128xf32, #tpu.memory_space<vmem_shared>>
      %dma_start3A_116 = arith.constant 0 : i32
      %dma_start3A_117 = tpu.memref_slice %arg12[%add3A_23, %dma_start3A_116] : memref<10240x128xf32, #tpu.memory_space<vmem_shared>> -> memref<160x128xf32, #tpu.memory_space<vmem_shared>>
      tpu.enqueue_dma source(%arg10 : memref<160x128xf32, #tpu.memory_space<vmem>>) target(%dma_start3A_117 : memref<160x128xf32, #tpu.memory_space<vmem_shared>>) target_semaphore(%run_scoped3A : memref<!tpu.dma_semaphore, #tpu.memory_space<semaphore_mem>>)
      %dma_wait3A_118 = arith.constant 0 : i32
      %dma_wait3A_119 = tpu.memref_slice %arg12[%add3A_23, %dma_wait3A_118] : memref<10240x128xf32, #tpu.memory_space<vmem_shared>> -> memref<160x128xf32, #tpu.memory_space<vmem_shared>>
      %dma_wait3A_120 = arith.constant 0 : i32
      %dma_wait3A_121 = tpu.memref_slice %arg12[%add3A_23, %dma_wait3A_120] : memref<10240x128xf32, #tpu.memory_space<vmem_shared>> -> memref<160x128xf32, #tpu.memory_space<vmem_shared>>
      tpu.wait_dma2 semaphore(%run_scoped3A : memref<!tpu.dma_semaphore, #tpu.memory_space<semaphore_mem>>) src(%arg10 : memref<160x128xf32, #tpu.memory_space<vmem>>) dst(%dma_wait3A_121 : memref<160x128xf32, #tpu.memory_space<vmem_shared>>)
      tpu.yield
    }) : () -> ()
    %barrier3A = arith.constant 0 : index
    tpu.barrier barrier_id(%barrier3A)
    %dma_start3A = arith.constant 0 : i32
    %dma_start3A_24 = arith.constant 0 : i32
    %dma_start3A_25 = tpu.memref_slice %arg2[%add3A, %dma_start3A, %dma_start3A_24] : memref<32x128x160xi32, #tpu.memory_space<hbm>> -> memref<1x1x160xi32, #tpu.memory_space<hbm>>
    %dma_start3A_26 = tpu.memref_squeeze %dma_start3A_25 : memref<1x1x160xi32, #tpu.memory_space<hbm>> -> memref<1x160xi32, #tpu.memory_space<hbm>>
    %dma_start3A_27 = arith.constant 0 : i32
    %dma_start3A_28 = arith.constant 0 : i32
    %dma_start3A_29 = tpu.memref_slice %arg2[%add3A, %dma_start3A_27, %dma_start3A_28] : memref<32x128x160xi32, #tpu.memory_space<hbm>> -> memref<1x1x160xi32, #tpu.memory_space<hbm>>
    %dma_start3A_30 = tpu.memref_squeeze %dma_start3A_29 : memref<1x1x160xi32, #tpu.memory_space<hbm>> -> memref<1x160xi32, #tpu.memory_space<hbm>>
    tpu.enqueue_dma source(%dma_start3A_30 : memref<1x160xi32, #tpu.memory_space<hbm>>) target(%arg6 : memref<1x160xi32, #tpu.memory_space<vmem>>) target_semaphore(%arg13 : memref<!tpu.dma_semaphore, #tpu.memory_space<semaphore_mem>>)
    %dma_start3A_31 = arith.constant 0 : i32
    %dma_start3A_32 = arith.constant 0 : i32
    %dma_start3A_33 = tpu.memref_slice %arg3[%add3A, %dma_start3A_31, %dma_start3A_32] : memref<32x128x160xi32, #tpu.memory_space<hbm>> -> memref<1x1x160xi32, #tpu.memory_space<hbm>>
    %dma_start3A_34 = tpu.memref_squeeze %dma_start3A_33 : memref<1x1x160xi32, #tpu.memory_space<hbm>> -> memref<1x160xi32, #tpu.memory_space<hbm>>
    %dma_start3A_35 = arith.constant 0 : i32
    %dma_start3A_36 = arith.constant 0 : i32
    %dma_start3A_37 = tpu.memref_slice %arg3[%add3A, %dma_start3A_35, %dma_start3A_36] : memref<32x128x160xi32, #tpu.memory_space<hbm>> -> memref<1x1x160xi32, #tpu.memory_space<hbm>>
    %dma_start3A_38 = tpu.memref_squeeze %dma_start3A_37 : memref<1x1x160xi32, #tpu.memory_space<hbm>> -> memref<1x160xi32, #tpu.memory_space<hbm>>
    tpu.enqueue_dma source(%dma_start3A_38 : memref<1x160xi32, #tpu.memory_space<hbm>>) target(%arg7 : memref<1x160xi32, #tpu.memory_space<vmem>>) target_semaphore(%arg13 : memref<!tpu.dma_semaphore, #tpu.memory_space<semaphore_mem>>)
    %dma_start3A_39 = arith.constant 1 : i32
    %dma_start3A_40 = arith.constant 0 : i32
    %dma_start3A_41 = tpu.memref_slice %arg2[%add3A, %dma_start3A_39, %dma_start3A_40] : memref<32x128x160xi32, #tpu.memory_space<hbm>> -> memref<1x1x160xi32, #tpu.memory_space<hbm>>
    %dma_start3A_42 = tpu.memref_squeeze %dma_start3A_41 : memref<1x1x160xi32, #tpu.memory_space<hbm>> -> memref<1x160xi32, #tpu.memory_space<hbm>>
    %dma_start3A_43 = arith.constant 1 : i32
    %dma_start3A_44 = arith.constant 0 : i32
    %dma_start3A_45 = tpu.memref_slice %arg2[%add3A, %dma_start3A_43, %dma_start3A_44] : memref<32x128x160xi32, #tpu.memory_space<hbm>> -> memref<1x1x160xi32, #tpu.memory_space<hbm>>
    %dma_start3A_46 = tpu.memref_squeeze %dma_start3A_45 : memref<1x1x160xi32, #tpu.memory_space<hbm>> -> memref<1x160xi32, #tpu.memory_space<hbm>>
    tpu.enqueue_dma source(%dma_start3A_46 : memref<1x160xi32, #tpu.memory_space<hbm>>) target(%arg8 : memref<1x160xi32, #tpu.memory_space<vmem>>) target_semaphore(%arg14 : memref<!tpu.dma_semaphore, #tpu.memory_space<semaphore_mem>>)
    %dma_start3A_47 = arith.constant 1 : i32
    %dma_start3A_48 = arith.constant 0 : i32
    %dma_start3A_49 = tpu.memref_slice %arg3[%add3A, %dma_start3A_47, %dma_start3A_48] : memref<32x128x160xi32, #tpu.memory_space<hbm>> -> memref<1x1x160xi32, #tpu.memory_space<hbm>>
    %dma_start3A_50 = tpu.memref_squeeze %dma_start3A_49 : memref<1x1x160xi32, #tpu.memory_space<hbm>> -> memref<1x160xi32, #tpu.memory_space<hbm>>
    %dma_start3A_51 = arith.constant 1 : i32
    %dma_start3A_52 = arith.constant 0 : i32
    %dma_start3A_53 = tpu.memref_slice %arg3[%add3A, %dma_start3A_51, %dma_start3A_52] : memref<32x128x160xi32, #tpu.memory_space<hbm>> -> memref<1x1x160xi32, #tpu.memory_space<hbm>>
    %dma_start3A_54 = tpu.memref_squeeze %dma_start3A_53 : memref<1x1x160xi32, #tpu.memory_space<hbm>> -> memref<1x160xi32, #tpu.memory_space<hbm>>
    tpu.enqueue_dma source(%dma_start3A_54 : memref<1x160xi32, #tpu.memory_space<hbm>>) target(%arg9 : memref<1x160xi32, #tpu.memory_space<vmem>>) target_semaphore(%arg14 : memref<!tpu.dma_semaphore, #tpu.memory_space<semaphore_mem>>)
    %dma_wait3A = arith.constant 0 : i32
    %dma_wait3A_55 = arith.constant 0 : i32
    %dma_wait3A_56 = tpu.memref_slice %arg2[%add3A, %dma_wait3A, %dma_wait3A_55] : memref<32x128x160xi32, #tpu.memory_space<hbm>> -> memref<1x1x160xi32, #tpu.memory_space<hbm>>
    %dma_wait3A_57 = tpu.memref_squeeze %dma_wait3A_56 : memref<1x1x160xi32, #tpu.memory_space<hbm>> -> memref<1x160xi32, #tpu.memory_space<hbm>>
    %dma_wait3A_58 = arith.constant 0 : i32
    %dma_wait3A_59 = arith.constant 0 : i32
    %dma_wait3A_60 = tpu.memref_slice %arg2[%add3A, %dma_wait3A_58, %dma_wait3A_59] : memref<32x128x160xi32, #tpu.memory_space<hbm>> -> memref<1x1x160xi32, #tpu.memory_space<hbm>>
    %dma_wait3A_61 = tpu.memref_squeeze %dma_wait3A_60 : memref<1x1x160xi32, #tpu.memory_space<hbm>> -> memref<1x160xi32, #tpu.memory_space<hbm>>
    tpu.wait_dma2 semaphore(%arg13 : memref<!tpu.dma_semaphore, #tpu.memory_space<semaphore_mem>>) src(%dma_wait3A_61 : memref<1x160xi32, #tpu.memory_space<hbm>>) dst(%arg6 : memref<1x160xi32, #tpu.memory_space<vmem>>)
    %dma_wait3A_62 = arith.constant 0 : i32
    %dma_wait3A_63 = arith.constant 0 : i32
    %dma_wait3A_64 = tpu.memref_slice %arg3[%add3A, %dma_wait3A_62, %dma_wait3A_63] : memref<32x128x160xi32, #tpu.memory_space<hbm>> -> memref<1x1x160xi32, #tpu.memory_space<hbm>>
    %dma_wait3A_65 = tpu.memref_squeeze %dma_wait3A_64 : memref<1x1x160xi32, #tpu.memory_space<hbm>> -> memref<1x160xi32, #tpu.memory_space<hbm>>
    %dma_wait3A_66 = arith.constant 0 : i32
    %dma_wait3A_67 = arith.constant 0 : i32
    %dma_wait3A_68 = tpu.memref_slice %arg3[%add3A, %dma_wait3A_66, %dma_wait3A_67] : memref<32x128x160xi32, #tpu.memory_space<hbm>> -> memref<1x1x160xi32, #tpu.memory_space<hbm>>
    %dma_wait3A_69 = tpu.memref_squeeze %dma_wait3A_68 : memref<1x1x160xi32, #tpu.memory_space<hbm>> -> memref<1x160xi32, #tpu.memory_space<hbm>>
    tpu.wait_dma2 semaphore(%arg13 : memref<!tpu.dma_semaphore, #tpu.memory_space<semaphore_mem>>) src(%dma_wait3A_69 : memref<1x160xi32, #tpu.memory_space<hbm>>) dst(%arg7 : memref<1x160xi32, #tpu.memory_space<vmem>>)
    %dma_start3A_70 = arith.constant 0 : i32
    %dma_start3A_71 = arith.constant 0 : i32
    %dma_start3A_72 = tpu.memref_slice %arg6[%dma_start3A_70, %dma_start3A_71] : memref<1x160xi32, #tpu.memory_space<vmem>> -> memref<1x160xi32, #tpu.memory_space<vmem>>
    %dma_start3A_73 = tpu.memref_squeeze %dma_start3A_72 : memref<1x160xi32, #tpu.memory_space<vmem>> -> memref<160xi32, #tpu.memory_space<vmem>>
    %dma_start3A_74 = arith.constant 0 : i32
    %dma_start3A_75 = arith.constant 0 : i32
    %dma_start3A_76 = tpu.memref_slice %arg4[%dma_start3A_74, %dma_start3A_75] : memref<20480x128xf32, #tpu.memory_space<hbm>> -> memref<20480x128xf32, #tpu.memory_space<hbm>>
    tpu.enqueue_indirect_dma source(%dma_start3A_76 : memref<20480x128xf32, #tpu.memory_space<hbm>>) target(%arg10 : memref<160x128xf32, #tpu.memory_space<vmem>>) offsets(%dma_start3A_73 : memref<160xi32, #tpu.memory_space<vmem>>) semaphore(%arg15 : memref<!tpu.dma_semaphore, #tpu.memory_space<semaphore_mem>>)
    %scan3A_77 = arith.constant 0 : i32
    %scan3A_78 = arith.constant 0 : i32
    %scan3A_79 = arith.constant 63 : i32
    %scan3A_80 = arith.addi %scan3A_78, %scan3A_79 : i32
    %scan3A_81 = arith.constant 1 : i32
    %scan3A_82 = scf.for %scan3A_114 = %scan3A_78 to %scan3A_80 step %scan3A_81 iter_args(%scan3A_115 = %scan3A_77) -> (i32)  : i32 {
      %mul3A_116 = arith.constant 2 : i32
      %mul3A_117 = arith.muli %mul3A_116, %scan3A_114 : i32
      %add3A_118 = arith.constant 1 : i32
      %add3A_119 = arith.addi %mul3A_117, %add3A_118 : i32
      %dma_wait3A_120 = arith.constant 0 : i32
      %dma_wait3A_121 = tpu.memref_slice %arg2[%add3A, %add3A_119, %dma_wait3A_120] : memref<32x128x160xi32, #tpu.memory_space<hbm>> -> memref<1x1x160xi32, #tpu.memory_space<hbm>>
      %dma_wait3A_122 = tpu.memref_squeeze %dma_wait3A_121 : memref<1x1x160xi32, #tpu.memory_space<hbm>> -> memref<1x160xi32, #tpu.memory_space<hbm>>
      %dma_wait3A_123 = arith.constant 0 : i32
      %dma_wait3A_124 = tpu.memref_slice %arg2[%add3A, %add3A_119, %dma_wait3A_123] : memref<32x128x160xi32, #tpu.memory_space<hbm>> -> memref<1x1x160xi32, #tpu.memory_space<hbm>>
      %dma_wait3A_125 = tpu.memref_squeeze %dma_wait3A_124 : memref<1x1x160xi32, #tpu.memory_space<hbm>> -> memref<1x160xi32, #tpu.memory_space<hbm>>
      tpu.wait_dma2 semaphore(%arg14 : memref<!tpu.dma_semaphore, #tpu.memory_space<semaphore_mem>>) src(%dma_wait3A_125 : memref<1x160xi32, #tpu.memory_space<hbm>>) dst(%arg8 : memref<1x160xi32, #tpu.memory_space<vmem>>)
      %dma_wait3A_126 = arith.constant 0 : i32
      %dma_wait3A_127 = tpu.memref_slice %arg3[%add3A, %add3A_119, %dma_wait3A_126] : memref<32x128x160xi32, #tpu.memory_space<hbm>> -> memref<1x1x160xi32, #tpu.memory_space<hbm>>
      %dma_wait3A_128 = tpu.memref_squeeze %dma_wait3A_127 : memref<1x1x160xi32, #tpu.memory_space<hbm>> -> memref<1x160xi32, #tpu.memory_space<hbm>>
      %dma_wait3A_129 = arith.constant 0 : i32
      %dma_wait3A_130 = tpu.memref_slice %arg3[%add3A, %add3A_119, %dma_wait3A_129] : memref<32x128x160xi32, #tpu.memory_space<hbm>> -> memref<1x1x160xi32, #tpu.memory_space<hbm>>
      %dma_wait3A_131 = tpu.memref_squeeze %dma_wait3A_130 : memref<1x1x160xi32, #tpu.memory_space<hbm>> -> memref<1x160xi32, #tpu.memory_space<hbm>>
      tpu.wait_dma2 semaphore(%arg14 : memref<!tpu.dma_semaphore, #tpu.memory_space<semaphore_mem>>) src(%dma_wait3A_131 : memref<1x160xi32, #tpu.memory_space<hbm>>) dst(%arg9 : memref<1x160xi32, #tpu.memory_space<vmem>>)
      %dma_start3A_132 = arith.constant 0 : i32
      %dma_start3A_133 = arith.constant 0 : i32
      %dma_start3A_134 = tpu.memref_slice %arg8[%dma_start3A_132, %dma_start3A_133] : memref<1x160xi32, #tpu.memory_space<vmem>> -> memref<1x160xi32, #tpu.memory_space<vmem>>
      %dma_start3A_135 = tpu.memref_squeeze %dma_start3A_134 : memref<1x160xi32, #tpu.memory_space<vmem>> -> memref<160xi32, #tpu.memory_space<vmem>>
      %dma_start3A_136 = arith.constant 0 : i32
      %dma_start3A_137 = arith.constant 0 : i32
      %dma_start3A_138 = tpu.memref_slice %arg4[%dma_start3A_136, %dma_start3A_137] : memref<20480x128xf32, #tpu.memory_space<hbm>> -> memref<20480x128xf32, #tpu.memory_space<hbm>>
      tpu.enqueue_indirect_dma source(%dma_start3A_138 : memref<20480x128xf32, #tpu.memory_space<hbm>>) target(%arg11 : memref<160x128xf32, #tpu.memory_space<vmem>>) offsets(%dma_start3A_135 : memref<160xi32, #tpu.memory_space<vmem>>) semaphore(%arg16 : memref<!tpu.dma_semaphore, #tpu.memory_space<semaphore_mem>>)
      %dma_wait3A_139 = arith.constant 0 : i32
      %dma_wait3A_140 = arith.constant 0 : i32
      %dma_wait3A_141 = tpu.memref_slice %arg4[%dma_wait3A_139, %dma_wait3A_140] : memref<20480x128xf32, #tpu.memory_space<hbm>> -> memref<160x128xf32, #tpu.memory_space<hbm>>
      %dma_wait3A_142 = arith.constant 0 : i32
      %dma_wait3A_143 = arith.constant 0 : i32
      %dma_wait3A_144 = tpu.memref_slice %arg4[%dma_wait3A_142, %dma_wait3A_143] : memref<20480x128xf32, #tpu.memory_space<hbm>> -> memref<160x128xf32, #tpu.memory_space<hbm>>
      tpu.wait_dma2 semaphore(%arg15 : memref<!tpu.dma_semaphore, #tpu.memory_space<semaphore_mem>>) src(%dma_wait3A_144 : memref<160x128xf32, #tpu.memory_space<hbm>>) dst(%arg10 : memref<160x128xf32, #tpu.memory_space<vmem>>)
      %run_scoped3A = arith.constant 0 : i32
      "tpu.region"() ({
        %run_scoped3A_202 = tpu.sem_alloc : memref<!tpu.dma_semaphore, #tpu.memory_space<semaphore_mem>>
        %dma_start3A_203 = arith.constant 0 : i32
        %dma_start3A_204 = tpu.memref_slice %arg7[%run_scoped3A, %dma_start3A_203] : memref<1x160xi32, #tpu.memory_space<vmem>> -> memref<1x160xi32, #tpu.memory_space<vmem>>
        %dma_start3A_205 = tpu.memref_squeeze %dma_start3A_204 : memref<1x160xi32, #tpu.memory_space<vmem>> -> memref<160xi32, #tpu.memory_space<vmem>>
        %dma_start3A_206 = arith.constant 0 : i32
        %dma_start3A_207 = arith.constant 0 : i32
        %dma_start3A_208 = tpu.memref_slice %arg12[%dma_start3A_206, %dma_start3A_207] : memref<10240x128xf32, #tpu.memory_space<vmem_shared>> -> memref<10240x128xf32, #tpu.memory_space<vmem_shared>>
        tpu.enqueue_indirect_dma source(%arg10 : memref<160x128xf32, #tpu.memory_space<vmem>>) target(%dma_start3A_208 : memref<10240x128xf32, #tpu.memory_space<vmem_shared>>) offsets(%dma_start3A_205 : memref<160xi32, #tpu.memory_space<vmem>>) semaphore(%run_scoped3A_202 : memref<!tpu.dma_semaphore, #tpu.memory_space<semaphore_mem>>) {add = true}
        %dma_wait3A_209 = arith.constant 0 : i32
        %dma_wait3A_210 = tpu.memref_slice %arg7[%run_scoped3A, %dma_wait3A_209] : memref<1x160xi32, #tpu.memory_space<vmem>> -> memref<1x160xi32, #tpu.memory_space<vmem>>
        %dma_wait3A_211 = tpu.memref_squeeze %dma_wait3A_210 : memref<1x160xi32, #tpu.memory_space<vmem>> -> memref<160xi32, #tpu.memory_space<vmem>>
        %dma_wait3A_212 = arith.constant 0 : i32
        %dma_wait3A_213 = arith.constant 0 : i32
        %dma_wait3A_214 = tpu.memref_slice %arg12[%dma_wait3A_212, %dma_wait3A_213] : memref<10240x128xf32, #tpu.memory_space<vmem_shared>> -> memref<10240x128xf32, #tpu.memory_space<vmem_shared>>
        tpu.wait_indirect_dma semaphore(%run_scoped3A_202 : memref<!tpu.dma_semaphore, #tpu.memory_space<semaphore_mem>>) src(%arg10 : memref<160x128xf32, #tpu.memory_space<vmem>>) dst(%dma_wait3A_214 : memref<10240x128xf32, #tpu.memory_space<vmem_shared>>)
        tpu.yield
      }) : () -> ()
      %add3A_145 = arith.constant 2 : i32
      %add3A_146 = arith.addi %mul3A_117, %add3A_145 : i32
      %dma_start3A_147 = arith.constant 0 : i32
      %dma_start3A_148 = tpu.memref_slice %arg2[%add3A, %add3A_146, %dma_start3A_147] : memref<32x128x160xi32, #tpu.memory_space<hbm>> -> memref<1x1x160xi32, #tpu.memory_space<hbm>>
      %dma_start3A_149 = tpu.memref_squeeze %dma_start3A_148 : memref<1x1x160xi32, #tpu.memory_space<hbm>> -> memref<1x160xi32, #tpu.memory_space<hbm>>
      %dma_start3A_150 = arith.constant 0 : i32
      %dma_start3A_151 = tpu.memref_slice %arg2[%add3A, %add3A_146, %dma_start3A_150] : memref<32x128x160xi32, #tpu.memory_space<hbm>> -> memref<1x1x160xi32, #tpu.memory_space<hbm>>
      %dma_start3A_152 = tpu.memref_squeeze %dma_start3A_151 : memref<1x1x160xi32, #tpu.memory_space<hbm>> -> memref<1x160xi32, #tpu.memory_space<hbm>>
      tpu.enqueue_dma source(%dma_start3A_152 : memref<1x160xi32, #tpu.memory_space<hbm>>) target(%arg6 : memref<1x160xi32, #tpu.memory_space<vmem>>) target_semaphore(%arg13 : memref<!tpu.dma_semaphore, #tpu.memory_space<semaphore_mem>>)
      %dma_start3A_153 = arith.constant 0 : i32
      %dma_start3A_154 = tpu.memref_slice %arg3[%add3A, %add3A_146, %dma_start3A_153] : memref<32x128x160xi32, #tpu.memory_space<hbm>> -> memref<1x1x160xi32, #tpu.memory_space<hbm>>
      %dma_start3A_155 = tpu.memref_squeeze %dma_start3A_154 : memref<1x1x160xi32, #tpu.memory_space<hbm>> -> memref<1x160xi32, #tpu.memory_space<hbm>>
      %dma_start3A_156 = arith.constant 0 : i32
      %dma_start3A_157 = tpu.memref_slice %arg3[%add3A, %add3A_146, %dma_start3A_156] : memref<32x128x160xi32, #tpu.memory_space<hbm>> -> memref<1x1x160xi32, #tpu.memory_space<hbm>>
      %dma_start3A_158 = tpu.memref_squeeze %dma_start3A_157 : memref<1x1x160xi32, #tpu.memory_space<hbm>> -> memref<1x160xi32, #tpu.memory_space<hbm>>
      tpu.enqueue_dma source(%dma_start3A_158 : memref<1x160xi32, #tpu.memory_space<hbm>>) target(%arg7 : memref<1x160xi32, #tpu.memory_space<vmem>>) target_semaphore(%arg13 : memref<!tpu.dma_semaphore, #tpu.memory_space<semaphore_mem>>)
      %dma_wait3A_159 = arith.constant 0 : i32
      %dma_wait3A_160 = arith.constant 0 : i32
      %dma_wait3A_161 = tpu.memref_slice %arg4[%dma_wait3A_159, %dma_wait3A_160] : memref<20480x128xf32, #tpu.memory_space<hbm>> -> memref<160x128xf32, #tpu.memory_space<hbm>>
      %dma_wait3A_162 = arith.constant 0 : i32
      %dma_wait3A_163 = arith.constant 0 : i32
      %dma_wait3A_164 = tpu.memref_slice %arg4[%dma_wait3A_162, %dma_wait3A_163] : memref<20480x128xf32, #tpu.memory_space<hbm>> -> memref<160x128xf32, #tpu.memory_space<hbm>>
      tpu.wait_dma2 semaphore(%arg16 : memref<!tpu.dma_semaphore, #tpu.memory_space<semaphore_mem>>) src(%dma_wait3A_164 : memref<160x128xf32, #tpu.memory_space<hbm>>) dst(%arg11 : memref<160x128xf32, #tpu.memory_space<vmem>>)
      %run_scoped3A_165 = arith.constant 0 : i32
      "tpu.region"() ({
        %run_scoped3A_202 = tpu.sem_alloc : memref<!tpu.dma_semaphore, #tpu.memory_space<semaphore_mem>>
        %dma_start3A_203 = arith.constant 0 : i32
        %dma_start3A_204 = tpu.memref_slice %arg9[%run_scoped3A_165, %dma_start3A_203] : memref<1x160xi32, #tpu.memory_space<vmem>> -> memref<1x160xi32, #tpu.memory_space<vmem>>
        %dma_start3A_205 = tpu.memref_squeeze %dma_start3A_204 : memref<1x160xi32, #tpu.memory_space<vmem>> -> memref<160xi32, #tpu.memory_space<vmem>>
        %dma_start3A_206 = arith.constant 0 : i32
        %dma_start3A_207 = arith.constant 0 : i32
        %dma_start3A_208 = tpu.memref_slice %arg12[%dma_start3A_206, %dma_start3A_207] : memref<10240x128xf32, #tpu.memory_space<vmem_shared>> -> memref<10240x128xf32, #tpu.memory_space<vmem_shared>>
        tpu.enqueue_indirect_dma source(%arg11 : memref<160x128xf32, #tpu.memory_space<vmem>>) target(%dma_start3A_208 : memref<10240x128xf32, #tpu.memory_space<vmem_shared>>) offsets(%dma_start3A_205 : memref<160xi32, #tpu.memory_space<vmem>>) semaphore(%run_scoped3A_202 : memref<!tpu.dma_semaphore, #tpu.memory_space<semaphore_mem>>) {add = true}
        %dma_wait3A_209 = arith.constant 0 : i32
        %dma_wait3A_210 = tpu.memref_slice %arg9[%run_scoped3A_165, %dma_wait3A_209] : memref<1x160xi32, #tpu.memory_space<vmem>> -> memref<1x160xi32, #tpu.memory_space<vmem>>
        %dma_wait3A_211 = tpu.memref_squeeze %dma_wait3A_210 : memref<1x160xi32, #tpu.memory_space<vmem>> -> memref<160xi32, #tpu.memory_space<vmem>>
        %dma_wait3A_212 = arith.constant 0 : i32
        %dma_wait3A_213 = arith.constant 0 : i32
        %dma_wait3A_214 = tpu.memref_slice %arg12[%dma_wait3A_212, %dma_wait3A_213] : memref<10240x128xf32, #tpu.memory_space<vmem_shared>> -> memref<10240x128xf32, #tpu.memory_space<vmem_shared>>
        tpu.wait_indirect_dma semaphore(%run_scoped3A_202 : memref<!tpu.dma_semaphore, #tpu.memory_space<semaphore_mem>>) src(%arg11 : memref<160x128xf32, #tpu.memory_space<vmem>>) dst(%dma_wait3A_214 : memref<10240x128xf32, #tpu.memory_space<vmem_shared>>)
        tpu.yield
      }) : () -> ()
      %add3A_166 = arith.constant 3 : i32
      %add3A_167 = arith.addi %mul3A_117, %add3A_166 : i32
      %dma_start3A_168 = arith.constant 0 : i32
      %dma_start3A_169 = tpu.memref_slice %arg2[%add3A, %add3A_167, %dma_start3A_168] : memref<32x128x160xi32, #tpu.memory_space<hbm>> -> memref<1x1x160xi32, #tpu.memory_space<hbm>>
      %dma_start3A_170 = tpu.memref_squeeze %dma_start3A_169 : memref<1x1x160xi32, #tpu.memory_space<hbm>> -> memref<1x160xi32, #tpu.memory_space<hbm>>
      %dma_start3A_171 = arith.constant 0 : i32
      %dma_start3A_172 = tpu.memref_slice %arg2[%add3A, %add3A_167, %dma_start3A_171] : memref<32x128x160xi32, #tpu.memory_space<hbm>> -> memref<1x1x160xi32, #tpu.memory_space<hbm>>
      %dma_start3A_173 = tpu.memref_squeeze %dma_start3A_172 : memref<1x1x160xi32, #tpu.memory_space<hbm>> -> memref<1x160xi32, #tpu.memory_space<hbm>>
      tpu.enqueue_dma source(%dma_start3A_173 : memref<1x160xi32, #tpu.memory_space<hbm>>) target(%arg8 : memref<1x160xi32, #tpu.memory_space<vmem>>) target_semaphore(%arg14 : memref<!tpu.dma_semaphore, #tpu.memory_space<semaphore_mem>>)
      %dma_start3A_174 = arith.constant 0 : i32
      %dma_start3A_175 = tpu.memref_slice %arg3[%add3A, %add3A_167, %dma_start3A_174] : memref<32x128x160xi32, #tpu.memory_space<hbm>> -> memref<1x1x160xi32, #tpu.memory_space<hbm>>
      %dma_start3A_176 = tpu.memref_squeeze %dma_start3A_175 : memref<1x1x160xi32, #tpu.memory_space<hbm>> -> memref<1x160xi32, #tpu.memory_space<hbm>>
      %dma_start3A_177 = arith.constant 0 : i32
      %dma_start3A_178 = tpu.memref_slice %arg3[%add3A, %add3A_167, %dma_start3A_177] : memref<32x128x160xi32, #tpu.memory_space<hbm>> -> memref<1x1x160xi32, #tpu.memory_space<hbm>>
      %dma_start3A_179 = tpu.memref_squeeze %dma_start3A_178 : memref<1x1x160xi32, #tpu.memory_space<hbm>> -> memref<1x160xi32, #tpu.memory_space<hbm>>
      tpu.enqueue_dma source(%dma_start3A_179 : memref<1x160xi32, #tpu.memory_space<hbm>>) target(%arg9 : memref<1x160xi32, #tpu.memory_space<vmem>>) target_semaphore(%arg14 : memref<!tpu.dma_semaphore, #tpu.memory_space<semaphore_mem>>)
      %add3A_180 = arith.constant 2 : i32
      %add3A_181 = arith.addi %mul3A_117, %add3A_180 : i32
      %dma_wait3A_182 = arith.constant 0 : i32
      %dma_wait3A_183 = tpu.memref_slice %arg2[%add3A, %add3A_181, %dma_wait3A_182] : memref<32x128x160xi32, #tpu.memory_space<hbm>> -> memref<1x1x160xi32, #tpu.memory_space<hbm>>
      %dma_wait3A_184 = tpu.memref_squeeze %dma_wait3A_183 : memref<1x1x160xi32, #tpu.memory_space<hbm>> -> memref<1x160xi32, #tpu.memory_space<hbm>>
      %dma_wait3A_185 = arith.constant 0 : i32
      %dma_wait3A_186 = tpu.memref_slice %arg2[%add3A, %add3A_181, %dma_wait3A_185] : memref<32x128x160xi32, #tpu.memory_space<hbm>> -> memref<1x1x160xi32, #tpu.memory_space<hbm>>
      %dma_wait3A_187 = tpu.memref_squeeze %dma_wait3A_186 : memref<1x1x160xi32, #tpu.memory_space<hbm>> -> memref<1x160xi32, #tpu.memory_space<hbm>>
      tpu.wait_dma2 semaphore(%arg13 : memref<!tpu.dma_semaphore, #tpu.memory_space<semaphore_mem>>) src(%dma_wait3A_187 : memref<1x160xi32, #tpu.memory_space<hbm>>) dst(%arg6 : memref<1x160xi32, #tpu.memory_space<vmem>>)
      %dma_wait3A_188 = arith.constant 0 : i32
      %dma_wait3A_189 = tpu.memref_slice %arg3[%add3A, %add3A_181, %dma_wait3A_188] : memref<32x128x160xi32, #tpu.memory_space<hbm>> -> memref<1x1x160xi32, #tpu.memory_space<hbm>>
      %dma_wait3A_190 = tpu.memref_squeeze %dma_wait3A_189 : memref<1x1x160xi32, #tpu.memory_space<hbm>> -> memref<1x160xi32, #tpu.memory_space<hbm>>
      %dma_wait3A_191 = arith.constant 0 : i32
      %dma_wait3A_192 = tpu.memref_slice %arg3[%add3A, %add3A_181, %dma_wait3A_191] : memref<32x128x160xi32, #tpu.memory_space<hbm>> -> memref<1x1x160xi32, #tpu.memory_space<hbm>>
      %dma_wait3A_193 = tpu.memref_squeeze %dma_wait3A_192 : memref<1x1x160xi32, #tpu.memory_space<hbm>> -> memref<1x160xi32, #tpu.memory_space<hbm>>
      tpu.wait_dma2 semaphore(%arg13 : memref<!tpu.dma_semaphore, #tpu.memory_space<semaphore_mem>>) src(%dma_wait3A_193 : memref<1x160xi32, #tpu.memory_space<hbm>>) dst(%arg7 : memref<1x160xi32, #tpu.memory_space<vmem>>)
      %dma_start3A_194 = arith.constant 0 : i32
      %dma_start3A_195 = arith.constant 0 : i32
      %dma_start3A_196 = tpu.memref_slice %arg6[%dma_start3A_194, %dma_start3A_195] : memref<1x160xi32, #tpu.memory_space<vmem>> -> memref<1x160xi32, #tpu.memory_space<vmem>>
      %dma_start3A_197 = tpu.memref_squeeze %dma_start3A_196 : memref<1x160xi32, #tpu.memory_space<vmem>> -> memref<160xi32, #tpu.memory_space<vmem>>
      %dma_start3A_198 = arith.constant 0 : i32
      %dma_start3A_199 = arith.constant 0 : i32
      %dma_start3A_200 = tpu.memref_slice %arg4[%dma_start3A_198, %dma_start3A_199] : memref<20480x128xf32, #tpu.memory_space<hbm>> -> memref<20480x128xf32, #tpu.memory_space<hbm>>
      tpu.enqueue_indirect_dma source(%dma_start3A_200 : memref<20480x128xf32, #tpu.memory_space<hbm>>) target(%arg10 : memref<160x128xf32, #tpu.memory_space<vmem>>) offsets(%dma_start3A_197 : memref<160xi32, #tpu.memory_space<vmem>>) semaphore(%arg15 : memref<!tpu.dma_semaphore, #tpu.memory_space<semaphore_mem>>)
      %scan3A_201 = arith.constant 0 : i32
      scf.yield %scan3A_201 : i32
    }
    %scan3A_83 = arith.constant 63 : i32
    %dma_wait3A_84 = arith.constant 0 : i32
    %dma_wait3A_85 = arith.constant 0 : i32
    %dma_wait3A_86 = tpu.memref_slice %arg4[%dma_wait3A_84, %dma_wait3A_85] : memref<20480x128xf32, #tpu.memory_space<hbm>> -> memref<160x128xf32, #tpu.memory_space<hbm>>
    %dma_wait3A_87 = arith.constant 0 : i32
    %dma_wait3A_88 = arith.constant 0 : i32
    %dma_wait3A_89 = tpu.memref_slice %arg4[%dma_wait3A_87, %dma_wait3A_88] : memref<20480x128xf32, #tpu.memory_space<hbm>> -> memref<160x128xf32, #tpu.memory_space<hbm>>
    tpu.wait_dma2 semaphore(%arg15 : memref<!tpu.dma_semaphore, #tpu.memory_space<semaphore_mem>>) src(%dma_wait3A_89 : memref<160x128xf32, #tpu.memory_space<hbm>>) dst(%arg10 : memref<160x128xf32, #tpu.memory_space<vmem>>)
    %dma_wait3A_90 = arith.constant 127 : i32
    %dma_wait3A_91 = arith.constant 0 : i32
    %dma_wait3A_92 = tpu.memref_slice %arg2[%add3A, %dma_wait3A_90, %dma_wait3A_91] : memref<32x128x160xi32, #tpu.memory_space<hbm>> -> memref<1x1x160xi32, #tpu.memory_space<hbm>>
    %dma_wait3A_93 = tpu.memref_squeeze %dma_wait3A_92 : memref<1x1x160xi32, #tpu.memory_space<hbm>> -> memref<1x160xi32, #tpu.memory_space<hbm>>
    %dma_wait3A_94 = arith.constant 127 : i32
    %dma_wait3A_95 = arith.constant 0 : i32
    %dma_wait3A_96 = tpu.memref_slice %arg2[%add3A, %dma_wait3A_94, %dma_wait3A_95] : memref<32x128x160xi32, #tpu.memory_space<hbm>> -> memref<1x1x160xi32, #tpu.memory_space<hbm>>
    %dma_wait3A_97 = tpu.memref_squeeze %dma_wait3A_96 : memref<1x1x160xi32, #tpu.memory_space<hbm>> -> memref<1x160xi32, #tpu.memory_space<hbm>>
    tpu.wait_dma2 semaphore(%arg14 : memref<!tpu.dma_semaphore, #tpu.memory_space<semaphore_mem>>) src(%dma_wait3A_97 : memref<1x160xi32, #tpu.memory_space<hbm>>) dst(%arg8 : memref<1x160xi32, #tpu.memory_space<vmem>>)
    %dma_wait3A_98 = arith.constant 127 : i32
    %dma_wait3A_99 = arith.constant 0 : i32
    %dma_wait3A_100 = tpu.memref_slice %arg3[%add3A, %dma_wait3A_98, %dma_wait3A_99] : memref<32x128x160xi32, #tpu.memory_space<hbm>> -> memref<1x1x160xi32, #tpu.memory_space<hbm>>
    %dma_wait3A_101 = tpu.memref_squeeze %dma_wait3A_100 : memref<1x1x160xi32, #tpu.memory_space<hbm>> -> memref<1x160xi32, #tpu.memory_space<hbm>>
    %dma_wait3A_102 = arith.constant 127 : i32
    %dma_wait3A_103 = arith.constant 0 : i32
    %dma_wait3A_104 = tpu.memref_slice %arg3[%add3A, %dma_wait3A_102, %dma_wait3A_103] : memref<32x128x160xi32, #tpu.memory_space<hbm>> -> memref<1x1x160xi32, #tpu.memory_space<hbm>>
    %dma_wait3A_105 = tpu.memref_squeeze %dma_wait3A_104 : memref<1x1x160xi32, #tpu.memory_space<hbm>> -> memref<1x160xi32, #tpu.memory_space<hbm>>
    tpu.wait_dma2 semaphore(%arg14 : memref<!tpu.dma_semaphore, #tpu.memory_space<semaphore_mem>>) src(%dma_wait3A_105 : memref<1x160xi32, #tpu.memory_space<hbm>>) dst(%arg9 : memref<1x160xi32, #tpu.memory_space<vmem>>)
    %barrier3A_106 = arith.constant 0 : index
    tpu.barrier barrier_id(%barrier3A_106)
    %mul3A_107 = arith.constant 640 : i32
    %mul3A_108 = arith.muli %arg1, %mul3A_107 : i32
    %mul3A_109 = arith.constant 10240 : i32
    %mul3A_110 = arith.muli %arg0, %mul3A_109 : i32
    %mul3A_111 = arith.constant 640 : i32
    %mul3A_112 = arith.muli %arg1, %mul3A_111 : i32
    %add3A_113 = arith.addi %mul3A_110, %mul3A_112 : i32
    "tpu.region"() ({
      %run_scoped3A = tpu.sem_alloc : memref<!tpu.dma_semaphore, #tpu.memory_space<semaphore_mem>>
      %dma_start3A_114 = arith.constant 0 : i32
      %dma_start3A_115 = tpu.memref_slice %arg5[%add3A_113, %dma_start3A_114] : memref<20480x128xf32, #tpu.memory_space<hbm>> -> memref<640x128xf32, #tpu.memory_space<hbm>>
      %dma_start3A_116 = arith.constant 0 : i32
      %dma_start3A_117 = tpu.memref_slice %arg12[%mul3A_108, %dma_start3A_116] : memref<10240x128xf32, #tpu.memory_space<vmem_shared>> -> memref<640x128xf32, #tpu.memory_space<vmem_shared>>
      tpu.enqueue_dma source(%dma_start3A_117 : memref<640x128xf32, #tpu.memory_space<vmem_shared>>) target(%dma_start3A_115 : memref<640x128xf32, #tpu.memory_space<hbm>>) target_semaphore(%run_scoped3A : memref<!tpu.dma_semaphore, #tpu.memory_space<semaphore_mem>>)
      %dma_wait3A_118 = arith.constant 0 : i32
      %dma_wait3A_119 = tpu.memref_slice %arg5[%add3A_113, %dma_wait3A_118] : memref<20480x128xf32, #tpu.memory_space<hbm>> -> memref<640x128xf32, #tpu.memory_space<hbm>>
      %dma_wait3A_120 = arith.constant 0 : i32
      %dma_wait3A_121 = tpu.memref_slice %arg12[%mul3A_108, %dma_wait3A_120] : memref<10240x128xf32, #tpu.memory_space<vmem_shared>> -> memref<640x128xf32, #tpu.memory_space<vmem_shared>>
      tpu.wait_dma2 semaphore(%run_scoped3A : memref<!tpu.dma_semaphore, #tpu.memory_space<semaphore_mem>>) src(%dma_wait3A_121 : memref<640x128xf32, #tpu.memory_space<vmem_shared>>) dst(%dma_wait3A_119 : memref<640x128xf32, #tpu.memory_space<hbm>>)
      tpu.yield
    }) : () -> ()
    return
  }
}

module attributes {stable_mosaic.version = 14 : i64} {
  func.func @_tc_prep_body(%arg0: i32, %arg1: i32, %arg2: memref<1x2048x128xf32, #tpu.memory_space<vmem>>, %arg3: memref<1x16x2048xf32, #tpu.memory_space<vmem>>, %arg4: memref<128x128xf32, #tpu.memory_space<vmem>>, %arg5: memref<1x2048x128xf32, #tpu.memory_space<vmem>>, %arg6: memref<1x2048x128xf32, #tpu.memory_space<vmem>>) attributes {dimension_semantics = [#tpu.dimension_semantics<arbitrary>, #tpu.dimension_semantics<arbitrary>], iteration_bounds = array<i64: 2, 5>, scalar_prefetch = 0 : i64, scratch_operands = 0 : i64, tpu.core_type = #tpu.core_type<tc>, window_params = [{transform_indices = @transform_0, window_bounds = array<i64: 1, 2048, 128>}, {transform_indices = @transform_1, window_bounds = array<i64: 1, 16, 2048>}, {pipeline_mode = #tpu.pipeline_mode<synchronous>, transform_indices = @transform_2, window_bounds = array<i64: 128, 128>}, {transform_indices = @transform_3, window_bounds = array<i64: 1, 2048, 128>}, {transform_indices = @transform_4, window_bounds = array<i64: 1, 2048, 128>}]} {
    %get3A = arith.constant 0 : index
    %get3A_0 = arith.constant 0 : index
    %get3A_1 = arith.constant 0 : index
    %get3A_2 = vector.load %arg3[%get3A, %get3A_0, %get3A_1] : memref<1x16x2048xf32, #tpu.memory_space<vmem>>, vector<1x16x2048xf32>
    %get3A_3 = vector.shape_cast %get3A_2 : vector<1x16x2048xf32> to vector<16x2048xf32>
    %broadcast_in_dim3A = arith.constant 1.000000e+00 : f32
    %broadcast_in_dim3A_4 = vector.broadcast %broadcast_in_dim3A : f32 to vector<16x1xf32>
    %dot_general3A = arith.constant dense<0.000000e+00> : vector<2048x1xf32>
    %dot_general3A_5 = tpu.matmul %get3A_3, %broadcast_in_dim3A_4, %dot_general3A {dimension_numbers = #tpu.dot_dimension_numbers<[0], [0], [1], [1], [0, 1, 1, 1], [], []>, transpose_lhs_hint = false} : vector<16x2048xf32>, vector<16x1xf32>, vector<2048x1xf32> -> vector<2048x1xf32>
    %add3A = arith.constant 1.000000e+00 : f32
    %add3A_6 = vector.broadcast %add3A : f32 to vector<2048x1xf32>
    %add3A_7 = arith.addf %add3A_6, %dot_general3A_5 : vector<2048x1xf32>
    %rsqrt3A = math.rsqrt %add3A_7 : vector<2048x1xf32>
    %broadcast_in_dim3A_8 = vector.shape_cast %rsqrt3A : vector<2048x1xf32> to vector<2048x1xf32>
    %broadcast_in_dim3A_9 = vector.broadcast %broadcast_in_dim3A_8 : vector<2048x1xf32> to vector<2048x128xf32>
    %get3A_10 = arith.constant 0 : index
    %get3A_11 = arith.constant 0 : index
    %get3A_12 = arith.constant 0 : index
    %get3A_13 = vector.load %arg2[%get3A_10, %get3A_11, %get3A_12] : memref<1x2048x128xf32, #tpu.memory_space<vmem>>, vector<1x2048x128xf32>
    %get3A_14 = vector.shape_cast %get3A_13 : vector<1x2048x128xf32> to vector<2048x128xf32>
    %get3A_15 = arith.constant 0 : index
    %get3A_16 = arith.constant 0 : index
    %get3A_17 = vector.load %arg4[%get3A_15, %get3A_16] : memref<128x128xf32, #tpu.memory_space<vmem>>, vector<128x128xf32>
    %dot_general3A_18 = arith.constant dense<0.000000e+00> : vector<2048x128xf32>
    %dot_general3A_19 = tpu.matmul %get3A_14, %get3A_17, %dot_general3A_18 {dimension_numbers = #tpu.dot_dimension_numbers<[1], [1], [0], [0], [0, 0, 1, 0], [], []>, transpose_lhs_hint = false} : vector<2048x128xf32>, vector<128x128xf32>, vector<2048x128xf32> -> vector<2048x128xf32>
    %mul3A = arith.mulf %dot_general3A_19, %broadcast_in_dim3A_9 : vector<2048x128xf32>
    %swap3A = arith.constant 0 : index
    %swap3A_20 = arith.constant 0 : index
    %swap3A_21 = arith.constant 0 : index
    %swap3A_22 = vector.load %arg5[%swap3A, %swap3A_20, %swap3A_21] : memref<1x2048x128xf32, #tpu.memory_space<vmem>>, vector<1x2048x128xf32>
    %swap3A_23 = vector.shape_cast %swap3A_22 : vector<1x2048x128xf32> to vector<2048x128xf32>
    %swap3A_24 = vector.shape_cast %mul3A : vector<2048x128xf32> to vector<1x2048x128xf32>
    tpu.vector_store %arg5[%swap3A, %swap3A_20, %swap3A_21], %swap3A_24 {strides = array<i32>} : memref<1x2048x128xf32, #tpu.memory_space<vmem>>, vector<1x2048x128xf32>,
    %swap3A_25 = arith.constant 0 : index
    %swap3A_26 = arith.constant 0 : index
    %swap3A_27 = arith.constant 0 : index
    %swap3A_28 = vector.load %arg6[%swap3A_25, %swap3A_26, %swap3A_27] : memref<1x2048x128xf32, #tpu.memory_space<vmem>>, vector<1x2048x128xf32>
    %swap3A_29 = vector.shape_cast %swap3A_28 : vector<1x2048x128xf32> to vector<2048x128xf32>
    %swap3A_30 = vector.shape_cast %broadcast_in_dim3A_9 : vector<2048x128xf32> to vector<1x2048x128xf32>
    tpu.vector_store %arg6[%swap3A_25, %swap3A_26, %swap3A_27], %swap3A_30 {strides = array<i32>} : memref<1x2048x128xf32, #tpu.memory_space<vmem>>, vector<1x2048x128xf32>,
    return
  }
  func.func @transform_0(%arg0: i32, %arg1: i32) -> (i32, i32, i32) {
    %c0_i32 = arith.constant 0 : i32
    %c0_i32_0 = arith.constant 0 : i32
    return %arg0, %arg1, %c0_i32 : i32, i32, i32
  }
  func.func @transform_1(%arg0: i32, %arg1: i32) -> (i32, i32, i32) {
    %c0_i32 = arith.constant 0 : i32
    %c0_i32_0 = arith.constant 0 : i32
    return %arg0, %c0_i32, %arg1 : i32, i32, i32
  }
  func.func @transform_2(%arg0: i32, %arg1: i32) -> (i32, i32) {
    %c0_i32 = arith.constant 0 : i32
    %c0_i32_0 = arith.constant 0 : i32
    %c0_i32_1 = arith.constant 0 : i32
    return %c0_i32, %c0_i32_0 : i32, i32
  }
  func.func @transform_3(%arg0: i32, %arg1: i32) -> (i32, i32, i32) {
    %c0_i32 = arith.constant 0 : i32
    %c0_i32_0 = arith.constant 0 : i32
    return %arg0, %arg1, %c0_i32 : i32, i32, i32
  }
  func.func @transform_4(%arg0: i32, %arg1: i32) -> (i32, i32, i32) {
    %c0_i32 = arith.constant 0 : i32
    %c0_i32_0 = arith.constant 0 : i32
    return %arg0, %arg1, %c0_i32 : i32, i32, i32
  }
}

module attributes {stable_mosaic.version = 14 : i64} {
  func.func @_tc_mid_body(%arg0: i32, %arg1: i32, %arg2: memref<1x2048x128xf32, #tpu.memory_space<vmem>>, %arg3: memref<1x2048x128xf32, #tpu.memory_space<vmem>>, %arg4: memref<1x2048x128xf32, #tpu.memory_space<vmem>>, %arg5: memref<8x128xf32, #tpu.memory_space<vmem>>, %arg6: memref<128x128xf32, #tpu.memory_space<vmem>>, %arg7: memref<1x2048x128xf32, #tpu.memory_space<vmem>>) attributes {dimension_semantics = [#tpu.dimension_semantics<arbitrary>, #tpu.dimension_semantics<arbitrary>], iteration_bounds = array<i64: 2, 5>, scalar_prefetch = 0 : i64, scratch_operands = 0 : i64, tpu.core_type = #tpu.core_type<tc>, window_params = [{transform_indices = @transform_0, window_bounds = array<i64: 1, 2048, 128>}, {transform_indices = @transform_1, window_bounds = array<i64: 1, 2048, 128>}, {transform_indices = @transform_2, window_bounds = array<i64: 1, 2048, 128>}, {pipeline_mode = #tpu.pipeline_mode<synchronous>, transform_indices = @transform_3, window_bounds = array<i64: 8, 128>}, {pipeline_mode = #tpu.pipeline_mode<synchronous>, transform_indices = @transform_4, window_bounds = array<i64: 128, 128>}, {transform_indices = @transform_5, window_bounds = array<i64: 1, 2048, 128>}]} {
    %get3A = arith.constant 0 : index
    %get3A_0 = arith.constant 0 : index
    %get3A_1 = arith.constant 0 : index
    %get3A_2 = vector.load %arg4[%get3A, %get3A_0, %get3A_1] : memref<1x2048x128xf32, #tpu.memory_space<vmem>>, vector<1x2048x128xf32>
    %get3A_3 = vector.shape_cast %get3A_2 : vector<1x2048x128xf32> to vector<2048x128xf32>
    %get3A_4 = arith.constant 0 : index
    %get3A_5 = arith.constant 0 : index
    %get3A_6 = arith.constant 0 : index
    %get3A_7 = vector.load %arg2[%get3A_4, %get3A_5, %get3A_6] : memref<1x2048x128xf32, #tpu.memory_space<vmem>>, vector<1x2048x128xf32>
    %get3A_8 = vector.shape_cast %get3A_7 : vector<1x2048x128xf32> to vector<2048x128xf32>
    %get3A_9 = arith.constant 0 : index
    %get3A_10 = arith.constant 0 : index
    %get3A_11 = arith.constant 0 : index
    %get3A_12 = vector.load %arg3[%get3A_9, %get3A_10, %get3A_11] : memref<1x2048x128xf32, #tpu.memory_space<vmem>>, vector<1x2048x128xf32>
    %get3A_13 = vector.shape_cast %get3A_12 : vector<1x2048x128xf32> to vector<2048x128xf32>
    %add3A = arith.addf %get3A_8, %get3A_13 : vector<2048x128xf32>
    %mul3A = arith.mulf %add3A, %get3A_3 : vector<2048x128xf32>
    %get3A_14 = arith.constant 0 : index
    %get3A_15 = arith.constant 0 : index
    %get3A_16 = vector.load %arg5[%get3A_14, %get3A_15] : memref<8x128xf32, #tpu.memory_space<vmem>>, vector<8x128xf32>
    %slice3A = vector.extract_strided_slice %get3A_16 {offsets = [0, 0], sizes = [1, 128], strides = [1, 1]} : vector<8x128xf32> to vector<1x128xf32>
    %add3A_17 = vector.broadcast %slice3A : vector<1x128xf32> to vector<2048x128xf32>
    %add3A_18 = arith.addf %mul3A, %add3A_17 : vector<2048x128xf32>
    %slice3A_19 = vector.extract_strided_slice %get3A_16 {offsets = [1, 0], sizes = [1, 128], strides = [1, 1]} : vector<8x128xf32> to vector<1x128xf32>
    %sub3A = vector.broadcast %slice3A_19 : vector<1x128xf32> to vector<2048x128xf32>
    %sub3A_20 = arith.subf %add3A_18, %sub3A : vector<2048x128xf32>
    %slice3A_21 = vector.extract_strided_slice %get3A_16 {offsets = [2, 0], sizes = [1, 128], strides = [1, 1]} : vector<8x128xf32> to vector<1x128xf32>
    %add3A_22 = arith.constant 9.99999974E-6 : f32
    %add3A_23 = vector.broadcast %add3A_22 : f32 to vector<1x128xf32>
    %add3A_24 = arith.addf %slice3A_21, %add3A_23 : vector<1x128xf32>
    %rsqrt3A = math.rsqrt %add3A_24 : vector<1x128xf32>
    %mul3A_25 = vector.broadcast %rsqrt3A : vector<1x128xf32> to vector<2048x128xf32>
    %mul3A_26 = arith.mulf %sub3A_20, %mul3A_25 : vector<2048x128xf32>
    %slice3A_27 = vector.extract_strided_slice %get3A_16 {offsets = [3, 0], sizes = [1, 128], strides = [1, 1]} : vector<8x128xf32> to vector<1x128xf32>
    %mul3A_28 = vector.broadcast %slice3A_27 : vector<1x128xf32> to vector<2048x128xf32>
    %mul3A_29 = arith.mulf %mul3A_26, %mul3A_28 : vector<2048x128xf32>
    %slice3A_30 = vector.extract_strided_slice %get3A_16 {offsets = [4, 0], sizes = [1, 128], strides = [1, 1]} : vector<8x128xf32> to vector<1x128xf32>
    %add3A_31 = vector.broadcast %slice3A_30 : vector<1x128xf32> to vector<2048x128xf32>
    %add3A_32 = arith.addf %mul3A_29, %add3A_31 : vector<2048x128xf32>
    %max3A = arith.constant 0.000000e+00 : f32
    %max3A_33 = vector.broadcast %max3A : f32 to vector<2048x128xf32>
    %max3A_34 = arith.maximumf %add3A_32, %max3A_33 : vector<2048x128xf32>
    %get3A_35 = arith.constant 0 : index
    %get3A_36 = arith.constant 0 : index
    %get3A_37 = vector.load %arg6[%get3A_35, %get3A_36] : memref<128x128xf32, #tpu.memory_space<vmem>>, vector<128x128xf32>
    %dot_general3A = arith.constant dense<0.000000e+00> : vector<2048x128xf32>
    %dot_general3A_38 = tpu.matmul %max3A_34, %get3A_37, %dot_general3A {dimension_numbers = #tpu.dot_dimension_numbers<[1], [1], [0], [0], [0, 0, 1, 0], [], []>, transpose_lhs_hint = false} : vector<2048x128xf32>, vector<128x128xf32>, vector<2048x128xf32> -> vector<2048x128xf32>
    %mul3A_39 = arith.mulf %dot_general3A_38, %get3A_3 : vector<2048x128xf32>
    %swap3A = arith.constant 0 : index
    %swap3A_40 = arith.constant 0 : index
    %swap3A_41 = arith.constant 0 : index
    %swap3A_42 = vector.load %arg7[%swap3A, %swap3A_40, %swap3A_41] : memref<1x2048x128xf32, #tpu.memory_space<vmem>>, vector<1x2048x128xf32>
    %swap3A_43 = vector.shape_cast %swap3A_42 : vector<1x2048x128xf32> to vector<2048x128xf32>
    %swap3A_44 = vector.shape_cast %mul3A_39 : vector<2048x128xf32> to vector<1x2048x128xf32>
    tpu.vector_store %arg7[%swap3A, %swap3A_40, %swap3A_41], %swap3A_44 {strides = array<i32>} : memref<1x2048x128xf32, #tpu.memory_space<vmem>>, vector<1x2048x128xf32>,
    return
  }
  func.func @transform_0(%arg0: i32, %arg1: i32) -> (i32, i32, i32) {
    %c0_i32 = arith.constant 0 : i32
    %c0_i32_0 = arith.constant 0 : i32
    return %arg0, %arg1, %c0_i32 : i32, i32, i32
  }
  func.func @transform_1(%arg0: i32, %arg1: i32) -> (i32, i32, i32) {
    %c0_i32 = arith.constant 0 : i32
    %c0_i32_0 = arith.constant 0 : i32
    return %arg0, %arg1, %c0_i32 : i32, i32, i32
  }
  func.func @transform_2(%arg0: i32, %arg1: i32) -> (i32, i32, i32) {
    %c0_i32 = arith.constant 0 : i32
    %c0_i32_0 = arith.constant 0 : i32
    return %arg0, %arg1, %c0_i32 : i32, i32, i32
  }
  func.func @transform_3(%arg0: i32, %arg1: i32) -> (i32, i32) {
    %c0_i32 = arith.constant 0 : i32
    %c0_i32_0 = arith.constant 0 : i32
    %c0_i32_1 = arith.constant 0 : i32
    return %c0_i32, %c0_i32_0 : i32, i32
  }
  func.func @transform_4(%arg0: i32, %arg1: i32) -> (i32, i32) {
    %c0_i32 = arith.constant 0 : i32
    %c0_i32_0 = arith.constant 0 : i32
    %c0_i32_1 = arith.constant 0 : i32
    return %c0_i32, %c0_i32_0 : i32, i32
  }
  func.func @transform_5(%arg0: i32, %arg1: i32) -> (i32, i32, i32) {
    %c0_i32 = arith.constant 0 : i32
    %c0_i32_0 = arith.constant 0 : i32
    return %arg0, %arg1, %c0_i32 : i32, i32, i32
  }
}

module attributes {stable_mosaic.version = 14 : i64} {
  func.func @_tc_final_body(%arg0: i32, %arg1: i32, %arg2: memref<1x1x500x128xf32, #tpu.memory_space<vmem>>, %arg3: memref<1x1x500x128xf32, #tpu.memory_space<vmem>>, %arg4: memref<1x1x500x128xf32, #tpu.memory_space<vmem>>, %arg5: memref<8x128xf32, #tpu.memory_space<vmem>>, %arg6: memref<128x128xf32, #tpu.memory_space<vmem>>, %arg7: memref<8x128xf32, #tpu.memory_space<vmem>>, %arg8: memref<1x1x8x128xf32, #tpu.memory_space<vmem>>, %arg9: memref<1x1x500x128xf32, #tpu.memory_space<vmem>>) attributes {dimension_semantics = [#tpu.dimension_semantics<arbitrary>, #tpu.dimension_semantics<arbitrary>], iteration_bounds = array<i64: 2, 20>, scalar_prefetch = 0 : i64, scratch_operands = 0 : i64, tpu.core_type = #tpu.core_type<tc>, window_params = [{transform_indices = @transform_0, window_bounds = array<i64: 1, 1, 500, 128>}, {transform_indices = @transform_1, window_bounds = array<i64: 1, 1, 500, 128>}, {transform_indices = @transform_2, window_bounds = array<i64: 1, 1, 500, 128>}, {pipeline_mode = #tpu.pipeline_mode<synchronous>, transform_indices = @transform_3, window_bounds = array<i64: 8, 128>}, {pipeline_mode = #tpu.pipeline_mode<synchronous>, transform_indices = @transform_4, window_bounds = array<i64: 128, 128>}, {pipeline_mode = #tpu.pipeline_mode<synchronous>, transform_indices = @transform_5, window_bounds = array<i64: 8, 128>}, {transform_indices = @transform_6, window_bounds = array<i64: 1, 1, 8, 128>}, {transform_indices = @transform_7, window_bounds = array<i64: 1, 1, 500, 128>}]} {
    %get3A = arith.constant 0 : index
    %get3A_0 = arith.constant 0 : index
    %get3A_1 = arith.constant 0 : index
    %get3A_2 = arith.constant 0 : index
    %get3A_3 = vector.load %arg2[%get3A, %get3A_0, %get3A_1, %get3A_2] : memref<1x1x500x128xf32, #tpu.memory_space<vmem>>, vector<1x1x500x128xf32>
    %get3A_4 = vector.shape_cast %get3A_3 : vector<1x1x500x128xf32> to vector<500x128xf32>
    %get3A_5 = arith.constant 0 : index
    %get3A_6 = arith.constant 0 : index
    %get3A_7 = arith.constant 0 : index
    %get3A_8 = arith.constant 0 : index
    %get3A_9 = vector.load %arg3[%get3A_5, %get3A_6, %get3A_7, %get3A_8] : memref<1x1x500x128xf32, #tpu.memory_space<vmem>>, vector<1x1x500x128xf32>
    %get3A_10 = vector.shape_cast %get3A_9 : vector<1x1x500x128xf32> to vector<500x128xf32>
    %add3A = arith.addf %get3A_4, %get3A_10 : vector<500x128xf32>
    %get3A_11 = arith.constant 0 : index
    %get3A_12 = arith.constant 0 : index
    %get3A_13 = arith.constant 0 : index
    %get3A_14 = arith.constant 0 : index
    %get3A_15 = vector.load %arg4[%get3A_11, %get3A_12, %get3A_13, %get3A_14] : memref<1x1x500x128xf32, #tpu.memory_space<vmem>>, vector<1x1x500x128xf32>
    %get3A_16 = vector.shape_cast %get3A_15 : vector<1x1x500x128xf32> to vector<500x128xf32>
    %mul3A = arith.mulf %add3A, %get3A_16 : vector<500x128xf32>
    %get3A_17 = arith.constant 0 : index
    %get3A_18 = arith.constant 0 : index
    %get3A_19 = vector.load %arg5[%get3A_17, %get3A_18] : memref<8x128xf32, #tpu.memory_space<vmem>>, vector<8x128xf32>
    %slice3A = vector.extract_strided_slice %get3A_19 {offsets = [0, 0], sizes = [1, 128], strides = [1, 1]} : vector<8x128xf32> to vector<1x128xf32>
    %add3A_20 = vector.broadcast %slice3A : vector<1x128xf32> to vector<500x128xf32>
    %add3A_21 = arith.addf %mul3A, %add3A_20 : vector<500x128xf32>
    %slice3A_22 = vector.extract_strided_slice %get3A_19 {offsets = [1, 0], sizes = [1, 128], strides = [1, 1]} : vector<8x128xf32> to vector<1x128xf32>
    %sub3A = vector.broadcast %slice3A_22 : vector<1x128xf32> to vector<500x128xf32>
    %sub3A_23 = arith.subf %add3A_21, %sub3A : vector<500x128xf32>
    %slice3A_24 = vector.extract_strided_slice %get3A_19 {offsets = [2, 0], sizes = [1, 128], strides = [1, 1]} : vector<8x128xf32> to vector<1x128xf32>
    %add3A_25 = arith.constant 9.99999974E-6 : f32
    %add3A_26 = vector.broadcast %add3A_25 : f32 to vector<1x128xf32>
    %add3A_27 = arith.addf %slice3A_24, %add3A_26 : vector<1x128xf32>
    %rsqrt3A = math.rsqrt %add3A_27 : vector<1x128xf32>
    %mul3A_28 = vector.broadcast %rsqrt3A : vector<1x128xf32> to vector<500x128xf32>
    %mul3A_29 = arith.mulf %sub3A_23, %mul3A_28 : vector<500x128xf32>
    %slice3A_30 = vector.extract_strided_slice %get3A_19 {offsets = [3, 0], sizes = [1, 128], strides = [1, 1]} : vector<8x128xf32> to vector<1x128xf32>
    %mul3A_31 = vector.broadcast %slice3A_30 : vector<1x128xf32> to vector<500x128xf32>
    %mul3A_32 = arith.mulf %mul3A_29, %mul3A_31 : vector<500x128xf32>
    %slice3A_33 = vector.extract_strided_slice %get3A_19 {offsets = [4, 0], sizes = [1, 128], strides = [1, 1]} : vector<8x128xf32> to vector<1x128xf32>
    %add3A_34 = vector.broadcast %slice3A_33 : vector<1x128xf32> to vector<500x128xf32>
    %add3A_35 = arith.addf %mul3A_32, %add3A_34 : vector<500x128xf32>
    %max3A = arith.constant 0.000000e+00 : f32
    %max3A_36 = vector.broadcast %max3A : f32 to vector<500x128xf32>
    %max3A_37 = arith.maximumf %add3A_35, %max3A_36 : vector<500x128xf32>
    %get3A_38 = arith.constant 0 : index
    %get3A_39 = arith.constant 0 : index
    %get3A_40 = vector.load %arg6[%get3A_38, %get3A_39] : memref<128x128xf32, #tpu.memory_space<vmem>>, vector<128x128xf32>
    %dot_general3A = arith.constant dense<0.000000e+00> : vector<500x128xf32>
    %dot_general3A_41 = tpu.matmul %max3A_37, %get3A_40, %dot_general3A {dimension_numbers = #tpu.dot_dimension_numbers<[1], [1], [0], [0], [0, 0, 1, 0], [], []>, transpose_lhs_hint = false} : vector<500x128xf32>, vector<128x128xf32>, vector<500x128xf32> -> vector<500x128xf32>
    %get3A_42 = arith.constant 0 : index
    %get3A_43 = arith.constant 0 : index
    %get3A_44 = vector.load %arg7[%get3A_42, %get3A_43] : memref<8x128xf32, #tpu.memory_space<vmem>>, vector<1x128xf32>
    %add3A_45 = vector.broadcast %get3A_44 : vector<1x128xf32> to vector<500x128xf32>
    %add3A_46 = arith.addf %dot_general3A_41, %add3A_45 : vector<500x128xf32>
    %tanh3A = math.tanh %add3A_46 : vector<500x128xf32>
    %get3A_47 = arith.constant 1 : index
    %get3A_48 = arith.constant 0 : index
    %get3A_49 = vector.load %arg7[%get3A_47, %get3A_48] : memref<8x128xf32, #tpu.memory_space<vmem>>, vector<1x128xf32>
    %mul3A_50 = vector.broadcast %get3A_49 : vector<1x128xf32> to vector<500x128xf32>
    %mul3A_51 = arith.mulf %tanh3A, %mul3A_50 : vector<500x128xf32>
    %reduce_sum3A = arith.constant dense<0.000000e+00> : vector<500xf32>
    %reduce_sum3A_52 = vector.multi_reduction <add>, %mul3A_51, %reduce_sum3A [1] : vector<500x128xf32> to vector<500xf32>
    %broadcast_in_dim3A = vector.shape_cast %reduce_sum3A_52 : vector<500xf32> to vector<500x1xf32>
    %get3A_53 = arith.constant 2 : index
    %get3A_54 = arith.constant 0 : index
    %get3A_55 = vector.load %arg7[%get3A_53, %get3A_54] : memref<8x128xf32, #tpu.memory_space<vmem>>, vector<1x1xf32>
    %get3A_56 = vector.extract %get3A_55[0, 0] : f32 from vector<1x1xf32>
    %add3A_57 = vector.broadcast %get3A_56 : f32 to vector<500x1xf32>
    %add3A_58 = arith.addf %broadcast_in_dim3A, %add3A_57 : vector<500x1xf32>
    %reduce_max3A = vector.shape_cast %add3A_58 : vector<500x1xf32> to vector<1x500x1xf32>
    %reduce_max3A_59 = arith.constant dense<0xFF800000> : vector<1xf32>
    %reduce_max3A_60 = vector.multi_reduction <maximumf>, %reduce_max3A, %reduce_max3A_59 [1, 2] : vector<1x500x1xf32> to vector<1xf32>
    %reduce_max3A_61 = vector.shape_cast %reduce_max3A_60 : vector<1xf32> to vector<1x1x1xf32>
    %reduce_max3A_62 = vector.extract %reduce_max3A_61[0, 0, 0] : f32 from vector<1x1x1xf32>
    %sub3A_63 = vector.broadcast %reduce_max3A_62 : f32 to vector<500x1xf32>
    %sub3A_64 = arith.subf %add3A_58, %sub3A_63 : vector<500x1xf32>
    %exp3A = math.exp %sub3A_64 : vector<500x1xf32>
    %reduce_sum3A_65 = vector.shape_cast %exp3A : vector<500x1xf32> to vector<1x500x1xf32>
    %reduce_sum3A_66 = arith.constant dense<0.000000e+00> : vector<1xf32>
    %reduce_sum3A_67 = vector.multi_reduction <add>, %reduce_sum3A_65, %reduce_sum3A_66 [1, 2] : vector<1x500x1xf32> to vector<1xf32>
    %reduce_sum3A_68 = vector.shape_cast %reduce_sum3A_67 : vector<1xf32> to vector<1x1x1xf32>
    %reduce_sum3A_69 = vector.extract %reduce_sum3A_68[0, 0, 0] : f32 from vector<1x1x1xf32>
    %div3A = vector.broadcast %reduce_sum3A_69 : f32 to vector<500x1xf32>
    %div3A_70 = arith.divf %exp3A, %div3A : vector<500x1xf32>
    %mul3A_71 = vector.broadcast %div3A_70 : vector<500x1xf32> to vector<500x128xf32>
    %mul3A_72 = arith.mulf %mul3A_71, %max3A_37 : vector<500x128xf32>
    %reduce_sum3A_73 = arith.constant dense<0.000000e+00> : vector<128xf32>
    %reduce_sum3A_74 = vector.multi_reduction <add>, %mul3A_72, %reduce_sum3A_73 [0] : vector<500x128xf32> to vector<128xf32>
    %broadcast_in_dim3A_75 = vector.shape_cast %reduce_sum3A_74 : vector<128xf32> to vector<1x128xf32>
    %broadcast_in_dim3A_76 = vector.shape_cast %broadcast_in_dim3A_75 : vector<1x128xf32> to vector<1x128xf32>
    %broadcast_in_dim3A_77 = vector.broadcast %broadcast_in_dim3A_76 : vector<1x128xf32> to vector<8x128xf32>
    %swap3A = arith.constant 0 : index
    %swap3A_78 = arith.constant 0 : index
    %swap3A_79 = arith.constant 0 : index
    %swap3A_80 = arith.constant 0 : index
    %swap3A_81 = vector.load %arg8[%swap3A, %swap3A_78, %swap3A_79, %swap3A_80] : memref<1x1x8x128xf32, #tpu.memory_space<vmem>>, vector<1x1x8x128xf32>
    %swap3A_82 = vector.shape_cast %swap3A_81 : vector<1x1x8x128xf32> to vector<8x128xf32>
    %swap3A_83 = vector.shape_cast %broadcast_in_dim3A_77 : vector<8x128xf32> to vector<1x1x8x128xf32>
    tpu.vector_store %arg8[%swap3A, %swap3A_78, %swap3A_79, %swap3A_80], %swap3A_83 {strides = array<i32>} : memref<1x1x8x128xf32, #tpu.memory_space<vmem>>, vector<1x1x8x128xf32>,
    %mul3A_84 = arith.mulf %max3A_37, %max3A_37 : vector<500x128xf32>
    %reduce_sum3A_85 = arith.constant dense<0.000000e+00> : vector<500xf32>
    %reduce_sum3A_86 = vector.multi_reduction <add>, %mul3A_84, %reduce_sum3A_85 [1] : vector<500x128xf32> to vector<500xf32>
    %broadcast_in_dim3A_87 = vector.shape_cast %reduce_sum3A_86 : vector<500xf32> to vector<500x1xf32>
    %sqrt3A = math.sqrt %broadcast_in_dim3A_87 : vector<500x1xf32>
    %max3A_88 = arith.constant 9.99999993E-9 : f32
    %max3A_89 = vector.broadcast %max3A_88 : f32 to vector<500x1xf32>
    %max3A_90 = arith.maximumf %sqrt3A, %max3A_89 : vector<500x1xf32>
    %div3A_91 = vector.broadcast %max3A_90 : vector<500x1xf32> to vector<500x128xf32>
    %div3A_92 = arith.divf %max3A_37, %div3A_91 : vector<500x128xf32>
    %swap3A_93 = arith.constant 0 : index
    %swap3A_94 = arith.constant 0 : index
    %swap3A_95 = arith.constant 0 : index
    %swap3A_96 = arith.constant 0 : index
    %swap3A_97 = vector.load %arg9[%swap3A_93, %swap3A_94, %swap3A_95, %swap3A_96] : memref<1x1x500x128xf32, #tpu.memory_space<vmem>>, vector<1x1x500x128xf32>
    %swap3A_98 = vector.shape_cast %swap3A_97 : vector<1x1x500x128xf32> to vector<500x128xf32>
    %swap3A_99 = vector.shape_cast %div3A_92 : vector<500x128xf32> to vector<1x1x500x128xf32>
    tpu.vector_store %arg9[%swap3A_93, %swap3A_94, %swap3A_95, %swap3A_96], %swap3A_99 {strides = array<i32>} : memref<1x1x500x128xf32, #tpu.memory_space<vmem>>, vector<1x1x500x128xf32>,
    return
  }
  func.func @transform_0(%arg0: i32, %arg1: i32) -> (i32, i32, i32, i32) {
    %c0_i32 = arith.constant 0 : i32
    %c0_i32_0 = arith.constant 0 : i32
    %c0_i32_1 = arith.constant 0 : i32
    return %arg0, %arg1, %c0_i32, %c0_i32_0 : i32, i32, i32, i32
  }
  func.func @transform_1(%arg0: i32, %arg1: i32) -> (i32, i32, i32, i32) {
    %c0_i32 = arith.constant 0 : i32
    %c0_i32_0 = arith.constant 0 : i32
    %c0_i32_1 = arith.constant 0 : i32
    return %arg0, %arg1, %c0_i32, %c0_i32_0 : i32, i32, i32, i32
  }
  func.func @transform_2(%arg0: i32, %arg1: i32) -> (i32, i32, i32, i32) {
    %c0_i32 = arith.constant 0 : i32
    %c0_i32_0 = arith.constant 0 : i32
    %c0_i32_1 = arith.constant 0 : i32
    return %arg0, %arg1, %c0_i32, %c0_i32_0 : i32, i32, i32, i32
  }
  func.func @transform_3(%arg0: i32, %arg1: i32) -> (i32, i32) {
    %c0_i32 = arith.constant 0 : i32
    %c0_i32_0 = arith.constant 0 : i32
    %c0_i32_1 = arith.constant 0 : i32
    return %c0_i32, %c0_i32_0 : i32, i32
  }
  func.func @transform_4(%arg0: i32, %arg1: i32) -> (i32, i32) {
    %c0_i32 = arith.constant 0 : i32
    %c0_i32_0 = arith.constant 0 : i32
    %c0_i32_1 = arith.constant 0 : i32
    return %c0_i32, %c0_i32_0 : i32, i32
  }
  func.func @transform_5(%arg0: i32, %arg1: i32) -> (i32, i32) {
    %c0_i32 = arith.constant 0 : i32
    %c0_i32_0 = arith.constant 0 : i32
    %c0_i32_1 = arith.constant 0 : i32
    return %c0_i32, %c0_i32_0 : i32, i32
  }
  func.func @transform_6(%arg0: i32, %arg1: i32) -> (i32, i32, i32, i32) {
    %c0_i32 = arith.constant 0 : i32
    %c0_i32_0 = arith.constant 0 : i32
    %c0_i32_1 = arith.constant 0 : i32
    return %arg0, %arg1, %c0_i32, %c0_i32_0 : i32, i32, i32, i32
  }
  func.func @transform_7(%arg0: i32, %arg1: i32) -> (i32, i32, i32, i32) {
    %c0_i32 = arith.constant 0 : i32
    %c0_i32_0 = arith.constant 0 : i32
    %c0_i32_1 = arith.constant 0 : i32
    return %arg0, %arg1, %c0_i32, %c0_i32_0 : i32, i32, i32, i32
  }
}

module attributes {stable_mosaic.version = 14 : i64} {
  func.func @_tc_hist_body(%arg0: i32, %arg1: memref<1x1x500x128xf32, #tpu.memory_space<vmem>>, %arg2: memref<1x1x500x128xf32, #tpu.memory_space<vmem>>, %arg3: memref<1x8x128xf32, #tpu.memory_space<vmem>>) attributes {dimension_semantics = [#tpu.dimension_semantics<arbitrary>], iteration_bounds = array<i64: 20>, scalar_prefetch = 0 : i64, scratch_operands = 0 : i64, tpu.core_type = #tpu.core_type<tc>, window_params = [{transform_indices = @transform_0, window_bounds = array<i64: 1, 1, 500, 128>}, {transform_indices = @transform_1, window_bounds = array<i64: 1, 1, 500, 128>}, {transform_indices = @transform_2, window_bounds = array<i64: 1, 8, 128>}]} {
    %get3A = arith.constant 0 : index
    %get3A_0 = arith.constant 0 : index
    %get3A_1 = arith.constant 0 : index
    %get3A_2 = arith.constant 0 : index
    %get3A_3 = vector.load %arg1[%get3A, %get3A_0, %get3A_1, %get3A_2] : memref<1x1x500x128xf32, #tpu.memory_space<vmem>>, vector<1x1x500x128xf32>
    %get3A_4 = vector.shape_cast %get3A_3 : vector<1x1x500x128xf32> to vector<500x128xf32>
    %get3A_5 = arith.constant 0 : index
    %get3A_6 = arith.constant 0 : index
    %get3A_7 = arith.constant 0 : index
    %get3A_8 = arith.constant 0 : index
    %get3A_9 = vector.load %arg2[%get3A_5, %get3A_6, %get3A_7, %get3A_8] : memref<1x1x500x128xf32, #tpu.memory_space<vmem>>, vector<1x1x500x128xf32>
    %get3A_10 = vector.shape_cast %get3A_9 : vector<1x1x500x128xf32> to vector<500x128xf32>
    %dot_general3A = arith.constant dense<0.000000e+00> : vector<500x500xf32>
    %dot_general3A_11 = tpu.matmul %get3A_4, %get3A_10, %dot_general3A {dimension_numbers = #tpu.dot_dimension_numbers<[1], [1], [0], [0], [0, 0, 1, 0], [], []>, transpose_lhs_hint = false} : vector<500x128xf32>, vector<500x128xf32>, vector<500x500xf32> -> vector<500x500xf32>
    %add3A = arith.constant 1.000000e+00 : f32
    %add3A_12 = vector.broadcast %add3A : f32 to vector<500x500xf32>
    %add3A_13 = arith.addf %dot_general3A_11, %add3A_12 : vector<500x500xf32>
    %mul3A = arith.constant 8.000000e+00 : f32
    %mul3A_14 = vector.broadcast %mul3A : f32 to vector<500x500xf32>
    %mul3A_15 = arith.mulf %add3A_13, %mul3A_14 : vector<500x500xf32>
    %floor3A = math.floor %mul3A_15 : vector<500x500xf32>
    %jit3A = arith.constant 0.000000e+00 : f32
    %jit3A_16 = arith.constant 1.500000e+01 : f32
    %max3A = vector.broadcast %jit3A : f32 to vector<500x500xf32>
    %max3A_17 = arith.maximumf %max3A, %floor3A : vector<500x500xf32>
    %min3A = vector.broadcast %jit3A_16 : f32 to vector<500x500xf32>
    %min3A_18 = arith.minimumf %min3A, %max3A_17 : vector<500x500xf32>
    %iota3A = tpu.iota {dimensions = array<i32: 1>} : vector<1x128xi32>
    %broadcast_in_dim3A = arith.constant 0.000000e+00 : f32
    %broadcast_in_dim3A_19 = vector.broadcast %broadcast_in_dim3A : f32 to vector<1x128xf32>
    %eq3A = arith.constant 0.000000e+00 : f32
    %eq3A_20 = vector.broadcast %eq3A : f32 to vector<500x500xf32>
    %eq3A_21 = arith.cmpf oeq, %min3A_18, %eq3A_20 : vector<500x500xf32>
    %jit3A_22 = arith.constant 1.000000e+00 : f32
    %jit3A_23 = arith.constant 0.000000e+00 : f32
    %broadcast_in_dim3A_24 = vector.broadcast %jit3A_22 : f32 to vector<500x500xf32>
    %broadcast_in_dim3A_25 = vector.broadcast %jit3A_23 : f32 to vector<500x500xf32>
    %select_n3A = arith.select %eq3A_21, %broadcast_in_dim3A_24, %broadcast_in_dim3A_25 : vector<500x500xi1>, vector<500x500xf32>
    %reduce_sum3A = vector.shape_cast %select_n3A : vector<500x500xf32> to vector<1x500x500xf32>
    %reduce_sum3A_26 = arith.constant dense<0.000000e+00> : vector<1xf32>
    %reduce_sum3A_27 = vector.multi_reduction <add>, %reduce_sum3A, %reduce_sum3A_26 [1, 2] : vector<1x500x500xf32> to vector<1xf32>
    %reduce_sum3A_28 = vector.shape_cast %reduce_sum3A_27 : vector<1xf32> to vector<1x1x1xf32>
    %reduce_sum3A_29 = vector.extract %reduce_sum3A_28[0, 0, 0] : f32 from vector<1x1x1xf32>
    %eq3A_30 = arith.constant 0 : i32
    %eq3A_31 = vector.broadcast %eq3A_30 : i32 to vector<1x128xi32>
    %eq3A_32 = arith.cmpi eq, %iota3A, %eq3A_31 : vector<1x128xi32>
    %jit3A_33 = arith.constant 1.000000e+00 : f32
    %jit3A_34 = arith.constant 0.000000e+00 : f32
    %broadcast_in_dim3A_35 = vector.broadcast %jit3A_33 : f32 to vector<1x128xf32>
    %broadcast_in_dim3A_36 = vector.broadcast %jit3A_34 : f32 to vector<1x128xf32>
    %select_n3A_37 = arith.select %eq3A_32, %broadcast_in_dim3A_35, %broadcast_in_dim3A_36 : vector<1x128xi1>, vector<1x128xf32>
    %mul3A_38 = vector.broadcast %reduce_sum3A_29 : f32 to vector<1x128xf32>
    %mul3A_39 = arith.mulf %mul3A_38, %select_n3A_37 : vector<1x128xf32>
    %add3A_40 = arith.addf %broadcast_in_dim3A_19, %mul3A_39 : vector<1x128xf32>
    %add3A_41 = arith.constant 0.000000e+00 : f32
    %add3A_42 = arith.addf %add3A_41, %reduce_sum3A_29 : f32
    %eq3A_43 = arith.constant 1.000000e+00 : f32
    %eq3A_44 = vector.broadcast %eq3A_43 : f32 to vector<500x500xf32>
    %eq3A_45 = arith.cmpf oeq, %min3A_18, %eq3A_44 : vector<500x500xf32>
    %jit3A_46 = arith.constant 1.000000e+00 : f32
    %jit3A_47 = arith.constant 0.000000e+00 : f32
    %broadcast_in_dim3A_48 = vector.broadcast %jit3A_46 : f32 to vector<500x500xf32>
    %broadcast_in_dim3A_49 = vector.broadcast %jit3A_47 : f32 to vector<500x500xf32>
    %select_n3A_50 = arith.select %eq3A_45, %broadcast_in_dim3A_48, %broadcast_in_dim3A_49 : vector<500x500xi1>, vector<500x500xf32>
    %reduce_sum3A_51 = vector.shape_cast %select_n3A_50 : vector<500x500xf32> to vector<1x500x500xf32>
    %reduce_sum3A_52 = arith.constant dense<0.000000e+00> : vector<1xf32>
    %reduce_sum3A_53 = vector.multi_reduction <add>, %reduce_sum3A_51, %reduce_sum3A_52 [1, 2] : vector<1x500x500xf32> to vector<1xf32>
    %reduce_sum3A_54 = vector.shape_cast %reduce_sum3A_53 : vector<1xf32> to vector<1x1x1xf32>
    %reduce_sum3A_55 = vector.extract %reduce_sum3A_54[0, 0, 0] : f32 from vector<1x1x1xf32>
    %eq3A_56 = arith.constant 1 : i32
    %eq3A_57 = vector.broadcast %eq3A_56 : i32 to vector<1x128xi32>
    %eq3A_58 = arith.cmpi eq, %iota3A, %eq3A_57 : vector<1x128xi32>
    %jit3A_59 = arith.constant 1.000000e+00 : f32
    %jit3A_60 = arith.constant 0.000000e+00 : f32
    %broadcast_in_dim3A_61 = vector.broadcast %jit3A_59 : f32 to vector<1x128xf32>
    %broadcast_in_dim3A_62 = vector.broadcast %jit3A_60 : f32 to vector<1x128xf32>
    %select_n3A_63 = arith.select %eq3A_58, %broadcast_in_dim3A_61, %broadcast_in_dim3A_62 : vector<1x128xi1>, vector<1x128xf32>
    %mul3A_64 = vector.broadcast %reduce_sum3A_55 : f32 to vector<1x128xf32>
    %mul3A_65 = arith.mulf %mul3A_64, %select_n3A_63 : vector<1x128xf32>
    %add3A_66 = arith.addf %add3A_40, %mul3A_65 : vector<1x128xf32>
    %add3A_67 = arith.addf %add3A_42, %reduce_sum3A_55 : f32
    %eq3A_68 = arith.constant 2.000000e+00 : f32
    %eq3A_69 = vector.broadcast %eq3A_68 : f32 to vector<500x500xf32>
    %eq3A_70 = arith.cmpf oeq, %min3A_18, %eq3A_69 : vector<500x500xf32>
    %jit3A_71 = arith.constant 1.000000e+00 : f32
    %jit3A_72 = arith.constant 0.000000e+00 : f32
    %broadcast_in_dim3A_73 = vector.broadcast %jit3A_71 : f32 to vector<500x500xf32>
    %broadcast_in_dim3A_74 = vector.broadcast %jit3A_72 : f32 to vector<500x500xf32>
    %select_n3A_75 = arith.select %eq3A_70, %broadcast_in_dim3A_73, %broadcast_in_dim3A_74 : vector<500x500xi1>, vector<500x500xf32>
    %reduce_sum3A_76 = vector.shape_cast %select_n3A_75 : vector<500x500xf32> to vector<1x500x500xf32>
    %reduce_sum3A_77 = arith.constant dense<0.000000e+00> : vector<1xf32>
    %reduce_sum3A_78 = vector.multi_reduction <add>, %reduce_sum3A_76, %reduce_sum3A_77 [1, 2] : vector<1x500x500xf32> to vector<1xf32>
    %reduce_sum3A_79 = vector.shape_cast %reduce_sum3A_78 : vector<1xf32> to vector<1x1x1xf32>
    %reduce_sum3A_80 = vector.extract %reduce_sum3A_79[0, 0, 0] : f32 from vector<1x1x1xf32>
    %eq3A_81 = arith.constant 2 : i32
    %eq3A_82 = vector.broadcast %eq3A_81 : i32 to vector<1x128xi32>
    %eq3A_83 = arith.cmpi eq, %iota3A, %eq3A_82 : vector<1x128xi32>
    %jit3A_84 = arith.constant 1.000000e+00 : f32
    %jit3A_85 = arith.constant 0.000000e+00 : f32
    %broadcast_in_dim3A_86 = vector.broadcast %jit3A_84 : f32 to vector<1x128xf32>
    %broadcast_in_dim3A_87 = vector.broadcast %jit3A_85 : f32 to vector<1x128xf32>
    %select_n3A_88 = arith.select %eq3A_83, %broadcast_in_dim3A_86, %broadcast_in_dim3A_87 : vector<1x128xi1>, vector<1x128xf32>
    %mul3A_89 = vector.broadcast %reduce_sum3A_80 : f32 to vector<1x128xf32>
    %mul3A_90 = arith.mulf %mul3A_89, %select_n3A_88 : vector<1x128xf32>
    %add3A_91 = arith.addf %add3A_66, %mul3A_90 : vector<1x128xf32>
    %add3A_92 = arith.addf %add3A_67, %reduce_sum3A_80 : f32
    %eq3A_93 = arith.constant 3.000000e+00 : f32
    %eq3A_94 = vector.broadcast %eq3A_93 : f32 to vector<500x500xf32>
    %eq3A_95 = arith.cmpf oeq, %min3A_18, %eq3A_94 : vector<500x500xf32>
    %jit3A_96 = arith.constant 1.000000e+00 : f32
    %jit3A_97 = arith.constant 0.000000e+00 : f32
    %broadcast_in_dim3A_98 = vector.broadcast %jit3A_96 : f32 to vector<500x500xf32>
    %broadcast_in_dim3A_99 = vector.broadcast %jit3A_97 : f32 to vector<500x500xf32>
    %select_n3A_100 = arith.select %eq3A_95, %broadcast_in_dim3A_98, %broadcast_in_dim3A_99 : vector<500x500xi1>, vector<500x500xf32>
    %reduce_sum3A_101 = vector.shape_cast %select_n3A_100 : vector<500x500xf32> to vector<1x500x500xf32>
    %reduce_sum3A_102 = arith.constant dense<0.000000e+00> : vector<1xf32>
    %reduce_sum3A_103 = vector.multi_reduction <add>, %reduce_sum3A_101, %reduce_sum3A_102 [1, 2] : vector<1x500x500xf32> to vector<1xf32>
    %reduce_sum3A_104 = vector.shape_cast %reduce_sum3A_103 : vector<1xf32> to vector<1x1x1xf32>
    %reduce_sum3A_105 = vector.extract %reduce_sum3A_104[0, 0, 0] : f32 from vector<1x1x1xf32>
    %eq3A_106 = arith.constant 3 : i32
    %eq3A_107 = vector.broadcast %eq3A_106 : i32 to vector<1x128xi32>
    %eq3A_108 = arith.cmpi eq, %iota3A, %eq3A_107 : vector<1x128xi32>
    %jit3A_109 = arith.constant 1.000000e+00 : f32
    %jit3A_110 = arith.constant 0.000000e+00 : f32
    %broadcast_in_dim3A_111 = vector.broadcast %jit3A_109 : f32 to vector<1x128xf32>
    %broadcast_in_dim3A_112 = vector.broadcast %jit3A_110 : f32 to vector<1x128xf32>
    %select_n3A_113 = arith.select %eq3A_108, %broadcast_in_dim3A_111, %broadcast_in_dim3A_112 : vector<1x128xi1>, vector<1x128xf32>
    %mul3A_114 = vector.broadcast %reduce_sum3A_105 : f32 to vector<1x128xf32>
    %mul3A_115 = arith.mulf %mul3A_114, %select_n3A_113 : vector<1x128xf32>
    %add3A_116 = arith.addf %add3A_91, %mul3A_115 : vector<1x128xf32>
    %add3A_117 = arith.addf %add3A_92, %reduce_sum3A_105 : f32
    %eq3A_118 = arith.constant 4.000000e+00 : f32
    %eq3A_119 = vector.broadcast %eq3A_118 : f32 to vector<500x500xf32>
    %eq3A_120 = arith.cmpf oeq, %min3A_18, %eq3A_119 : vector<500x500xf32>
    %jit3A_121 = arith.constant 1.000000e+00 : f32
    %jit3A_122 = arith.constant 0.000000e+00 : f32
    %broadcast_in_dim3A_123 = vector.broadcast %jit3A_121 : f32 to vector<500x500xf32>
    %broadcast_in_dim3A_124 = vector.broadcast %jit3A_122 : f32 to vector<500x500xf32>
    %select_n3A_125 = arith.select %eq3A_120, %broadcast_in_dim3A_123, %broadcast_in_dim3A_124 : vector<500x500xi1>, vector<500x500xf32>
    %reduce_sum3A_126 = vector.shape_cast %select_n3A_125 : vector<500x500xf32> to vector<1x500x500xf32>
    %reduce_sum3A_127 = arith.constant dense<0.000000e+00> : vector<1xf32>
    %reduce_sum3A_128 = vector.multi_reduction <add>, %reduce_sum3A_126, %reduce_sum3A_127 [1, 2] : vector<1x500x500xf32> to vector<1xf32>
    %reduce_sum3A_129 = vector.shape_cast %reduce_sum3A_128 : vector<1xf32> to vector<1x1x1xf32>
    %reduce_sum3A_130 = vector.extract %reduce_sum3A_129[0, 0, 0] : f32 from vector<1x1x1xf32>
    %eq3A_131 = arith.constant 4 : i32
    %eq3A_132 = vector.broadcast %eq3A_131 : i32 to vector<1x128xi32>
    %eq3A_133 = arith.cmpi eq, %iota3A, %eq3A_132 : vector<1x128xi32>
    %jit3A_134 = arith.constant 1.000000e+00 : f32
    %jit3A_135 = arith.constant 0.000000e+00 : f32
    %broadcast_in_dim3A_136 = vector.broadcast %jit3A_134 : f32 to vector<1x128xf32>
    %broadcast_in_dim3A_137 = vector.broadcast %jit3A_135 : f32 to vector<1x128xf32>
    %select_n3A_138 = arith.select %eq3A_133, %broadcast_in_dim3A_136, %broadcast_in_dim3A_137 : vector<1x128xi1>, vector<1x128xf32>
    %mul3A_139 = vector.broadcast %reduce_sum3A_130 : f32 to vector<1x128xf32>
    %mul3A_140 = arith.mulf %mul3A_139, %select_n3A_138 : vector<1x128xf32>
    %add3A_141 = arith.addf %add3A_116, %mul3A_140 : vector<1x128xf32>
    %add3A_142 = arith.addf %add3A_117, %reduce_sum3A_130 : f32
    %eq3A_143 = arith.constant 5.000000e+00 : f32
    %eq3A_144 = vector.broadcast %eq3A_143 : f32 to vector<500x500xf32>
    %eq3A_145 = arith.cmpf oeq, %min3A_18, %eq3A_144 : vector<500x500xf32>
    %jit3A_146 = arith.constant 1.000000e+00 : f32
    %jit3A_147 = arith.constant 0.000000e+00 : f32
    %broadcast_in_dim3A_148 = vector.broadcast %jit3A_146 : f32 to vector<500x500xf32>
    %broadcast_in_dim3A_149 = vector.broadcast %jit3A_147 : f32 to vector<500x500xf32>
    %select_n3A_150 = arith.select %eq3A_145, %broadcast_in_dim3A_148, %broadcast_in_dim3A_149 : vector<500x500xi1>, vector<500x500xf32>
    %reduce_sum3A_151 = vector.shape_cast %select_n3A_150 : vector<500x500xf32> to vector<1x500x500xf32>
    %reduce_sum3A_152 = arith.constant dense<0.000000e+00> : vector<1xf32>
    %reduce_sum3A_153 = vector.multi_reduction <add>, %reduce_sum3A_151, %reduce_sum3A_152 [1, 2] : vector<1x500x500xf32> to vector<1xf32>
    %reduce_sum3A_154 = vector.shape_cast %reduce_sum3A_153 : vector<1xf32> to vector<1x1x1xf32>
    %reduce_sum3A_155 = vector.extract %reduce_sum3A_154[0, 0, 0] : f32 from vector<1x1x1xf32>
    %eq3A_156 = arith.constant 5 : i32
    %eq3A_157 = vector.broadcast %eq3A_156 : i32 to vector<1x128xi32>
    %eq3A_158 = arith.cmpi eq, %iota3A, %eq3A_157 : vector<1x128xi32>
    %jit3A_159 = arith.constant 1.000000e+00 : f32
    %jit3A_160 = arith.constant 0.000000e+00 : f32
    %broadcast_in_dim3A_161 = vector.broadcast %jit3A_159 : f32 to vector<1x128xf32>
    %broadcast_in_dim3A_162 = vector.broadcast %jit3A_160 : f32 to vector<1x128xf32>
    %select_n3A_163 = arith.select %eq3A_158, %broadcast_in_dim3A_161, %broadcast_in_dim3A_162 : vector<1x128xi1>, vector<1x128xf32>
    %mul3A_164 = vector.broadcast %reduce_sum3A_155 : f32 to vector<1x128xf32>
    %mul3A_165 = arith.mulf %mul3A_164, %select_n3A_163 : vector<1x128xf32>
    %add3A_166 = arith.addf %add3A_141, %mul3A_165 : vector<1x128xf32>
    %add3A_167 = arith.addf %add3A_142, %reduce_sum3A_155 : f32
    %eq3A_168 = arith.constant 6.000000e+00 : f32
    %eq3A_169 = vector.broadcast %eq3A_168 : f32 to vector<500x500xf32>
    %eq3A_170 = arith.cmpf oeq, %min3A_18, %eq3A_169 : vector<500x500xf32>
    %jit3A_171 = arith.constant 1.000000e+00 : f32
    %jit3A_172 = arith.constant 0.000000e+00 : f32
    %broadcast_in_dim3A_173 = vector.broadcast %jit3A_171 : f32 to vector<500x500xf32>
    %broadcast_in_dim3A_174 = vector.broadcast %jit3A_172 : f32 to vector<500x500xf32>
    %select_n3A_175 = arith.select %eq3A_170, %broadcast_in_dim3A_173, %broadcast_in_dim3A_174 : vector<500x500xi1>, vector<500x500xf32>
    %reduce_sum3A_176 = vector.shape_cast %select_n3A_175 : vector<500x500xf32> to vector<1x500x500xf32>
    %reduce_sum3A_177 = arith.constant dense<0.000000e+00> : vector<1xf32>
    %reduce_sum3A_178 = vector.multi_reduction <add>, %reduce_sum3A_176, %reduce_sum3A_177 [1, 2] : vector<1x500x500xf32> to vector<1xf32>
    %reduce_sum3A_179 = vector.shape_cast %reduce_sum3A_178 : vector<1xf32> to vector<1x1x1xf32>
    %reduce_sum3A_180 = vector.extract %reduce_sum3A_179[0, 0, 0] : f32 from vector<1x1x1xf32>
    %eq3A_181 = arith.constant 6 : i32
    %eq3A_182 = vector.broadcast %eq3A_181 : i32 to vector<1x128xi32>
    %eq3A_183 = arith.cmpi eq, %iota3A, %eq3A_182 : vector<1x128xi32>
    %jit3A_184 = arith.constant 1.000000e+00 : f32
    %jit3A_185 = arith.constant 0.000000e+00 : f32
    %broadcast_in_dim3A_186 = vector.broadcast %jit3A_184 : f32 to vector<1x128xf32>
    %broadcast_in_dim3A_187 = vector.broadcast %jit3A_185 : f32 to vector<1x128xf32>
    %select_n3A_188 = arith.select %eq3A_183, %broadcast_in_dim3A_186, %broadcast_in_dim3A_187 : vector<1x128xi1>, vector<1x128xf32>
    %mul3A_189 = vector.broadcast %reduce_sum3A_180 : f32 to vector<1x128xf32>
    %mul3A_190 = arith.mulf %mul3A_189, %select_n3A_188 : vector<1x128xf32>
    %add3A_191 = arith.addf %add3A_166, %mul3A_190 : vector<1x128xf32>
    %add3A_192 = arith.addf %add3A_167, %reduce_sum3A_180 : f32
    %eq3A_193 = arith.constant 7.000000e+00 : f32
    %eq3A_194 = vector.broadcast %eq3A_193 : f32 to vector<500x500xf32>
    %eq3A_195 = arith.cmpf oeq, %min3A_18, %eq3A_194 : vector<500x500xf32>
    %jit3A_196 = arith.constant 1.000000e+00 : f32
    %jit3A_197 = arith.constant 0.000000e+00 : f32
    %broadcast_in_dim3A_198 = vector.broadcast %jit3A_196 : f32 to vector<500x500xf32>
    %broadcast_in_dim3A_199 = vector.broadcast %jit3A_197 : f32 to vector<500x500xf32>
    %select_n3A_200 = arith.select %eq3A_195, %broadcast_in_dim3A_198, %broadcast_in_dim3A_199 : vector<500x500xi1>, vector<500x500xf32>
    %reduce_sum3A_201 = vector.shape_cast %select_n3A_200 : vector<500x500xf32> to vector<1x500x500xf32>
    %reduce_sum3A_202 = arith.constant dense<0.000000e+00> : vector<1xf32>
    %reduce_sum3A_203 = vector.multi_reduction <add>, %reduce_sum3A_201, %reduce_sum3A_202 [1, 2] : vector<1x500x500xf32> to vector<1xf32>
    %reduce_sum3A_204 = vector.shape_cast %reduce_sum3A_203 : vector<1xf32> to vector<1x1x1xf32>
    %reduce_sum3A_205 = vector.extract %reduce_sum3A_204[0, 0, 0] : f32 from vector<1x1x1xf32>
    %eq3A_206 = arith.constant 7 : i32
    %eq3A_207 = vector.broadcast %eq3A_206 : i32 to vector<1x128xi32>
    %eq3A_208 = arith.cmpi eq, %iota3A, %eq3A_207 : vector<1x128xi32>
    %jit3A_209 = arith.constant 1.000000e+00 : f32
    %jit3A_210 = arith.constant 0.000000e+00 : f32
    %broadcast_in_dim3A_211 = vector.broadcast %jit3A_209 : f32 to vector<1x128xf32>
    %broadcast_in_dim3A_212 = vector.broadcast %jit3A_210 : f32 to vector<1x128xf32>
    %select_n3A_213 = arith.select %eq3A_208, %broadcast_in_dim3A_211, %broadcast_in_dim3A_212 : vector<1x128xi1>, vector<1x128xf32>
    %mul3A_214 = vector.broadcast %reduce_sum3A_205 : f32 to vector<1x128xf32>
    %mul3A_215 = arith.mulf %mul3A_214, %select_n3A_213 : vector<1x128xf32>
    %add3A_216 = arith.addf %add3A_191, %mul3A_215 : vector<1x128xf32>
    %add3A_217 = arith.addf %add3A_192, %reduce_sum3A_205 : f32
    %eq3A_218 = arith.constant 8.000000e+00 : f32
    %eq3A_219 = vector.broadcast %eq3A_218 : f32 to vector<500x500xf32>
    %eq3A_220 = arith.cmpf oeq, %min3A_18, %eq3A_219 : vector<500x500xf32>
    %jit3A_221 = arith.constant 1.000000e+00 : f32
    %jit3A_222 = arith.constant 0.000000e+00 : f32
    %broadcast_in_dim3A_223 = vector.broadcast %jit3A_221 : f32 to vector<500x500xf32>
    %broadcast_in_dim3A_224 = vector.broadcast %jit3A_222 : f32 to vector<500x500xf32>
    %select_n3A_225 = arith.select %eq3A_220, %broadcast_in_dim3A_223, %broadcast_in_dim3A_224 : vector<500x500xi1>, vector<500x500xf32>
    %reduce_sum3A_226 = vector.shape_cast %select_n3A_225 : vector<500x500xf32> to vector<1x500x500xf32>
    %reduce_sum3A_227 = arith.constant dense<0.000000e+00> : vector<1xf32>
    %reduce_sum3A_228 = vector.multi_reduction <add>, %reduce_sum3A_226, %reduce_sum3A_227 [1, 2] : vector<1x500x500xf32> to vector<1xf32>
    %reduce_sum3A_229 = vector.shape_cast %reduce_sum3A_228 : vector<1xf32> to vector<1x1x1xf32>
    %reduce_sum3A_230 = vector.extract %reduce_sum3A_229[0, 0, 0] : f32 from vector<1x1x1xf32>
    %eq3A_231 = arith.constant 8 : i32
    %eq3A_232 = vector.broadcast %eq3A_231 : i32 to vector<1x128xi32>
    %eq3A_233 = arith.cmpi eq, %iota3A, %eq3A_232 : vector<1x128xi32>
    %jit3A_234 = arith.constant 1.000000e+00 : f32
    %jit3A_235 = arith.constant 0.000000e+00 : f32
    %broadcast_in_dim3A_236 = vector.broadcast %jit3A_234 : f32 to vector<1x128xf32>
    %broadcast_in_dim3A_237 = vector.broadcast %jit3A_235 : f32 to vector<1x128xf32>
    %select_n3A_238 = arith.select %eq3A_233, %broadcast_in_dim3A_236, %broadcast_in_dim3A_237 : vector<1x128xi1>, vector<1x128xf32>
    %mul3A_239 = vector.broadcast %reduce_sum3A_230 : f32 to vector<1x128xf32>
    %mul3A_240 = arith.mulf %mul3A_239, %select_n3A_238 : vector<1x128xf32>
    %add3A_241 = arith.addf %add3A_216, %mul3A_240 : vector<1x128xf32>
    %add3A_242 = arith.addf %add3A_217, %reduce_sum3A_230 : f32
    %eq3A_243 = arith.constant 9.000000e+00 : f32
    %eq3A_244 = vector.broadcast %eq3A_243 : f32 to vector<500x500xf32>
    %eq3A_245 = arith.cmpf oeq, %min3A_18, %eq3A_244 : vector<500x500xf32>
    %jit3A_246 = arith.constant 1.000000e+00 : f32
    %jit3A_247 = arith.constant 0.000000e+00 : f32
    %broadcast_in_dim3A_248 = vector.broadcast %jit3A_246 : f32 to vector<500x500xf32>
    %broadcast_in_dim3A_249 = vector.broadcast %jit3A_247 : f32 to vector<500x500xf32>
    %select_n3A_250 = arith.select %eq3A_245, %broadcast_in_dim3A_248, %broadcast_in_dim3A_249 : vector<500x500xi1>, vector<500x500xf32>
    %reduce_sum3A_251 = vector.shape_cast %select_n3A_250 : vector<500x500xf32> to vector<1x500x500xf32>
    %reduce_sum3A_252 = arith.constant dense<0.000000e+00> : vector<1xf32>
    %reduce_sum3A_253 = vector.multi_reduction <add>, %reduce_sum3A_251, %reduce_sum3A_252 [1, 2] : vector<1x500x500xf32> to vector<1xf32>
    %reduce_sum3A_254 = vector.shape_cast %reduce_sum3A_253 : vector<1xf32> to vector<1x1x1xf32>
    %reduce_sum3A_255 = vector.extract %reduce_sum3A_254[0, 0, 0] : f32 from vector<1x1x1xf32>
    %eq3A_256 = arith.constant 9 : i32
    %eq3A_257 = vector.broadcast %eq3A_256 : i32 to vector<1x128xi32>
    %eq3A_258 = arith.cmpi eq, %iota3A, %eq3A_257 : vector<1x128xi32>
    %jit3A_259 = arith.constant 1.000000e+00 : f32
    %jit3A_260 = arith.constant 0.000000e+00 : f32
    %broadcast_in_dim3A_261 = vector.broadcast %jit3A_259 : f32 to vector<1x128xf32>
    %broadcast_in_dim3A_262 = vector.broadcast %jit3A_260 : f32 to vector<1x128xf32>
    %select_n3A_263 = arith.select %eq3A_258, %broadcast_in_dim3A_261, %broadcast_in_dim3A_262 : vector<1x128xi1>, vector<1x128xf32>
    %mul3A_264 = vector.broadcast %reduce_sum3A_255 : f32 to vector<1x128xf32>
    %mul3A_265 = arith.mulf %mul3A_264, %select_n3A_263 : vector<1x128xf32>
    %add3A_266 = arith.addf %add3A_241, %mul3A_265 : vector<1x128xf32>
    %add3A_267 = arith.addf %add3A_242, %reduce_sum3A_255 : f32
    %eq3A_268 = arith.constant 1.000000e+01 : f32
    %eq3A_269 = vector.broadcast %eq3A_268 : f32 to vector<500x500xf32>
    %eq3A_270 = arith.cmpf oeq, %min3A_18, %eq3A_269 : vector<500x500xf32>
    %jit3A_271 = arith.constant 1.000000e+00 : f32
    %jit3A_272 = arith.constant 0.000000e+00 : f32
    %broadcast_in_dim3A_273 = vector.broadcast %jit3A_271 : f32 to vector<500x500xf32>
    %broadcast_in_dim3A_274 = vector.broadcast %jit3A_272 : f32 to vector<500x500xf32>
    %select_n3A_275 = arith.select %eq3A_270, %broadcast_in_dim3A_273, %broadcast_in_dim3A_274 : vector<500x500xi1>, vector<500x500xf32>
    %reduce_sum3A_276 = vector.shape_cast %select_n3A_275 : vector<500x500xf32> to vector<1x500x500xf32>
    %reduce_sum3A_277 = arith.constant dense<0.000000e+00> : vector<1xf32>
    %reduce_sum3A_278 = vector.multi_reduction <add>, %reduce_sum3A_276, %reduce_sum3A_277 [1, 2] : vector<1x500x500xf32> to vector<1xf32>
    %reduce_sum3A_279 = vector.shape_cast %reduce_sum3A_278 : vector<1xf32> to vector<1x1x1xf32>
    %reduce_sum3A_280 = vector.extract %reduce_sum3A_279[0, 0, 0] : f32 from vector<1x1x1xf32>
    %eq3A_281 = arith.constant 10 : i32
    %eq3A_282 = vector.broadcast %eq3A_281 : i32 to vector<1x128xi32>
    %eq3A_283 = arith.cmpi eq, %iota3A, %eq3A_282 : vector<1x128xi32>
    %jit3A_284 = arith.constant 1.000000e+00 : f32
    %jit3A_285 = arith.constant 0.000000e+00 : f32
    %broadcast_in_dim3A_286 = vector.broadcast %jit3A_284 : f32 to vector<1x128xf32>
    %broadcast_in_dim3A_287 = vector.broadcast %jit3A_285 : f32 to vector<1x128xf32>
    %select_n3A_288 = arith.select %eq3A_283, %broadcast_in_dim3A_286, %broadcast_in_dim3A_287 : vector<1x128xi1>, vector<1x128xf32>
    %mul3A_289 = vector.broadcast %reduce_sum3A_280 : f32 to vector<1x128xf32>
    %mul3A_290 = arith.mulf %mul3A_289, %select_n3A_288 : vector<1x128xf32>
    %add3A_291 = arith.addf %add3A_266, %mul3A_290 : vector<1x128xf32>
    %add3A_292 = arith.addf %add3A_267, %reduce_sum3A_280 : f32
    %eq3A_293 = arith.constant 1.100000e+01 : f32
    %eq3A_294 = vector.broadcast %eq3A_293 : f32 to vector<500x500xf32>
    %eq3A_295 = arith.cmpf oeq, %min3A_18, %eq3A_294 : vector<500x500xf32>
    %jit3A_296 = arith.constant 1.000000e+00 : f32
    %jit3A_297 = arith.constant 0.000000e+00 : f32
    %broadcast_in_dim3A_298 = vector.broadcast %jit3A_296 : f32 to vector<500x500xf32>
    %broadcast_in_dim3A_299 = vector.broadcast %jit3A_297 : f32 to vector<500x500xf32>
    %select_n3A_300 = arith.select %eq3A_295, %broadcast_in_dim3A_298, %broadcast_in_dim3A_299 : vector<500x500xi1>, vector<500x500xf32>
    %reduce_sum3A_301 = vector.shape_cast %select_n3A_300 : vector<500x500xf32> to vector<1x500x500xf32>
    %reduce_sum3A_302 = arith.constant dense<0.000000e+00> : vector<1xf32>
    %reduce_sum3A_303 = vector.multi_reduction <add>, %reduce_sum3A_301, %reduce_sum3A_302 [1, 2] : vector<1x500x500xf32> to vector<1xf32>
    %reduce_sum3A_304 = vector.shape_cast %reduce_sum3A_303 : vector<1xf32> to vector<1x1x1xf32>
    %reduce_sum3A_305 = vector.extract %reduce_sum3A_304[0, 0, 0] : f32 from vector<1x1x1xf32>
    %eq3A_306 = arith.constant 11 : i32
    %eq3A_307 = vector.broadcast %eq3A_306 : i32 to vector<1x128xi32>
    %eq3A_308 = arith.cmpi eq, %iota3A, %eq3A_307 : vector<1x128xi32>
    %jit3A_309 = arith.constant 1.000000e+00 : f32
    %jit3A_310 = arith.constant 0.000000e+00 : f32
    %broadcast_in_dim3A_311 = vector.broadcast %jit3A_309 : f32 to vector<1x128xf32>
    %broadcast_in_dim3A_312 = vector.broadcast %jit3A_310 : f32 to vector<1x128xf32>
    %select_n3A_313 = arith.select %eq3A_308, %broadcast_in_dim3A_311, %broadcast_in_dim3A_312 : vector<1x128xi1>, vector<1x128xf32>
    %mul3A_314 = vector.broadcast %reduce_sum3A_305 : f32 to vector<1x128xf32>
    %mul3A_315 = arith.mulf %mul3A_314, %select_n3A_313 : vector<1x128xf32>
    %add3A_316 = arith.addf %add3A_291, %mul3A_315 : vector<1x128xf32>
    %add3A_317 = arith.addf %add3A_292, %reduce_sum3A_305 : f32
    %eq3A_318 = arith.constant 1.200000e+01 : f32
    %eq3A_319 = vector.broadcast %eq3A_318 : f32 to vector<500x500xf32>
    %eq3A_320 = arith.cmpf oeq, %min3A_18, %eq3A_319 : vector<500x500xf32>
    %jit3A_321 = arith.constant 1.000000e+00 : f32
    %jit3A_322 = arith.constant 0.000000e+00 : f32
    %broadcast_in_dim3A_323 = vector.broadcast %jit3A_321 : f32 to vector<500x500xf32>
    %broadcast_in_dim3A_324 = vector.broadcast %jit3A_322 : f32 to vector<500x500xf32>
    %select_n3A_325 = arith.select %eq3A_320, %broadcast_in_dim3A_323, %broadcast_in_dim3A_324 : vector<500x500xi1>, vector<500x500xf32>
    %reduce_sum3A_326 = vector.shape_cast %select_n3A_325 : vector<500x500xf32> to vector<1x500x500xf32>
    %reduce_sum3A_327 = arith.constant dense<0.000000e+00> : vector<1xf32>
    %reduce_sum3A_328 = vector.multi_reduction <add>, %reduce_sum3A_326, %reduce_sum3A_327 [1, 2] : vector<1x500x500xf32> to vector<1xf32>
    %reduce_sum3A_329 = vector.shape_cast %reduce_sum3A_328 : vector<1xf32> to vector<1x1x1xf32>
    %reduce_sum3A_330 = vector.extract %reduce_sum3A_329[0, 0, 0] : f32 from vector<1x1x1xf32>
    %eq3A_331 = arith.constant 12 : i32
    %eq3A_332 = vector.broadcast %eq3A_331 : i32 to vector<1x128xi32>
    %eq3A_333 = arith.cmpi eq, %iota3A, %eq3A_332 : vector<1x128xi32>
    %jit3A_334 = arith.constant 1.000000e+00 : f32
    %jit3A_335 = arith.constant 0.000000e+00 : f32
    %broadcast_in_dim3A_336 = vector.broadcast %jit3A_334 : f32 to vector<1x128xf32>
    %broadcast_in_dim3A_337 = vector.broadcast %jit3A_335 : f32 to vector<1x128xf32>
    %select_n3A_338 = arith.select %eq3A_333, %broadcast_in_dim3A_336, %broadcast_in_dim3A_337 : vector<1x128xi1>, vector<1x128xf32>
    %mul3A_339 = vector.broadcast %reduce_sum3A_330 : f32 to vector<1x128xf32>
    %mul3A_340 = arith.mulf %mul3A_339, %select_n3A_338 : vector<1x128xf32>
    %add3A_341 = arith.addf %add3A_316, %mul3A_340 : vector<1x128xf32>
    %add3A_342 = arith.addf %add3A_317, %reduce_sum3A_330 : f32
    %eq3A_343 = arith.constant 1.300000e+01 : f32
    %eq3A_344 = vector.broadcast %eq3A_343 : f32 to vector<500x500xf32>
    %eq3A_345 = arith.cmpf oeq, %min3A_18, %eq3A_344 : vector<500x500xf32>
    %jit3A_346 = arith.constant 1.000000e+00 : f32
    %jit3A_347 = arith.constant 0.000000e+00 : f32
    %broadcast_in_dim3A_348 = vector.broadcast %jit3A_346 : f32 to vector<500x500xf32>
    %broadcast_in_dim3A_349 = vector.broadcast %jit3A_347 : f32 to vector<500x500xf32>
    %select_n3A_350 = arith.select %eq3A_345, %broadcast_in_dim3A_348, %broadcast_in_dim3A_349 : vector<500x500xi1>, vector<500x500xf32>
    %reduce_sum3A_351 = vector.shape_cast %select_n3A_350 : vector<500x500xf32> to vector<1x500x500xf32>
    %reduce_sum3A_352 = arith.constant dense<0.000000e+00> : vector<1xf32>
    %reduce_sum3A_353 = vector.multi_reduction <add>, %reduce_sum3A_351, %reduce_sum3A_352 [1, 2] : vector<1x500x500xf32> to vector<1xf32>
    %reduce_sum3A_354 = vector.shape_cast %reduce_sum3A_353 : vector<1xf32> to vector<1x1x1xf32>
    %reduce_sum3A_355 = vector.extract %reduce_sum3A_354[0, 0, 0] : f32 from vector<1x1x1xf32>
    %eq3A_356 = arith.constant 13 : i32
    %eq3A_357 = vector.broadcast %eq3A_356 : i32 to vector<1x128xi32>
    %eq3A_358 = arith.cmpi eq, %iota3A, %eq3A_357 : vector<1x128xi32>
    %jit3A_359 = arith.constant 1.000000e+00 : f32
    %jit3A_360 = arith.constant 0.000000e+00 : f32
    %broadcast_in_dim3A_361 = vector.broadcast %jit3A_359 : f32 to vector<1x128xf32>
    %broadcast_in_dim3A_362 = vector.broadcast %jit3A_360 : f32 to vector<1x128xf32>
    %select_n3A_363 = arith.select %eq3A_358, %broadcast_in_dim3A_361, %broadcast_in_dim3A_362 : vector<1x128xi1>, vector<1x128xf32>
    %mul3A_364 = vector.broadcast %reduce_sum3A_355 : f32 to vector<1x128xf32>
    %mul3A_365 = arith.mulf %mul3A_364, %select_n3A_363 : vector<1x128xf32>
    %add3A_366 = arith.addf %add3A_341, %mul3A_365 : vector<1x128xf32>
    %add3A_367 = arith.addf %add3A_342, %reduce_sum3A_355 : f32
    %eq3A_368 = arith.constant 1.400000e+01 : f32
    %eq3A_369 = vector.broadcast %eq3A_368 : f32 to vector<500x500xf32>
    %eq3A_370 = arith.cmpf oeq, %min3A_18, %eq3A_369 : vector<500x500xf32>
    %jit3A_371 = arith.constant 1.000000e+00 : f32
    %jit3A_372 = arith.constant 0.000000e+00 : f32
    %broadcast_in_dim3A_373 = vector.broadcast %jit3A_371 : f32 to vector<500x500xf32>
    %broadcast_in_dim3A_374 = vector.broadcast %jit3A_372 : f32 to vector<500x500xf32>
    %select_n3A_375 = arith.select %eq3A_370, %broadcast_in_dim3A_373, %broadcast_in_dim3A_374 : vector<500x500xi1>, vector<500x500xf32>
    %reduce_sum3A_376 = vector.shape_cast %select_n3A_375 : vector<500x500xf32> to vector<1x500x500xf32>
    %reduce_sum3A_377 = arith.constant dense<0.000000e+00> : vector<1xf32>
    %reduce_sum3A_378 = vector.multi_reduction <add>, %reduce_sum3A_376, %reduce_sum3A_377 [1, 2] : vector<1x500x500xf32> to vector<1xf32>
    %reduce_sum3A_379 = vector.shape_cast %reduce_sum3A_378 : vector<1xf32> to vector<1x1x1xf32>
    %reduce_sum3A_380 = vector.extract %reduce_sum3A_379[0, 0, 0] : f32 from vector<1x1x1xf32>
    %eq3A_381 = arith.constant 14 : i32
    %eq3A_382 = vector.broadcast %eq3A_381 : i32 to vector<1x128xi32>
    %eq3A_383 = arith.cmpi eq, %iota3A, %eq3A_382 : vector<1x128xi32>
    %jit3A_384 = arith.constant 1.000000e+00 : f32
    %jit3A_385 = arith.constant 0.000000e+00 : f32
    %broadcast_in_dim3A_386 = vector.broadcast %jit3A_384 : f32 to vector<1x128xf32>
    %broadcast_in_dim3A_387 = vector.broadcast %jit3A_385 : f32 to vector<1x128xf32>
    %select_n3A_388 = arith.select %eq3A_383, %broadcast_in_dim3A_386, %broadcast_in_dim3A_387 : vector<1x128xi1>, vector<1x128xf32>
    %mul3A_389 = vector.broadcast %reduce_sum3A_380 : f32 to vector<1x128xf32>
    %mul3A_390 = arith.mulf %mul3A_389, %select_n3A_388 : vector<1x128xf32>
    %add3A_391 = arith.addf %add3A_366, %mul3A_390 : vector<1x128xf32>
    %add3A_392 = arith.addf %add3A_367, %reduce_sum3A_380 : f32
    %eq3A_393 = arith.constant 1.500000e+01 : f32
    %eq3A_394 = vector.broadcast %eq3A_393 : f32 to vector<500x500xf32>
    %eq3A_395 = arith.cmpf oeq, %min3A_18, %eq3A_394 : vector<500x500xf32>
    %jit3A_396 = arith.constant 1.000000e+00 : f32
    %jit3A_397 = arith.constant 0.000000e+00 : f32
    %broadcast_in_dim3A_398 = vector.broadcast %jit3A_396 : f32 to vector<500x500xf32>
    %broadcast_in_dim3A_399 = vector.broadcast %jit3A_397 : f32 to vector<500x500xf32>
    %select_n3A_400 = arith.select %eq3A_395, %broadcast_in_dim3A_398, %broadcast_in_dim3A_399 : vector<500x500xi1>, vector<500x500xf32>
    %reduce_sum3A_401 = vector.shape_cast %select_n3A_400 : vector<500x500xf32> to vector<1x500x500xf32>
    %reduce_sum3A_402 = arith.constant dense<0.000000e+00> : vector<1xf32>
    %reduce_sum3A_403 = vector.multi_reduction <add>, %reduce_sum3A_401, %reduce_sum3A_402 [1, 2] : vector<1x500x500xf32> to vector<1xf32>
    %reduce_sum3A_404 = vector.shape_cast %reduce_sum3A_403 : vector<1xf32> to vector<1x1x1xf32>
    %reduce_sum3A_405 = vector.extract %reduce_sum3A_404[0, 0, 0] : f32 from vector<1x1x1xf32>
    %eq3A_406 = arith.constant 15 : i32
    %eq3A_407 = vector.broadcast %eq3A_406 : i32 to vector<1x128xi32>
    %eq3A_408 = arith.cmpi eq, %iota3A, %eq3A_407 : vector<1x128xi32>
    %jit3A_409 = arith.constant 1.000000e+00 : f32
    %jit3A_410 = arith.constant 0.000000e+00 : f32
    %broadcast_in_dim3A_411 = vector.broadcast %jit3A_409 : f32 to vector<1x128xf32>
    %broadcast_in_dim3A_412 = vector.broadcast %jit3A_410 : f32 to vector<1x128xf32>
    %select_n3A_413 = arith.select %eq3A_408, %broadcast_in_dim3A_411, %broadcast_in_dim3A_412 : vector<1x128xi1>, vector<1x128xf32>
    %mul3A_414 = vector.broadcast %reduce_sum3A_405 : f32 to vector<1x128xf32>
    %mul3A_415 = arith.mulf %mul3A_414, %select_n3A_413 : vector<1x128xf32>
    %add3A_416 = arith.addf %add3A_391, %mul3A_415 : vector<1x128xf32>
    %add3A_417 = arith.addf %add3A_392, %reduce_sum3A_405 : f32
    %add3A_418 = arith.constant 9.99999993E-9 : f32
    %add3A_419 = arith.addf %add3A_417, %add3A_418 : f32
    %div3A = vector.broadcast %add3A_419 : f32 to vector<1x128xf32>
    %div3A_420 = arith.divf %add3A_416, %div3A : vector<1x128xf32>
    %broadcast_in_dim3A_421 = vector.shape_cast %div3A_420 : vector<1x128xf32> to vector<1x128xf32>
    %broadcast_in_dim3A_422 = vector.broadcast %broadcast_in_dim3A_421 : vector<1x128xf32> to vector<8x128xf32>
    %swap3A = arith.constant 0 : index
    %swap3A_423 = arith.constant 0 : index
    %swap3A_424 = arith.constant 0 : index
    %swap3A_425 = vector.load %arg3[%swap3A, %swap3A_423, %swap3A_424] : memref<1x8x128xf32, #tpu.memory_space<vmem>>, vector<1x8x128xf32>
    %swap3A_426 = vector.shape_cast %swap3A_425 : vector<1x8x128xf32> to vector<8x128xf32>
    %swap3A_427 = vector.shape_cast %broadcast_in_dim3A_422 : vector<8x128xf32> to vector<1x8x128xf32>
    tpu.vector_store %arg3[%swap3A, %swap3A_423, %swap3A_424], %swap3A_427 {strides = array<i32>} : memref<1x8x128xf32, #tpu.memory_space<vmem>>, vector<1x8x128xf32>,
    return
  }
  func.func @transform_0(%arg0: i32) -> (i32, i32, i32, i32) {
    %c0_i32 = arith.constant 0 : i32
    %c0_i32_0 = arith.constant 0 : i32
    %c0_i32_1 = arith.constant 0 : i32
    %c0_i32_2 = arith.constant 0 : i32
    return %c0_i32, %arg0, %c0_i32_0, %c0_i32_1 : i32, i32, i32, i32
  }
  func.func @transform_1(%arg0: i32) -> (i32, i32, i32, i32) {
    %c1_i32 = arith.constant 1 : i32
    %c0_i32 = arith.constant 0 : i32
    %c0_i32_0 = arith.constant 0 : i32
    %c0_i32_1 = arith.constant 0 : i32
    return %c1_i32, %arg0, %c0_i32, %c0_i32_0 : i32, i32, i32, i32
  }
  func.func @transform_2(%arg0: i32) -> (i32, i32, i32) {
    %c0_i32 = arith.constant 0 : i32
    %c0_i32_0 = arith.constant 0 : i32
    %c0_i32_1 = arith.constant 0 : i32
    return %arg0, %c0_i32, %c0_i32_0 : i32, i32, i32
  }
}

module attributes {stable_mosaic.version = 14 : i64} {
  func.func @_tc_tail_body(%arg0: memref<20x128xf32, #tpu.memory_space<vmem>>, %arg1: memref<20x128xf32, #tpu.memory_space<vmem>>, %arg2: memref<20x16xf32, #tpu.memory_space<vmem>>, %arg3: memref<16x128x128xf32, #tpu.memory_space<vmem>>, %arg4: memref<1x16xf32, #tpu.memory_space<vmem>>, %arg5: memref<32x16xf32, #tpu.memory_space<vmem>>, %arg6: memref<1x32xf32, #tpu.memory_space<vmem>>, %arg7: memref<16x32xf32, #tpu.memory_space<vmem>>, %arg8: memref<1x16xf32, #tpu.memory_space<vmem>>, %arg9: memref<1x16xf32, #tpu.memory_space<vmem>>, %arg10: memref<1x1x1xf32, #tpu.memory_space<vmem>>, %arg11: memref<32x16xf32, #tpu.memory_space<vmem>>, %arg12: memref<1x32xf32, #tpu.memory_space<vmem>>, %arg13: memref<16x32xf32, #tpu.memory_space<vmem>>, %arg14: memref<1x16xf32, #tpu.memory_space<vmem>>, %arg15: memref<17x8xf32, #tpu.memory_space<vmem>>, %arg16: memref<1x8xf32, #tpu.memory_space<vmem>>, %arg17: memref<1x8xf32, #tpu.memory_space<vmem>>, %arg18: memref<1x1x1xf32, #tpu.memory_space<vmem>>, %arg19: memref<20x1xf32, #tpu.memory_space<vmem>>) attributes {dimension_semantics = [], scalar_prefetch = 0 : i64, scratch_operands = 0 : i64, tpu.core_type = #tpu.core_type<tc>} {
    %get3A = arith.constant 0 : index
    %get3A_0 = arith.constant 0 : index
    %get3A_1 = vector.load %arg0[%get3A, %get3A_0] : memref<20x128xf32, #tpu.memory_space<vmem>>, vector<20x128xf32>
    %get3A_2 = arith.constant 0 : index
    %get3A_3 = arith.constant 0 : index
    %get3A_4 = vector.load %arg1[%get3A_2, %get3A_3] : memref<20x128xf32, #tpu.memory_space<vmem>>, vector<20x128xf32>
    %iota3A = tpu.iota {dimensions = array<i32: 1>} : vector<1x16xi32>
    %broadcast_in_dim3A = arith.constant 0.000000e+00 : f32
    %broadcast_in_dim3A_5 = vector.broadcast %broadcast_in_dim3A : f32 to vector<20x16xf32>
    %get3A_6 = arith.constant 0 : index
    %get3A_7 = arith.constant 0 : index
    %get3A_8 = arith.constant 0 : index
    %get3A_9 = vector.load %arg3[%get3A_6, %get3A_7, %get3A_8] : memref<16x128x128xf32, #tpu.memory_space<vmem>>, vector<1x128x128xf32>
    %get3A_10 = vector.shape_cast %get3A_9 : vector<1x128x128xf32> to vector<128x128xf32>
    %dot_general3A = arith.constant dense<0.000000e+00> : vector<20x128xf32>
    %dot_general3A_11 = tpu.matmul %get3A_1, %get3A_10, %dot_general3A {dimension_numbers = #tpu.dot_dimension_numbers<[1], [0], [0], [1], [0, 0, 1, 1], [], []>, transpose_lhs_hint = false} : vector<20x128xf32>, vector<128x128xf32>, vector<20x128xf32> -> vector<20x128xf32>
    %mul3A = arith.mulf %dot_general3A_11, %get3A_4 : vector<20x128xf32>
    %reduce_sum3A = arith.constant dense<0.000000e+00> : vector<20xf32>
    %reduce_sum3A_12 = vector.multi_reduction <add>, %mul3A, %reduce_sum3A [1] : vector<20x128xf32> to vector<20xf32>
    %broadcast_in_dim3A_13 = vector.shape_cast %reduce_sum3A_12 : vector<20xf32> to vector<20x1xf32>
    %eq3A = arith.constant 0 : i32
    %eq3A_14 = vector.broadcast %eq3A : i32 to vector<1x16xi32>
    %eq3A_15 = arith.cmpi eq, %iota3A, %eq3A_14 : vector<1x16xi32>
    %jit3A = arith.constant 1.000000e+00 : f32
    %jit3A_16 = arith.constant 0.000000e+00 : f32
    %broadcast_in_dim3A_17 = vector.broadcast %jit3A : f32 to vector<1x16xf32>
    %broadcast_in_dim3A_18 = vector.broadcast %jit3A_16 : f32 to vector<1x16xf32>
    %select_n3A = arith.select %eq3A_15, %broadcast_in_dim3A_17, %broadcast_in_dim3A_18 : vector<1x16xi1>, vector<1x16xf32>
    %mul3A_19 = vector.broadcast %broadcast_in_dim3A_13 : vector<20x1xf32> to vector<20x16xf32>
    %mul3A_20 = vector.broadcast %select_n3A : vector<1x16xf32> to vector<20x16xf32>
    %mul3A_21 = arith.mulf %mul3A_19, %mul3A_20 : vector<20x16xf32>
    %add3A = arith.addf %broadcast_in_dim3A_5, %mul3A_21 : vector<20x16xf32>
    %get3A_22 = arith.constant 1 : index
    %get3A_23 = arith.constant 0 : index
    %get3A_24 = arith.constant 0 : index
    %get3A_25 = vector.load %arg3[%get3A_22, %get3A_23, %get3A_24] : memref<16x128x128xf32, #tpu.memory_space<vmem>>, vector<1x128x128xf32>
    %get3A_26 = vector.shape_cast %get3A_25 : vector<1x128x128xf32> to vector<128x128xf32>
    %dot_general3A_27 = arith.constant dense<0.000000e+00> : vector<20x128xf32>
    %dot_general3A_28 = tpu.matmul %get3A_1, %get3A_26, %dot_general3A_27 {dimension_numbers = #tpu.dot_dimension_numbers<[1], [0], [0], [1], [0, 0, 1, 1], [], []>, transpose_lhs_hint = false} : vector<20x128xf32>, vector<128x128xf32>, vector<20x128xf32> -> vector<20x128xf32>
    %mul3A_29 = arith.mulf %dot_general3A_28, %get3A_4 : vector<20x128xf32>
    %reduce_sum3A_30 = arith.constant dense<0.000000e+00> : vector<20xf32>
    %reduce_sum3A_31 = vector.multi_reduction <add>, %mul3A_29, %reduce_sum3A_30 [1] : vector<20x128xf32> to vector<20xf32>
    %broadcast_in_dim3A_32 = vector.shape_cast %reduce_sum3A_31 : vector<20xf32> to vector<20x1xf32>
    %eq3A_33 = arith.constant 1 : i32
    %eq3A_34 = vector.broadcast %eq3A_33 : i32 to vector<1x16xi32>
    %eq3A_35 = arith.cmpi eq, %iota3A, %eq3A_34 : vector<1x16xi32>
    %jit3A_36 = arith.constant 1.000000e+00 : f32
    %jit3A_37 = arith.constant 0.000000e+00 : f32
    %broadcast_in_dim3A_38 = vector.broadcast %jit3A_36 : f32 to vector<1x16xf32>
    %broadcast_in_dim3A_39 = vector.broadcast %jit3A_37 : f32 to vector<1x16xf32>
    %select_n3A_40 = arith.select %eq3A_35, %broadcast_in_dim3A_38, %broadcast_in_dim3A_39 : vector<1x16xi1>, vector<1x16xf32>
    %mul3A_41 = vector.broadcast %broadcast_in_dim3A_32 : vector<20x1xf32> to vector<20x16xf32>
    %mul3A_42 = vector.broadcast %select_n3A_40 : vector<1x16xf32> to vector<20x16xf32>
    %mul3A_43 = arith.mulf %mul3A_41, %mul3A_42 : vector<20x16xf32>
    %add3A_44 = arith.addf %add3A, %mul3A_43 : vector<20x16xf32>
    %get3A_45 = arith.constant 2 : index
    %get3A_46 = arith.constant 0 : index
    %get3A_47 = arith.constant 0 : index
    %get3A_48 = vector.load %arg3[%get3A_45, %get3A_46, %get3A_47] : memref<16x128x128xf32, #tpu.memory_space<vmem>>, vector<1x128x128xf32>
    %get3A_49 = vector.shape_cast %get3A_48 : vector<1x128x128xf32> to vector<128x128xf32>
    %dot_general3A_50 = arith.constant dense<0.000000e+00> : vector<20x128xf32>
    %dot_general3A_51 = tpu.matmul %get3A_1, %get3A_49, %dot_general3A_50 {dimension_numbers = #tpu.dot_dimension_numbers<[1], [0], [0], [1], [0, 0, 1, 1], [], []>, transpose_lhs_hint = false} : vector<20x128xf32>, vector<128x128xf32>, vector<20x128xf32> -> vector<20x128xf32>
    %mul3A_52 = arith.mulf %dot_general3A_51, %get3A_4 : vector<20x128xf32>
    %reduce_sum3A_53 = arith.constant dense<0.000000e+00> : vector<20xf32>
    %reduce_sum3A_54 = vector.multi_reduction <add>, %mul3A_52, %reduce_sum3A_53 [1] : vector<20x128xf32> to vector<20xf32>
    %broadcast_in_dim3A_55 = vector.shape_cast %reduce_sum3A_54 : vector<20xf32> to vector<20x1xf32>
    %eq3A_56 = arith.constant 2 : i32
    %eq3A_57 = vector.broadcast %eq3A_56 : i32 to vector<1x16xi32>
    %eq3A_58 = arith.cmpi eq, %iota3A, %eq3A_57 : vector<1x16xi32>
    %jit3A_59 = arith.constant 1.000000e+00 : f32
    %jit3A_60 = arith.constant 0.000000e+00 : f32
    %broadcast_in_dim3A_61 = vector.broadcast %jit3A_59 : f32 to vector<1x16xf32>
    %broadcast_in_dim3A_62 = vector.broadcast %jit3A_60 : f32 to vector<1x16xf32>
    %select_n3A_63 = arith.select %eq3A_58, %broadcast_in_dim3A_61, %broadcast_in_dim3A_62 : vector<1x16xi1>, vector<1x16xf32>
    %mul3A_64 = vector.broadcast %broadcast_in_dim3A_55 : vector<20x1xf32> to vector<20x16xf32>
    %mul3A_65 = vector.broadcast %select_n3A_63 : vector<1x16xf32> to vector<20x16xf32>
    %mul3A_66 = arith.mulf %mul3A_64, %mul3A_65 : vector<20x16xf32>
    %add3A_67 = arith.addf %add3A_44, %mul3A_66 : vector<20x16xf32>
    %get3A_68 = arith.constant 3 : index
    %get3A_69 = arith.constant 0 : index
    %get3A_70 = arith.constant 0 : index
    %get3A_71 = vector.load %arg3[%get3A_68, %get3A_69, %get3A_70] : memref<16x128x128xf32, #tpu.memory_space<vmem>>, vector<1x128x128xf32>
    %get3A_72 = vector.shape_cast %get3A_71 : vector<1x128x128xf32> to vector<128x128xf32>
    %dot_general3A_73 = arith.constant dense<0.000000e+00> : vector<20x128xf32>
    %dot_general3A_74 = tpu.matmul %get3A_1, %get3A_72, %dot_general3A_73 {dimension_numbers = #tpu.dot_dimension_numbers<[1], [0], [0], [1], [0, 0, 1, 1], [], []>, transpose_lhs_hint = false} : vector<20x128xf32>, vector<128x128xf32>, vector<20x128xf32> -> vector<20x128xf32>
    %mul3A_75 = arith.mulf %dot_general3A_74, %get3A_4 : vector<20x128xf32>
    %reduce_sum3A_76 = arith.constant dense<0.000000e+00> : vector<20xf32>
    %reduce_sum3A_77 = vector.multi_reduction <add>, %mul3A_75, %reduce_sum3A_76 [1] : vector<20x128xf32> to vector<20xf32>
    %broadcast_in_dim3A_78 = vector.shape_cast %reduce_sum3A_77 : vector<20xf32> to vector<20x1xf32>
    %eq3A_79 = arith.constant 3 : i32
    %eq3A_80 = vector.broadcast %eq3A_79 : i32 to vector<1x16xi32>
    %eq3A_81 = arith.cmpi eq, %iota3A, %eq3A_80 : vector<1x16xi32>
    %jit3A_82 = arith.constant 1.000000e+00 : f32
    %jit3A_83 = arith.constant 0.000000e+00 : f32
    %broadcast_in_dim3A_84 = vector.broadcast %jit3A_82 : f32 to vector<1x16xf32>
    %broadcast_in_dim3A_85 = vector.broadcast %jit3A_83 : f32 to vector<1x16xf32>
    %select_n3A_86 = arith.select %eq3A_81, %broadcast_in_dim3A_84, %broadcast_in_dim3A_85 : vector<1x16xi1>, vector<1x16xf32>
    %mul3A_87 = vector.broadcast %broadcast_in_dim3A_78 : vector<20x1xf32> to vector<20x16xf32>
    %mul3A_88 = vector.broadcast %select_n3A_86 : vector<1x16xf32> to vector<20x16xf32>
    %mul3A_89 = arith.mulf %mul3A_87, %mul3A_88 : vector<20x16xf32>
    %add3A_90 = arith.addf %add3A_67, %mul3A_89 : vector<20x16xf32>
    %get3A_91 = arith.constant 4 : index
    %get3A_92 = arith.constant 0 : index
    %get3A_93 = arith.constant 0 : index
    %get3A_94 = vector.load %arg3[%get3A_91, %get3A_92, %get3A_93] : memref<16x128x128xf32, #tpu.memory_space<vmem>>, vector<1x128x128xf32>
    %get3A_95 = vector.shape_cast %get3A_94 : vector<1x128x128xf32> to vector<128x128xf32>
    %dot_general3A_96 = arith.constant dense<0.000000e+00> : vector<20x128xf32>
    %dot_general3A_97 = tpu.matmul %get3A_1, %get3A_95, %dot_general3A_96 {dimension_numbers = #tpu.dot_dimension_numbers<[1], [0], [0], [1], [0, 0, 1, 1], [], []>, transpose_lhs_hint = false} : vector<20x128xf32>, vector<128x128xf32>, vector<20x128xf32> -> vector<20x128xf32>
    %mul3A_98 = arith.mulf %dot_general3A_97, %get3A_4 : vector<20x128xf32>
    %reduce_sum3A_99 = arith.constant dense<0.000000e+00> : vector<20xf32>
    %reduce_sum3A_100 = vector.multi_reduction <add>, %mul3A_98, %reduce_sum3A_99 [1] : vector<20x128xf32> to vector<20xf32>
    %broadcast_in_dim3A_101 = vector.shape_cast %reduce_sum3A_100 : vector<20xf32> to vector<20x1xf32>
    %eq3A_102 = arith.constant 4 : i32
    %eq3A_103 = vector.broadcast %eq3A_102 : i32 to vector<1x16xi32>
    %eq3A_104 = arith.cmpi eq, %iota3A, %eq3A_103 : vector<1x16xi32>
    %jit3A_105 = arith.constant 1.000000e+00 : f32
    %jit3A_106 = arith.constant 0.000000e+00 : f32
    %broadcast_in_dim3A_107 = vector.broadcast %jit3A_105 : f32 to vector<1x16xf32>
    %broadcast_in_dim3A_108 = vector.broadcast %jit3A_106 : f32 to vector<1x16xf32>
    %select_n3A_109 = arith.select %eq3A_104, %broadcast_in_dim3A_107, %broadcast_in_dim3A_108 : vector<1x16xi1>, vector<1x16xf32>
    %mul3A_110 = vector.broadcast %broadcast_in_dim3A_101 : vector<20x1xf32> to vector<20x16xf32>
    %mul3A_111 = vector.broadcast %select_n3A_109 : vector<1x16xf32> to vector<20x16xf32>
    %mul3A_112 = arith.mulf %mul3A_110, %mul3A_111 : vector<20x16xf32>
    %add3A_113 = arith.addf %add3A_90, %mul3A_112 : vector<20x16xf32>
    %get3A_114 = arith.constant 5 : index
    %get3A_115 = arith.constant 0 : index
    %get3A_116 = arith.constant 0 : index
    %get3A_117 = vector.load %arg3[%get3A_114, %get3A_115, %get3A_116] : memref<16x128x128xf32, #tpu.memory_space<vmem>>, vector<1x128x128xf32>
    %get3A_118 = vector.shape_cast %get3A_117 : vector<1x128x128xf32> to vector<128x128xf32>
    %dot_general3A_119 = arith.constant dense<0.000000e+00> : vector<20x128xf32>
    %dot_general3A_120 = tpu.matmul %get3A_1, %get3A_118, %dot_general3A_119 {dimension_numbers = #tpu.dot_dimension_numbers<[1], [0], [0], [1], [0, 0, 1, 1], [], []>, transpose_lhs_hint = false} : vector<20x128xf32>, vector<128x128xf32>, vector<20x128xf32> -> vector<20x128xf32>
    %mul3A_121 = arith.mulf %dot_general3A_120, %get3A_4 : vector<20x128xf32>
    %reduce_sum3A_122 = arith.constant dense<0.000000e+00> : vector<20xf32>
    %reduce_sum3A_123 = vector.multi_reduction <add>, %mul3A_121, %reduce_sum3A_122 [1] : vector<20x128xf32> to vector<20xf32>
    %broadcast_in_dim3A_124 = vector.shape_cast %reduce_sum3A_123 : vector<20xf32> to vector<20x1xf32>
    %eq3A_125 = arith.constant 5 : i32
    %eq3A_126 = vector.broadcast %eq3A_125 : i32 to vector<1x16xi32>
    %eq3A_127 = arith.cmpi eq, %iota3A, %eq3A_126 : vector<1x16xi32>
    %jit3A_128 = arith.constant 1.000000e+00 : f32
    %jit3A_129 = arith.constant 0.000000e+00 : f32
    %broadcast_in_dim3A_130 = vector.broadcast %jit3A_128 : f32 to vector<1x16xf32>
    %broadcast_in_dim3A_131 = vector.broadcast %jit3A_129 : f32 to vector<1x16xf32>
    %select_n3A_132 = arith.select %eq3A_127, %broadcast_in_dim3A_130, %broadcast_in_dim3A_131 : vector<1x16xi1>, vector<1x16xf32>
    %mul3A_133 = vector.broadcast %broadcast_in_dim3A_124 : vector<20x1xf32> to vector<20x16xf32>
    %mul3A_134 = vector.broadcast %select_n3A_132 : vector<1x16xf32> to vector<20x16xf32>
    %mul3A_135 = arith.mulf %mul3A_133, %mul3A_134 : vector<20x16xf32>
    %add3A_136 = arith.addf %add3A_113, %mul3A_135 : vector<20x16xf32>
    %get3A_137 = arith.constant 6 : index
    %get3A_138 = arith.constant 0 : index
    %get3A_139 = arith.constant 0 : index
    %get3A_140 = vector.load %arg3[%get3A_137, %get3A_138, %get3A_139] : memref<16x128x128xf32, #tpu.memory_space<vmem>>, vector<1x128x128xf32>
    %get3A_141 = vector.shape_cast %get3A_140 : vector<1x128x128xf32> to vector<128x128xf32>
    %dot_general3A_142 = arith.constant dense<0.000000e+00> : vector<20x128xf32>
    %dot_general3A_143 = tpu.matmul %get3A_1, %get3A_141, %dot_general3A_142 {dimension_numbers = #tpu.dot_dimension_numbers<[1], [0], [0], [1], [0, 0, 1, 1], [], []>, transpose_lhs_hint = false} : vector<20x128xf32>, vector<128x128xf32>, vector<20x128xf32> -> vector<20x128xf32>
    %mul3A_144 = arith.mulf %dot_general3A_143, %get3A_4 : vector<20x128xf32>
    %reduce_sum3A_145 = arith.constant dense<0.000000e+00> : vector<20xf32>
    %reduce_sum3A_146 = vector.multi_reduction <add>, %mul3A_144, %reduce_sum3A_145 [1] : vector<20x128xf32> to vector<20xf32>
    %broadcast_in_dim3A_147 = vector.shape_cast %reduce_sum3A_146 : vector<20xf32> to vector<20x1xf32>
    %eq3A_148 = arith.constant 6 : i32
    %eq3A_149 = vector.broadcast %eq3A_148 : i32 to vector<1x16xi32>
    %eq3A_150 = arith.cmpi eq, %iota3A, %eq3A_149 : vector<1x16xi32>
    %jit3A_151 = arith.constant 1.000000e+00 : f32
    %jit3A_152 = arith.constant 0.000000e+00 : f32
    %broadcast_in_dim3A_153 = vector.broadcast %jit3A_151 : f32 to vector<1x16xf32>
    %broadcast_in_dim3A_154 = vector.broadcast %jit3A_152 : f32 to vector<1x16xf32>
    %select_n3A_155 = arith.select %eq3A_150, %broadcast_in_dim3A_153, %broadcast_in_dim3A_154 : vector<1x16xi1>, vector<1x16xf32>
    %mul3A_156 = vector.broadcast %broadcast_in_dim3A_147 : vector<20x1xf32> to vector<20x16xf32>
    %mul3A_157 = vector.broadcast %select_n3A_155 : vector<1x16xf32> to vector<20x16xf32>
    %mul3A_158 = arith.mulf %mul3A_156, %mul3A_157 : vector<20x16xf32>
    %add3A_159 = arith.addf %add3A_136, %mul3A_158 : vector<20x16xf32>
    %get3A_160 = arith.constant 7 : index
    %get3A_161 = arith.constant 0 : index
    %get3A_162 = arith.constant 0 : index
    %get3A_163 = vector.load %arg3[%get3A_160, %get3A_161, %get3A_162] : memref<16x128x128xf32, #tpu.memory_space<vmem>>, vector<1x128x128xf32>
    %get3A_164 = vector.shape_cast %get3A_163 : vector<1x128x128xf32> to vector<128x128xf32>
    %dot_general3A_165 = arith.constant dense<0.000000e+00> : vector<20x128xf32>
    %dot_general3A_166 = tpu.matmul %get3A_1, %get3A_164, %dot_general3A_165 {dimension_numbers = #tpu.dot_dimension_numbers<[1], [0], [0], [1], [0, 0, 1, 1], [], []>, transpose_lhs_hint = false} : vector<20x128xf32>, vector<128x128xf32>, vector<20x128xf32> -> vector<20x128xf32>
    %mul3A_167 = arith.mulf %dot_general3A_166, %get3A_4 : vector<20x128xf32>
    %reduce_sum3A_168 = arith.constant dense<0.000000e+00> : vector<20xf32>
    %reduce_sum3A_169 = vector.multi_reduction <add>, %mul3A_167, %reduce_sum3A_168 [1] : vector<20x128xf32> to vector<20xf32>
    %broadcast_in_dim3A_170 = vector.shape_cast %reduce_sum3A_169 : vector<20xf32> to vector<20x1xf32>
    %eq3A_171 = arith.constant 7 : i32
    %eq3A_172 = vector.broadcast %eq3A_171 : i32 to vector<1x16xi32>
    %eq3A_173 = arith.cmpi eq, %iota3A, %eq3A_172 : vector<1x16xi32>
    %jit3A_174 = arith.constant 1.000000e+00 : f32
    %jit3A_175 = arith.constant 0.000000e+00 : f32
    %broadcast_in_dim3A_176 = vector.broadcast %jit3A_174 : f32 to vector<1x16xf32>
    %broadcast_in_dim3A_177 = vector.broadcast %jit3A_175 : f32 to vector<1x16xf32>
    %select_n3A_178 = arith.select %eq3A_173, %broadcast_in_dim3A_176, %broadcast_in_dim3A_177 : vector<1x16xi1>, vector<1x16xf32>
    %mul3A_179 = vector.broadcast %broadcast_in_dim3A_170 : vector<20x1xf32> to vector<20x16xf32>
    %mul3A_180 = vector.broadcast %select_n3A_178 : vector<1x16xf32> to vector<20x16xf32>
    %mul3A_181 = arith.mulf %mul3A_179, %mul3A_180 : vector<20x16xf32>
    %add3A_182 = arith.addf %add3A_159, %mul3A_181 : vector<20x16xf32>
    %get3A_183 = arith.constant 8 : index
    %get3A_184 = arith.constant 0 : index
    %get3A_185 = arith.constant 0 : index
    %get3A_186 = vector.load %arg3[%get3A_183, %get3A_184, %get3A_185] : memref<16x128x128xf32, #tpu.memory_space<vmem>>, vector<1x128x128xf32>
    %get3A_187 = vector.shape_cast %get3A_186 : vector<1x128x128xf32> to vector<128x128xf32>
    %dot_general3A_188 = arith.constant dense<0.000000e+00> : vector<20x128xf32>
    %dot_general3A_189 = tpu.matmul %get3A_1, %get3A_187, %dot_general3A_188 {dimension_numbers = #tpu.dot_dimension_numbers<[1], [0], [0], [1], [0, 0, 1, 1], [], []>, transpose_lhs_hint = false} : vector<20x128xf32>, vector<128x128xf32>, vector<20x128xf32> -> vector<20x128xf32>
    %mul3A_190 = arith.mulf %dot_general3A_189, %get3A_4 : vector<20x128xf32>
    %reduce_sum3A_191 = arith.constant dense<0.000000e+00> : vector<20xf32>
    %reduce_sum3A_192 = vector.multi_reduction <add>, %mul3A_190, %reduce_sum3A_191 [1] : vector<20x128xf32> to vector<20xf32>
    %broadcast_in_dim3A_193 = vector.shape_cast %reduce_sum3A_192 : vector<20xf32> to vector<20x1xf32>
    %eq3A_194 = arith.constant 8 : i32
    %eq3A_195 = vector.broadcast %eq3A_194 : i32 to vector<1x16xi32>
    %eq3A_196 = arith.cmpi eq, %iota3A, %eq3A_195 : vector<1x16xi32>
    %jit3A_197 = arith.constant 1.000000e+00 : f32
    %jit3A_198 = arith.constant 0.000000e+00 : f32
    %broadcast_in_dim3A_199 = vector.broadcast %jit3A_197 : f32 to vector<1x16xf32>
    %broadcast_in_dim3A_200 = vector.broadcast %jit3A_198 : f32 to vector<1x16xf32>
    %select_n3A_201 = arith.select %eq3A_196, %broadcast_in_dim3A_199, %broadcast_in_dim3A_200 : vector<1x16xi1>, vector<1x16xf32>
    %mul3A_202 = vector.broadcast %broadcast_in_dim3A_193 : vector<20x1xf32> to vector<20x16xf32>
    %mul3A_203 = vector.broadcast %select_n3A_201 : vector<1x16xf32> to vector<20x16xf32>
    %mul3A_204 = arith.mulf %mul3A_202, %mul3A_203 : vector<20x16xf32>
    %add3A_205 = arith.addf %add3A_182, %mul3A_204 : vector<20x16xf32>
    %get3A_206 = arith.constant 9 : index
    %get3A_207 = arith.constant 0 : index
    %get3A_208 = arith.constant 0 : index
    %get3A_209 = vector.load %arg3[%get3A_206, %get3A_207, %get3A_208] : memref<16x128x128xf32, #tpu.memory_space<vmem>>, vector<1x128x128xf32>
    %get3A_210 = vector.shape_cast %get3A_209 : vector<1x128x128xf32> to vector<128x128xf32>
    %dot_general3A_211 = arith.constant dense<0.000000e+00> : vector<20x128xf32>
    %dot_general3A_212 = tpu.matmul %get3A_1, %get3A_210, %dot_general3A_211 {dimension_numbers = #tpu.dot_dimension_numbers<[1], [0], [0], [1], [0, 0, 1, 1], [], []>, transpose_lhs_hint = false} : vector<20x128xf32>, vector<128x128xf32>, vector<20x128xf32> -> vector<20x128xf32>
    %mul3A_213 = arith.mulf %dot_general3A_212, %get3A_4 : vector<20x128xf32>
    %reduce_sum3A_214 = arith.constant dense<0.000000e+00> : vector<20xf32>
    %reduce_sum3A_215 = vector.multi_reduction <add>, %mul3A_213, %reduce_sum3A_214 [1] : vector<20x128xf32> to vector<20xf32>
    %broadcast_in_dim3A_216 = vector.shape_cast %reduce_sum3A_215 : vector<20xf32> to vector<20x1xf32>
    %eq3A_217 = arith.constant 9 : i32
    %eq3A_218 = vector.broadcast %eq3A_217 : i32 to vector<1x16xi32>
    %eq3A_219 = arith.cmpi eq, %iota3A, %eq3A_218 : vector<1x16xi32>
    %jit3A_220 = arith.constant 1.000000e+00 : f32
    %jit3A_221 = arith.constant 0.000000e+00 : f32
    %broadcast_in_dim3A_222 = vector.broadcast %jit3A_220 : f32 to vector<1x16xf32>
    %broadcast_in_dim3A_223 = vector.broadcast %jit3A_221 : f32 to vector<1x16xf32>
    %select_n3A_224 = arith.select %eq3A_219, %broadcast_in_dim3A_222, %broadcast_in_dim3A_223 : vector<1x16xi1>, vector<1x16xf32>
    %mul3A_225 = vector.broadcast %broadcast_in_dim3A_216 : vector<20x1xf32> to vector<20x16xf32>
    %mul3A_226 = vector.broadcast %select_n3A_224 : vector<1x16xf32> to vector<20x16xf32>
    %mul3A_227 = arith.mulf %mul3A_225, %mul3A_226 : vector<20x16xf32>
    %add3A_228 = arith.addf %add3A_205, %mul3A_227 : vector<20x16xf32>
    %get3A_229 = arith.constant 10 : index
    %get3A_230 = arith.constant 0 : index
    %get3A_231 = arith.constant 0 : index
    %get3A_232 = vector.load %arg3[%get3A_229, %get3A_230, %get3A_231] : memref<16x128x128xf32, #tpu.memory_space<vmem>>, vector<1x128x128xf32>
    %get3A_233 = vector.shape_cast %get3A_232 : vector<1x128x128xf32> to vector<128x128xf32>
    %dot_general3A_234 = arith.constant dense<0.000000e+00> : vector<20x128xf32>
    %dot_general3A_235 = tpu.matmul %get3A_1, %get3A_233, %dot_general3A_234 {dimension_numbers = #tpu.dot_dimension_numbers<[1], [0], [0], [1], [0, 0, 1, 1], [], []>, transpose_lhs_hint = false} : vector<20x128xf32>, vector<128x128xf32>, vector<20x128xf32> -> vector<20x128xf32>
    %mul3A_236 = arith.mulf %dot_general3A_235, %get3A_4 : vector<20x128xf32>
    %reduce_sum3A_237 = arith.constant dense<0.000000e+00> : vector<20xf32>
    %reduce_sum3A_238 = vector.multi_reduction <add>, %mul3A_236, %reduce_sum3A_237 [1] : vector<20x128xf32> to vector<20xf32>
    %broadcast_in_dim3A_239 = vector.shape_cast %reduce_sum3A_238 : vector<20xf32> to vector<20x1xf32>
    %eq3A_240 = arith.constant 10 : i32
    %eq3A_241 = vector.broadcast %eq3A_240 : i32 to vector<1x16xi32>
    %eq3A_242 = arith.cmpi eq, %iota3A, %eq3A_241 : vector<1x16xi32>
    %jit3A_243 = arith.constant 1.000000e+00 : f32
    %jit3A_244 = arith.constant 0.000000e+00 : f32
    %broadcast_in_dim3A_245 = vector.broadcast %jit3A_243 : f32 to vector<1x16xf32>
    %broadcast_in_dim3A_246 = vector.broadcast %jit3A_244 : f32 to vector<1x16xf32>
    %select_n3A_247 = arith.select %eq3A_242, %broadcast_in_dim3A_245, %broadcast_in_dim3A_246 : vector<1x16xi1>, vector<1x16xf32>
    %mul3A_248 = vector.broadcast %broadcast_in_dim3A_239 : vector<20x1xf32> to vector<20x16xf32>
    %mul3A_249 = vector.broadcast %select_n3A_247 : vector<1x16xf32> to vector<20x16xf32>
    %mul3A_250 = arith.mulf %mul3A_248, %mul3A_249 : vector<20x16xf32>
    %add3A_251 = arith.addf %add3A_228, %mul3A_250 : vector<20x16xf32>
    %get3A_252 = arith.constant 11 : index
    %get3A_253 = arith.constant 0 : index
    %get3A_254 = arith.constant 0 : index
    %get3A_255 = vector.load %arg3[%get3A_252, %get3A_253, %get3A_254] : memref<16x128x128xf32, #tpu.memory_space<vmem>>, vector<1x128x128xf32>
    %get3A_256 = vector.shape_cast %get3A_255 : vector<1x128x128xf32> to vector<128x128xf32>
    %dot_general3A_257 = arith.constant dense<0.000000e+00> : vector<20x128xf32>
    %dot_general3A_258 = tpu.matmul %get3A_1, %get3A_256, %dot_general3A_257 {dimension_numbers = #tpu.dot_dimension_numbers<[1], [0], [0], [1], [0, 0, 1, 1], [], []>, transpose_lhs_hint = false} : vector<20x128xf32>, vector<128x128xf32>, vector<20x128xf32> -> vector<20x128xf32>
    %mul3A_259 = arith.mulf %dot_general3A_258, %get3A_4 : vector<20x128xf32>
    %reduce_sum3A_260 = arith.constant dense<0.000000e+00> : vector<20xf32>
    %reduce_sum3A_261 = vector.multi_reduction <add>, %mul3A_259, %reduce_sum3A_260 [1] : vector<20x128xf32> to vector<20xf32>
    %broadcast_in_dim3A_262 = vector.shape_cast %reduce_sum3A_261 : vector<20xf32> to vector<20x1xf32>
    %eq3A_263 = arith.constant 11 : i32
    %eq3A_264 = vector.broadcast %eq3A_263 : i32 to vector<1x16xi32>
    %eq3A_265 = arith.cmpi eq, %iota3A, %eq3A_264 : vector<1x16xi32>
    %jit3A_266 = arith.constant 1.000000e+00 : f32
    %jit3A_267 = arith.constant 0.000000e+00 : f32
    %broadcast_in_dim3A_268 = vector.broadcast %jit3A_266 : f32 to vector<1x16xf32>
    %broadcast_in_dim3A_269 = vector.broadcast %jit3A_267 : f32 to vector<1x16xf32>
    %select_n3A_270 = arith.select %eq3A_265, %broadcast_in_dim3A_268, %broadcast_in_dim3A_269 : vector<1x16xi1>, vector<1x16xf32>
    %mul3A_271 = vector.broadcast %broadcast_in_dim3A_262 : vector<20x1xf32> to vector<20x16xf32>
    %mul3A_272 = vector.broadcast %select_n3A_270 : vector<1x16xf32> to vector<20x16xf32>
    %mul3A_273 = arith.mulf %mul3A_271, %mul3A_272 : vector<20x16xf32>
    %add3A_274 = arith.addf %add3A_251, %mul3A_273 : vector<20x16xf32>
    %get3A_275 = arith.constant 12 : index
    %get3A_276 = arith.constant 0 : index
    %get3A_277 = arith.constant 0 : index
    %get3A_278 = vector.load %arg3[%get3A_275, %get3A_276, %get3A_277] : memref<16x128x128xf32, #tpu.memory_space<vmem>>, vector<1x128x128xf32>
    %get3A_279 = vector.shape_cast %get3A_278 : vector<1x128x128xf32> to vector<128x128xf32>
    %dot_general3A_280 = arith.constant dense<0.000000e+00> : vector<20x128xf32>
    %dot_general3A_281 = tpu.matmul %get3A_1, %get3A_279, %dot_general3A_280 {dimension_numbers = #tpu.dot_dimension_numbers<[1], [0], [0], [1], [0, 0, 1, 1], [], []>, transpose_lhs_hint = false} : vector<20x128xf32>, vector<128x128xf32>, vector<20x128xf32> -> vector<20x128xf32>
    %mul3A_282 = arith.mulf %dot_general3A_281, %get3A_4 : vector<20x128xf32>
    %reduce_sum3A_283 = arith.constant dense<0.000000e+00> : vector<20xf32>
    %reduce_sum3A_284 = vector.multi_reduction <add>, %mul3A_282, %reduce_sum3A_283 [1] : vector<20x128xf32> to vector<20xf32>
    %broadcast_in_dim3A_285 = vector.shape_cast %reduce_sum3A_284 : vector<20xf32> to vector<20x1xf32>
    %eq3A_286 = arith.constant 12 : i32
    %eq3A_287 = vector.broadcast %eq3A_286 : i32 to vector<1x16xi32>
    %eq3A_288 = arith.cmpi eq, %iota3A, %eq3A_287 : vector<1x16xi32>
    %jit3A_289 = arith.constant 1.000000e+00 : f32
    %jit3A_290 = arith.constant 0.000000e+00 : f32
    %broadcast_in_dim3A_291 = vector.broadcast %jit3A_289 : f32 to vector<1x16xf32>
    %broadcast_in_dim3A_292 = vector.broadcast %jit3A_290 : f32 to vector<1x16xf32>
    %select_n3A_293 = arith.select %eq3A_288, %broadcast_in_dim3A_291, %broadcast_in_dim3A_292 : vector<1x16xi1>, vector<1x16xf32>
    %mul3A_294 = vector.broadcast %broadcast_in_dim3A_285 : vector<20x1xf32> to vector<20x16xf32>
    %mul3A_295 = vector.broadcast %select_n3A_293 : vector<1x16xf32> to vector<20x16xf32>
    %mul3A_296 = arith.mulf %mul3A_294, %mul3A_295 : vector<20x16xf32>
    %add3A_297 = arith.addf %add3A_274, %mul3A_296 : vector<20x16xf32>
    %get3A_298 = arith.constant 13 : index
    %get3A_299 = arith.constant 0 : index
    %get3A_300 = arith.constant 0 : index
    %get3A_301 = vector.load %arg3[%get3A_298, %get3A_299, %get3A_300] : memref<16x128x128xf32, #tpu.memory_space<vmem>>, vector<1x128x128xf32>
    %get3A_302 = vector.shape_cast %get3A_301 : vector<1x128x128xf32> to vector<128x128xf32>
    %dot_general3A_303 = arith.constant dense<0.000000e+00> : vector<20x128xf32>
    %dot_general3A_304 = tpu.matmul %get3A_1, %get3A_302, %dot_general3A_303 {dimension_numbers = #tpu.dot_dimension_numbers<[1], [0], [0], [1], [0, 0, 1, 1], [], []>, transpose_lhs_hint = false} : vector<20x128xf32>, vector<128x128xf32>, vector<20x128xf32> -> vector<20x128xf32>
    %mul3A_305 = arith.mulf %dot_general3A_304, %get3A_4 : vector<20x128xf32>
    %reduce_sum3A_306 = arith.constant dense<0.000000e+00> : vector<20xf32>
    %reduce_sum3A_307 = vector.multi_reduction <add>, %mul3A_305, %reduce_sum3A_306 [1] : vector<20x128xf32> to vector<20xf32>
    %broadcast_in_dim3A_308 = vector.shape_cast %reduce_sum3A_307 : vector<20xf32> to vector<20x1xf32>
    %eq3A_309 = arith.constant 13 : i32
    %eq3A_310 = vector.broadcast %eq3A_309 : i32 to vector<1x16xi32>
    %eq3A_311 = arith.cmpi eq, %iota3A, %eq3A_310 : vector<1x16xi32>
    %jit3A_312 = arith.constant 1.000000e+00 : f32
    %jit3A_313 = arith.constant 0.000000e+00 : f32
    %broadcast_in_dim3A_314 = vector.broadcast %jit3A_312 : f32 to vector<1x16xf32>
    %broadcast_in_dim3A_315 = vector.broadcast %jit3A_313 : f32 to vector<1x16xf32>
    %select_n3A_316 = arith.select %eq3A_311, %broadcast_in_dim3A_314, %broadcast_in_dim3A_315 : vector<1x16xi1>, vector<1x16xf32>
    %mul3A_317 = vector.broadcast %broadcast_in_dim3A_308 : vector<20x1xf32> to vector<20x16xf32>
    %mul3A_318 = vector.broadcast %select_n3A_316 : vector<1x16xf32> to vector<20x16xf32>
    %mul3A_319 = arith.mulf %mul3A_317, %mul3A_318 : vector<20x16xf32>
    %add3A_320 = arith.addf %add3A_297, %mul3A_319 : vector<20x16xf32>
    %get3A_321 = arith.constant 14 : index
    %get3A_322 = arith.constant 0 : index
    %get3A_323 = arith.constant 0 : index
    %get3A_324 = vector.load %arg3[%get3A_321, %get3A_322, %get3A_323] : memref<16x128x128xf32, #tpu.memory_space<vmem>>, vector<1x128x128xf32>
    %get3A_325 = vector.shape_cast %get3A_324 : vector<1x128x128xf32> to vector<128x128xf32>
    %dot_general3A_326 = arith.constant dense<0.000000e+00> : vector<20x128xf32>
    %dot_general3A_327 = tpu.matmul %get3A_1, %get3A_325, %dot_general3A_326 {dimension_numbers = #tpu.dot_dimension_numbers<[1], [0], [0], [1], [0, 0, 1, 1], [], []>, transpose_lhs_hint = false} : vector<20x128xf32>, vector<128x128xf32>, vector<20x128xf32> -> vector<20x128xf32>
    %mul3A_328 = arith.mulf %dot_general3A_327, %get3A_4 : vector<20x128xf32>
    %reduce_sum3A_329 = arith.constant dense<0.000000e+00> : vector<20xf32>
    %reduce_sum3A_330 = vector.multi_reduction <add>, %mul3A_328, %reduce_sum3A_329 [1] : vector<20x128xf32> to vector<20xf32>
    %broadcast_in_dim3A_331 = vector.shape_cast %reduce_sum3A_330 : vector<20xf32> to vector<20x1xf32>
    %eq3A_332 = arith.constant 14 : i32
    %eq3A_333 = vector.broadcast %eq3A_332 : i32 to vector<1x16xi32>
    %eq3A_334 = arith.cmpi eq, %iota3A, %eq3A_333 : vector<1x16xi32>
    %jit3A_335 = arith.constant 1.000000e+00 : f32
    %jit3A_336 = arith.constant 0.000000e+00 : f32
    %broadcast_in_dim3A_337 = vector.broadcast %jit3A_335 : f32 to vector<1x16xf32>
    %broadcast_in_dim3A_338 = vector.broadcast %jit3A_336 : f32 to vector<1x16xf32>
    %select_n3A_339 = arith.select %eq3A_334, %broadcast_in_dim3A_337, %broadcast_in_dim3A_338 : vector<1x16xi1>, vector<1x16xf32>
    %mul3A_340 = vector.broadcast %broadcast_in_dim3A_331 : vector<20x1xf32> to vector<20x16xf32>
    %mul3A_341 = vector.broadcast %select_n3A_339 : vector<1x16xf32> to vector<20x16xf32>
    %mul3A_342 = arith.mulf %mul3A_340, %mul3A_341 : vector<20x16xf32>
    %add3A_343 = arith.addf %add3A_320, %mul3A_342 : vector<20x16xf32>
    %get3A_344 = arith.constant 15 : index
    %get3A_345 = arith.constant 0 : index
    %get3A_346 = arith.constant 0 : index
    %get3A_347 = vector.load %arg3[%get3A_344, %get3A_345, %get3A_346] : memref<16x128x128xf32, #tpu.memory_space<vmem>>, vector<1x128x128xf32>
    %get3A_348 = vector.shape_cast %get3A_347 : vector<1x128x128xf32> to vector<128x128xf32>
    %dot_general3A_349 = arith.constant dense<0.000000e+00> : vector<20x128xf32>
    %dot_general3A_350 = tpu.matmul %get3A_1, %get3A_348, %dot_general3A_349 {dimension_numbers = #tpu.dot_dimension_numbers<[1], [0], [0], [1], [0, 0, 1, 1], [], []>, transpose_lhs_hint = false} : vector<20x128xf32>, vector<128x128xf32>, vector<20x128xf32> -> vector<20x128xf32>
    %mul3A_351 = arith.mulf %dot_general3A_350, %get3A_4 : vector<20x128xf32>
    %reduce_sum3A_352 = arith.constant dense<0.000000e+00> : vector<20xf32>
    %reduce_sum3A_353 = vector.multi_reduction <add>, %mul3A_351, %reduce_sum3A_352 [1] : vector<20x128xf32> to vector<20xf32>
    %broadcast_in_dim3A_354 = vector.shape_cast %reduce_sum3A_353 : vector<20xf32> to vector<20x1xf32>
    %eq3A_355 = arith.constant 15 : i32
    %eq3A_356 = vector.broadcast %eq3A_355 : i32 to vector<1x16xi32>
    %eq3A_357 = arith.cmpi eq, %iota3A, %eq3A_356 : vector<1x16xi32>
    %jit3A_358 = arith.constant 1.000000e+00 : f32
    %jit3A_359 = arith.constant 0.000000e+00 : f32
    %broadcast_in_dim3A_360 = vector.broadcast %jit3A_358 : f32 to vector<1x16xf32>
    %broadcast_in_dim3A_361 = vector.broadcast %jit3A_359 : f32 to vector<1x16xf32>
    %select_n3A_362 = arith.select %eq3A_357, %broadcast_in_dim3A_360, %broadcast_in_dim3A_361 : vector<1x16xi1>, vector<1x16xf32>
    %mul3A_363 = vector.broadcast %broadcast_in_dim3A_354 : vector<20x1xf32> to vector<20x16xf32>
    %mul3A_364 = vector.broadcast %select_n3A_362 : vector<1x16xf32> to vector<20x16xf32>
    %mul3A_365 = arith.mulf %mul3A_363, %mul3A_364 : vector<20x16xf32>
    %add3A_366 = arith.addf %add3A_343, %mul3A_365 : vector<20x16xf32>
    %get3A_367 = arith.constant 0 : index
    %get3A_368 = arith.constant 0 : index
    %get3A_369 = vector.load %arg4[%get3A_367, %get3A_368] : memref<1x16xf32, #tpu.memory_space<vmem>>, vector<1x16xf32>
    %add3A_370 = vector.broadcast %get3A_369 : vector<1x16xf32> to vector<20x16xf32>
    %add3A_371 = arith.addf %add3A_366, %add3A_370 : vector<20x16xf32>
    %get3A_372 = arith.constant 0 : index
    %get3A_373 = arith.constant 0 : index
    %get3A_374 = vector.load %arg5[%get3A_372, %get3A_373] : memref<32x16xf32, #tpu.memory_space<vmem>>, vector<32x16xf32>
    %dot_general3A_375 = arith.constant dense<0.000000e+00> : vector<20x32xf32>
    %dot_general3A_376 = tpu.matmul %add3A_371, %get3A_374, %dot_general3A_375 {dimension_numbers = #tpu.dot_dimension_numbers<[1], [1], [0], [0], [0, 0, 1, 0], [], []>, transpose_lhs_hint = false} : vector<20x16xf32>, vector<32x16xf32>, vector<20x32xf32> -> vector<20x32xf32>
    %get3A_377 = arith.constant 0 : index
    %get3A_378 = arith.constant 0 : index
    %get3A_379 = vector.load %arg6[%get3A_377, %get3A_378] : memref<1x32xf32, #tpu.memory_space<vmem>>, vector<1x32xf32>
    %add3A_380 = vector.broadcast %get3A_379 : vector<1x32xf32> to vector<20x32xf32>
    %add3A_381 = arith.addf %dot_general3A_376, %add3A_380 : vector<20x32xf32>
    %max3A = arith.constant 0.000000e+00 : f32
    %max3A_382 = vector.broadcast %max3A : f32 to vector<20x32xf32>
    %max3A_383 = arith.maximumf %add3A_381, %max3A_382 : vector<20x32xf32>
    %get3A_384 = arith.constant 0 : index
    %get3A_385 = arith.constant 0 : index
    %get3A_386 = vector.load %arg7[%get3A_384, %get3A_385] : memref<16x32xf32, #tpu.memory_space<vmem>>, vector<16x32xf32>
    %dot_general3A_387 = arith.constant dense<0.000000e+00> : vector<20x16xf32>
    %dot_general3A_388 = tpu.matmul %max3A_383, %get3A_386, %dot_general3A_387 {dimension_numbers = #tpu.dot_dimension_numbers<[1], [1], [0], [0], [0, 0, 1, 0], [], []>, transpose_lhs_hint = false} : vector<20x32xf32>, vector<16x32xf32>, vector<20x16xf32> -> vector<20x16xf32>
    %get3A_389 = arith.constant 0 : index
    %get3A_390 = arith.constant 0 : index
    %get3A_391 = vector.load %arg8[%get3A_389, %get3A_390] : memref<1x16xf32, #tpu.memory_space<vmem>>, vector<1x16xf32>
    %add3A_392 = vector.broadcast %get3A_391 : vector<1x16xf32> to vector<20x16xf32>
    %add3A_393 = arith.addf %dot_general3A_388, %add3A_392 : vector<20x16xf32>
    %max3A_394 = arith.constant 0.000000e+00 : f32
    %max3A_395 = vector.broadcast %max3A_394 : f32 to vector<20x16xf32>
    %max3A_396 = arith.maximumf %add3A_393, %max3A_395 : vector<20x16xf32>
    %get3A_397 = arith.constant 0 : index
    %get3A_398 = arith.constant 0 : index
    %get3A_399 = vector.load %arg9[%get3A_397, %get3A_398] : memref<1x16xf32, #tpu.memory_space<vmem>>, vector<1x16xf32>
    %mul3A_400 = vector.broadcast %get3A_399 : vector<1x16xf32> to vector<20x16xf32>
    %mul3A_401 = arith.mulf %max3A_396, %mul3A_400 : vector<20x16xf32>
    %reduce_sum3A_402 = arith.constant dense<0.000000e+00> : vector<20xf32>
    %reduce_sum3A_403 = vector.multi_reduction <add>, %mul3A_401, %reduce_sum3A_402 [1] : vector<20x16xf32> to vector<20xf32>
    %broadcast_in_dim3A_404 = vector.shape_cast %reduce_sum3A_403 : vector<20xf32> to vector<20x1xf32>
    %get3A_405 = arith.constant 0 : index
    %get3A_406 = arith.constant 0 : index
    %get3A_407 = arith.constant 0 : index
    %get3A_408 = vector.load %arg10[%get3A_405, %get3A_406, %get3A_407] : memref<1x1x1xf32, #tpu.memory_space<vmem>>, vector<1x1x1xf32>
    %get3A_409 = vector.shape_cast %get3A_408 : vector<1x1x1xf32> to vector<1xf32>
    %broadcast_in_dim3A_410 = vector.shape_cast %get3A_409 : vector<1xf32> to vector<1x1xf32>
    %add3A_411 = vector.broadcast %broadcast_in_dim3A_410 : vector<1x1xf32> to vector<20x1xf32>
    %add3A_412 = arith.addf %broadcast_in_dim3A_404, %add3A_411 : vector<20x1xf32>
    %logistic3A = arith.negf %add3A_412 : vector<20x1xf32>
    %logistic3A_413 = math.exp %logistic3A : vector<20x1xf32>
    %logistic3A_414 = arith.constant 1.000000e+00 : f32
    %logistic3A_415 = vector.broadcast %logistic3A_414 : f32 to vector<20x1xf32>
    %logistic3A_416 = arith.addf %logistic3A_415, %logistic3A_413 : vector<20x1xf32>
    %logistic3A_417 = arith.divf %logistic3A_415, %logistic3A_416 : vector<20x1xf32>
    %get3A_418 = arith.constant 0 : index
    %get3A_419 = arith.constant 0 : index
    %get3A_420 = vector.load %arg2[%get3A_418, %get3A_419] : memref<20x16xf32, #tpu.memory_space<vmem>>, vector<20x16xf32>
    %get3A_421 = arith.constant 0 : index
    %get3A_422 = arith.constant 0 : index
    %get3A_423 = vector.load %arg11[%get3A_421, %get3A_422] : memref<32x16xf32, #tpu.memory_space<vmem>>, vector<32x16xf32>
    %dot_general3A_424 = arith.constant dense<0.000000e+00> : vector<20x32xf32>
    %dot_general3A_425 = tpu.matmul %get3A_420, %get3A_423, %dot_general3A_424 {dimension_numbers = #tpu.dot_dimension_numbers<[1], [1], [0], [0], [0, 0, 1, 0], [], []>, transpose_lhs_hint = false} : vector<20x16xf32>, vector<32x16xf32>, vector<20x32xf32> -> vector<20x32xf32>
    %get3A_426 = arith.constant 0 : index
    %get3A_427 = arith.constant 0 : index
    %get3A_428 = vector.load %arg12[%get3A_426, %get3A_427] : memref<1x32xf32, #tpu.memory_space<vmem>>, vector<1x32xf32>
    %add3A_429 = vector.broadcast %get3A_428 : vector<1x32xf32> to vector<20x32xf32>
    %add3A_430 = arith.addf %dot_general3A_425, %add3A_429 : vector<20x32xf32>
    %max3A_431 = arith.constant 0.000000e+00 : f32
    %max3A_432 = vector.broadcast %max3A_431 : f32 to vector<20x32xf32>
    %max3A_433 = arith.maximumf %add3A_430, %max3A_432 : vector<20x32xf32>
    %get3A_434 = arith.constant 0 : index
    %get3A_435 = arith.constant 0 : index
    %get3A_436 = vector.load %arg13[%get3A_434, %get3A_435] : memref<16x32xf32, #tpu.memory_space<vmem>>, vector<16x32xf32>
    %dot_general3A_437 = arith.constant dense<0.000000e+00> : vector<20x16xf32>
    %dot_general3A_438 = tpu.matmul %max3A_433, %get3A_436, %dot_general3A_437 {dimension_numbers = #tpu.dot_dimension_numbers<[1], [1], [0], [0], [0, 0, 1, 0], [], []>, transpose_lhs_hint = false} : vector<20x32xf32>, vector<16x32xf32>, vector<20x16xf32> -> vector<20x16xf32>
    %get3A_439 = arith.constant 0 : index
    %get3A_440 = arith.constant 0 : index
    %get3A_441 = vector.load %arg14[%get3A_439, %get3A_440] : memref<1x16xf32, #tpu.memory_space<vmem>>, vector<1x16xf32>
    %add3A_442 = vector.broadcast %get3A_441 : vector<1x16xf32> to vector<20x16xf32>
    %add3A_443 = arith.addf %dot_general3A_438, %add3A_442 : vector<20x16xf32>
    %get3A_444 = arith.constant 0 : index
    %get3A_445 = arith.constant 0 : index
    %get3A_446 = vector.load %arg15[%get3A_444, %get3A_445] : memref<17x8xf32, #tpu.memory_space<vmem>>, vector<17x8xf32>
    %slice3A = vector.extract_strided_slice %get3A_446 {offsets = [0, 0], sizes = [1, 8], strides = [1, 1]} : vector<17x8xf32> to vector<1x8xf32>
    %mul3A_447 = vector.broadcast %logistic3A_417 : vector<20x1xf32> to vector<20x8xf32>
    %mul3A_448 = vector.broadcast %slice3A : vector<1x8xf32> to vector<20x8xf32>
    %mul3A_449 = arith.mulf %mul3A_447, %mul3A_448 : vector<20x8xf32>
    %slice3A_450 = vector.extract_strided_slice %get3A_446 {offsets = [1, 0], sizes = [16, 8], strides = [1, 1]} : vector<17x8xf32> to vector<16x8xf32>
    %dot_general3A_451 = arith.constant dense<0.000000e+00> : vector<20x8xf32>
    %dot_general3A_452 = tpu.matmul %add3A_443, %slice3A_450, %dot_general3A_451 {dimension_numbers = #tpu.dot_dimension_numbers<[1], [0], [0], [1], [0, 0, 1, 1], [], []>, transpose_lhs_hint = false} : vector<20x16xf32>, vector<16x8xf32>, vector<20x8xf32> -> vector<20x8xf32>
    %add3A_453 = arith.addf %mul3A_449, %dot_general3A_452 : vector<20x8xf32>
    %get3A_454 = arith.constant 0 : index
    %get3A_455 = arith.constant 0 : index
    %get3A_456 = vector.load %arg16[%get3A_454, %get3A_455] : memref<1x8xf32, #tpu.memory_space<vmem>>, vector<1x8xf32>
    %add3A_457 = vector.broadcast %get3A_456 : vector<1x8xf32> to vector<20x8xf32>
    %add3A_458 = arith.addf %add3A_453, %add3A_457 : vector<20x8xf32>
    %max3A_459 = arith.constant 0.000000e+00 : f32
    %max3A_460 = vector.broadcast %max3A_459 : f32 to vector<20x8xf32>
    %max3A_461 = arith.maximumf %add3A_458, %max3A_460 : vector<20x8xf32>
    %get3A_462 = arith.constant 0 : index
    %get3A_463 = arith.constant 0 : index
    %get3A_464 = vector.load %arg17[%get3A_462, %get3A_463] : memref<1x8xf32, #tpu.memory_space<vmem>>, vector<1x8xf32>
    %mul3A_465 = vector.broadcast %get3A_464 : vector<1x8xf32> to vector<20x8xf32>
    %mul3A_466 = arith.mulf %max3A_461, %mul3A_465 : vector<20x8xf32>
    %reduce_sum3A_467 = arith.constant dense<0.000000e+00> : vector<20xf32>
    %reduce_sum3A_468 = vector.multi_reduction <add>, %mul3A_466, %reduce_sum3A_467 [1] : vector<20x8xf32> to vector<20xf32>
    %broadcast_in_dim3A_469 = vector.shape_cast %reduce_sum3A_468 : vector<20xf32> to vector<20x1xf32>
    %get3A_470 = arith.constant 0 : index
    %get3A_471 = arith.constant 0 : index
    %get3A_472 = arith.constant 0 : index
    %get3A_473 = vector.load %arg18[%get3A_470, %get3A_471, %get3A_472] : memref<1x1x1xf32, #tpu.memory_space<vmem>>, vector<1x1x1xf32>
    %get3A_474 = vector.shape_cast %get3A_473 : vector<1x1x1xf32> to vector<1xf32>
    %broadcast_in_dim3A_475 = vector.shape_cast %get3A_474 : vector<1xf32> to vector<1x1xf32>
    %add3A_476 = vector.broadcast %broadcast_in_dim3A_475 : vector<1x1xf32> to vector<20x1xf32>
    %add3A_477 = arith.addf %broadcast_in_dim3A_469, %add3A_476 : vector<20x1xf32>
    %logistic3A_478 = arith.negf %add3A_477 : vector<20x1xf32>
    %logistic3A_479 = math.exp %logistic3A_478 : vector<20x1xf32>
    %logistic3A_480 = arith.constant 1.000000e+00 : f32
    %logistic3A_481 = vector.broadcast %logistic3A_480 : f32 to vector<20x1xf32>
    %logistic3A_482 = arith.addf %logistic3A_481, %logistic3A_479 : vector<20x1xf32>
    %logistic3A_483 = arith.divf %logistic3A_481, %logistic3A_482 : vector<20x1xf32>
    %swap3A = arith.constant 0 : index
    %swap3A_484 = arith.constant 0 : index
    %swap3A_485 = vector.load %arg19[%swap3A, %swap3A_484] : memref<20x1xf32, #tpu.memory_space<vmem>>, vector<20x1xf32>
    tpu.vector_store %arg19[%swap3A, %swap3A_484], %logistic3A_483 {strides = array<i32>} : memref<20x1xf32, #tpu.memory_space<vmem>>, vector<20x1xf32>,
    return
  }
}

</mosaic_0001>

<sc_bundles>
// kernel: kernel.12.cloned.1.call-start
scs
__scs_entry_jumppad:
0x0: {  	(pc) =	sbr.rel $0x88, $3  }
0x1: {  	(tag) =	ssettag $0x0;
	lr =	simm.s32 $0x1  }
0x2: {  	[smem:$0x3F77] =	sst lr;
	_ =	strace $0xD0000000  }
0x3: {  	_ = 	snop  }
0x4: {  	_ = 	snop  }
0x5: {  	_ = 	snop  }
0x6: {  	_ = 	snop  }
0x7: {  	_ = 	snop  }
__scs_overlays_trampoline_lowered:
0x8: {  	[smem:$0x3F86] =	sst s0  }
0x9: {  	[smem:$0x3F87] =	sst s1  }
0xa: {  	[smem:$0x3F88] =	sst s2  }
0xb: {  	[smem:$0x3F89] =	sst s3  }
0xc: {  	[smem:$0x3F8A] =	sst s4  }
0xd: {  	[smem:$0x3F8B] =	sst s5  }
0xe: {  	[smem:$0x3F8C] =	sst s6  }
0xf: {  	[smem:$0x3F8D] =	sst s7  }
0x10: {  	[smem:$0x3F8E] =	sst s8  }
0x11: {  	[smem:$0x3F8F] =	sst s9;
	s0 =	simm.s32 @!p0 $0x0  }
0x12: {  	s1 =	sld [smem:$0x3F75];
	s0 =	simm.s32 @p0 $0x1  }
0x13: {  	[smem:$0x3F90] =	sst s0;
	s0 =	simm.s32 @!p1 $0x0  }
0x14: {  	s2 =	sld [smem:$0x3F74];
	s0 =	simm.s32 @p1 $0x1  }
0x15: {  	[smem:$0x3F91] =	sst s0;
	s0 =	simm.s32 @!p2 $0x0  }
0x16: {  	s3 =	sld [smem:$0x3FDB];
	s0 =	simm.s32 @p2 $0x1  }
0x17: {  	s4 =	simm.s32 $0x1BF5;
	[smem:$0x3F93] =	sst s0  }
0x18: {  	s0 =	sld [smem:$0x3F76];
	_ =	swait.ge [sflag:s4], $0x0  }
0x19: {  	s7 =	sld [smem:$0x3F77]  }
0x1a: {  	s8 =	sadd.s32 $0xFFFFE003, lr  }
0x1b: {  	s9 =	sadd.s32 $0xFFFFFEF7, lr;
	s5 =	simm.s32 $0xFFFFFFFF;
	p2 =	slt.u32 s8, $0xFFFFF086  }
0x1c: {  	p1 =	slt.u32 s9, $0xF7A;
	s5 =	simm.s32 @!p2 $0x0  }
0x1d: {  	s5 =	simm.s32 @p1 $0x1;
	p0 =	seq.s32 s7, s2  }
0x1e: {  	s7 =	smul.u32 @!p0 $0xF7A, s2;
	p2 =	seq.s32 @!p0 s5, $0x0  }
0x1f: {  	s9 =	smul.u32 $0xF7A, s1;
	s8 =	simm.s32 @!p0 $0x1BF5;
	p2 =	por !p2, p0  }
0x20: {  	[sflag:s8] =	ssyncset.s32 @!p0 $0xFFFFF086;
	s6 =	sadd.s32 @!p0 s3, s7;
	s7 =	simm.s32 @!p0 $0x108  }
0x21: {  	s3 =	sadd.s32 s3, s9;
	s6 =	sadd.s32 @!p0 $0x88, s6;
	s7 =	simm.s32 @p2 $0x1082  }
0x22: {  	[simem:s7], [sflag:s8] =	dma.local @!p0 [hbm:s6], $0xF7A  }
0x23: {  	s9 =	sor.u32 $0xD0000000, s2;
	s6 =	simm.s32 $0x108;
	_ =	swait.ge @!p0 [sflag:s8], $0x0  }
0x24: {  	s3 =	sadd.s32 $0x88, s3;
	s6 =	simm.s32 @!p1 $0x1082;
	[sflag:s4] =	ssyncset.s32 $0xFFFFF086  }
0x25: {  	[simem:s6], [sflag:s4] =	dma.local [hbm:s3], $0xF7A  }
0x26: {  	[smem:$0x3F77] =	sst s1;
	(tag) =	ssettag s2;
	_ =	strace s9  }
0x27: {  	s1 =	sld [smem:$0x3F87]  }
0x28: {  	s2 =	sld [smem:$0x3F88]  }
0x29: {  	s4 =	sld [smem:$0x3F8A]  }
0x2a: {  	p0 =	seq.s32 s5, $0x0;
	s5 =	sld [smem:$0x3F8B]  }
0x2b: {  	s6 =	sld [smem:$0x3F8C]  }
0x2c: {  	s7 =	sld [smem:$0x3F8D]  }
0x2d: {  	s3 =	simm.s32 $0x108;
	s8 =	sld [smem:$0x3F8E]  }
0x2e: {  	s3 =	simm.s32 @!p0 $0x1082;
	s9 =	sld [smem:$0x3F8F]  }
0x2f: {  	lr =	sadd.s32 s0, s3;
	s0 =	sld [smem:$0x3F86]  }
0x30: {  	s3 =	sld [smem:$0x3F89]  }
0x31: {  	[smem:$0x3F92] =	sst s10  }
0x32: {  	s10 =	sld [smem:$0x3F90];
	_ =	sdelay $0x3  }
0x33: {  	p0 =	seq.s32 s10, $0x1;
	s10 =	sld [smem:$0x3F92];
	_ =	sdelay $0x3  }
0x34: {  	[smem:$0x3F92] =	sst s10  }
0x35: {  	s10 =	sld [smem:$0x3F91];
	_ =	sdelay $0x3  }
0x36: {  	p1 =	seq.s32 s10, $0x1;
	s10 =	sld [smem:$0x3F92];
	_ =	sdelay $0x3  }
0x37: {  	[smem:$0x3F92] =	sst s10  }
0x38: {  	s10 =	sld [smem:$0x3F93]  }
0x39: {  	_ = 	snop;
	(pc) =	sbr.ind lr, $3  }
0x3a: {  	_ = 	snop  }
0x3b: {  	_ = 	snop  }
0x3c: {  	p2 =	seq.s32 s10, $0x1;
	s10 =	sld [smem:$0x3F92]  }
0x3d: {  	_ =	shalt  }
0x3e: {  	_ =	shalt  }
0x3f: {  	_ =	shalt  }
0x40: {  	_ =	shalt  }
0x41: {  	_ =	shalt  }
0x42: {  	_ =	shalt  }
0x43: {  	_ =	shalt  }
0x44: {  	_ =	shalt  }
0x45: {  	_ =	shalt  }
0x46: {  	_ =	shalt  }
0x47: {  	_ =	shalt  }
0x48: {  	_ =	shalt  }
0x49: {  	_ =	shalt  }
0x4a: {  	_ =	shalt  }
0x4b: {  	_ =	shalt  }
0x4c: {  	_ =	shalt  }
0x4d: {  	_ =	shalt  }
0x4e: {  	_ =	shalt  }
0x4f: {  	_ =	shalt  }
0x50: {  	_ =	shalt  }
0x51: {  	_ =	shalt  }
0x52: {  	_ =	shalt  }
0x53: {  	_ =	shalt  }
0x54: {  	_ =	shalt  }
0x55: {  	_ =	shalt  }
0x56: {  	_ =	shalt  }
0x57: {  	_ =	shalt  }
0x58: {  	_ =	shalt  }
0x59: {  	_ =	shalt  }
0x5a: {  	_ =	shalt  }
0x5b: {  	_ =	shalt  }
0x5c: {  	_ =	shalt  }
0x5d: {  	_ =	shalt  }
0x5e: {  	_ =	shalt  }
0x5f: {  	_ =	shalt  }
0x60: {  	_ =	shalt  }
0x61: {  	_ =	shalt  }
0x62: {  	_ =	shalt  }
0x63: {  	_ =	shalt  }
0x64: {  	_ =	shalt  }
0x65: {  	_ =	shalt  }
0x66: {  	_ =	shalt  }
0x67: {  	_ =	shalt  }
0x68: {  	_ =	shalt  }
0x69: {  	_ =	shalt  }
0x6a: {  	_ =	shalt  }
0x6b: {  	_ =	shalt  }
0x6c: {  	_ =	shalt  }
0x6d: {  	_ =	shalt  }
0x6e: {  	_ =	shalt  }
0x6f: {  	_ =	shalt  }
0x70: {  	_ =	shalt  }
0x71: {  	_ =	shalt  }
0x72: {  	_ =	shalt  }
0x73: {  	_ =	shalt  }
0x74: {  	_ =	shalt  }
0x75: {  	_ =	shalt  }
0x76: {  	_ =	shalt  }
0x77: {  	_ =	shalt  }
0x78: {  	_ =	shalt  }
0x79: {  	_ =	shalt  }
0x7a: {  	_ =	shalt  }
0x7b: {  	_ =	shalt  }
0x7c: {  	_ =	shalt  }
0x7d: {  	_ =	shalt  }
0x7e: {  	_ =	shalt  }
0x7f: {  	_ =	shalt  }
0x80: {  	_ =	shalt  }
0x81: {  	_ =	shalt  }
0x82: {  	_ =	shalt  }
0x83: {  	_ =	shalt  }
0x84: {  	_ =	shalt  }
0x85: {  	_ =	shalt  }
0x86: {  	_ =	shalt  }
0x87: {  	_ =	shalt  }
.Lfunc_end0:
.L_simem_size_0:
called_computation_lowered:
.L_overlay_start_0:
0x88: {  	s2 =	sld [smem:$0x3FD9]  }
0x89: {  	s3 =	sld [smem:$0x3FFE];
	_ =	sdelay $0x1  }
0x8a: {  	s1 =	srdreg.scid  }
0x8b: {  	s0 =	sand.u32 $0x1, s1  }
0x8c: {  	s16 =	sshll.u32 s0, $0xA;
	s2 =	sadd.s32 s3, s2  }
0x8d: {  	s2 =	sadd.s32 s2, s16  }
0x8e: {  	[smem:$0x3F9E] =	sst s2  }
0x8f: {  	_ = 	snop  }
0x90: {  	(tm) =	ssettm $0x1  }
0x91: {  	s17 =	sld [smem:$0x3FFB];
	_ =	sdelay $0x3  }
0x92: {  	_ =	strace s17  }
0x93: {  	s2 =	sld [smem:$0x3FFC];
	_ =	sdelay $0x3  }
0x94: {  	_ =	strace s2  }
0x95: {  	s2 =	sld [smem:$0x3FFD];
	_ =	sdelay $0x3  }
0x96: {  	_ =	strace s2  }
0x97: {  	_ =	strace $0x8FFFFFFF  }
0x98: {  	s18 =	sld [smem:$0x3FDB];
	_ =	sdelay $0x1  }
0x99: {  	s19 =	simm.s32 $_scs_section_size  }
0x9a: {  	s4 =	simm.s32 $_size__tile_overlayer_lowered;
	s5 =	simm.s32 $_tile_overlayer_lowered  }
0x9b: {  	s22 =	simm.s32 $0x1BFF;
	s21 =	sshll.u32 s5, $0x1;
	s2 =	sadd.s32 s19, s18  }
0x9c: {  	s6 =	simm.s32 $0x0;
	s20 =	sshll.u32 s4, $0x1;
	s4 =	sadd.s32 s21, s2  }
0x9d: {  	[timem:s6], [sflag:s22] =	dma.local [hbm:s4], s20  }
0x9e: {  	_ =	swait.ge [sflag:s22], s20  }
0x9f: {  	s3 =	ssub.s32 $0x0, s20;
	[sflag:s22] =	ssyncset.done $0x0  }
0xa0: {  	[sflag:s22] =	ssyncadd.s32 s3;
	_ =	sdelay $0x1  }
0xa1: {  	s23 =	simm.s32 $0x1B8B  }
0xa2: {  	_ =	swait.ge [sflag:s23], $0x1  }
0xa3: {  	[sflag:s23] =	ssyncset.done $0x0  }
0xa4: {  	s25 =	simm.s32 $0x1B8E;
	s24 =	sld [smem:$0x3FFE];
	[sflag:s23] =	ssyncadd.s32 $0xFFFFFFFF  }
0xa5: {  	s26 =	simm.s32 $execute0_lowered;
	[smem:$0x3FD2] =	sst s25  }
0xa6: {  	s4 =	sshll.u32 s26, $0x1;
	_ =	strace $0x80000046;
	[dreg:$0x1] =	wrdreg $0xFFFFFFFF  }
0xa7: {  	s28 =	simm.s32 $_size_execute0_lowered;
	s2 =	sadd.s32 s2, s4;
	[dreg:$0x0] =	wrdreg $0x0  }
0xa8: {  	s4 =	sshll.u32 s28, $0x1;
	[dreg:$0x2] =	wrdreg s2  }
0xa9: {  	[dreg:$0x3] =	wrdreg s4  }
0xaa: {  	[dreg:$0x4] =	wrdreg $0xC0  }
0xab: {  	_ =	task [dreg:s6], $0x5FFFF  }
0xac: {  	[dreg:$0x1] =	wrdreg $0xFFFFFFFF  }
0xad: {  	[dreg:$0x0] =	wrdreg $0x60  }
0xae: {  	[dreg:$0x2] =	wrdreg s24  }
0xaf: {  	[dreg:$0x3] =	wrdreg $0x9  }
0xb0: {  	_ =	task.clear_ibuf [dreg:s6], $0x4FFFF;
	_ =	strace $0x90000046  }
0xb1: {  	s29 =	simm.s32 $0x9;
	_ =	strace $0x80000048  }
0xb2: {  	_ =	swait.ge [sflag:s29], $0x1  }
0xb3: {  	[sflag:s29] =	ssyncadd.s32 $0xFFFFFFFF  }
0xb4: {  	_ =	strace $0x90000048  }
0xb5: {  	_ =	sfence  }
0xb6: {  	s30 =	sld [smem:$0x0];
	_ =	sdelay $0x2  }
0xb7: {  	s31 =	sshll.u32 s1, $0xD;
	s1 =	sshrl.u32 s1, $0x2  }
0xb8: {  	s3 =	sand.u32 $0x4000, s31;
	s1 =	sadd.s32 s1, s30  }
0xb9: {  	s0 =	sor.u32 s3, s0;
	s1 =	sshll.u32 s1, $0x11  }
0xba: {  	s0 =	sor.u32 s1, s0  }
0xbb: {  	s0 =	sadd.s32 $0x8F2B, s0  }
0xbc: {  	[sflag:s0] =	ssyncadd.remote.s32 $0x1  }
0xbd: {  	_ =	sfence.sel $0xFFFF  }
0xbe: {  	[dreg:$0x0] =	wrdreg $0xFFFFFFFF;
	(pc) =	sbr.abs _section_cstart, $3  }
0xbf: {  	[dreg:$0x1] =	wrdreg $0xFFFFFFFF  }
0xc0: {  	_ =	task.clear_ibuf [dreg:s6], $0x2FFFF;
	_ =	strace $0x9FFFFFFF  }
0xc1: {  	(tm) =	ssettm $0x7FFFFFFF  }
tec
execute0_lowered:
.L_overlay_start_1:
0x0: {  	(tag) =	ssettag $0x1  }
0x1: {  	s0 =	srdreg.scid;
	s4 =	rddreg [dreg:$0x0]  }
0x2: {  	s1 =	stileid.u32;
	s2 =	simm.s32 $0x0;
	s3 =	sand.u32 $0x1, s0  }
0x3: {  	s8 =	simm.s32 $0x0;
	s0 =	rddreg [dreg:$0x1];
	s5 =	sshll.u32 s3, $0x4  }
0x4: {  	[smem:$0x7FF] =	sst s2;
	s3 =	ssub.s32 $0x2, s3;
	s5 =	sor.u32 s1, s5  }
0x5: {  	s7 =	sshrl.u32 s3, $0x1;
	s6 =	smul.u32 $0x500, s5;
	s5 =	sshll.u32 s5, $0xC  }
0x6: {  	_ =	strace $0x80000047;
	s31 =	ssub.s32 s3, s7;
	s5 =	sadd.s32 s5, s4  }
0x7: {  	s7 =	simm.s32 $0x8000;
	s4 =	sadd.s32 s6, s4;
	s3 =	sadd.s32 $0x8400, s5  }
0x8: {  	v0 =	vimm.f32 $0.0e+00;
	v1 =	vimm.f32 $1.000000000e+00;
	s5 =	smax.u32 s31, $0x1;
	s6 =	simm.s32 $0x1;
	s4 =	sadd.s32 $0x48400, s4  }
.LBB2_1:
0x9: {  	s9 =	simm.s32 $0x40;
	s10 =	simm.s32 $0x0  }
.LBB2_2:
0xa: {  	p0 =	sne.s32 s9, $0x9FC0;
	[tilespmem:s10+$0x8000] =	vst v0;
	s10 =	smov.u32 s9;
	s9 =	sadd.s32 $0x40, s9  }
.Ltmp0:
0xb: {  	(pc) =	sbr.rel @p0 .LBB2_2-.Ltmp0, $2  }
0xc: {  	_ =	sdelay $0x2  }
0xd: {  	s10 =	sshra.s32 s10, $0x2  }
0xe: {  	[tilespmem:s10+$0x8000] =	vst v0;
	s9 =	simm.s32 $0x0  }
0xf: {  	[tilespmem:s9], [sflag:$0x1] =	stream.linear.gather [hbm4b:s3+s9], $0x8000, $0x38;
	[tilespmem:$0xA800] =	vst v63  }
0x10: {  	_ =	swait.ge [sflag:s6], $0x8000  }
0x11: {  	[sflag:s6] =	ssyncset.done $0x0  }
0x12: {  	s10 =	simm.s32 $0x0;
	[sflag:s6] =	ssyncadd.s32 $0xFFFF8000  }
.LBB2_4:
0x13: {  	s11 =	sand.u32 $0x7800, s10;
	s12 =	sand.u32 $0x380, s9  }
0x14: {  	s11 =	sor.u32 s12, s11  }
0x15: {  	v2 =	vld [tilespmem:s11+$0x0];
	_ =	sdelay $0x7  }
0x16: {  	[tilespmem:v2+s7+$0x0] =	vst.idx.add.f32.msk $0xffff, v1  }
0x17: {  	v2 =	vld [tilespmem:s11+$0x10];
	_ =	sdelay $0x7  }
0x18: {  	[tilespmem:v2+s7+$0x0] =	vst.idx.add.f32.msk $0xffff, v1  }
0x19: {  	v2 =	vld [tilespmem:s11+$0x20];
	_ =	sdelay $0x7  }
0x1a: {  	[tilespmem:v2+s7+$0x0] =	vst.idx.add.f32.msk $0xffff, v1  }
0x1b: {  	v2 =	vld [tilespmem:s11+$0x30];
	_ =	sdelay $0x7  }
0x1c: {  	[tilespmem:v2+s7+$0x0] =	vst.idx.add.f32.msk $0xffff, v1  }
0x1d: {  	v2 =	vld [tilespmem:s11+$0x40];
	_ =	sdelay $0x7  }
0x1e: {  	[tilespmem:v2+s7+$0x0] =	vst.idx.add.f32.msk $0xffff, v1  }
0x1f: {  	v2 =	vld [tilespmem:s11+$0x50];
	_ =	sdelay $0x7  }
0x20: {  	[tilespmem:v2+s7+$0x0] =	vst.idx.add.f32.msk $0xffff, v1  }
0x21: {  	v2 =	vld [tilespmem:s11+$0x60];
	_ =	sdelay $0x7  }
0x22: {  	[tilespmem:v2+s7+$0x0] =	vst.idx.add.f32.msk $0xffff, v1  }
0x23: {  	v2 =	vld [tilespmem:s11+$0x70];
	_ =	sdelay $0x7  }
0x24: {  	[tilespmem:v2+s7+$0x0] =	vst.idx.add.f32.msk $0xffff, v1  }
0x25: {  	v2 =	vld [tilespmem:s11+$0x400];
	_ =	sdelay $0x7  }
0x26: {  	[tilespmem:v2+s7+$0x0] =	vst.idx.add.f32.msk $0xffff, v1  }
0x27: {  	v2 =	vld [tilespmem:s11+$0x410];
	_ =	sdelay $0x2  }
0x28: {  	p0 =	sne.s32 s10, $0x7C00  }
.Ltmp1:
0x29: {  	_ = 	snop;
	(pc) =	sbr.rel @p0 .LBB2_4-.Ltmp1, $2  }
0x2a: {  	_ =	sdelay $0x2  }
0x2b: {  	s9 =	sadd.s32 $0x80, s9;
	s10 =	sadd.s32 $0x100, s10;
	[tilespmem:v2+s7+$0x0] =	vst.idx.add.f32.msk $0xffff, v1  }
0x2c: {  	s8 =	sadd.s32 $0x1, s8  }
0x2d: {  	p0 =	sne.s32 s8, s5  }
.Ltmp2:
0x2e: {  	_ = 	snop;
	(pc) =	sbr.rel @p0 .LBB2_1-.Ltmp2, $4  }
0x2f: {  	[hbm4b:s4+s2] =	stream.linear.scatter [tilespmem:s7], [sflag:$0x1], $0x2800, $0x38;
	[tilespmem:$0xA800] =	vst v63  }
0x30: {  	_ =	swait.ge [sflag:s6], $0x2800  }
0x31: {  	[sflag:s6] =	ssyncset.done $0x0  }
0x32: {  	[sflag:s6] =	ssyncadd.s32 $0xFFFFD800  }
0x33: {  	_ =	sfence.sel $0x180000  }
0x34: {  	[bflag:$0x0] =	sbarrier.arrive $0xFFFF  }
0x35: {  	p0 =	sne.s32 s1, $0x0;
	_ =	strace $0x90000047  }
0x36: {  	s0 =	sadd.s32 @!p0 $0x100000, s0;
	[bflag:$0x2] =	sbarrier.arrive $0xFFFF  }
0x37: {  	[sflag:s0] =	ssyncadd.tile.s32 @!p0 $0x1;
	_ =	shalt  }
.Lfunc_end2:
_tile_overlayer_lowered:
.L_overlay_start_2:
0x38: {  	(tag) =	ssettag $0x2  }
0x39: {  	s0 =	rddreg [dreg:$0x0];
	s2 =	stileid.u32  }
0x3a: {  	s1 =	rddreg [dreg:$0x1];
	p0 =	sne.s32 s2, $0x0  }
0x3b: {  	s3 =	rddreg [dreg:$0x2];
	[bflag:$0x3] =	sbarrier.arrive $0xFFFF;
	s2 =	simm.s32 @!p0 $0x1C01  }
0x3c: {  	[timem:s3], [sflag:s2] =	dma.local @!p0 [hbm:s0], s1  }
0x3d: {  	s0 =	simm.s32 @!p0 $0x1  }
0x3e: {  	_ =	swait.ge @!p0 [sflag:s0], s1  }
0x3f: {  	s1 =	ssub.s32 @!p0 $0x0, s1;
	[sflag:s0] =	ssyncset.done @!p0 $0x0  }
0x40: {  	[sflag:s0] =	ssyncadd.s32 @!p0 s1  }
0x41: {  	[bflag:$0x3] =	sbarrier.arrive $0xFFFF  }
0x42: {  	_ =	shalt  }

// kernel: kernel.15.cloned.1.call-start
scs
__scs_entry_jumppad:
0x0: {  	(pc) =	sbr.rel $0x88, $3  }
0x1: {  	(tag) =	ssettag $0x0;
	lr =	simm.s32 $0x1  }
0x2: {  	[smem:$0x3F77] =	sst lr;
	_ =	strace $0xD0000000  }
0x3: {  	_ = 	snop  }
0x4: {  	_ = 	snop  }
0x5: {  	_ = 	snop  }
0x6: {  	_ = 	snop  }
0x7: {  	_ = 	snop  }
__scs_overlays_trampoline_lowered:
0x8: {  	[smem:$0x3F86] =	sst s0  }
0x9: {  	[smem:$0x3F87] =	sst s1  }
0xa: {  	[smem:$0x3F88] =	sst s2  }
0xb: {  	[smem:$0x3F89] =	sst s3  }
0xc: {  	[smem:$0x3F8A] =	sst s4  }
0xd: {  	[smem:$0x3F8B] =	sst s5  }
0xe: {  	[smem:$0x3F8C] =	sst s6  }
0xf: {  	[smem:$0x3F8D] =	sst s7  }
0x10: {  	[smem:$0x3F8E] =	sst s8  }
0x11: {  	[smem:$0x3F8F] =	sst s9;
	s0 =	simm.s32 @!p0 $0x0  }
0x12: {  	s1 =	sld [smem:$0x3F75];
	s0 =	simm.s32 @p0 $0x1  }
0x13: {  	[smem:$0x3F90] =	sst s0;
	s0 =	simm.s32 @!p1 $0x0  }
0x14: {  	s2 =	sld [smem:$0x3F74];
	s0 =	simm.s32 @p1 $0x1  }
0x15: {  	[smem:$0x3F91] =	sst s0;
	s0 =	simm.s32 @!p2 $0x0  }
0x16: {  	s3 =	sld [smem:$0x3FDB];
	s0 =	simm.s32 @p2 $0x1  }
0x17: {  	s4 =	simm.s32 $0x1BF5;
	[smem:$0x3F93] =	sst s0  }
0x18: {  	s0 =	sld [smem:$0x3F76];
	_ =	swait.ge [sflag:s4], $0x0  }
0x19: {  	s7 =	sld [smem:$0x3F77]  }
0x1a: {  	s8 =	sadd.s32 $0xFFFFE003, lr  }
0x1b: {  	s9 =	sadd.s32 $0xFFFFFEF7, lr;
	s5 =	simm.s32 $0xFFFFFFFF;
	p2 =	slt.u32 s8, $0xFFFFF086  }
0x1c: {  	p1 =	slt.u32 s9, $0xF7A;
	s5 =	simm.s32 @!p2 $0x0  }
0x1d: {  	s5 =	simm.s32 @p1 $0x1;
	p0 =	seq.s32 s7, s2  }
0x1e: {  	s7 =	smul.u32 @!p0 $0xF7A, s2;
	p2 =	seq.s32 @!p0 s5, $0x0  }
0x1f: {  	s9 =	smul.u32 $0xF7A, s1;
	s8 =	simm.s32 @!p0 $0x1BF5;
	p2 =	por !p2, p0  }
0x20: {  	[sflag:s8] =	ssyncset.s32 @!p0 $0xFFFFF086;
	s6 =	sadd.s32 @!p0 s3, s7;
	s7 =	simm.s32 @!p0 $0x108  }
0x21: {  	s3 =	sadd.s32 s3, s9;
	s6 =	sadd.s32 @!p0 $0x88, s6;
	s7 =	simm.s32 @p2 $0x1082  }
0x22: {  	[simem:s7], [sflag:s8] =	dma.local @!p0 [hbm:s6], $0xF7A  }
0x23: {  	s9 =	sor.u32 $0xD0000000, s2;
	s6 =	simm.s32 $0x108;
	_ =	swait.ge @!p0 [sflag:s8], $0x0  }
0x24: {  	s3 =	sadd.s32 $0x88, s3;
	s6 =	simm.s32 @!p1 $0x1082;
	[sflag:s4] =	ssyncset.s32 $0xFFFFF086  }
0x25: {  	[simem:s6], [sflag:s4] =	dma.local [hbm:s3], $0xF7A  }
0x26: {  	[smem:$0x3F77] =	sst s1;
	(tag) =	ssettag s2;
	_ =	strace s9  }
0x27: {  	s1 =	sld [smem:$0x3F87]  }
0x28: {  	s2 =	sld [smem:$0x3F88]  }
0x29: {  	s4 =	sld [smem:$0x3F8A]  }
0x2a: {  	p0 =	seq.s32 s5, $0x0;
	s5 =	sld [smem:$0x3F8B]  }
0x2b: {  	s6 =	sld [smem:$0x3F8C]  }
0x2c: {  	s7 =	sld [smem:$0x3F8D]  }
0x2d: {  	s3 =	simm.s32 $0x108;
	s8 =	sld [smem:$0x3F8E]  }
0x2e: {  	s3 =	simm.s32 @!p0 $0x1082;
	s9 =	sld [smem:$0x3F8F]  }
0x2f: {  	lr =	sadd.s32 s0, s3;
	s0 =	sld [smem:$0x3F86]  }
0x30: {  	s3 =	sld [smem:$0x3F89]  }
0x31: {  	[smem:$0x3F92] =	sst s10  }
0x32: {  	s10 =	sld [smem:$0x3F90];
	_ =	sdelay $0x3  }
0x33: {  	p0 =	seq.s32 s10, $0x1;
	s10 =	sld [smem:$0x3F92];
	_ =	sdelay $0x3  }
0x34: {  	[smem:$0x3F92] =	sst s10  }
0x35: {  	s10 =	sld [smem:$0x3F91];
	_ =	sdelay $0x3  }
0x36: {  	p1 =	seq.s32 s10, $0x1;
	s10 =	sld [smem:$0x3F92];
	_ =	sdelay $0x3  }
0x37: {  	[smem:$0x3F92] =	sst s10  }
0x38: {  	s10 =	sld [smem:$0x3F93]  }
0x39: {  	_ = 	snop;
	(pc) =	sbr.ind lr, $3  }
0x3a: {  	_ = 	snop  }
0x3b: {  	_ = 	snop  }
0x3c: {  	p2 =	seq.s32 s10, $0x1;
	s10 =	sld [smem:$0x3F92]  }
0x3d: {  	_ =	shalt  }
0x3e: {  	_ =	shalt  }
0x3f: {  	_ =	shalt  }
0x40: {  	_ =	shalt  }
0x41: {  	_ =	shalt  }
0x42: {  	_ =	shalt  }
0x43: {  	_ =	shalt  }
0x44: {  	_ =	shalt  }
0x45: {  	_ =	shalt  }
0x46: {  	_ =	shalt  }
0x47: {  	_ =	shalt  }
0x48: {  	_ =	shalt  }
0x49: {  	_ =	shalt  }
0x4a: {  	_ =	shalt  }
0x4b: {  	_ =	shalt  }
0x4c: {  	_ =	shalt  }
0x4d: {  	_ =	shalt  }
0x4e: {  	_ =	shalt  }
0x4f: {  	_ =	shalt  }
0x50: {  	_ =	shalt  }
0x51: {  	_ =	shalt  }
0x52: {  	_ =	shalt  }
0x53: {  	_ =	shalt  }
0x54: {  	_ =	shalt  }
0x55: {  	_ =	shalt  }
0x56: {  	_ =	shalt  }
0x57: {  	_ =	shalt  }
0x58: {  	_ =	shalt  }
0x59: {  	_ =	shalt  }
0x5a: {  	_ =	shalt  }
0x5b: {  	_ =	shalt  }
0x5c: {  	_ =	shalt  }
0x5d: {  	_ =	shalt  }
0x5e: {  	_ =	shalt  }
0x5f: {  	_ =	shalt  }
0x60: {  	_ =	shalt  }
0x61: {  	_ =	shalt  }
0x62: {  	_ =	shalt  }
0x63: {  	_ =	shalt  }
0x64: {  	_ =	shalt  }
0x65: {  	_ =	shalt  }
0x66: {  	_ =	shalt  }
0x67: {  	_ =	shalt  }
0x68: {  	_ =	shalt  }
0x69: {  	_ =	shalt  }
0x6a: {  	_ =	shalt  }
0x6b: {  	_ =	shalt  }
0x6c: {  	_ =	shalt  }
0x6d: {  	_ =	shalt  }
0x6e: {  	_ =	shalt  }
0x6f: {  	_ =	shalt  }
0x70: {  	_ =	shalt  }
0x71: {  	_ =	shalt  }
0x72: {  	_ =	shalt  }
0x73: {  	_ =	shalt  }
0x74: {  	_ =	shalt  }
0x75: {  	_ =	shalt  }
0x76: {  	_ =	shalt  }
0x77: {  	_ =	shalt  }
0x78: {  	_ =	shalt  }
0x79: {  	_ =	shalt  }
0x7a: {  	_ =	shalt  }
0x7b: {  	_ =	shalt  }
0x7c: {  	_ =	shalt  }
0x7d: {  	_ =	shalt  }
0x7e: {  	_ =	shalt  }
0x7f: {  	_ =	shalt  }
0x80: {  	_ =	shalt  }
0x81: {  	_ =	shalt  }
0x82: {  	_ =	shalt  }
0x83: {  	_ =	shalt  }
0x84: {  	_ =	shalt  }
0x85: {  	_ =	shalt  }
0x86: {  	_ =	shalt  }
0x87: {  	_ =	shalt  }
.Lfunc_end0:
.L_simem_size_0:
called_computation.1_lowered:
.L_overlay_start_0:
0x88: {  	s2 =	sld [smem:$0x3FD9]  }
0x89: {  	s3 =	sld [smem:$0x3FFE];
	_ =	sdelay $0x1  }
0x8a: {  	s1 =	srdreg.scid  }
0x8b: {  	s0 =	sand.u32 $0x1, s1  }
0x8c: {  	s16 =	sshll.u32 s0, $0xA;
	s2 =	sadd.s32 s3, s2  }
0x8d: {  	s2 =	sadd.s32 s2, s16  }
0x8e: {  	[smem:$0x3F9E] =	sst s2  }
0x8f: {  	_ = 	snop  }
0x90: {  	(tm) =	ssettm $0x1  }
0x91: {  	s17 =	sld [smem:$0x3FFB];
	_ =	sdelay $0x3  }
0x92: {  	_ =	strace s17  }
0x93: {  	s2 =	sld [smem:$0x3FFC];
	_ =	sdelay $0x3  }
0x94: {  	_ =	strace s2  }
0x95: {  	s2 =	sld [smem:$0x3FFD];
	_ =	sdelay $0x3  }
0x96: {  	_ =	strace s2  }
0x97: {  	_ =	strace $0x8FFFFFFF  }
0x98: {  	s18 =	sld [smem:$0x3FDB];
	_ =	sdelay $0x1  }
0x99: {  	s19 =	simm.s32 $_scs_section_size  }
0x9a: {  	s4 =	simm.s32 $_size__tile_overlayer_lowered;
	s5 =	simm.s32 $_tile_overlayer_lowered  }
0x9b: {  	s22 =	simm.s32 $0x1BFF;
	s21 =	sshll.u32 s5, $0x1;
	s2 =	sadd.s32 s19, s18  }
0x9c: {  	s6 =	simm.s32 $0x0;
	s20 =	sshll.u32 s4, $0x1;
	s4 =	sadd.s32 s21, s2  }
0x9d: {  	[timem:s6], [sflag:s22] =	dma.local [hbm:s4], s20  }
0x9e: {  	_ =	swait.ge [sflag:s22], s20  }
0x9f: {  	s3 =	ssub.s32 $0x0, s20;
	[sflag:s22] =	ssyncset.done $0x0  }
0xa0: {  	[sflag:s22] =	ssyncadd.s32 s3;
	_ =	sdelay $0x1  }
0xa1: {  	s23 =	simm.s32 $0x1B8B  }
0xa2: {  	_ =	swait.ge [sflag:s23], $0x1  }
0xa3: {  	[sflag:s23] =	ssyncset.done $0x0  }
0xa4: {  	s25 =	simm.s32 $0x1B8E;
	s24 =	sld [smem:$0x3FFE];
	[sflag:s23] =	ssyncadd.s32 $0xFFFFFFFF  }
0xa5: {  	s26 =	simm.s32 $execute0_lowered;
	[smem:$0x3FD2] =	sst s25  }
0xa6: {  	s4 =	sshll.u32 s26, $0x1;
	_ =	strace $0x80000049;
	[dreg:$0x1] =	wrdreg $0xFFFFFFFF  }
0xa7: {  	s28 =	simm.s32 $_size_execute0_lowered;
	s2 =	sadd.s32 s2, s4;
	[dreg:$0x0] =	wrdreg $0x0  }
0xa8: {  	s4 =	sshll.u32 s28, $0x1;
	[dreg:$0x2] =	wrdreg s2  }
0xa9: {  	[dreg:$0x3] =	wrdreg s4  }
0xaa: {  	[dreg:$0x4] =	wrdreg $0xC0  }
0xab: {  	_ =	task [dreg:s6], $0x5FFFF  }
0xac: {  	[dreg:$0x1] =	wrdreg $0xFFFFFFFF  }
0xad: {  	[dreg:$0x0] =	wrdreg $0x60  }
0xae: {  	[dreg:$0x2] =	wrdreg s24  }
0xaf: {  	[dreg:$0x3] =	wrdreg $0xA4000  }
0xb0: {  	[dreg:$0x4] =	wrdreg $0x9  }
0xb1: {  	_ =	task.clear_ibuf [dreg:s6], $0x5FFFF;
	_ =	strace $0x90000049  }
0xb2: {  	s29 =	simm.s32 $0x9;
	_ =	strace $0x8000004B  }
0xb3: {  	_ =	swait.ge [sflag:s29], $0x1  }
0xb4: {  	[sflag:s29] =	ssyncadd.s32 $0xFFFFFFFF  }
0xb5: {  	_ =	strace $0x9000004B  }
0xb6: {  	_ =	sfence  }
0xb7: {  	s30 =	sld [smem:$0x0];
	_ =	sdelay $0x2  }
0xb8: {  	s31 =	sshll.u32 s1, $0xD;
	s1 =	sshrl.u32 s1, $0x2  }
0xb9: {  	s3 =	sand.u32 $0x4000, s31;
	s1 =	sadd.s32 s1, s30  }
0xba: {  	s0 =	sor.u32 s3, s0;
	s1 =	sshll.u32 s1, $0x11  }
0xbb: {  	s0 =	sor.u32 s1, s0  }
0xbc: {  	s0 =	sadd.s32 $0x8F2B, s0  }
0xbd: {  	[sflag:s0] =	ssyncadd.remote.s32 $0x1  }
0xbe: {  	_ =	sfence.sel $0xFFFF  }
0xbf: {  	[dreg:$0x0] =	wrdreg $0xFFFFFFFF;
	(pc) =	sbr.abs _section_cstart, $3  }
0xc0: {  	[dreg:$0x1] =	wrdreg $0xFFFFFFFF  }
0xc1: {  	_ =	task.clear_ibuf [dreg:s6], $0x2FFFF;
	_ =	strace $0x9FFFFFFF  }
0xc2: {  	(tm) =	ssettm $0x7FFFFFFF  }
0xc3: {  	_ =	shalt  }
tec
execute0_lowered:
.L_overlay_start_1:
0x0: {  	(tag) =	ssettag $0x1  }
0x1: {  	s0 =	rddreg [dreg:$0x0]  }
0x2: {  	s2 =	rddreg [dreg:$0x1];
	s1 =	srdreg.scid  }
0x3: {  	s10 =	stileid.u32;
	s3 =	simm.s32 $0x0;
	s18 =	simm.s32 $0x400  }
0x4: {  	s19 =	simm.s32 $0x5;
	s20 =	simm.s32 $0x80;
	s21 =	simm.s32 $0x100  }
0x5: {  	s22 =	simm.s32 $0x200;
	s28 =	simm.s32 $0x3;
	s29 =	simm.s32 $0x4  }
0x6: {  	s30 =	simm.s32 $0x300;
	s31 =	simm.s32 $0x0;
	s1 =	sand.u32 $0x1, s1  }
0x7: {  	s6 =	smul.u32 $0x2800, s10;
	[smem:$0x7FF] =	sst s3;
	s4 =	sadd.s32 $0x28400, s0  }
0x8: {  	s5 =	sadd.s32 $0x8400, s0;
	s9 =	smul.u32 $0x50000, s10;
	s10 =	sshll.u32 s10, $0xF  }
0x9: {  	s7 =	smul.u32 $0x28000, s1;
	_ =	strace $0x8000004A;
	s8 =	ssub.s32 $0x2, s1  }
0xa: {  	s1 =	sshll.u32 s1, $0x13;
	s23 =	sshrl.u32 s8, $0x1;
	s9 =	sshrl.u32 s9, $0x2  }
0xb: {  	s7 =	sadd.s32 s6, s7;
	s6 =	sadd.s32 $0x48400, s0;
	s17 =	ssub.s32 s8, s23  }
0xc: {  	s8 =	sor.u32 s10, s1;
	s23 =	simm.s32 $0x1;
	s0 =	sadd.s32 s7, s0  }
0xd: {  	s7 =	sadd.s32 s9, s2;
	s26 =	sshrl.u32 s8, $0x3;
	s17 =	smax.u32 s17, $0x1  }
0xe: {  	s24 =	sadd.s32 $0x5000, s7;
	s25 =	sadd.s32 $0xA000, s7;
	s9 =	sadd.s32 $0xF000, s7  }
0xf: {  	s12 =	sadd.s32 s4, s26;
	s15 =	sor.u32 $0x10, s26;
	[dreg:$0x3] =	wrdreg s24  }
0x10: {  	s13 =	sadd.s32 s5, s26;
	s16 =	sadd.s32 $0xE8400, s0;
	[dreg:$0x4] =	wrdreg s25  }
0x11: {  	s26 =	simm.s32 $0x5400;
	[dreg:$0x5] =	wrdreg s9;
	s14 =	sadd.s32 s4, s15  }
0x12: {  	v0 =	vimm.f32 $0.0e+00;
	s15 =	sadd.s32 s5, s15;
	s24 =	simm.s32 $0xA0;
	s25 =	simm.s32 $0x2  }
.LBB2_1:
0x13: {  	s0 =	simm.s32 $0x0;
	s1 =	simm.s32 $0x200  }
.LBB2_2:
0x14: {  	p0 =	sne.s32 s1, $0x13E00;
	[tilespmem:s0+$0x470] =	vst v0  }
0x15: {  	[tilespmem:s0+$0x400] =	vst v0  }
0x16: {  	[tilespmem:s0+$0x410] =	vst v0  }
.Ltmp0:
0x17: {  	[tilespmem:s0+$0x420] =	vst v0;
	(pc) =	sbr.rel @p0 .LBB2_2-.Ltmp0, $4  }
0x18: {  	[tilespmem:s0+$0x430] =	vst v0  }
0x19: {  	[tilespmem:s0+$0x440] =	vst v0  }
0x1a: {  	[tilespmem:s0+$0x450] =	vst v0  }
0x1b: {  	[tilespmem:s0+$0x460] =	vst v0;
	s0 =	sshra.s32 s1, $0x2;
	s1 =	sadd.s32 $0x200, s1  }
0x1c: {  	[tilespmem:s0+$0x470] =	vst v0  }
0x1d: {  	[tilespmem:s0+$0x400] =	vst v0  }
0x1e: {  	[tilespmem:s0+$0x410] =	vst v0  }
0x1f: {  	[tilespmem:s0+$0x420] =	vst v0  }
0x20: {  	[tilespmem:s0+$0x430] =	vst v0  }
0x21: {  	[tilespmem:s0+$0x440] =	vst v0  }
0x22: {  	[tilespmem:s0+$0x450] =	vst v0  }
0x23: {  	[tilespmem:s0+$0x460] =	vst v0  }
0x24: {  	[spmem:s7] =	stream.linear.scatter [tilespmem:s18], [sflag:$0x5], $0x5000, $0x38;
	[tilespmem:$0x1E400] =	vst v63  }
0x25: {  	_ =	swait.ge [sflag:s19], $0x5000  }
0x26: {  	[sflag:s19] =	ssyncset.done $0x0  }
0x27: {  	s11 =	rddreg [dreg:$0x3];
	[sflag:s19] =	ssyncadd.s32 $0xFFFFB000  }
0x28: {  	[spmem:s11] =	stream.linear.scatter [tilespmem:s18], [sflag:$0x5], $0x5000, $0x38;
	[tilespmem:$0x1E400] =	vst v63  }
0x29: {  	_ =	swait.ge [sflag:s19], $0x5000  }
0x2a: {  	[sflag:s19] =	ssyncset.done $0x0  }
0x2b: {  	s1 =	rddreg [dreg:$0x4];
	[sflag:s19] =	ssyncadd.s32 $0xFFFFB000  }
0x2c: {  	[spmem:s1] =	stream.linear.scatter [tilespmem:s18], [sflag:$0x5], $0x5000, $0x38;
	[tilespmem:$0x1E400] =	vst v63  }
0x2d: {  	_ =	swait.ge [sflag:s19], $0x5000  }
0x2e: {  	[sflag:s19] =	ssyncset.done $0x0  }
0x2f: {  	s9 =	rddreg [dreg:$0x5];
	[sflag:s19] =	ssyncadd.s32 $0xFFFFB000  }
0x30: {  	[spmem:s9] =	stream.linear.scatter [tilespmem:s18], [sflag:$0x5], $0x5000, $0x38;
	[tilespmem:$0x1E400] =	vst v63  }
0x31: {  	_ =	swait.ge [sflag:s19], $0x5000  }
0x32: {  	[sflag:s19] =	ssyncset.done $0x0  }
0x33: {  	[sflag:s19] =	ssyncadd.s32 $0xFFFFB000  }
0x34: {  	[bflag:$0x0] =	sbarrier.arrive $0xFFFF  }
0x35: {  	[tilespmem:s3], [sflag:$0x1] =	stream.strided.gather [hbm4b:s12+s20], $0x100, s18, s20, $0x38;
	[tilespmem:$0x1E400] =	vst v63  }
0x36: {  	_ = 	snop  }
0x37: {  	[tilespmem:s21], [sflag:$0x1] =	stream.strided.gather [hbm4b:s13+s20], $0x100, s18, s20, $0x38;
	[tilespmem:$0x1E400] =	vst v63  }
0x38: {  	_ = 	snop  }
0x39: {  	[tilespmem:s22], [sflag:$0x2] =	stream.strided.gather [hbm4b:s14+s20], $0x100, s18, s20, $0x38;
	[tilespmem:$0x1E400] =	vst v63  }
0x3a: {  	s1 =	simm.s32 $0x300  }
0x3b: {  	[tilespmem:s1], [sflag:$0x2] =	stream.strided.gather [hbm4b:s15+s20], $0x100, s18, s20, $0x38;
	[tilespmem:$0x1E400] =	vst v63  }
0x3c: {  	_ =	swait.ge [sflag:s23], $0x100  }
0x3d: {  	[sflag:s23] =	ssyncset.done $0x0  }
0x3e: {  	[sflag:s23] =	ssyncadd.s32 $0xFFFFFF00  }
0x3f: {  	_ =	swait.ge [sflag:s23], $0x100  }
0x40: {  	[sflag:s23] =	ssyncset.done $0x0  }
0x41: {  	[sflag:s23] =	ssyncadd.s32 $0xFFFFFF00  }
0x42: {  	[tilespmem:s18], [sflag:$0x3] =	stream.indirect.gather [hbm4b:s6+s24], $0x80, s3, s24, $0xb8;
	[tilespmem:$0x1E400] =	vst v63  }
0x43: {  	_ =	swait.ge [sflag:s25], $0x100  }
0x44: {  	[sflag:s25] =	ssyncset.done $0x0  }
0x45: {  	[sflag:s25] =	ssyncadd.s32 $0xFFFFFF00  }
0x46: {  	_ =	swait.ge [sflag:s25], $0x100  }
0x47: {  	[sflag:s25] =	ssyncset.done $0x0  }
0x48: {  	[sflag:s25] =	ssyncadd.s32 $0xFFFFFF00  }
0x49: {  	[tilespmem:s26], [sflag:$0x4] =	stream.indirect.gather [hbm4b:s6+s24], $0x80, s22, s24, $0xb8;
	[tilespmem:$0x1E400] =	vst v63  }
0x4a: {  	s10 =	simm.s32 $0x200;
	_ =	swait.ge [sflag:s28], $0x5000  }
0x4b: {  	s0 =	sand.u32 $0xF800, s10;
	s9 =	simm.s32 $0x100;
	[sflag:s28] =	ssyncset.done $0x0  }
0x4c: {  	s0 =	sadd.s32 s8, s0;
	s9 =	sand.u32 $0x300, s9;
	[sflag:s28] =	ssyncadd.s32 $0xFFFFB000  }
0x4d: {  	[spmem:s2] =	stream.indirect.scatter.add.f32 [tilespmem:s18], [sflag:$0x5], $0x80, s21, s24, $0xb8;
	[tilespmem:$0x1E400] =	vst v63  }
0x4e: {  	s0 =	sor.u32 s9, s0;
	_ =	swait.ge [sflag:s19], $0x5000  }
0x4f: {  	s0 =	sshrl.u32 s0, $0x3;
	[sflag:s19] =	ssyncset.done $0x0  }
0x50: {  	s11 =	sadd.s32 s4, s0;
	[sflag:s19] =	ssyncadd.s32 $0xFFFFB000  }
0x51: {  	[tilespmem:s3], [sflag:$0x1] =	stream.strided.gather [hbm4b:s11+s20], $0x100, s18, s20, $0x38;
	[tilespmem:$0x1E400] =	vst v63  }
0x52: {  	s0 =	sadd.s32 s5, s0  }
0x53: {  	[tilespmem:s21], [sflag:$0x1] =	stream.strided.gather [hbm4b:s0+s20], $0x100, s18, s20, $0x38;
	[tilespmem:$0x1E400] =	vst v63  }
0x54: {  	_ =	swait.ge [sflag:s29], $0x5000  }
0x55: {  	s1 =	sand.u32 $0xF800, s1;
	s0 =	simm.s32 $0x180;
	[sflag:s29] =	ssyncset.done $0x0  }
0x56: {  	s1 =	sadd.s32 s8, s1;
	s10 =	sand.u32 $0x380, s0;
	[sflag:s29] =	ssyncadd.s32 $0xFFFFB000  }
0x57: {  	[spmem:s2] =	stream.indirect.scatter.add.f32 [tilespmem:s26], [sflag:$0x5], $0x80, s30, s24, $0xb8;
	[tilespmem:$0x1E400] =	vst v63  }
0x58: {  	s1 =	sor.u32 s10, s1;
	_ =	swait.ge [sflag:s19], $0x5000  }
0x59: {  	s1 =	sshrl.u32 s1, $0x3;
	[sflag:s19] =	ssyncset.done $0x0  }
0x5a: {  	s11 =	sadd.s32 s4, s1;
	[sflag:s19] =	ssyncadd.s32 $0xFFFFB000  }
0x5b: {  	[tilespmem:s22], [sflag:$0x2] =	stream.strided.gather [hbm4b:s11+s20], $0x100, s18, s20, $0x38;
	[tilespmem:$0x1E400] =	vst v63  }
0x5c: {  	s1 =	sadd.s32 s5, s1  }
0x5d: {  	[tilespmem:s30], [sflag:$0x2] =	stream.strided.gather [hbm4b:s1+s20], $0x100, s18, s20, $0x38;
	[tilespmem:$0x1E400] =	vst v63  }
0x5e: {  	_ =	swait.ge [sflag:s23], $0x100  }
0x5f: {  	[sflag:s23] =	ssyncset.done $0x0  }
0x60: {  	[sflag:s23] =	ssyncadd.s32 $0xFFFFFF00  }
0x61: {  	_ =	swait.ge [sflag:s23], $0x100  }
0x62: {  	s1 =	simm.s32 $0x500;
	[sflag:s23] =	ssyncset.done $0x0  }
.LBB2_4:
0x63: {  	p0 =	sne.s32 s1, $0x7F00;
	[sflag:s23] =	ssyncadd.s32 $0xFFFFFF00;
	s0 =	sadd.s32 $0x100, s0  }
0x64: {  	[tilespmem:s18], [sflag:$0x3] =	stream.indirect.gather [hbm4b:s6+s24], $0x80, s3, s24, $0xb8;
	[tilespmem:$0x1E400] =	vst v63  }
0x65: {  	s9 =	smov.u32 s1;
	s1 =	sadd.s32 $0x200, s1;
	_ =	swait.ge [sflag:s25], $0x100  }
0x66: {  	[sflag:s25] =	ssyncset.done $0x0  }
0x67: {  	[sflag:s25] =	ssyncadd.s32 $0xFFFFFF00  }
0x68: {  	_ =	swait.ge [sflag:s25], $0x100  }
0x69: {  	[sflag:s25] =	ssyncset.done $0x0  }
0x6a: {  	[sflag:s25] =	ssyncadd.s32 $0xFFFFFF00  }
0x6b: {  	[tilespmem:s26], [sflag:$0x4] =	stream.indirect.gather [hbm4b:s6+s24], $0x80, s22, s24, $0xb8;
	[tilespmem:$0x1E400] =	vst v63  }
0x6c: {  	s10 =	sadd.s32 $0xFFFFFF00, s9;
	_ =	swait.ge [sflag:s28], $0x5000  }
0x6d: {  	s11 =	sadd.s32 $0xFFFFFF80, s0;
	s10 =	sand.u32 $0xF800, s10;
	[sflag:s28] =	ssyncset.done $0x0  }
0x6e: {  	s11 =	sand.u32 $0x300, s11;
	s10 =	sadd.s32 s8, s10;
	[sflag:s28] =	ssyncadd.s32 $0xFFFFB000  }
0x6f: {  	[spmem:s2] =	stream.indirect.scatter.add.f32 [tilespmem:s18], [sflag:$0x5], $0x80, s21, s24, $0xb8;
	[tilespmem:$0x1E400] =	vst v63  }
0x70: {  	s10 =	sor.u32 s11, s10;
	_ =	swait.ge [sflag:s19], $0x5000  }
0x71: {  	s10 =	sshrl.u32 s10, $0x3;
	[sflag:s19] =	ssyncset.done $0x0  }
0x72: {  	s11 =	sadd.s32 s4, s10;
	s10 =	sadd.s32 s5, s10;
	[sflag:s19] =	ssyncadd.s32 $0xFFFFB000  }
0x73: {  	[tilespmem:s3], [sflag:$0x1] =	stream.strided.gather [hbm4b:s11+s20], $0x100, s18, s20, $0x38;
	[tilespmem:$0x1E400] =	vst v63  }
0x74: {  	_ = 	snop  }
0x75: {  	[tilespmem:s21], [sflag:$0x1] =	stream.strided.gather [hbm4b:s10+s20], $0x100, s18, s20, $0x38;
	[tilespmem:$0x1E400] =	vst v63  }
0x76: {  	_ =	swait.ge [sflag:s29], $0x5000  }
0x77: {  	s9 =	sand.u32 $0xF800, s9;
	[sflag:s29] =	ssyncset.done $0x0  }
0x78: {  	s9 =	sadd.s32 s8, s9;
	s10 =	sand.u32 $0x380, s0;
	[sflag:s29] =	ssyncadd.s32 $0xFFFFB000  }
0x79: {  	[spmem:s2] =	stream.indirect.scatter.add.f32 [tilespmem:s26], [sflag:$0x5], $0x80, s30, s24, $0xb8;
	[tilespmem:$0x1E400] =	vst v63  }
0x7a: {  	s9 =	sor.u32 s10, s9;
	_ =	swait.ge [sflag:s19], $0x5000  }
0x7b: {  	s9 =	sshrl.u32 s9, $0x3;
	[sflag:s19] =	ssyncset.done $0x0  }
0x7c: {  	s10 =	sadd.s32 s4, s9;
	[sflag:s19] =	ssyncadd.s32 $0xFFFFB000  }
0x7d: {  	[tilespmem:s22], [sflag:$0x2] =	stream.strided.gather [hbm4b:s10+s20], $0x100, s18, s20, $0x38;
	[tilespmem:$0x1E400] =	vst v63  }
0x7e: {  	s9 =	sadd.s32 s5, s9  }
0x7f: {  	[tilespmem:s30], [sflag:$0x2] =	stream.strided.gather [hbm4b:s9+s20], $0x100, s18, s20, $0x38;
	[tilespmem:$0x1E400] =	vst v63  }
.Ltmp1:
0x80: {  	_ =	swait.ge [sflag:s23], $0x100;
	(pc) =	sbr.rel @p0 .LBB2_4-.Ltmp1, $4  }
0x81: {  	[sflag:s23] =	ssyncset.done $0x0  }
0x82: {  	[sflag:s23] =	ssyncadd.s32 $0xFFFFFF00  }
0x83: {  	_ =	swait.ge [sflag:s23], $0x100  }
0x84: {  	[sflag:s23] =	ssyncset.done $0x0  }
0x85: {  	[sflag:s23] =	ssyncadd.s32 $0xFFFFFF00  }
0x86: {  	[tilespmem:s18], [sflag:$0x3] =	stream.indirect.gather [hbm4b:s6+s24], $0x80, s3, s24, $0xb8;
	[tilespmem:$0x1E400] =	vst v63  }
0x87: {  	_ =	swait.ge [sflag:s28], $0x5000  }
0x88: {  	[sflag:s28] =	ssyncset.done $0x0  }
0x89: {  	[sflag:s28] =	ssyncadd.s32 $0xFFFFB000  }
0x8a: {  	_ =	swait.ge [sflag:s25], $0x100  }
0x8b: {  	[sflag:s25] =	ssyncset.done $0x0  }
0x8c: {  	[sflag:s25] =	ssyncadd.s32 $0xFFFFFF00  }
0x8d: {  	s0 =	stileid.u32;
	_ =	swait.ge [sflag:s25], $0x100  }
0x8e: {  	s1 =	sshrl.u32 s7, $0x3;
	s31 =	sadd.s32 $0x1, s31;
	[sflag:s25] =	ssyncset.done $0x0  }
0x8f: {  	s0 =	sshll.u32 s0, $0x6;
	p0 =	sne.s32 s31, s17;
	[sflag:s25] =	ssyncadd.s32 $0xFFFFFF00  }
.Ltmp2:
0x90: {  	s0 =	sor.u32 $0x1C05, s0;
	[bflag:$0x0] =	sbarrier.arrive $0xFFFF;
	(pc) =	sbr.rel @p0 .LBB2_1-.Ltmp2, $4  }
0x91: {  	[hbm:s16], [sflag:s0] =	dma.local [spmem:s1], $0x2800  }
0x92: {  	_ =	swait.ge [sflag:s19], $0x2800  }
0x93: {  	[sflag:s19] =	ssyncset.done $0x0  }
0x94: {  	[sflag:s19] =	ssyncadd.s32 $0xFFFFD800  }
0x95: {  	_ =	sfence.sel $0x180000  }
0x96: {  	[bflag:$0x0] =	sbarrier.arrive $0xFFFF  }
0x97: {  	_ =	strace $0x9000004A  }
0x98: {  	s0 =	stileid.u32;
	[bflag:$0x2] =	sbarrier.arrive $0xFFFF  }
0x99: {  	p0 =	sne.s32 s0, $0x0;
	s0 =	rddreg [dreg:$0x2]  }
0x9a: {  	s0 =	sadd.s32 @!p0 $0x100000, s0  }
0x9b: {  	[sflag:s0] =	ssyncadd.tile.s32 @!p0 $0x1;
	_ =	shalt  }
.Lfunc_end2:
_tile_overlayer_lowered:
.L_overlay_start_2:
0x9c: {  	(tag) =	ssettag $0x2  }
0x9d: {  	s0 =	rddreg [dreg:$0x0];
	s2 =	stileid.u32  }
0x9e: {  	s1 =	rddreg [dreg:$0x1];
	p0 =	sne.s32 s2, $0x0  }
0x9f: {  	s3 =	rddreg [dreg:$0x2];
	[bflag:$0x3] =	sbarrier.arrive $0xFFFF;
	s2 =	simm.s32 @!p0 $0x1C05  }
0xa0: {  	[timem:s3], [sflag:s2] =	dma.local @!p0 [hbm:s0], s1  }
0xa1: {  	s0 =	simm.s32 @!p0 $0x5  }
0xa2: {  	_ =	swait.ge @!p0 [sflag:s0], s1  }
0xa3: {  	s1 =	ssub.s32 @!p0 $0x0, s1;
	[sflag:s0] =	ssyncset.done @!p0 $0x0  }
0xa4: {  	[sflag:s0] =	ssyncadd.s32 @!p0 s1  }
0xa5: {  	[bflag:$0x3] =	sbarrier.arrive $0xFFFF  }
0xa6: {  	_ =	shalt  }

// kernel: kernel.18.cloned.1.call-start
scs
__scs_entry_jumppad:
0x0: {  	(pc) =	sbr.rel $0x88, $3  }
0x1: {  	(tag) =	ssettag $0x0;
	lr =	simm.s32 $0x1  }
0x2: {  	[smem:$0x3F77] =	sst lr;
	_ =	strace $0xD0000000  }
0x3: {  	_ = 	snop  }
0x4: {  	_ = 	snop  }
0x5: {  	_ = 	snop  }
0x6: {  	_ = 	snop  }
0x7: {  	_ = 	snop  }
__scs_overlays_trampoline_lowered:
0x8: {  	[smem:$0x3F86] =	sst s0  }
0x9: {  	[smem:$0x3F87] =	sst s1  }
0xa: {  	[smem:$0x3F88] =	sst s2  }
0xb: {  	[smem:$0x3F89] =	sst s3  }
0xc: {  	[smem:$0x3F8A] =	sst s4  }
0xd: {  	[smem:$0x3F8B] =	sst s5  }
0xe: {  	[smem:$0x3F8C] =	sst s6  }
0xf: {  	[smem:$0x3F8D] =	sst s7  }
0x10: {  	[smem:$0x3F8E] =	sst s8  }
0x11: {  	[smem:$0x3F8F] =	sst s9;
	s0 =	simm.s32 @!p0 $0x0  }
0x12: {  	s1 =	sld [smem:$0x3F75];
	s0 =	simm.s32 @p0 $0x1  }
0x13: {  	[smem:$0x3F90] =	sst s0;
	s0 =	simm.s32 @!p1 $0x0  }
0x14: {  	s2 =	sld [smem:$0x3F74];
	s0 =	simm.s32 @p1 $0x1  }
0x15: {  	[smem:$0x3F91] =	sst s0;
	s0 =	simm.s32 @!p2 $0x0  }
0x16: {  	s3 =	sld [smem:$0x3FDB];
	s0 =	simm.s32 @p2 $0x1  }
0x17: {  	s4 =	simm.s32 $0x1BF5;
	[smem:$0x3F93] =	sst s0  }
0x18: {  	s0 =	sld [smem:$0x3F76];
	_ =	swait.ge [sflag:s4], $0x0  }
0x19: {  	s7 =	sld [smem:$0x3F77]  }
0x1a: {  	s8 =	sadd.s32 $0xFFFFE003, lr  }
0x1b: {  	s9 =	sadd.s32 $0xFFFFFEF7, lr;
	s5 =	simm.s32 $0xFFFFFFFF;
	p2 =	slt.u32 s8, $0xFFFFF086  }
0x1c: {  	p1 =	slt.u32 s9, $0xF7A;
	s5 =	simm.s32 @!p2 $0x0  }
0x1d: {  	s5 =	simm.s32 @p1 $0x1;
	p0 =	seq.s32 s7, s2  }
0x1e: {  	s7 =	smul.u32 @!p0 $0xF7A, s2;
	p2 =	seq.s32 @!p0 s5, $0x0  }
0x1f: {  	s9 =	smul.u32 $0xF7A, s1;
	s8 =	simm.s32 @!p0 $0x1BF5;
	p2 =	por !p2, p0  }
0x20: {  	[sflag:s8] =	ssyncset.s32 @!p0 $0xFFFFF086;
	s6 =	sadd.s32 @!p0 s3, s7;
	s7 =	simm.s32 @!p0 $0x108  }
0x21: {  	s3 =	sadd.s32 s3, s9;
	s6 =	sadd.s32 @!p0 $0x88, s6;
	s7 =	simm.s32 @p2 $0x1082  }
0x22: {  	[simem:s7], [sflag:s8] =	dma.local @!p0 [hbm:s6], $0xF7A  }
0x23: {  	s9 =	sor.u32 $0xD0000000, s2;
	s6 =	simm.s32 $0x108;
	_ =	swait.ge @!p0 [sflag:s8], $0x0  }
0x24: {  	s3 =	sadd.s32 $0x88, s3;
	s6 =	simm.s32 @!p1 $0x1082;
	[sflag:s4] =	ssyncset.s32 $0xFFFFF086  }
0x25: {  	[simem:s6], [sflag:s4] =	dma.local [hbm:s3], $0xF7A  }
0x26: {  	[smem:$0x3F77] =	sst s1;
	(tag) =	ssettag s2;
	_ =	strace s9  }
0x27: {  	s1 =	sld [smem:$0x3F87]  }
0x28: {  	s2 =	sld [smem:$0x3F88]  }
0x29: {  	s4 =	sld [smem:$0x3F8A]  }
0x2a: {  	p0 =	seq.s32 s5, $0x0;
	s5 =	sld [smem:$0x3F8B]  }
0x2b: {  	s6 =	sld [smem:$0x3F8C]  }
0x2c: {  	s7 =	sld [smem:$0x3F8D]  }
0x2d: {  	s3 =	simm.s32 $0x108;
	s8 =	sld [smem:$0x3F8E]  }
0x2e: {  	s3 =	simm.s32 @!p0 $0x1082;
	s9 =	sld [smem:$0x3F8F]  }
0x2f: {  	lr =	sadd.s32 s0, s3;
	s0 =	sld [smem:$0x3F86]  }
0x30: {  	s3 =	sld [smem:$0x3F89]  }
0x31: {  	[smem:$0x3F92] =	sst s10  }
0x32: {  	s10 =	sld [smem:$0x3F90];
	_ =	sdelay $0x3  }
0x33: {  	p0 =	seq.s32 s10, $0x1;
	s10 =	sld [smem:$0x3F92];
	_ =	sdelay $0x3  }
0x34: {  	[smem:$0x3F92] =	sst s10  }
0x35: {  	s10 =	sld [smem:$0x3F91];
	_ =	sdelay $0x3  }
0x36: {  	p1 =	seq.s32 s10, $0x1;
	s10 =	sld [smem:$0x3F92];
	_ =	sdelay $0x3  }
0x37: {  	[smem:$0x3F92] =	sst s10  }
0x38: {  	s10 =	sld [smem:$0x3F93]  }
0x39: {  	_ = 	snop;
	(pc) =	sbr.ind lr, $3  }
0x3a: {  	_ = 	snop  }
0x3b: {  	_ = 	snop  }
0x3c: {  	p2 =	seq.s32 s10, $0x1;
	s10 =	sld [smem:$0x3F92]  }
0x3d: {  	_ =	shalt  }
0x3e: {  	_ =	shalt  }
0x3f: {  	_ =	shalt  }
0x40: {  	_ =	shalt  }
0x41: {  	_ =	shalt  }
0x42: {  	_ =	shalt  }
0x43: {  	_ =	shalt  }
0x44: {  	_ =	shalt  }
0x45: {  	_ =	shalt  }
0x46: {  	_ =	shalt  }
0x47: {  	_ =	shalt  }
0x48: {  	_ =	shalt  }
0x49: {  	_ =	shalt  }
0x4a: {  	_ =	shalt  }
0x4b: {  	_ =	shalt  }
0x4c: {  	_ =	shalt  }
0x4d: {  	_ =	shalt  }
0x4e: {  	_ =	shalt  }
0x4f: {  	_ =	shalt  }
0x50: {  	_ =	shalt  }
0x51: {  	_ =	shalt  }
0x52: {  	_ =	shalt  }
0x53: {  	_ =	shalt  }
0x54: {  	_ =	shalt  }
0x55: {  	_ =	shalt  }
0x56: {  	_ =	shalt  }
0x57: {  	_ =	shalt  }
0x58: {  	_ =	shalt  }
0x59: {  	_ =	shalt  }
0x5a: {  	_ =	shalt  }
0x5b: {  	_ =	shalt  }
0x5c: {  	_ =	shalt  }
0x5d: {  	_ =	shalt  }
0x5e: {  	_ =	shalt  }
0x5f: {  	_ =	shalt  }
0x60: {  	_ =	shalt  }
0x61: {  	_ =	shalt  }
0x62: {  	_ =	shalt  }
0x63: {  	_ =	shalt  }
0x64: {  	_ =	shalt  }
0x65: {  	_ =	shalt  }
0x66: {  	_ =	shalt  }
0x67: {  	_ =	shalt  }
0x68: {  	_ =	shalt  }
0x69: {  	_ =	shalt  }
0x6a: {  	_ =	shalt  }
0x6b: {  	_ =	shalt  }
0x6c: {  	_ =	shalt  }
0x6d: {  	_ =	shalt  }
0x6e: {  	_ =	shalt  }
0x6f: {  	_ =	shalt  }
0x70: {  	_ =	shalt  }
0x71: {  	_ =	shalt  }
0x72: {  	_ =	shalt  }
0x73: {  	_ =	shalt  }
0x74: {  	_ =	shalt  }
0x75: {  	_ =	shalt  }
0x76: {  	_ =	shalt  }
0x77: {  	_ =	shalt  }
0x78: {  	_ =	shalt  }
0x79: {  	_ =	shalt  }
0x7a: {  	_ =	shalt  }
0x7b: {  	_ =	shalt  }
0x7c: {  	_ =	shalt  }
0x7d: {  	_ =	shalt  }
0x7e: {  	_ =	shalt  }
0x7f: {  	_ =	shalt  }
0x80: {  	_ =	shalt  }
0x81: {  	_ =	shalt  }
0x82: {  	_ =	shalt  }
0x83: {  	_ =	shalt  }
0x84: {  	_ =	shalt  }
0x85: {  	_ =	shalt  }
0x86: {  	_ =	shalt  }
0x87: {  	_ =	shalt  }
.Lfunc_end0:
.L_simem_size_0:
called_computation.2_lowered:
.L_overlay_start_0:
0x88: {  	s2 =	sld [smem:$0x3FD9]  }
0x89: {  	s3 =	sld [smem:$0x3FFE];
	_ =	sdelay $0x1  }
0x8a: {  	s1 =	srdreg.scid  }
0x8b: {  	s0 =	sand.u32 $0x1, s1  }
0x8c: {  	s16 =	sshll.u32 s0, $0xA;
	s2 =	sadd.s32 s3, s2  }
0x8d: {  	s2 =	sadd.s32 s2, s16  }
0x8e: {  	[smem:$0x3F9E] =	sst s2  }
0x8f: {  	_ = 	snop  }
0x90: {  	(tm) =	ssettm $0x1  }
0x91: {  	s17 =	sld [smem:$0x3FFB];
	_ =	sdelay $0x3  }
0x92: {  	_ =	strace s17  }
0x93: {  	s2 =	sld [smem:$0x3FFC];
	_ =	sdelay $0x3  }
0x94: {  	_ =	strace s2  }
0x95: {  	s2 =	sld [smem:$0x3FFD];
	_ =	sdelay $0x3  }
0x96: {  	_ =	strace s2  }
0x97: {  	_ =	strace $0x8FFFFFFF  }
0x98: {  	s18 =	sld [smem:$0x3FDB];
	_ =	sdelay $0x1  }
0x99: {  	s19 =	simm.s32 $_scs_section_size  }
0x9a: {  	s4 =	simm.s32 $_size__tile_overlayer_lowered;
	s5 =	simm.s32 $_tile_overlayer_lowered  }
0x9b: {  	s22 =	simm.s32 $0x1BFF;
	s21 =	sshll.u32 s5, $0x1;
	s2 =	sadd.s32 s19, s18  }
0x9c: {  	s6 =	simm.s32 $0x0;
	s20 =	sshll.u32 s4, $0x1;
	s4 =	sadd.s32 s21, s2  }
0x9d: {  	[timem:s6], [sflag:s22] =	dma.local [hbm:s4], s20  }
0x9e: {  	_ =	swait.ge [sflag:s22], s20  }
0x9f: {  	s3 =	ssub.s32 $0x0, s20;
	[sflag:s22] =	ssyncset.done $0x0  }
0xa0: {  	[sflag:s22] =	ssyncadd.s32 s3;
	_ =	sdelay $0x1  }
0xa1: {  	s23 =	simm.s32 $0x1B8B  }
0xa2: {  	_ =	swait.ge [sflag:s23], $0x1  }
0xa3: {  	[sflag:s23] =	ssyncset.done $0x0  }
0xa4: {  	s25 =	simm.s32 $0x1B8E;
	s24 =	sld [smem:$0x3FFE];
	[sflag:s23] =	ssyncadd.s32 $0xFFFFFFFF  }
0xa5: {  	s26 =	simm.s32 $execute0_lowered;
	[smem:$0x3FD2] =	sst s25  }
0xa6: {  	s4 =	sshll.u32 s26, $0x1;
	_ =	strace $0x8000004C;
	[dreg:$0x1] =	wrdreg $0xFFFFFFFF  }
0xa7: {  	s28 =	simm.s32 $_size_execute0_lowered;
	s2 =	sadd.s32 s2, s4;
	[dreg:$0x0] =	wrdreg $0x0  }
0xa8: {  	s4 =	sshll.u32 s28, $0x1;
	[dreg:$0x2] =	wrdreg s2  }
0xa9: {  	[dreg:$0x3] =	wrdreg s4  }
0xaa: {  	[dreg:$0x4] =	wrdreg $0xC0  }
0xab: {  	_ =	task [dreg:s6], $0x5FFFF  }
0xac: {  	[dreg:$0x1] =	wrdreg $0xFFFFFFFF  }
0xad: {  	[dreg:$0x0] =	wrdreg $0x60  }
0xae: {  	[dreg:$0x2] =	wrdreg s24  }
0xaf: {  	[dreg:$0x3] =	wrdreg $0xA4000  }
0xb0: {  	[dreg:$0x4] =	wrdreg $0x9  }
0xb1: {  	_ =	task.clear_ibuf [dreg:s6], $0x5FFFF;
	_ =	strace $0x9000004C  }
0xb2: {  	s29 =	simm.s32 $0x9;
	_ =	strace $0x8000004E  }
0xb3: {  	_ =	swait.ge [sflag:s29], $0x1  }
0xb4: {  	[sflag:s29] =	ssyncadd.s32 $0xFFFFFFFF  }
0xb5: {  	_ =	strace $0x9000004E  }
0xb6: {  	_ =	sfence  }
0xb7: {  	s30 =	sld [smem:$0x0];
	_ =	sdelay $0x2  }
0xb8: {  	s31 =	sshll.u32 s1, $0xD;
	s1 =	sshrl.u32 s1, $0x2  }
0xb9: {  	s3 =	sand.u32 $0x4000, s31;
	s1 =	sadd.s32 s1, s30  }
0xba: {  	s0 =	sor.u32 s3, s0;
	s1 =	sshll.u32 s1, $0x11  }
0xbb: {  	s0 =	sor.u32 s1, s0  }
0xbc: {  	s0 =	sadd.s32 $0x8F2B, s0  }
0xbd: {  	[sflag:s0] =	ssyncadd.remote.s32 $0x1  }
0xbe: {  	_ =	sfence.sel $0xFFFF  }
0xbf: {  	[dreg:$0x0] =	wrdreg $0xFFFFFFFF;
	(pc) =	sbr.abs _section_cstart, $3  }
0xc0: {  	[dreg:$0x1] =	wrdreg $0xFFFFFFFF  }
0xc1: {  	_ =	task.clear_ibuf [dreg:s6], $0x2FFFF;
	_ =	strace $0x9FFFFFFF  }
0xc2: {  	(tm) =	ssettm $0x7FFFFFFF  }
0xc3: {  	_ =	shalt  }
tec
execute0_lowered:
.L_overlay_start_1:
0x0: {  	(tag) =	ssettag $0x1  }
0x1: {  	s0 =	rddreg [dreg:$0x0]  }
0x2: {  	s2 =	rddreg [dreg:$0x1];
	s1 =	srdreg.scid  }
0x3: {  	s10 =	stileid.u32;
	s3 =	simm.s32 $0x0;
	s18 =	simm.s32 $0x400  }
0x4: {  	s19 =	simm.s32 $0x5;
	s20 =	simm.s32 $0x80;
	s21 =	simm.s32 $0x100  }
0x5: {  	s22 =	simm.s32 $0x200;
	s28 =	simm.s32 $0x3;
	s29 =	simm.s32 $0x4  }
0x6: {  	s30 =	simm.s32 $0x300;
	s31 =	simm.s32 $0x0;
	s1 =	sand.u32 $0x1, s1  }
0x7: {  	s6 =	smul.u32 $0x2800, s10;
	[smem:$0x7FF] =	sst s3;
	s4 =	sadd.s32 $0x28400, s0  }
0x8: {  	s5 =	sadd.s32 $0x8400, s0;
	s9 =	smul.u32 $0x50000, s10;
	s10 =	sshll.u32 s10, $0xF  }
0x9: {  	s7 =	smul.u32 $0x28000, s1;
	_ =	strace $0x8000004D;
	s8 =	ssub.s32 $0x2, s1  }
0xa: {  	s1 =	sshll.u32 s1, $0x13;
	s23 =	sshrl.u32 s8, $0x1;
	s9 =	sshrl.u32 s9, $0x2  }
0xb: {  	s7 =	sadd.s32 s6, s7;
	s6 =	sadd.s32 $0x48400, s0;
	s17 =	ssub.s32 s8, s23  }
0xc: {  	s8 =	sor.u32 s10, s1;
	s23 =	simm.s32 $0x1;
	s0 =	sadd.s32 s7, s0  }
0xd: {  	s7 =	sadd.s32 s9, s2;
	s26 =	sshrl.u32 s8, $0x3;
	s17 =	smax.u32 s17, $0x1  }
0xe: {  	s24 =	sadd.s32 $0x5000, s7;
	s25 =	sadd.s32 $0xA000, s7;
	s9 =	sadd.s32 $0xF000, s7  }
0xf: {  	s12 =	sadd.s32 s4, s26;
	s15 =	sor.u32 $0x10, s26;
	[dreg:$0x3] =	wrdreg s24  }
0x10: {  	s13 =	sadd.s32 s5, s26;
	s16 =	sadd.s32 $0xE8400, s0;
	[dreg:$0x4] =	wrdreg s25  }
0x11: {  	s26 =	simm.s32 $0x5400;
	[dreg:$0x5] =	wrdreg s9;
	s14 =	sadd.s32 s4, s15  }
0x12: {  	v0 =	vimm.f32 $0.0e+00;
	s15 =	sadd.s32 s5, s15;
	s24 =	simm.s32 $0xA0;
	s25 =	simm.s32 $0x2  }
.LBB2_1:
0x13: {  	s0 =	simm.s32 $0x0;
	s1 =	simm.s32 $0x200  }
.LBB2_2:
0x14: {  	p0 =	sne.s32 s1, $0x13E00;
	[tilespmem:s0+$0x470] =	vst v0  }
0x15: {  	[tilespmem:s0+$0x400] =	vst v0  }
0x16: {  	[tilespmem:s0+$0x410] =	vst v0  }
.Ltmp0:
0x17: {  	[tilespmem:s0+$0x420] =	vst v0;
	(pc) =	sbr.rel @p0 .LBB2_2-.Ltmp0, $4  }
0x18: {  	[tilespmem:s0+$0x430] =	vst v0  }
0x19: {  	[tilespmem:s0+$0x440] =	vst v0  }
0x1a: {  	[tilespmem:s0+$0x450] =	vst v0  }
0x1b: {  	[tilespmem:s0+$0x460] =	vst v0;
	s0 =	sshra.s32 s1, $0x2;
	s1 =	sadd.s32 $0x200, s1  }
0x1c: {  	[tilespmem:s0+$0x470] =	vst v0  }
0x1d: {  	[tilespmem:s0+$0x400] =	vst v0  }
0x1e: {  	[tilespmem:s0+$0x410] =	vst v0  }
0x1f: {  	[tilespmem:s0+$0x420] =	vst v0  }
0x20: {  	[tilespmem:s0+$0x430] =	vst v0  }
0x21: {  	[tilespmem:s0+$0x440] =	vst v0  }
0x22: {  	[tilespmem:s0+$0x450] =	vst v0  }
0x23: {  	[tilespmem:s0+$0x460] =	vst v0  }
0x24: {  	[spmem:s7] =	stream.linear.scatter [tilespmem:s18], [sflag:$0x5], $0x5000, $0x38;
	[tilespmem:$0x1E400] =	vst v63  }
0x25: {  	_ =	swait.ge [sflag:s19], $0x5000  }
0x26: {  	[sflag:s19] =	ssyncset.done $0x0  }
0x27: {  	s11 =	rddreg [dreg:$0x3];
	[sflag:s19] =	ssyncadd.s32 $0xFFFFB000  }
0x28: {  	[spmem:s11] =	stream.linear.scatter [tilespmem:s18], [sflag:$0x5], $0x5000, $0x38;
	[tilespmem:$0x1E400] =	vst v63  }
0x29: {  	_ =	swait.ge [sflag:s19], $0x5000  }
0x2a: {  	[sflag:s19] =	ssyncset.done $0x0  }
0x2b: {  	s1 =	rddreg [dreg:$0x4];
	[sflag:s19] =	ssyncadd.s32 $0xFFFFB000  }
0x2c: {  	[spmem:s1] =	stream.linear.scatter [tilespmem:s18], [sflag:$0x5], $0x5000, $0x38;
	[tilespmem:$0x1E400] =	vst v63  }
0x2d: {  	_ =	swait.ge [sflag:s19], $0x5000  }
0x2e: {  	[sflag:s19] =	ssyncset.done $0x0  }
0x2f: {  	s9 =	rddreg [dreg:$0x5];
	[sflag:s19] =	ssyncadd.s32 $0xFFFFB000  }
0x30: {  	[spmem:s9] =	stream.linear.scatter [tilespmem:s18], [sflag:$0x5], $0x5000, $0x38;
	[tilespmem:$0x1E400] =	vst v63  }
0x31: {  	_ =	swait.ge [sflag:s19], $0x5000  }
0x32: {  	[sflag:s19] =	ssyncset.done $0x0  }
0x33: {  	[sflag:s19] =	ssyncadd.s32 $0xFFFFB000  }
0x34: {  	[bflag:$0x0] =	sbarrier.arrive $0xFFFF  }
0x35: {  	[tilespmem:s3], [sflag:$0x1] =	stream.strided.gather [hbm4b:s12+s20], $0x100, s18, s20, $0x38;
	[tilespmem:$0x1E400] =	vst v63  }
0x36: {  	_ = 	snop  }
0x37: {  	[tilespmem:s21], [sflag:$0x1] =	stream.strided.gather [hbm4b:s13+s20], $0x100, s18, s20, $0x38;
	[tilespmem:$0x1E400] =	vst v63  }
0x38: {  	_ = 	snop  }
0x39: {  	[tilespmem:s22], [sflag:$0x2] =	stream.strided.gather [hbm4b:s14+s20], $0x100, s18, s20, $0x38;
	[tilespmem:$0x1E400] =	vst v63  }
0x3a: {  	s1 =	simm.s32 $0x300  }
0x3b: {  	[tilespmem:s1], [sflag:$0x2] =	stream.strided.gather [hbm4b:s15+s20], $0x100, s18, s20, $0x38;
	[tilespmem:$0x1E400] =	vst v63  }
0x3c: {  	_ =	swait.ge [sflag:s23], $0x100  }
0x3d: {  	[sflag:s23] =	ssyncset.done $0x0  }
0x3e: {  	[sflag:s23] =	ssyncadd.s32 $0xFFFFFF00  }
0x3f: {  	_ =	swait.ge [sflag:s23], $0x100  }
0x40: {  	[sflag:s23] =	ssyncset.done $0x0  }
0x41: {  	[sflag:s23] =	ssyncadd.s32 $0xFFFFFF00  }
0x42: {  	[tilespmem:s18], [sflag:$0x3] =	stream.indirect.gather [hbm4b:s6+s24], $0x80, s3, s24, $0xb8;
	[tilespmem:$0x1E400] =	vst v63  }
0x43: {  	_ =	swait.ge [sflag:s25], $0x100  }
0x44: {  	[sflag:s25] =	ssyncset.done $0x0  }
0x45: {  	[sflag:s25] =	ssyncadd.s32 $0xFFFFFF00  }
0x46: {  	_ =	swait.ge [sflag:s25], $0x100  }
0x47: {  	[sflag:s25] =	ssyncset.done $0x0  }
0x48: {  	[sflag:s25] =	ssyncadd.s32 $0xFFFFFF00  }
0x49: {  	[tilespmem:s26], [sflag:$0x4] =	stream.indirect.gather [hbm4b:s6+s24], $0x80, s22, s24, $0xb8;
	[tilespmem:$0x1E400] =	vst v63  }
0x4a: {  	s10 =	simm.s32 $0x200;
	_ =	swait.ge [sflag:s28], $0x5000  }
0x4b: {  	s0 =	sand.u32 $0xF800, s10;
	s9 =	simm.s32 $0x100;
	[sflag:s28] =	ssyncset.done $0x0  }
0x4c: {  	s0 =	sadd.s32 s8, s0;
	s9 =	sand.u32 $0x300, s9;
	[sflag:s28] =	ssyncadd.s32 $0xFFFFB000  }
0x4d: {  	[spmem:s2] =	stream.indirect.scatter.add.f32 [tilespmem:s18], [sflag:$0x5], $0x80, s21, s24, $0xb8;
	[tilespmem:$0x1E400] =	vst v63  }
0x4e: {  	s0 =	sor.u32 s9, s0;
	_ =	swait.ge [sflag:s19], $0x5000  }
0x4f: {  	s0 =	sshrl.u32 s0, $0x3;
	[sflag:s19] =	ssyncset.done $0x0  }
0x50: {  	s11 =	sadd.s32 s4, s0;
	[sflag:s19] =	ssyncadd.s32 $0xFFFFB000  }
0x51: {  	[tilespmem:s3], [sflag:$0x1] =	stream.strided.gather [hbm4b:s11+s20], $0x100, s18, s20, $0x38;
	[tilespmem:$0x1E400] =	vst v63  }
0x52: {  	s0 =	sadd.s32 s5, s0  }
0x53: {  	[tilespmem:s21], [sflag:$0x1] =	stream.strided.gather [hbm4b:s0+s20], $0x100, s18, s20, $0x38;
	[tilespmem:$0x1E400] =	vst v63  }
0x54: {  	_ =	swait.ge [sflag:s29], $0x5000  }
0x55: {  	s1 =	sand.u32 $0xF800, s1;
	s0 =	simm.s32 $0x180;
	[sflag:s29] =	ssyncset.done $0x0  }
0x56: {  	s1 =	sadd.s32 s8, s1;
	s10 =	sand.u32 $0x380, s0;
	[sflag:s29] =	ssyncadd.s32 $0xFFFFB000  }
0x57: {  	[spmem:s2] =	stream.indirect.scatter.add.f32 [tilespmem:s26], [sflag:$0x5], $0x80, s30, s24, $0xb8;
	[tilespmem:$0x1E400] =	vst v63  }
0x58: {  	s1 =	sor.u32 s10, s1;
	_ =	swait.ge [sflag:s19], $0x5000  }
0x59: {  	s1 =	sshrl.u32 s1, $0x3;
	[sflag:s19] =	ssyncset.done $0x0  }
0x5a: {  	s11 =	sadd.s32 s4, s1;
	[sflag:s19] =	ssyncadd.s32 $0xFFFFB000  }
0x5b: {  	[tilespmem:s22], [sflag:$0x2] =	stream.strided.gather [hbm4b:s11+s20], $0x100, s18, s20, $0x38;
	[tilespmem:$0x1E400] =	vst v63  }
0x5c: {  	s1 =	sadd.s32 s5, s1  }
0x5d: {  	[tilespmem:s30], [sflag:$0x2] =	stream.strided.gather [hbm4b:s1+s20], $0x100, s18, s20, $0x38;
	[tilespmem:$0x1E400] =	vst v63  }
0x5e: {  	_ =	swait.ge [sflag:s23], $0x100  }
0x5f: {  	[sflag:s23] =	ssyncset.done $0x0  }
0x60: {  	[sflag:s23] =	ssyncadd.s32 $0xFFFFFF00  }
0x61: {  	_ =	swait.ge [sflag:s23], $0x100  }
0x62: {  	s1 =	simm.s32 $0x500;
	[sflag:s23] =	ssyncset.done $0x0  }
.LBB2_4:
0x63: {  	p0 =	sne.s32 s1, $0x7F00;
	[sflag:s23] =	ssyncadd.s32 $0xFFFFFF00;
	s0 =	sadd.s32 $0x100, s0  }
0x64: {  	[tilespmem:s18], [sflag:$0x3] =	stream.indirect.gather [hbm4b:s6+s24], $0x80, s3, s24, $0xb8;
	[tilespmem:$0x1E400] =	vst v63  }
0x65: {  	s9 =	smov.u32 s1;
	s1 =	sadd.s32 $0x200, s1;
	_ =	swait.ge [sflag:s25], $0x100  }
0x66: {  	[sflag:s25] =	ssyncset.done $0x0  }
0x67: {  	[sflag:s25] =	ssyncadd.s32 $0xFFFFFF00  }
0x68: {  	_ =	swait.ge [sflag:s25], $0x100  }
0x69: {  	[sflag:s25] =	ssyncset.done $0x0  }
0x6a: {  	[sflag:s25] =	ssyncadd.s32 $0xFFFFFF00  }
0x6b: {  	[tilespmem:s26], [sflag:$0x4] =	stream.indirect.gather [hbm4b:s6+s24], $0x80, s22, s24, $0xb8;
	[tilespmem:$0x1E400] =	vst v63  }
0x6c: {  	s10 =	sadd.s32 $0xFFFFFF00, s9;
	_ =	swait.ge [sflag:s28], $0x5000  }
0x6d: {  	s11 =	sadd.s32 $0xFFFFFF80, s0;
	s10 =	sand.u32 $0xF800, s10;
	[sflag:s28] =	ssyncset.done $0x0  }
0x6e: {  	s11 =	sand.u32 $0x300, s11;
	s10 =	sadd.s32 s8, s10;
	[sflag:s28] =	ssyncadd.s32 $0xFFFFB000  }
0x6f: {  	[spmem:s2] =	stream.indirect.scatter.add.f32 [tilespmem:s18], [sflag:$0x5], $0x80, s21, s24, $0xb8;
	[tilespmem:$0x1E400] =	vst v63  }
0x70: {  	s10 =	sor.u32 s11, s10;
	_ =	swait.ge [sflag:s19], $0x5000  }
0x71: {  	s10 =	sshrl.u32 s10, $0x3;
	[sflag:s19] =	ssyncset.done $0x0  }
0x72: {  	s11 =	sadd.s32 s4, s10;
	s10 =	sadd.s32 s5, s10;
	[sflag:s19] =	ssyncadd.s32 $0xFFFFB000  }
0x73: {  	[tilespmem:s3], [sflag:$0x1] =	stream.strided.gather [hbm4b:s11+s20], $0x100, s18, s20, $0x38;
	[tilespmem:$0x1E400] =	vst v63  }
0x74: {  	_ = 	snop  }
0x75: {  	[tilespmem:s21], [sflag:$0x1] =	stream.strided.gather [hbm4b:s10+s20], $0x100, s18, s20, $0x38;
	[tilespmem:$0x1E400] =	vst v63  }
0x76: {  	_ =	swait.ge [sflag:s29], $0x5000  }
0x77: {  	s9 =	sand.u32 $0xF800, s9;
	[sflag:s29] =	ssyncset.done $0x0  }
0x78: {  	s9 =	sadd.s32 s8, s9;
	s10 =	sand.u32 $0x380, s0;
	[sflag:s29] =	ssyncadd.s32 $0xFFFFB000  }
0x79: {  	[spmem:s2] =	stream.indirect.scatter.add.f32 [tilespmem:s26], [sflag:$0x5], $0x80, s30, s24, $0xb8;
	[tilespmem:$0x1E400] =	vst v63  }
0x7a: {  	s9 =	sor.u32 s10, s9;
	_ =	swait.ge [sflag:s19], $0x5000  }
0x7b: {  	s9 =	sshrl.u32 s9, $0x3;
	[sflag:s19] =	ssyncset.done $0x0  }
0x7c: {  	s10 =	sadd.s32 s4, s9;
	[sflag:s19] =	ssyncadd.s32 $0xFFFFB000  }
0x7d: {  	[tilespmem:s22], [sflag:$0x2] =	stream.strided.gather [hbm4b:s10+s20], $0x100, s18, s20, $0x38;
	[tilespmem:$0x1E400] =	vst v63  }
0x7e: {  	s9 =	sadd.s32 s5, s9  }
0x7f: {  	[tilespmem:s30], [sflag:$0x2] =	stream.strided.gather [hbm4b:s9+s20], $0x100, s18, s20, $0x38;
	[tilespmem:$0x1E400] =	vst v63  }
.Ltmp1:
0x80: {  	_ =	swait.ge [sflag:s23], $0x100;
	(pc) =	sbr.rel @p0 .LBB2_4-.Ltmp1, $4  }
0x81: {  	[sflag:s23] =	ssyncset.done $0x0  }
0x82: {  	[sflag:s23] =	ssyncadd.s32 $0xFFFFFF00  }
0x83: {  	_ =	swait.ge [sflag:s23], $0x100  }
0x84: {  	[sflag:s23] =	ssyncset.done $0x0  }
0x85: {  	[sflag:s23] =	ssyncadd.s32 $0xFFFFFF00  }
0x86: {  	[tilespmem:s18], [sflag:$0x3] =	stream.indirect.gather [hbm4b:s6+s24], $0x80, s3, s24, $0xb8;
	[tilespmem:$0x1E400] =	vst v63  }
0x87: {  	_ =	swait.ge [sflag:s28], $0x5000  }
0x88: {  	[sflag:s28] =	ssyncset.done $0x0  }
0x89: {  	[sflag:s28] =	ssyncadd.s32 $0xFFFFB000  }
0x8a: {  	_ =	swait.ge [sflag:s25], $0x100  }
0x8b: {  	[sflag:s25] =	ssyncset.done $0x0  }
0x8c: {  	[sflag:s25] =	ssyncadd.s32 $0xFFFFFF00  }
0x8d: {  	s0 =	stileid.u32;
	_ =	swait.ge [sflag:s25], $0x100  }
0x8e: {  	s1 =	sshrl.u32 s7, $0x3;
	s31 =	sadd.s32 $0x1, s31;
	[sflag:s25] =	ssyncset.done $0x0  }
0x8f: {  	s0 =	sshll.u32 s0, $0x6;
	p0 =	sne.s32 s31, s17;
	[sflag:s25] =	ssyncadd.s32 $0xFFFFFF00  }
.Ltmp2:
0x90: {  	s0 =	sor.u32 $0x1C05, s0;
	[bflag:$0x0] =	sbarrier.arrive $0xFFFF;
	(pc) =	sbr.rel @p0 .LBB2_1-.Ltmp2, $4  }
0x91: {  	[hbm:s16], [sflag:s0] =	dma.local [spmem:s1], $0x2800  }
0x92: {  	_ =	swait.ge [sflag:s19], $0x2800  }
0x93: {  	[sflag:s19] =	ssyncset.done $0x0  }
0x94: {  	[sflag:s19] =	ssyncadd.s32 $0xFFFFD800  }
0x95: {  	_ =	sfence.sel $0x180000  }
0x96: {  	[bflag:$0x0] =	sbarrier.arrive $0xFFFF  }
0x97: {  	_ =	strace $0x9000004D  }
0x98: {  	s0 =	stileid.u32;
	[bflag:$0x2] =	sbarrier.arrive $0xFFFF  }
0x99: {  	p0 =	sne.s32 s0, $0x0;
	s0 =	rddreg [dreg:$0x2]  }
0x9a: {  	s0 =	sadd.s32 @!p0 $0x100000, s0  }
0x9b: {  	[sflag:s0] =	ssyncadd.tile.s32 @!p0 $0x1;
	_ =	shalt  }
.Lfunc_end2:
_tile_overlayer_lowered:
.L_overlay_start_2:
0x9c: {  	(tag) =	ssettag $0x2  }
0x9d: {  	s0 =	rddreg [dreg:$0x0];
	s2 =	stileid.u32  }
0x9e: {  	s1 =	rddreg [dreg:$0x1];
	p0 =	sne.s32 s2, $0x0  }
0x9f: {  	s3 =	rddreg [dreg:$0x2];
	[bflag:$0x3] =	sbarrier.arrive $0xFFFF;
	s2 =	simm.s32 @!p0 $0x1C05  }
0xa0: {  	[timem:s3], [sflag:s2] =	dma.local @!p0 [hbm:s0], s1  }
0xa1: {  	s0 =	simm.s32 @!p0 $0x5  }
0xa2: {  	_ =	swait.ge @!p0 [sflag:s0], s1  }
0xa3: {  	s1 =	ssub.s32 @!p0 $0x0, s1;
	[sflag:s0] =	ssyncset.done @!p0 $0x0  }
0xa4: {  	[sflag:s0] =	ssyncadd.s32 @!p0 s1  }
0xa5: {  	[bflag:$0x3] =	sbarrier.arrive $0xFFFF  }
0xa6: {  	_ =	shalt  }

// kernel: kernel.21.cloned.1.call-start
scs
__scs_entry_jumppad:
0x0: {  	(pc) =	sbr.rel $0x88, $3  }
0x1: {  	(tag) =	ssettag $0x0;
	lr =	simm.s32 $0x1  }
0x2: {  	[smem:$0x3F77] =	sst lr;
	_ =	strace $0xD0000000  }
0x3: {  	_ = 	snop  }
0x4: {  	_ = 	snop  }
0x5: {  	_ = 	snop  }
0x6: {  	_ = 	snop  }
0x7: {  	_ = 	snop  }
__scs_overlays_trampoline_lowered:
0x8: {  	[smem:$0x3F86] =	sst s0  }
0x9: {  	[smem:$0x3F87] =	sst s1  }
0xa: {  	[smem:$0x3F88] =	sst s2  }
0xb: {  	[smem:$0x3F89] =	sst s3  }
0xc: {  	[smem:$0x3F8A] =	sst s4  }
0xd: {  	[smem:$0x3F8B] =	sst s5  }
0xe: {  	[smem:$0x3F8C] =	sst s6  }
0xf: {  	[smem:$0x3F8D] =	sst s7  }
0x10: {  	[smem:$0x3F8E] =	sst s8  }
0x11: {  	[smem:$0x3F8F] =	sst s9;
	s0 =	simm.s32 @!p0 $0x0  }
0x12: {  	s1 =	sld [smem:$0x3F75];
	s0 =	simm.s32 @p0 $0x1  }
0x13: {  	[smem:$0x3F90] =	sst s0;
	s0 =	simm.s32 @!p1 $0x0  }
0x14: {  	s2 =	sld [smem:$0x3F74];
	s0 =	simm.s32 @p1 $0x1  }
0x15: {  	[smem:$0x3F91] =	sst s0;
	s0 =	simm.s32 @!p2 $0x0  }
0x16: {  	s3 =	sld [smem:$0x3FDB];
	s0 =	simm.s32 @p2 $0x1  }
0x17: {  	s4 =	simm.s32 $0x1BF5;
	[smem:$0x3F93] =	sst s0  }
0x18: {  	s0 =	sld [smem:$0x3F76];
	_ =	swait.ge [sflag:s4], $0x0  }
0x19: {  	s7 =	sld [smem:$0x3F77]  }
0x1a: {  	s8 =	sadd.s32 $0xFFFFE003, lr  }
0x1b: {  	s9 =	sadd.s32 $0xFFFFFEF7, lr;
	s5 =	simm.s32 $0xFFFFFFFF;
	p2 =	slt.u32 s8, $0xFFFFF086  }
0x1c: {  	p1 =	slt.u32 s9, $0xF7A;
	s5 =	simm.s32 @!p2 $0x0  }
0x1d: {  	s5 =	simm.s32 @p1 $0x1;
	p0 =	seq.s32 s7, s2  }
0x1e: {  	s7 =	smul.u32 @!p0 $0xF7A, s2;
	p2 =	seq.s32 @!p0 s5, $0x0  }
0x1f: {  	s9 =	smul.u32 $0xF7A, s1;
	s8 =	simm.s32 @!p0 $0x1BF5;
	p2 =	por !p2, p0  }
0x20: {  	[sflag:s8] =	ssyncset.s32 @!p0 $0xFFFFF086;
	s6 =	sadd.s32 @!p0 s3, s7;
	s7 =	simm.s32 @!p0 $0x108  }
0x21: {  	s3 =	sadd.s32 s3, s9;
	s6 =	sadd.s32 @!p0 $0x88, s6;
	s7 =	simm.s32 @p2 $0x1082  }
0x22: {  	[simem:s7], [sflag:s8] =	dma.local @!p0 [hbm:s6], $0xF7A  }
0x23: {  	s9 =	sor.u32 $0xD0000000, s2;
	s6 =	simm.s32 $0x108;
	_ =	swait.ge @!p0 [sflag:s8], $0x0  }
0x24: {  	s3 =	sadd.s32 $0x88, s3;
	s6 =	simm.s32 @!p1 $0x1082;
	[sflag:s4] =	ssyncset.s32 $0xFFFFF086  }
0x25: {  	[simem:s6], [sflag:s4] =	dma.local [hbm:s3], $0xF7A  }
0x26: {  	[smem:$0x3F77] =	sst s1;
	(tag) =	ssettag s2;
	_ =	strace s9  }
0x27: {  	s1 =	sld [smem:$0x3F87]  }
0x28: {  	s2 =	sld [smem:$0x3F88]  }
0x29: {  	s4 =	sld [smem:$0x3F8A]  }
0x2a: {  	p0 =	seq.s32 s5, $0x0;
	s5 =	sld [smem:$0x3F8B]  }
0x2b: {  	s6 =	sld [smem:$0x3F8C]  }
0x2c: {  	s7 =	sld [smem:$0x3F8D]  }
0x2d: {  	s3 =	simm.s32 $0x108;
	s8 =	sld [smem:$0x3F8E]  }
0x2e: {  	s3 =	simm.s32 @!p0 $0x1082;
	s9 =	sld [smem:$0x3F8F]  }
0x2f: {  	lr =	sadd.s32 s0, s3;
	s0 =	sld [smem:$0x3F86]  }
0x30: {  	s3 =	sld [smem:$0x3F89]  }
0x31: {  	[smem:$0x3F92] =	sst s10  }
0x32: {  	s10 =	sld [smem:$0x3F90];
	_ =	sdelay $0x3  }
0x33: {  	p0 =	seq.s32 s10, $0x1;
	s10 =	sld [smem:$0x3F92];
	_ =	sdelay $0x3  }
0x34: {  	[smem:$0x3F92] =	sst s10  }
0x35: {  	s10 =	sld [smem:$0x3F91];
	_ =	sdelay $0x3  }
0x36: {  	p1 =	seq.s32 s10, $0x1;
	s10 =	sld [smem:$0x3F92];
	_ =	sdelay $0x3  }
0x37: {  	[smem:$0x3F92] =	sst s10  }
0x38: {  	s10 =	sld [smem:$0x3F93]  }
0x39: {  	_ = 	snop;
	(pc) =	sbr.ind lr, $3  }
0x3a: {  	_ = 	snop  }
0x3b: {  	_ = 	snop  }
0x3c: {  	p2 =	seq.s32 s10, $0x1;
	s10 =	sld [smem:$0x3F92]  }
0x3d: {  	_ =	shalt  }
0x3e: {  	_ =	shalt  }
0x3f: {  	_ =	shalt  }
0x40: {  	_ =	shalt  }
0x41: {  	_ =	shalt  }
0x42: {  	_ =	shalt  }
0x43: {  	_ =	shalt  }
0x44: {  	_ =	shalt  }
0x45: {  	_ =	shalt  }
0x46: {  	_ =	shalt  }
0x47: {  	_ =	shalt  }
0x48: {  	_ =	shalt  }
0x49: {  	_ =	shalt  }
0x4a: {  	_ =	shalt  }
0x4b: {  	_ =	shalt  }
0x4c: {  	_ =	shalt  }
0x4d: {  	_ =	shalt  }
0x4e: {  	_ =	shalt  }
0x4f: {  	_ =	shalt  }
0x50: {  	_ =	shalt  }
0x51: {  	_ =	shalt  }
0x52: {  	_ =	shalt  }
0x53: {  	_ =	shalt  }
0x54: {  	_ =	shalt  }
0x55: {  	_ =	shalt  }
0x56: {  	_ =	shalt  }
0x57: {  	_ =	shalt  }
0x58: {  	_ =	shalt  }
0x59: {  	_ =	shalt  }
0x5a: {  	_ =	shalt  }
0x5b: {  	_ =	shalt  }
0x5c: {  	_ =	shalt  }
0x5d: {  	_ =	shalt  }
0x5e: {  	_ =	shalt  }
0x5f: {  	_ =	shalt  }
0x60: {  	_ =	shalt  }
0x61: {  	_ =	shalt  }
0x62: {  	_ =	shalt  }
0x63: {  	_ =	shalt  }
0x64: {  	_ =	shalt  }
0x65: {  	_ =	shalt  }
0x66: {  	_ =	shalt  }
0x67: {  	_ =	shalt  }
0x68: {  	_ =	shalt  }
0x69: {  	_ =	shalt  }
0x6a: {  	_ =	shalt  }
0x6b: {  	_ =	shalt  }
0x6c: {  	_ =	shalt  }
0x6d: {  	_ =	shalt  }
0x6e: {  	_ =	shalt  }
0x6f: {  	_ =	shalt  }
0x70: {  	_ =	shalt  }
0x71: {  	_ =	shalt  }
0x72: {  	_ =	shalt  }
0x73: {  	_ =	shalt  }
0x74: {  	_ =	shalt  }
0x75: {  	_ =	shalt  }
0x76: {  	_ =	shalt  }
0x77: {  	_ =	shalt  }
0x78: {  	_ =	shalt  }
0x79: {  	_ =	shalt  }
0x7a: {  	_ =	shalt  }
0x7b: {  	_ =	shalt  }
0x7c: {  	_ =	shalt  }
0x7d: {  	_ =	shalt  }
0x7e: {  	_ =	shalt  }
0x7f: {  	_ =	shalt  }
0x80: {  	_ =	shalt  }
0x81: {  	_ =	shalt  }
0x82: {  	_ =	shalt  }
0x83: {  	_ =	shalt  }
0x84: {  	_ =	shalt  }
0x85: {  	_ =	shalt  }
0x86: {  	_ =	shalt  }
0x87: {  	_ =	shalt  }
.Lfunc_end0:
.L_simem_size_0:
called_computation.3_lowered:
.L_overlay_start_0:
0x88: {  	s2 =	sld [smem:$0x3FD9]  }
0x89: {  	s3 =	sld [smem:$0x3FFE];
	_ =	sdelay $0x1  }
0x8a: {  	s1 =	srdreg.scid  }
0x8b: {  	s0 =	sand.u32 $0x1, s1  }
0x8c: {  	s16 =	sshll.u32 s0, $0xA;
	s2 =	sadd.s32 s3, s2  }
0x8d: {  	s2 =	sadd.s32 s2, s16  }
0x8e: {  	[smem:$0x3F9E] =	sst s2  }
0x8f: {  	_ = 	snop  }
0x90: {  	(tm) =	ssettm $0x1  }
0x91: {  	s17 =	sld [smem:$0x3FFB];
	_ =	sdelay $0x3  }
0x92: {  	_ =	strace s17  }
0x93: {  	s2 =	sld [smem:$0x3FFC];
	_ =	sdelay $0x3  }
0x94: {  	_ =	strace s2  }
0x95: {  	s2 =	sld [smem:$0x3FFD];
	_ =	sdelay $0x3  }
0x96: {  	_ =	strace s2  }
0x97: {  	_ =	strace $0x8FFFFFFF  }
0x98: {  	s18 =	sld [smem:$0x3FDB];
	_ =	sdelay $0x1  }
0x99: {  	s19 =	simm.s32 $_scs_section_size  }
0x9a: {  	s4 =	simm.s32 $_size__tile_overlayer_lowered;
	s5 =	simm.s32 $_tile_overlayer_lowered  }
0x9b: {  	s22 =	simm.s32 $0x1BFF;
	s21 =	sshll.u32 s5, $0x1;
	s2 =	sadd.s32 s19, s18  }
0x9c: {  	s6 =	simm.s32 $0x0;
	s20 =	sshll.u32 s4, $0x1;
	s4 =	sadd.s32 s21, s2  }
0x9d: {  	[timem:s6], [sflag:s22] =	dma.local [hbm:s4], s20  }
0x9e: {  	_ =	swait.ge [sflag:s22], s20  }
0x9f: {  	s3 =	ssub.s32 $0x0, s20;
	[sflag:s22] =	ssyncset.done $0x0  }
0xa0: {  	[sflag:s22] =	ssyncadd.s32 s3;
	_ =	sdelay $0x1  }
0xa1: {  	s23 =	simm.s32 $0x1B8B  }
0xa2: {  	_ =	swait.ge [sflag:s23], $0x1  }
0xa3: {  	[sflag:s23] =	ssyncset.done $0x0  }
0xa4: {  	s25 =	simm.s32 $0x1B8E;
	s24 =	sld [smem:$0x3FFE];
	[sflag:s23] =	ssyncadd.s32 $0xFFFFFFFF  }
0xa5: {  	s26 =	simm.s32 $execute0_lowered;
	[smem:$0x3FD2] =	sst s25  }
0xa6: {  	s4 =	sshll.u32 s26, $0x1;
	_ =	strace $0x8000004F;
	[dreg:$0x1] =	wrdreg $0xFFFFFFFF  }
0xa7: {  	s28 =	simm.s32 $_size_execute0_lowered;
	s2 =	sadd.s32 s2, s4;
	[dreg:$0x0] =	wrdreg $0x0  }
0xa8: {  	s4 =	sshll.u32 s28, $0x1;
	[dreg:$0x2] =	wrdreg s2  }
0xa9: {  	[dreg:$0x3] =	wrdreg s4  }
0xaa: {  	[dreg:$0x4] =	wrdreg $0xC0  }
0xab: {  	_ =	task [dreg:s6], $0x5FFFF  }
0xac: {  	[dreg:$0x1] =	wrdreg $0xFFFFFFFF  }
0xad: {  	[dreg:$0x0] =	wrdreg $0x60  }
0xae: {  	[dreg:$0x2] =	wrdreg s24  }
0xaf: {  	[dreg:$0x3] =	wrdreg $0xA4000  }
0xb0: {  	[dreg:$0x4] =	wrdreg $0x9  }
0xb1: {  	_ =	task.clear_ibuf [dreg:s6], $0x5FFFF;
	_ =	strace $0x9000004F  }
0xb2: {  	s29 =	simm.s32 $0x9;
	_ =	strace $0x80000051  }
0xb3: {  	_ =	swait.ge [sflag:s29], $0x1  }
0xb4: {  	[sflag:s29] =	ssyncadd.s32 $0xFFFFFFFF  }
0xb5: {  	_ =	strace $0x90000051  }
0xb6: {  	_ =	sfence  }
0xb7: {  	s30 =	sld [smem:$0x0];
	_ =	sdelay $0x2  }
0xb8: {  	s31 =	sshll.u32 s1, $0xD;
	s1 =	sshrl.u32 s1, $0x2  }
0xb9: {  	s3 =	sand.u32 $0x4000, s31;
	s1 =	sadd.s32 s1, s30  }
0xba: {  	s0 =	sor.u32 s3, s0;
	s1 =	sshll.u32 s1, $0x11  }
0xbb: {  	s0 =	sor.u32 s1, s0  }
0xbc: {  	s0 =	sadd.s32 $0x8F2B, s0  }
0xbd: {  	[sflag:s0] =	ssyncadd.remote.s32 $0x1  }
0xbe: {  	_ =	sfence.sel $0xFFFF  }
0xbf: {  	[dreg:$0x0] =	wrdreg $0xFFFFFFFF;
	(pc) =	sbr.abs _section_cstart, $3  }
0xc0: {  	[dreg:$0x1] =	wrdreg $0xFFFFFFFF  }
0xc1: {  	_ =	task.clear_ibuf [dreg:s6], $0x2FFFF;
	_ =	strace $0x9FFFFFFF  }
0xc2: {  	(tm) =	ssettm $0x7FFFFFFF  }
0xc3: {  	_ =	shalt  }
tec
execute0_lowered:
.L_overlay_start_1:
0x0: {  	(tag) =	ssettag $0x1  }
0x1: {  	s0 =	rddreg [dreg:$0x0]  }
0x2: {  	s2 =	rddreg [dreg:$0x1];
	s1 =	srdreg.scid  }
0x3: {  	s10 =	stileid.u32;
	s3 =	simm.s32 $0x0;
	s18 =	simm.s32 $0x400  }
0x4: {  	s19 =	simm.s32 $0x5;
	s20 =	simm.s32 $0x80;
	s21 =	simm.s32 $0x100  }
0x5: {  	s22 =	simm.s32 $0x200;
	s28 =	simm.s32 $0x3;
	s29 =	simm.s32 $0x4  }
0x6: {  	s30 =	simm.s32 $0x300;
	s31 =	simm.s32 $0x0;
	s1 =	sand.u32 $0x1, s1  }
0x7: {  	s6 =	smul.u32 $0x2800, s10;
	[smem:$0x7FF] =	sst s3;
	s4 =	sadd.s32 $0x28400, s0  }
0x8: {  	s5 =	sadd.s32 $0x8400, s0;
	s9 =	smul.u32 $0x50000, s10;
	s10 =	sshll.u32 s10, $0xF  }
0x9: {  	s7 =	smul.u32 $0x28000, s1;
	_ =	strace $0x80000050;
	s8 =	ssub.s32 $0x2, s1  }
0xa: {  	s1 =	sshll.u32 s1, $0x13;
	s23 =	sshrl.u32 s8, $0x1;
	s9 =	sshrl.u32 s9, $0x2  }
0xb: {  	s7 =	sadd.s32 s6, s7;
	s6 =	sadd.s32 $0x48400, s0;
	s17 =	ssub.s32 s8, s23  }
0xc: {  	s8 =	sor.u32 s10, s1;
	s23 =	simm.s32 $0x1;
	s0 =	sadd.s32 s7, s0  }
0xd: {  	s7 =	sadd.s32 s9, s2;
	s26 =	sshrl.u32 s8, $0x3;
	s17 =	smax.u32 s17, $0x1  }
0xe: {  	s24 =	sadd.s32 $0x5000, s7;
	s25 =	sadd.s32 $0xA000, s7;
	s9 =	sadd.s32 $0xF000, s7  }
0xf: {  	s12 =	sadd.s32 s4, s26;
	s15 =	sor.u32 $0x10, s26;
	[dreg:$0x3] =	wrdreg s24  }
0x10: {  	s13 =	sadd.s32 s5, s26;
	s16 =	sadd.s32 $0xE8400, s0;
	[dreg:$0x4] =	wrdreg s25  }
0x11: {  	s26 =	simm.s32 $0x5400;
	[dreg:$0x5] =	wrdreg s9;
	s14 =	sadd.s32 s4, s15  }
0x12: {  	v0 =	vimm.f32 $0.0e+00;
	s15 =	sadd.s32 s5, s15;
	s24 =	simm.s32 $0xA0;
	s25 =	simm.s32 $0x2  }
.LBB2_1:
0x13: {  	s0 =	simm.s32 $0x0;
	s1 =	simm.s32 $0x200  }
.LBB2_2:
0x14: {  	p0 =	sne.s32 s1, $0x13E00;
	[tilespmem:s0+$0x470] =	vst v0  }
0x15: {  	[tilespmem:s0+$0x400] =	vst v0  }
0x16: {  	[tilespmem:s0+$0x410] =	vst v0  }
.Ltmp0:
0x17: {  	[tilespmem:s0+$0x420] =	vst v0;
	(pc) =	sbr.rel @p0 .LBB2_2-.Ltmp0, $4  }
0x18: {  	[tilespmem:s0+$0x430] =	vst v0  }
0x19: {  	[tilespmem:s0+$0x440] =	vst v0  }
0x1a: {  	[tilespmem:s0+$0x450] =	vst v0  }
0x1b: {  	[tilespmem:s0+$0x460] =	vst v0;
	s0 =	sshra.s32 s1, $0x2;
	s1 =	sadd.s32 $0x200, s1  }
0x1c: {  	[tilespmem:s0+$0x470] =	vst v0  }
0x1d: {  	[tilespmem:s0+$0x400] =	vst v0  }
0x1e: {  	[tilespmem:s0+$0x410] =	vst v0  }
0x1f: {  	[tilespmem:s0+$0x420] =	vst v0  }
0x20: {  	[tilespmem:s0+$0x430] =	vst v0  }
0x21: {  	[tilespmem:s0+$0x440] =	vst v0  }
0x22: {  	[tilespmem:s0+$0x450] =	vst v0  }
0x23: {  	[tilespmem:s0+$0x460] =	vst v0  }
0x24: {  	[spmem:s7] =	stream.linear.scatter [tilespmem:s18], [sflag:$0x5], $0x5000, $0x38;
	[tilespmem:$0x1E400] =	vst v63  }
0x25: {  	_ =	swait.ge [sflag:s19], $0x5000  }
0x26: {  	[sflag:s19] =	ssyncset.done $0x0  }
0x27: {  	s11 =	rddreg [dreg:$0x3];
	[sflag:s19] =	ssyncadd.s32 $0xFFFFB000  }
0x28: {  	[spmem:s11] =	stream.linear.scatter [tilespmem:s18], [sflag:$0x5], $0x5000, $0x38;
	[tilespmem:$0x1E400] =	vst v63  }
0x29: {  	_ =	swait.ge [sflag:s19], $0x5000  }
0x2a: {  	[sflag:s19] =	ssyncset.done $0x0  }
0x2b: {  	s1 =	rddreg [dreg:$0x4];
	[sflag:s19] =	ssyncadd.s32 $0xFFFFB000  }
0x2c: {  	[spmem:s1] =	stream.linear.scatter [tilespmem:s18], [sflag:$0x5], $0x5000, $0x38;
	[tilespmem:$0x1E400] =	vst v63  }
0x2d: {  	_ =	swait.ge [sflag:s19], $0x5000  }
0x2e: {  	[sflag:s19] =	ssyncset.done $0x0  }
0x2f: {  	s9 =	rddreg [dreg:$0x5];
	[sflag:s19] =	ssyncadd.s32 $0xFFFFB000  }
0x30: {  	[spmem:s9] =	stream.linear.scatter [tilespmem:s18], [sflag:$0x5], $0x5000, $0x38;
	[tilespmem:$0x1E400] =	vst v63  }
0x31: {  	_ =	swait.ge [sflag:s19], $0x5000  }
0x32: {  	[sflag:s19] =	ssyncset.done $0x0  }
0x33: {  	[sflag:s19] =	ssyncadd.s32 $0xFFFFB000  }
0x34: {  	[bflag:$0x0] =	sbarrier.arrive $0xFFFF  }
0x35: {  	[tilespmem:s3], [sflag:$0x1] =	stream.strided.gather [hbm4b:s12+s20], $0x100, s18, s20, $0x38;
	[tilespmem:$0x1E400] =	vst v63  }
0x36: {  	_ = 	snop  }
0x37: {  	[tilespmem:s21], [sflag:$0x1] =	stream.strided.gather [hbm4b:s13+s20], $0x100, s18, s20, $0x38;
	[tilespmem:$0x1E400] =	vst v63  }
0x38: {  	_ = 	snop  }
0x39: {  	[tilespmem:s22], [sflag:$0x2] =	stream.strided.gather [hbm4b:s14+s20], $0x100, s18, s20, $0x38;
	[tilespmem:$0x1E400] =	vst v63  }
0x3a: {  	s1 =	simm.s32 $0x300  }
0x3b: {  	[tilespmem:s1], [sflag:$0x2] =	stream.strided.gather [hbm4b:s15+s20], $0x100, s18, s20, $0x38;
	[tilespmem:$0x1E400] =	vst v63  }
0x3c: {  	_ =	swait.ge [sflag:s23], $0x100  }
0x3d: {  	[sflag:s23] =	ssyncset.done $0x0  }
0x3e: {  	[sflag:s23] =	ssyncadd.s32 $0xFFFFFF00  }
0x3f: {  	_ =	swait.ge [sflag:s23], $0x100  }
0x40: {  	[sflag:s23] =	ssyncset.done $0x0  }
0x41: {  	[sflag:s23] =	ssyncadd.s32 $0xFFFFFF00  }
0x42: {  	[tilespmem:s18], [sflag:$0x3] =	stream.indirect.gather [hbm4b:s6+s24], $0x80, s3, s24, $0xb8;
	[tilespmem:$0x1E400] =	vst v63  }
0x43: {  	_ =	swait.ge [sflag:s25], $0x100  }
0x44: {  	[sflag:s25] =	ssyncset.done $0x0  }
0x45: {  	[sflag:s25] =	ssyncadd.s32 $0xFFFFFF00  }
0x46: {  	_ =	swait.ge [sflag:s25], $0x100  }
0x47: {  	[sflag:s25] =	ssyncset.done $0x0  }
0x48: {  	[sflag:s25] =	ssyncadd.s32 $0xFFFFFF00  }
0x49: {  	[tilespmem:s26], [sflag:$0x4] =	stream.indirect.gather [hbm4b:s6+s24], $0x80, s22, s24, $0xb8;
	[tilespmem:$0x1E400] =	vst v63  }
0x4a: {  	s10 =	simm.s32 $0x200;
	_ =	swait.ge [sflag:s28], $0x5000  }
0x4b: {  	s0 =	sand.u32 $0xF800, s10;
	s9 =	simm.s32 $0x100;
	[sflag:s28] =	ssyncset.done $0x0  }
0x4c: {  	s0 =	sadd.s32 s8, s0;
	s9 =	sand.u32 $0x300, s9;
	[sflag:s28] =	ssyncadd.s32 $0xFFFFB000  }
0x4d: {  	[spmem:s2] =	stream.indirect.scatter.add.f32 [tilespmem:s18], [sflag:$0x5], $0x80, s21, s24, $0xb8;
	[tilespmem:$0x1E400] =	vst v63  }
0x4e: {  	s0 =	sor.u32 s9, s0;
	_ =	swait.ge [sflag:s19], $0x5000  }
0x4f: {  	s0 =	sshrl.u32 s0, $0x3;
	[sflag:s19] =	ssyncset.done $0x0  }
0x50: {  	s11 =	sadd.s32 s4, s0;
	[sflag:s19] =	ssyncadd.s32 $0xFFFFB000  }
0x51: {  	[tilespmem:s3], [sflag:$0x1] =	stream.strided.gather [hbm4b:s11+s20], $0x100, s18, s20, $0x38;
	[tilespmem:$0x1E400] =	vst v63  }
0x52: {  	s0 =	sadd.s32 s5, s0  }
0x53: {  	[tilespmem:s21], [sflag:$0x1] =	stream.strided.gather [hbm4b:s0+s20], $0x100, s18, s20, $0x38;
	[tilespmem:$0x1E400] =	vst v63  }
0x54: {  	_ =	swait.ge [sflag:s29], $0x5000  }
0x55: {  	s1 =	sand.u32 $0xF800, s1;
	s0 =	simm.s32 $0x180;
	[sflag:s29] =	ssyncset.done $0x0  }
0x56: {  	s1 =	sadd.s32 s8, s1;
	s10 =	sand.u32 $0x380, s0;
	[sflag:s29] =	ssyncadd.s32 $0xFFFFB000  }
0x57: {  	[spmem:s2] =	stream.indirect.scatter.add.f32 [tilespmem:s26], [sflag:$0x5], $0x80, s30, s24, $0xb8;
	[tilespmem:$0x1E400] =	vst v63  }
0x58: {  	s1 =	sor.u32 s10, s1;
	_ =	swait.ge [sflag:s19], $0x5000  }
0x59: {  	s1 =	sshrl.u32 s1, $0x3;
	[sflag:s19] =	ssyncset.done $0x0  }
0x5a: {  	s11 =	sadd.s32 s4, s1;
	[sflag:s19] =	ssyncadd.s32 $0xFFFFB000  }
0x5b: {  	[tilespmem:s22], [sflag:$0x2] =	stream.strided.gather [hbm4b:s11+s20], $0x100, s18, s20, $0x38;
	[tilespmem:$0x1E400] =	vst v63  }
0x5c: {  	s1 =	sadd.s32 s5, s1  }
0x5d: {  	[tilespmem:s30], [sflag:$0x2] =	stream.strided.gather [hbm4b:s1+s20], $0x100, s18, s20, $0x38;
	[tilespmem:$0x1E400] =	vst v63  }
0x5e: {  	_ =	swait.ge [sflag:s23], $0x100  }
0x5f: {  	[sflag:s23] =	ssyncset.done $0x0  }
0x60: {  	[sflag:s23] =	ssyncadd.s32 $0xFFFFFF00  }
0x61: {  	_ =	swait.ge [sflag:s23], $0x100  }
0x62: {  	s1 =	simm.s32 $0x500;
	[sflag:s23] =	ssyncset.done $0x0  }
.LBB2_4:
0x63: {  	p0 =	sne.s32 s1, $0x7F00;
	[sflag:s23] =	ssyncadd.s32 $0xFFFFFF00;
	s0 =	sadd.s32 $0x100, s0  }
0x64: {  	[tilespmem:s18], [sflag:$0x3] =	stream.indirect.gather [hbm4b:s6+s24], $0x80, s3, s24, $0xb8;
	[tilespmem:$0x1E400] =	vst v63  }
0x65: {  	s9 =	smov.u32 s1;
	s1 =	sadd.s32 $0x200, s1;
	_ =	swait.ge [sflag:s25], $0x100  }
0x66: {  	[sflag:s25] =	ssyncset.done $0x0  }
0x67: {  	[sflag:s25] =	ssyncadd.s32 $0xFFFFFF00  }
0x68: {  	_ =	swait.ge [sflag:s25], $0x100  }
0x69: {  	[sflag:s25] =	ssyncset.done $0x0  }
0x6a: {  	[sflag:s25] =	ssyncadd.s32 $0xFFFFFF00  }
0x6b: {  	[tilespmem:s26], [sflag:$0x4] =	stream.indirect.gather [hbm4b:s6+s24], $0x80, s22, s24, $0xb8;
	[tilespmem:$0x1E400] =	vst v63  }
0x6c: {  	s10 =	sadd.s32 $0xFFFFFF00, s9;
	_ =	swait.ge [sflag:s28], $0x5000  }
0x6d: {  	s11 =	sadd.s32 $0xFFFFFF80, s0;
	s10 =	sand.u32 $0xF800, s10;
	[sflag:s28] =	ssyncset.done $0x0  }
0x6e: {  	s11 =	sand.u32 $0x300, s11;
	s10 =	sadd.s32 s8, s10;
	[sflag:s28] =	ssyncadd.s32 $0xFFFFB000  }
0x6f: {  	[spmem:s2] =	stream.indirect.scatter.add.f32 [tilespmem:s18], [sflag:$0x5], $0x80, s21, s24, $0xb8;
	[tilespmem:$0x1E400] =	vst v63  }
0x70: {  	s10 =	sor.u32 s11, s10;
	_ =	swait.ge [sflag:s19], $0x5000  }
0x71: {  	s10 =	sshrl.u32 s10, $0x3;
	[sflag:s19] =	ssyncset.done $0x0  }
0x72: {  	s11 =	sadd.s32 s4, s10;
	s10 =	sadd.s32 s5, s10;
	[sflag:s19] =	ssyncadd.s32 $0xFFFFB000  }
0x73: {  	[tilespmem:s3], [sflag:$0x1] =	stream.strided.gather [hbm4b:s11+s20], $0x100, s18, s20, $0x38;
	[tilespmem:$0x1E400] =	vst v63  }
0x74: {  	_ = 	snop  }
0x75: {  	[tilespmem:s21], [sflag:$0x1] =	stream.strided.gather [hbm4b:s10+s20], $0x100, s18, s20, $0x38;
	[tilespmem:$0x1E400] =	vst v63  }
0x76: {  	_ =	swait.ge [sflag:s29], $0x5000  }
0x77: {  	s9 =	sand.u32 $0xF800, s9;
	[sflag:s29] =	ssyncset.done $0x0  }
0x78: {  	s9 =	sadd.s32 s8, s9;
	s10 =	sand.u32 $0x380, s0;
	[sflag:s29] =	ssyncadd.s32 $0xFFFFB000  }
0x79: {  	[spmem:s2] =	stream.indirect.scatter.add.f32 [tilespmem:s26], [sflag:$0x5], $0x80, s30, s24, $0xb8;
	[tilespmem:$0x1E400] =	vst v63  }
0x7a: {  	s9 =	sor.u32 s10, s9;
	_ =	swait.ge [sflag:s19], $0x5000  }
0x7b: {  	s9 =	sshrl.u32 s9, $0x3;
	[sflag:s19] =	ssyncset.done $0x0  }
0x7c: {  	s10 =	sadd.s32 s4, s9;
	[sflag:s19] =	ssyncadd.s32 $0xFFFFB000  }
0x7d: {  	[tilespmem:s22], [sflag:$0x2] =	stream.strided.gather [hbm4b:s10+s20], $0x100, s18, s20, $0x38;
	[tilespmem:$0x1E400] =	vst v63  }
0x7e: {  	s9 =	sadd.s32 s5, s9  }
0x7f: {  	[tilespmem:s30], [sflag:$0x2] =	stream.strided.gather [hbm4b:s9+s20], $0x100, s18, s20, $0x38;
	[tilespmem:$0x1E400] =	vst v63  }
.Ltmp1:
0x80: {  	_ =	swait.ge [sflag:s23], $0x100;
	(pc) =	sbr.rel @p0 .LBB2_4-.Ltmp1, $4  }
0x81: {  	[sflag:s23] =	ssyncset.done $0x0  }
0x82: {  	[sflag:s23] =	ssyncadd.s32 $0xFFFFFF00  }
0x83: {  	_ =	swait.ge [sflag:s23], $0x100  }
0x84: {  	[sflag:s23] =	ssyncset.done $0x0  }
0x85: {  	[sflag:s23] =	ssyncadd.s32 $0xFFFFFF00  }
0x86: {  	[tilespmem:s18], [sflag:$0x3] =	stream.indirect.gather [hbm4b:s6+s24], $0x80, s3, s24, $0xb8;
	[tilespmem:$0x1E400] =	vst v63  }
0x87: {  	_ =	swait.ge [sflag:s28], $0x5000  }
0x88: {  	[sflag:s28] =	ssyncset.done $0x0  }
0x89: {  	[sflag:s28] =	ssyncadd.s32 $0xFFFFB000  }
0x8a: {  	_ =	swait.ge [sflag:s25], $0x100  }
0x8b: {  	[sflag:s25] =	ssyncset.done $0x0  }
0x8c: {  	[sflag:s25] =	ssyncadd.s32 $0xFFFFFF00  }
0x8d: {  	s0 =	stileid.u32;
	_ =	swait.ge [sflag:s25], $0x100  }
0x8e: {  	s1 =	sshrl.u32 s7, $0x3;
	s31 =	sadd.s32 $0x1, s31;
	[sflag:s25] =	ssyncset.done $0x0  }
0x8f: {  	s0 =	sshll.u32 s0, $0x6;
	p0 =	sne.s32 s31, s17;
	[sflag:s25] =	ssyncadd.s32 $0xFFFFFF00  }
.Ltmp2:
0x90: {  	s0 =	sor.u32 $0x1C05, s0;
	[bflag:$0x0] =	sbarrier.arrive $0xFFFF;
	(pc) =	sbr.rel @p0 .LBB2_1-.Ltmp2, $4  }
0x91: {  	[hbm:s16], [sflag:s0] =	dma.local [spmem:s1], $0x2800  }
0x92: {  	_ =	swait.ge [sflag:s19], $0x2800  }
0x93: {  	[sflag:s19] =	ssyncset.done $0x0  }
0x94: {  	[sflag:s19] =	ssyncadd.s32 $0xFFFFD800  }
0x95: {  	_ =	sfence.sel $0x180000  }
0x96: {  	[bflag:$0x0] =	sbarrier.arrive $0xFFFF  }
0x97: {  	_ =	strace $0x90000050  }
0x98: {  	s0 =	stileid.u32;
	[bflag:$0x2] =	sbarrier.arrive $0xFFFF  }
0x99: {  	p0 =	sne.s32 s0, $0x0;
	s0 =	rddreg [dreg:$0x2]  }
0x9a: {  	s0 =	sadd.s32 @!p0 $0x100000, s0  }
0x9b: {  	[sflag:s0] =	ssyncadd.tile.s32 @!p0 $0x1;
	_ =	shalt  }
.Lfunc_end2:
_tile_overlayer_lowered:
.L_overlay_start_2:
0x9c: {  	(tag) =	ssettag $0x2  }
0x9d: {  	s0 =	rddreg [dreg:$0x0];
	s2 =	stileid.u32  }
0x9e: {  	s1 =	rddreg [dreg:$0x1];
	p0 =	sne.s32 s2, $0x0  }
0x9f: {  	s3 =	rddreg [dreg:$0x2];
	[bflag:$0x3] =	sbarrier.arrive $0xFFFF;
	s2 =	simm.s32 @!p0 $0x1C05  }
0xa0: {  	[timem:s3], [sflag:s2] =	dma.local @!p0 [hbm:s0], s1  }
0xa1: {  	s0 =	simm.s32 @!p0 $0x5  }
0xa2: {  	_ =	swait.ge @!p0 [sflag:s0], s1  }
0xa3: {  	s1 =	ssub.s32 @!p0 $0x0, s1;
	[sflag:s0] =	ssyncset.done @!p0 $0x0  }
0xa4: {  	[sflag:s0] =	ssyncadd.s32 @!p0 s1  }
0xa5: {  	[bflag:$0x3] =	sbarrier.arrive $0xFFFF  }
0xa6: {  	_ =	shalt  }

</sc_bundles>
